<compile_context>
chip_gen: v7x
topology: tpu7x:2x2x1
jax: 0.10.2.dev20260603
libtpu: 0.0.44.dev20260713+nightly
codegen_flags: <defaults>
</compile_context>

<pallas_src>
import functools

import jax
import jax.numpy as jnp
from jax import lax
from jax.experimental import pallas as pl
from jax.experimental.pallas import tpu as pltpu
from jax.experimental.pallas import tpu_sc as plsc

N = 10000
E = 320000
D = 128

NC = 2
NS = 16
L = 16
NW = NC * NS

NPAD = 10240
CPT = NPAD // NS
EPT_DEG = E // NW
EPT_AGG = E // NS
K = 80
NCHUNK = EPT_AGG // K
ROWS_PT = NPAD // NS

_mesh = plsc.VectorSubcoreMesh(core_axis_name="c", subcore_axis_name="s")
_sc_params = pltpu.CompilerParams(needs_layout_passes=False)


@functools.partial(
    pl.kernel,
    out_type=jax.ShapeDtypeStruct((NC, NPAD), jnp.float32),
    mesh=_mesh,
    scratch_types=[
        pltpu.VMEM((NPAD,), jnp.float32),
        pltpu.VMEM((EPT_DEG,), jnp.int32),
        pltpu.VMEM((NS, CPT), jnp.float32),
        pltpu.VMEM((CPT,), jnp.float32),
        pltpu.VMEM_SHARED((NS, NPAD), jnp.float32),
    ],
    compiler_params=_sc_params,
)
def _deg(dst_hbm, deg_out, cnt_v, idx_v, colbuf, outbuf, shared):
    c = lax.axis_index("c")
    s = lax.axis_index("s")
    zero = jnp.zeros((L,), jnp.float32)
    ones = jnp.full((L,), 1.0, jnp.float32)

    def zbody(i, _):
        cnt_v[pl.ds(i * L, L)] = zero
        return 0

    lax.fori_loop(0, NPAD // L, zbody, 0)

    base = (c * NS + s) * EPT_DEG
    pltpu.sync_copy(dst_hbm.at[pl.ds(base, EPT_DEG)], idx_v)

    def cbody(i, _):
        dv = idx_v[pl.ds(i * L, L)]
        plsc.addupdate_scatter(cnt_v, [dv], ones)
        return 0

    lax.fori_loop(0, EPT_DEG // L, cbody, 0)

    pltpu.sync_copy(cnt_v, shared.at[s])
    plsc.subcore_barrier()
    colbase = s * CPT
    pltpu.sync_copy(shared.at[:, pl.ds(colbase, CPT)], colbuf)

    def rbody(j, _):
        acc = zero
        for r in range(NS):
            acc = acc + colbuf[r, pl.ds(j * L, L)]
        outbuf[pl.ds(j * L, L)] = acc
        return 0

    lax.fori_loop(0, CPT // L, rbody, 0)
    pltpu.sync_copy(outbuf, deg_out.at[c, pl.ds(colbase, CPT)])


_R = 2048


def _pre_body(feat_ref, wm_ref, wv_ref, d0_ref, d1_ref, h_ref):
    x = feat_ref[...]
    mean = jnp.maximum(jnp.dot(x, wm_ref[...], preferred_element_type=jnp.float32), 0.0)
    var = jnp.maximum(jnp.dot(x, wv_ref[...], preferred_element_type=jnp.float32), 0.0)
    att = jnp.exp(-var)
    deg = jnp.clip(d0_ref[...] + d1_ref[...], 1.0, None)
    n1 = lax.rsqrt(deg)
    n2 = 1.0 / deg
    h_ref[0] = mean * att * n1
    h_ref[1] = var * att * att * n2


def _pre(feat, wm, wv, d0, d1):
    g = NPAD // _R
    return pl.pallas_call(
        _pre_body,
        out_shape=jax.ShapeDtypeStruct((2, NPAD, D), jnp.float32),
        grid=(g,),
        in_specs=[
            pl.BlockSpec((_R, D), lambda i: (i, 0)),
            pl.BlockSpec((D, D), lambda i: (0, 0)),
            pl.BlockSpec((D, D), lambda i: (0, 0)),
            pl.BlockSpec((_R, 1), lambda i: (i, 0)),
            pl.BlockSpec((_R, 1), lambda i: (i, 0)),
        ],
        out_specs=pl.BlockSpec((2, _R, D), lambda i: (0, i, 0)),
    )(feat, wm, wv, d0, d1)


K2 = 40
NBUF = 7
IDEPTH = 2 * NBUF
NGRID = -(-E // (NS * K2 * IDEPTH)) * IDEPTH
E_PAD = NS * NGRID * K2
ACC_R = NPAD + 8


@functools.partial(
    pl.kernel,
    out_type=jax.ShapeDtypeStruct((NC, NPAD, D), jnp.float32),
    mesh=_mesh,
    scratch_types=[
        pltpu.VMEM((40, D), jnp.float32),
        pltpu.VMEM((IDEPTH, K2), jnp.int32),
        pltpu.VMEM((IDEPTH, K2), jnp.int32),
        pltpu.VMEM((NBUF, K2, D), jnp.float32),
        pltpu.VMEM_SHARED((ACC_R, D), jnp.float32),
        [pltpu.SemaphoreType.DMA] * NBUF,
        [pltpu.SemaphoreType.DMA] * IDEPTH,
    ],
    compiler_params=_sc_params,
)
def _agg(h_hbm, srcb_hbm, dst3_hbm, agg_out, zbuf, sidx, didx, rows, acc,
         gsems, isems):
    c = lax.axis_index("c")
    s = lax.axis_index("s")
    zero = jnp.zeros((L,), jnp.float32)

    def zb(i, _):
        for v in range(D // L):
            zbuf[i, pl.ds(v * L, L)] = zero
        return 0

    lax.fori_loop(0, 40, zb, 0)
    for k in range(ROWS_PT // 40):
        pltpu.sync_copy(zbuf, acc.at[pl.ds(s * ROWS_PT + k * 40, 40)])

    @pl.when(s == 0)
    def _():
        pltpu.sync_copy(zbuf.at[pl.ds(0, 8)], acc.at[pl.ds(NPAD, 8)])

    plsc.subcore_barrier()

    def idx_prefetch(q, slot):
        pltpu.async_copy(srcb_hbm.at[c, s, q], sidx.at[slot], isems[slot])
        pltpu.async_copy(dst3_hbm.at[s, q], didx.at[slot], isems[slot])

    def idx_drain(slot):
        pltpu.make_async_copy(dst3_hbm.at[0, 0], sidx.at[slot], isems[slot]).wait()
        pltpu.make_async_copy(dst3_hbm.at[0, 0], didx.at[slot], isems[slot]).wait()

    def gather(q, slot, b):
        pltpu.async_copy(h_hbm.at[sidx.at[slot]], rows.at[b], gsems[b])

    for q in range(IDEPTH):
        idx_prefetch(q, q)
    for b in range(NBUF):
        idx_drain(b)
        gather(b, b, b)

    def outer(jj, _):
        for i in range(IDEPTH):
            b = i % NBUF
            slot = i
            p = jj * IDEPTH + i
            pltpu.make_async_copy(h_hbm.at[pl.ds(0, K2)], rows.at[b], gsems[b]).wait()
            pltpu.sync_copy(rows.at[b], acc.at[didx.at[slot]], add=True)

            @pl.when(p + IDEPTH < NGRID)
            def _():
                idx_prefetch(p + IDEPTH, slot)

            @pl.when(p + NBUF < NGRID)
            def _():
                s2 = (i + NBUF) % IDEPTH
                idx_drain(s2)
                gather(p + NBUF, s2, b)

        return 0

    lax.fori_loop(0, NGRID // IDEPTH, outer, 0)
    plsc.subcore_barrier()

    pltpu.sync_copy(
        acc.at[pl.ds(s * ROWS_PT, ROWS_PT)],
        agg_out.at[c, pl.ds(s * ROWS_PT, ROWS_PT)],
    )


def _post_body(agg_ref, d0_ref, d1_ref, mean_ref, var_ref):
    deg = jnp.clip(d0_ref[...] + d1_ref[...], 1.0, None)
    n1 = lax.rsqrt(deg)
    n2 = 1.0 / deg
    mean_ref[...] = agg_ref[0] * n1
    var_ref[...] = agg_ref[1] * n2


def _post(agg, d0, d1):
    g = NPAD // _R
    return pl.pallas_call(
        _post_body,
        out_shape=(
            jax.ShapeDtypeStruct((NPAD, D), jnp.float32),
            jax.ShapeDtypeStruct((NPAD, D), jnp.float32),
        ),
        grid=(g,),
        in_specs=[
            pl.BlockSpec((2, _R, D), lambda i: (0, i, 0)),
            pl.BlockSpec((_R, 1), lambda i: (i, 0)),
            pl.BlockSpec((_R, 1), lambda i: (i, 0)),
        ],
        out_specs=(
            pl.BlockSpec((_R, D), lambda i: (i, 0)),
            pl.BlockSpec((_R, D), lambda i: (i, 0)),
        ),
    )(agg, d0, d1)


def kernel(feat, edge_index, Wm, Wv):
    src = edge_index[0]
    dst = edge_index[1]
    degp = _deg(dst)
    d0 = degp[0].reshape(NPAD, 1)
    d1 = degp[1].reshape(NPAD, 1)

    featp = jnp.pad(feat, ((0, NPAD - N), (0, 0)))
    h = _pre(featp, Wm, Wv, d0, d1)
    h2 = h.reshape(2 * NPAD, D)

    src3 = jnp.pad(src, (0, E_PAD - E)).reshape(NS, NGRID, K2)
    dst3 = jnp.pad(dst, (0, E_PAD - E), constant_values=NPAD).reshape(NS, NGRID, K2)
    srcb = jnp.stack([src3, src3 + NPAD])
    agg = _agg(h2, srcb, dst3)

    mean_out, var_out = _post(agg, d0, d1)
    return (mean_out[:N], var_out[:N])

# --- scband reference (transcript-rebuilt; emitter-appended) ---
"""Pipeline reference for scband-robust-conv-23785528886113 (READ-ONLY COPY).

The authoritative reference and input builder live on the scoring server;
editing this copy changes nothing except your own understanding.
"""

import jax, jax.numpy as jnp
import numpy as np

N = 10000
E = 320000
D_IN = 128
D_OUT = 128
GAMMA = 1.0


def setup_inputs(seed: int = 0) -> dict:
    key = jax.random.key(seed)
    k1, k2, k3, k4 = jax.random.split(key, 4)
    feat = jax.random.normal(k1, (N, D_IN), dtype=jnp.float32)
    edge_index = jax.random.randint(k2, (2, E), 0, N, dtype=jnp.int32)
    Wm = jax.random.normal(k3, (D_IN, D_OUT), dtype=jnp.float32) * (1.0 / np.sqrt(D_IN))
    Wv = jax.random.normal(k4, (D_IN, D_OUT), dtype=jnp.float32) * (1.0 / np.sqrt(D_IN))
    return {"feat": feat, "edge_index": edge_index, "Wm": Wm, "Wv": Wv}


def reference(feat, edge_index, Wm, Wv):
    src = edge_index[0]
    dst = edge_index[1]
    # linear projections + relu
    mean = jax.nn.relu(feat @ Wm)
    var = jax.nn.relu(feat @ Wv)
    attention = jnp.exp(-GAMMA * var)
    # in-degrees on destination nodes, clamped to >= 1
    degs = jnp.bincount(dst, length=N).astype(jnp.float32)
    degs = jnp.clip(degs, 1.0, None)
    norm1 = jnp.power(degs, -0.5)[:, None]
    norm2 = norm1 * norm1
    # pre-aggregation node features
    mean_h = mean * attention * norm1
    var_h = var * attention * attention * norm2
    # copy_src + sum aggregation (gather on src, scatter-add on dst)
    agg_mean = jax.ops.segment_sum(mean_h[src], dst, num_segments=N)
    agg_var = jax.ops.segment_sum(var_h[src], dst, num_segments=N)
    mean_out = agg_mean * norm1
    var_out = agg_var * norm2
    return (mean_out, var_out)

if __name__ == "__main__":
    import jax
    _d = setup_inputs()
    print(jax.jit(kernel)(*tuple(_d.values())))

</pallas_src>

<mosaic_0001>
#map = affine_map<(d0, d1) -> (0)>
#map1 = affine_map<(d0, d1) -> (0, 0)>
module attributes {stable_mosaic.version = 14 : i64} {
  func.func @_deg(%arg0: i32, %arg1: i32, %arg2: memref<320000xi32, #tpu.memory_space<hbm>>, %arg3: memref<2x10240xf32, #tpu.memory_space<hbm>>, %arg4: memref<10240xf32, #tpu.memory_space<vmem>>, %arg5: memref<10000xi32, #tpu.memory_space<vmem>>, %arg6: memref<16x640xf32, #tpu.memory_space<vmem>>, %arg7: memref<640xf32, #tpu.memory_space<vmem>>, %arg8: memref<16x10240xf32, #tpu.memory_space<vmem_shared>>) attributes {dimension_semantics = [#tpu.dimension_semantics<core_parallel>, #tpu.dimension_semantics<subcore_parallel>], iteration_bounds = array<i64: 2, 16>, scalar_prefetch = 0 : i64, scratch_operands = 5 : i64, tpu.core_type = #tpu.core_type<sc_vector_subcore>, window_params = [{transform_indices = #map}, {transform_indices = #map1}]} {
    %broadcast_in_dim3A = arith.constant 0.000000e+00 : f32
    %broadcast_in_dim3A_0 = vector.broadcast %broadcast_in_dim3A : f32 to vector<16xf32>
    %broadcast_in_dim3A_1 = arith.constant 1.000000e+00 : f32
    %broadcast_in_dim3A_2 = vector.broadcast %broadcast_in_dim3A_1 : f32 to vector<16xf32>
    %scan3A = arith.constant 0 : i32
    %scan3A_3 = arith.constant 0 : i32
    %scan3A_4 = arith.constant 640 : i32
    %scan3A_5 = arith.addi %scan3A_3, %scan3A_4 : i32
    %scan3A_6 = arith.constant 1 : i32
    %scan3A_7 = scf.for %scan3A_28 = %scan3A_3 to %scan3A_5 step %scan3A_6 iter_args(%scan3A_29 = %scan3A) -> (i32)  : i32 {
      %mul3A_30 = arith.constant 16 : i32
      %mul3A_31 = arith.muli %scan3A_28, %mul3A_30 : i32
      %swap3A = arith.index_cast %mul3A_31 : i32 to index
      %swap3A_32 = tpu.vector_load %arg4[%swap3A] {strides = array<i32>} : memref<10240xf32, #tpu.memory_space<vmem>>, vector<16xf32>,
      tpu.vector_store %arg4[%swap3A], %broadcast_in_dim3A_0 {strides = array<i32>} : memref<10240xf32, #tpu.memory_space<vmem>>, vector<16xf32>,
      %scan3A_33 = arith.constant 0 : i32
      scf.yield %scan3A_33 : i32
    }
    %scan3A_8 = arith.constant 640 : i32
    %mul3A = arith.constant 16 : i32
    %mul3A_9 = arith.muli %arg0, %mul3A : i32
    %add3A = arith.addi %mul3A_9, %arg1 : i32
    %mul3A_10 = arith.constant 10000 : i32
    %mul3A_11 = arith.muli %add3A, %mul3A_10 : i32
    "tpu.region"() ({
      %run_scoped3A = tpu.sem_alloc : memref<!tpu.dma_semaphore, #tpu.memory_space<semaphore_mem>>
      %dma_start3A = tpu.memref_slice %arg2[%mul3A_11] : memref<320000xi32, #tpu.memory_space<hbm>> -> memref<10000xi32, #tpu.memory_space<hbm>>
      %dma_start3A_28 = tpu.memref_slice %arg2[%mul3A_11] : memref<320000xi32, #tpu.memory_space<hbm>> -> memref<10000xi32, #tpu.memory_space<hbm>>
      tpu.enqueue_dma source(%dma_start3A_28 : memref<10000xi32, #tpu.memory_space<hbm>>) target(%arg5 : memref<10000xi32, #tpu.memory_space<vmem>>) target_semaphore(%run_scoped3A : memref<!tpu.dma_semaphore, #tpu.memory_space<semaphore_mem>>)
      %dma_wait3A = tpu.memref_slice %arg2[%mul3A_11] : memref<320000xi32, #tpu.memory_space<hbm>> -> memref<10000xi32, #tpu.memory_space<hbm>>
      %dma_wait3A_29 = tpu.memref_slice %arg2[%mul3A_11] : memref<320000xi32, #tpu.memory_space<hbm>> -> memref<10000xi32, #tpu.memory_space<hbm>>
      tpu.wait_dma2 semaphore(%run_scoped3A : memref<!tpu.dma_semaphore, #tpu.memory_space<semaphore_mem>>) src(%dma_wait3A_29 : memref<10000xi32, #tpu.memory_space<hbm>>) dst(%arg5 : memref<10000xi32, #tpu.memory_space<vmem>>)
      tpu.yield
    }) : () -> ()
    %scan3A_12 = arith.constant 0 : i32
    %scan3A_13 = arith.constant 0 : i32
    %scan3A_14 = arith.constant 625 : i32
    %scan3A_15 = arith.addi %scan3A_13, %scan3A_14 : i32
    %scan3A_16 = arith.constant 1 : i32
    %scan3A_17 = scf.for %scan3A_28 = %scan3A_13 to %scan3A_15 step %scan3A_16 iter_args(%scan3A_29 = %scan3A_12) -> (i32)  : i32 {
      %mul3A_30 = arith.constant 16 : i32
      %mul3A_31 = arith.muli %scan3A_28, %mul3A_30 : i32
      %get3A = arith.index_cast %mul3A_31 : i32 to index
      %get3A_32 = tpu.vector_load %arg5[%get3A] {strides = array<i32>} : memref<10000xi32, #tpu.memory_space<vmem>>, vector<16xi32>,
      tpu.vector_store_idx %arg4[%get3A_32], %broadcast_in_dim3A_2 {add = true} : memref<10240xf32, #tpu.memory_space<vmem>>[vector<16xi32>], vector<16xf32>,
      %scan3A_33 = arith.constant 0 : i32
      scf.yield %scan3A_33 : i32
    }
    %scan3A_18 = arith.constant 625 : i32
    "tpu.region"() ({
      %run_scoped3A = tpu.sem_alloc : memref<!tpu.dma_semaphore, #tpu.memory_space<semaphore_mem>>
      %dma_start3A = arith.constant 0 : i32
      %dma_start3A_28 = tpu.memref_slice %arg8[%arg1, %dma_start3A] : memref<16x10240xf32, #tpu.memory_space<vmem_shared>> -> memref<1x10240xf32, #tpu.memory_space<vmem_shared>>
      %dma_start3A_29 = tpu.memref_squeeze %dma_start3A_28 : memref<1x10240xf32, #tpu.memory_space<vmem_shared>> -> memref<10240xf32, #tpu.memory_space<vmem_shared>>
      %dma_start3A_30 = arith.constant 0 : i32
      %dma_start3A_31 = tpu.memref_slice %arg8[%arg1, %dma_start3A_30] : memref<16x10240xf32, #tpu.memory_space<vmem_shared>> -> memref<1x10240xf32, #tpu.memory_space<vmem_shared>>
      %dma_start3A_32 = tpu.memref_squeeze %dma_start3A_31 : memref<1x10240xf32, #tpu.memory_space<vmem_shared>> -> memref<10240xf32, #tpu.memory_space<vmem_shared>>
      tpu.enqueue_dma source(%arg4 : memref<10240xf32, #tpu.memory_space<vmem>>) target(%dma_start3A_32 : memref<10240xf32, #tpu.memory_space<vmem_shared>>) target_semaphore(%run_scoped3A : memref<!tpu.dma_semaphore, #tpu.memory_space<semaphore_mem>>)
      %dma_wait3A = arith.constant 0 : i32
      %dma_wait3A_33 = tpu.memref_slice %arg8[%arg1, %dma_wait3A] : memref<16x10240xf32, #tpu.memory_space<vmem_shared>> -> memref<1x10240xf32, #tpu.memory_space<vmem_shared>>
      %dma_wait3A_34 = tpu.memref_squeeze %dma_wait3A_33 : memref<1x10240xf32, #tpu.memory_space<vmem_shared>> -> memref<10240xf32, #tpu.memory_space<vmem_shared>>
      %dma_wait3A_35 = arith.constant 0 : i32
      %dma_wait3A_36 = tpu.memref_slice %arg8[%arg1, %dma_wait3A_35] : memref<16x10240xf32, #tpu.memory_space<vmem_shared>> -> memref<1x10240xf32, #tpu.memory_space<vmem_shared>>
      %dma_wait3A_37 = tpu.memref_squeeze %dma_wait3A_36 : memref<1x10240xf32, #tpu.memory_space<vmem_shared>> -> memref<10240xf32, #tpu.memory_space<vmem_shared>>
      tpu.wait_dma2 semaphore(%run_scoped3A : memref<!tpu.dma_semaphore, #tpu.memory_space<semaphore_mem>>) src(%arg4 : memref<10240xf32, #tpu.memory_space<vmem>>) dst(%dma_wait3A_37 : memref<10240xf32, #tpu.memory_space<vmem_shared>>)
      tpu.yield
    }) : () -> ()
    %barrier3A = arith.constant 0 : index
    tpu.barrier barrier_id(%barrier3A)
    %mul3A_19 = arith.constant 640 : i32
    %mul3A_20 = arith.muli %arg1, %mul3A_19 : i32
    "tpu.region"() ({
      %run_scoped3A = tpu.sem_alloc : memref<!tpu.dma_semaphore, #tpu.memory_space<semaphore_mem>>
      %dma_start3A = arith.constant 0 : i32
      %dma_start3A_28 = tpu.memref_slice %arg8[%dma_start3A, %mul3A_20] : memref<16x10240xf32, #tpu.memory_space<vmem_shared>> -> memref<16x640xf32, #tpu.memory_space<vmem_shared>>
      %dma_start3A_29 = arith.constant 0 : i32
      %dma_start3A_30 = tpu.memref_slice %arg8[%dma_start3A_29, %mul3A_20] : memref<16x10240xf32, #tpu.memory_space<vmem_shared>> -> memref<16x640xf32, #tpu.memory_space<vmem_shared>>
      tpu.enqueue_dma source(%dma_start3A_30 : memref<16x640xf32, #tpu.memory_space<vmem_shared>>) target(%arg6 : memref<16x640xf32, #tpu.memory_space<vmem>>) target_semaphore(%run_scoped3A : memref<!tpu.dma_semaphore, #tpu.memory_space<semaphore_mem>>)
      %dma_wait3A = arith.constant 0 : i32
      %dma_wait3A_31 = tpu.memref_slice %arg8[%dma_wait3A, %mul3A_20] : memref<16x10240xf32, #tpu.memory_space<vmem_shared>> -> memref<16x640xf32, #tpu.memory_space<vmem_shared>>
      %dma_wait3A_32 = arith.constant 0 : i32
      %dma_wait3A_33 = tpu.memref_slice %arg8[%dma_wait3A_32, %mul3A_20] : memref<16x10240xf32, #tpu.memory_space<vmem_shared>> -> memref<16x640xf32, #tpu.memory_space<vmem_shared>>
      tpu.wait_dma2 semaphore(%run_scoped3A : memref<!tpu.dma_semaphore, #tpu.memory_space<semaphore_mem>>) src(%dma_wait3A_33 : memref<16x640xf32, #tpu.memory_space<vmem_shared>>) dst(%arg6 : memref<16x640xf32, #tpu.memory_space<vmem>>)
      tpu.yield
    }) : () -> ()
    %scan3A_21 = arith.constant 0 : i32
    %scan3A_22 = arith.constant 0 : i32
    %scan3A_23 = arith.constant 40 : i32
    %scan3A_24 = arith.addi %scan3A_22, %scan3A_23 : i32
    %scan3A_25 = arith.constant 1 : i32
    %scan3A_26 = scf.for %scan3A_28 = %scan3A_22 to %scan3A_24 step %scan3A_25 iter_args(%scan3A_29 = %scan3A_21) -> (i32)  : i32 {
      %mul3A_30 = arith.constant 16 : i32
      %mul3A_31 = arith.muli %scan3A_28, %mul3A_30 : i32
      %get3A = arith.constant 0 : i32
      %get3A_32 = arith.index_cast %get3A : i32 to index
      %get3A_33 = arith.index_cast %mul3A_31 : i32 to index
      %get3A_34 = tpu.vector_load %arg6[%get3A_32, %get3A_33] {strides = array<i32>} : memref<16x640xf32, #tpu.memory_space<vmem>>, vector<16xf32>,
      %add3A_35 = arith.addf %broadcast_in_dim3A_0, %get3A_34 : vector<16xf32>
      %mul3A_36 = arith.constant 16 : i32
      %mul3A_37 = arith.muli %scan3A_28, %mul3A_36 : i32
      %get3A_38 = arith.constant 1 : i32
      %get3A_39 = arith.index_cast %get3A_38 : i32 to index
      %get3A_40 = arith.index_cast %mul3A_37 : i32 to index
      %get3A_41 = tpu.vector_load %arg6[%get3A_39, %get3A_40] {strides = array<i32>} : memref<16x640xf32, #tpu.memory_space<vmem>>, vector<16xf32>,
      %add3A_42 = arith.addf %add3A_35, %get3A_41 : vector<16xf32>
      %mul3A_43 = arith.constant 16 : i32
      %mul3A_44 = arith.muli %scan3A_28, %mul3A_43 : i32
      %get3A_45 = arith.constant 2 : i32
      %get3A_46 = arith.index_cast %get3A_45 : i32 to index
      %get3A_47 = arith.index_cast %mul3A_44 : i32 to index
      %get3A_48 = tpu.vector_load %arg6[%get3A_46, %get3A_47] {strides = array<i32>} : memref<16x640xf32, #tpu.memory_space<vmem>>, vector<16xf32>,
      %add3A_49 = arith.addf %add3A_42, %get3A_48 : vector<16xf32>
      %mul3A_50 = arith.constant 16 : i32
      %mul3A_51 = arith.muli %scan3A_28, %mul3A_50 : i32
      %get3A_52 = arith.constant 3 : i32
      %get3A_53 = arith.index_cast %get3A_52 : i32 to index
      %get3A_54 = arith.index_cast %mul3A_51 : i32 to index
      %get3A_55 = tpu.vector_load %arg6[%get3A_53, %get3A_54] {strides = array<i32>} : memref<16x640xf32, #tpu.memory_space<vmem>>, vector<16xf32>,
      %add3A_56 = arith.addf %add3A_49, %get3A_55 : vector<16xf32>
      %mul3A_57 = arith.constant 16 : i32
      %mul3A_58 = arith.muli %scan3A_28, %mul3A_57 : i32
      %get3A_59 = arith.constant 4 : i32
      %get3A_60 = arith.index_cast %get3A_59 : i32 to index
      %get3A_61 = arith.index_cast %mul3A_58 : i32 to index
      %get3A_62 = tpu.vector_load %arg6[%get3A_60, %get3A_61] {strides = array<i32>} : memref<16x640xf32, #tpu.memory_space<vmem>>, vector<16xf32>,
      %add3A_63 = arith.addf %add3A_56, %get3A_62 : vector<16xf32>
      %mul3A_64 = arith.constant 16 : i32
      %mul3A_65 = arith.muli %scan3A_28, %mul3A_64 : i32
      %get3A_66 = arith.constant 5 : i32
      %get3A_67 = arith.index_cast %get3A_66 : i32 to index
      %get3A_68 = arith.index_cast %mul3A_65 : i32 to index
      %get3A_69 = tpu.vector_load %arg6[%get3A_67, %get3A_68] {strides = array<i32>} : memref<16x640xf32, #tpu.memory_space<vmem>>, vector<16xf32>,
      %add3A_70 = arith.addf %add3A_63, %get3A_69 : vector<16xf32>
      %mul3A_71 = arith.constant 16 : i32
      %mul3A_72 = arith.muli %scan3A_28, %mul3A_71 : i32
      %get3A_73 = arith.constant 6 : i32
      %get3A_74 = arith.index_cast %get3A_73 : i32 to index
      %get3A_75 = arith.index_cast %mul3A_72 : i32 to index
      %get3A_76 = tpu.vector_load %arg6[%get3A_74, %get3A_75] {strides = array<i32>} : memref<16x640xf32, #tpu.memory_space<vmem>>, vector<16xf32>,
      %add3A_77 = arith.addf %add3A_70, %get3A_76 : vector<16xf32>
      %mul3A_78 = arith.constant 16 : i32
      %mul3A_79 = arith.muli %scan3A_28, %mul3A_78 : i32
      %get3A_80 = arith.constant 7 : i32
      %get3A_81 = arith.index_cast %get3A_80 : i32 to index
      %get3A_82 = arith.index_cast %mul3A_79 : i32 to index
      %get3A_83 = tpu.vector_load %arg6[%get3A_81, %get3A_82] {strides = array<i32>} : memref<16x640xf32, #tpu.memory_space<vmem>>, vector<16xf32>,
      %add3A_84 = arith.addf %add3A_77, %get3A_83 : vector<16xf32>
      %mul3A_85 = arith.constant 16 : i32
      %mul3A_86 = arith.muli %scan3A_28, %mul3A_85 : i32
      %get3A_87 = arith.constant 8 : i32
      %get3A_88 = arith.index_cast %get3A_87 : i32 to index
      %get3A_89 = arith.index_cast %mul3A_86 : i32 to index
      %get3A_90 = tpu.vector_load %arg6[%get3A_88, %get3A_89] {strides = array<i32>} : memref<16x640xf32, #tpu.memory_space<vmem>>, vector<16xf32>,
      %add3A_91 = arith.addf %add3A_84, %get3A_90 : vector<16xf32>
      %mul3A_92 = arith.constant 16 : i32
      %mul3A_93 = arith.muli %scan3A_28, %mul3A_92 : i32
      %get3A_94 = arith.constant 9 : i32
      %get3A_95 = arith.index_cast %get3A_94 : i32 to index
      %get3A_96 = arith.index_cast %mul3A_93 : i32 to index
      %get3A_97 = tpu.vector_load %arg6[%get3A_95, %get3A_96] {strides = array<i32>} : memref<16x640xf32, #tpu.memory_space<vmem>>, vector<16xf32>,
      %add3A_98 = arith.addf %add3A_91, %get3A_97 : vector<16xf32>
      %mul3A_99 = arith.constant 16 : i32
      %mul3A_100 = arith.muli %scan3A_28, %mul3A_99 : i32
      %get3A_101 = arith.constant 10 : i32
      %get3A_102 = arith.index_cast %get3A_101 : i32 to index
      %get3A_103 = arith.index_cast %mul3A_100 : i32 to index
      %get3A_104 = tpu.vector_load %arg6[%get3A_102, %get3A_103] {strides = array<i32>} : memref<16x640xf32, #tpu.memory_space<vmem>>, vector<16xf32>,
      %add3A_105 = arith.addf %add3A_98, %get3A_104 : vector<16xf32>
      %mul3A_106 = arith.constant 16 : i32
      %mul3A_107 = arith.muli %scan3A_28, %mul3A_106 : i32
      %get3A_108 = arith.constant 11 : i32
      %get3A_109 = arith.index_cast %get3A_108 : i32 to index
      %get3A_110 = arith.index_cast %mul3A_107 : i32 to index
      %get3A_111 = tpu.vector_load %arg6[%get3A_109, %get3A_110] {strides = array<i32>} : memref<16x640xf32, #tpu.memory_space<vmem>>, vector<16xf32>,
      %add3A_112 = arith.addf %add3A_105, %get3A_111 : vector<16xf32>
      %mul3A_113 = arith.constant 16 : i32
      %mul3A_114 = arith.muli %scan3A_28, %mul3A_113 : i32
      %get3A_115 = arith.constant 12 : i32
      %get3A_116 = arith.index_cast %get3A_115 : i32 to index
      %get3A_117 = arith.index_cast %mul3A_114 : i32 to index
      %get3A_118 = tpu.vector_load %arg6[%get3A_116, %get3A_117] {strides = array<i32>} : memref<16x640xf32, #tpu.memory_space<vmem>>, vector<16xf32>,
      %add3A_119 = arith.addf %add3A_112, %get3A_118 : vector<16xf32>
      %mul3A_120 = arith.constant 16 : i32
      %mul3A_121 = arith.muli %scan3A_28, %mul3A_120 : i32
      %get3A_122 = arith.constant 13 : i32
      %get3A_123 = arith.index_cast %get3A_122 : i32 to index
      %get3A_124 = arith.index_cast %mul3A_121 : i32 to index
      %get3A_125 = tpu.vector_load %arg6[%get3A_123, %get3A_124] {strides = array<i32>} : memref<16x640xf32, #tpu.memory_space<vmem>>, vector<16xf32>,
      %add3A_126 = arith.addf %add3A_119, %get3A_125 : vector<16xf32>
      %mul3A_127 = arith.constant 16 : i32
      %mul3A_128 = arith.muli %scan3A_28, %mul3A_127 : i32
      %get3A_129 = arith.constant 14 : i32
      %get3A_130 = arith.index_cast %get3A_129 : i32 to index
      %get3A_131 = arith.index_cast %mul3A_128 : i32 to index
      %get3A_132 = tpu.vector_load %arg6[%get3A_130, %get3A_131] {strides = array<i32>} : memref<16x640xf32, #tpu.memory_space<vmem>>, vector<16xf32>,
      %add3A_133 = arith.addf %add3A_126, %get3A_132 : vector<16xf32>
      %mul3A_134 = arith.constant 16 : i32
      %mul3A_135 = arith.muli %scan3A_28, %mul3A_134 : i32
      %get3A_136 = arith.constant 15 : i32
      %get3A_137 = arith.index_cast %get3A_136 : i32 to index
      %get3A_138 = arith.index_cast %mul3A_135 : i32 to index
      %get3A_139 = tpu.vector_load %arg6[%get3A_137, %get3A_138] {strides = array<i32>} : memref<16x640xf32, #tpu.memory_space<vmem>>, vector<16xf32>,
      %add3A_140 = arith.addf %add3A_133, %get3A_139 : vector<16xf32>
      %mul3A_141 = arith.constant 16 : i32
      %mul3A_142 = arith.muli %scan3A_28, %mul3A_141 : i32
      %swap3A = arith.index_cast %mul3A_142 : i32 to index
      %swap3A_143 = tpu.vector_load %arg7[%swap3A] {strides = array<i32>} : memref<640xf32, #tpu.memory_space<vmem>>, vector<16xf32>,
      tpu.vector_store %arg7[%swap3A], %add3A_140 {strides = array<i32>} : memref<640xf32, #tpu.memory_space<vmem>>, vector<16xf32>,
      %scan3A_144 = arith.constant 0 : i32
      scf.yield %scan3A_144 : i32
    }
    %scan3A_27 = arith.constant 40 : i32
    "tpu.region"() ({
      %run_scoped3A = tpu.sem_alloc : memref<!tpu.dma_semaphore, #tpu.memory_space<semaphore_mem>>
      %dma_start3A = tpu.memref_slice %arg3[%arg0, %mul3A_20] : memref<2x10240xf32, #tpu.memory_space<hbm>> -> memref<1x640xf32, #tpu.memory_space<hbm>>
      %dma_start3A_28 = tpu.memref_squeeze %dma_start3A : memref<1x640xf32, #tpu.memory_space<hbm>> -> memref<640xf32, #tpu.memory_space<hbm>>
      %dma_start3A_29 = tpu.memref_slice %arg3[%arg0, %mul3A_20] : memref<2x10240xf32, #tpu.memory_space<hbm>> -> memref<1x640xf32, #tpu.memory_space<hbm>>
      %dma_start3A_30 = tpu.memref_squeeze %dma_start3A_29 : memref<1x640xf32, #tpu.memory_space<hbm>> -> memref<640xf32, #tpu.memory_space<hbm>>
      tpu.enqueue_dma source(%arg7 : memref<640xf32, #tpu.memory_space<vmem>>) target(%dma_start3A_30 : memref<640xf32, #tpu.memory_space<hbm>>) target_semaphore(%run_scoped3A : memref<!tpu.dma_semaphore, #tpu.memory_space<semaphore_mem>>)
      %dma_wait3A = tpu.memref_slice %arg3[%arg0, %mul3A_20] : memref<2x10240xf32, #tpu.memory_space<hbm>> -> memref<1x640xf32, #tpu.memory_space<hbm>>
      %dma_wait3A_31 = tpu.memref_squeeze %dma_wait3A : memref<1x640xf32, #tpu.memory_space<hbm>> -> memref<640xf32, #tpu.memory_space<hbm>>
      %dma_wait3A_32 = tpu.memref_slice %arg3[%arg0, %mul3A_20] : memref<2x10240xf32, #tpu.memory_space<hbm>> -> memref<1x640xf32, #tpu.memory_space<hbm>>
      %dma_wait3A_33 = tpu.memref_squeeze %dma_wait3A_32 : memref<1x640xf32, #tpu.memory_space<hbm>> -> memref<640xf32, #tpu.memory_space<hbm>>
      tpu.wait_dma2 semaphore(%run_scoped3A : memref<!tpu.dma_semaphore, #tpu.memory_space<semaphore_mem>>) src(%arg7 : memref<640xf32, #tpu.memory_space<vmem>>) dst(%dma_wait3A_33 : memref<640xf32, #tpu.memory_space<hbm>>)
      tpu.yield
    }) : () -> ()
    return
  }
}

#map = affine_map<(d0, d1) -> (0, 0)>
#map1 = affine_map<(d0, d1) -> (0, 0, 0, 0)>
#map2 = affine_map<(d0, d1) -> (0, 0, 0)>
module attributes {stable_mosaic.version = 14 : i64} {
  func.func @_agg(%arg0: i32, %arg1: i32, %arg2: memref<20480x128xf32, #tpu.memory_space<hbm>>, %arg3: memref<2x16x504x40xi32, #tpu.memory_space<hbm>>, %arg4: memref<16x504x40xi32, #tpu.memory_space<hbm>>, %arg5: memref<2x10240x128xf32, #tpu.memory_space<hbm>>, %arg6: memref<40x128xf32, #tpu.memory_space<vmem>>, %arg7: memref<14x40xi32, #tpu.memory_space<vmem>>, %arg8: memref<14x40xi32, #tpu.memory_space<vmem>>, %arg9: memref<7x40x128xf32, #tpu.memory_space<vmem>>, %arg10: memref<10248x128xf32, #tpu.memory_space<vmem_shared>>, %arg11: memref<!tpu.dma_semaphore, #tpu.memory_space<semaphore_mem>>, %arg12: memref<!tpu.dma_semaphore, #tpu.memory_space<semaphore_mem>>, %arg13: memref<!tpu.dma_semaphore, #tpu.memory_space<semaphore_mem>>, %arg14: memref<!tpu.dma_semaphore, #tpu.memory_space<semaphore_mem>>, %arg15: memref<!tpu.dma_semaphore, #tpu.memory_space<semaphore_mem>>, %arg16: memref<!tpu.dma_semaphore, #tpu.memory_space<semaphore_mem>>, %arg17: memref<!tpu.dma_semaphore, #tpu.memory_space<semaphore_mem>>, %arg18: memref<!tpu.dma_semaphore, #tpu.memory_space<semaphore_mem>>, %arg19: memref<!tpu.dma_semaphore, #tpu.memory_space<semaphore_mem>>, %arg20: memref<!tpu.dma_semaphore, #tpu.memory_space<semaphore_mem>>, %arg21: memref<!tpu.dma_semaphore, #tpu.memory_space<semaphore_mem>>, %arg22: memref<!tpu.dma_semaphore, #tpu.memory_space<semaphore_mem>>, %arg23: memref<!tpu.dma_semaphore, #tpu.memory_space<semaphore_mem>>, %arg24: memref<!tpu.dma_semaphore, #tpu.memory_space<semaphore_mem>>, %arg25: memref<!tpu.dma_semaphore, #tpu.memory_space<semaphore_mem>>, %arg26: memref<!tpu.dma_semaphore, #tpu.memory_space<semaphore_mem>>, %arg27: memref<!tpu.dma_semaphore, #tpu.memory_space<semaphore_mem>>, %arg28: memref<!tpu.dma_semaphore, #tpu.memory_space<semaphore_mem>>, %arg29: memref<!tpu.dma_semaphore, #tpu.memory_space<semaphore_mem>>, %arg30: memref<!tpu.dma_semaphore, #tpu.memory_space<semaphore_mem>>, %arg31: memref<!tpu.dma_semaphore, #tpu.memory_space<semaphore_mem>>) attributes {dimension_semantics = [#tpu.dimension_semantics<core_parallel>, #tpu.dimension_semantics<subcore_parallel>], iteration_bounds = array<i64: 2, 16>, scalar_prefetch = 0 : i64, scratch_operands = 26 : i64, tpu.core_type = #tpu.core_type<sc_vector_subcore>, window_params = [{transform_indices = #map}, {transform_indices = #map1}, {transform_indices = #map2}, {transform_indices = #map2}]} {
    %broadcast_in_dim3A = arith.constant 0.000000e+00 : f32
    %broadcast_in_dim3A_0 = vector.broadcast %broadcast_in_dim3A : f32 to vector<16xf32>
    %scan3A = arith.constant 0 : i32
    %scan3A_1 = arith.constant 0 : i32
    %scan3A_2 = arith.constant 40 : i32
    %scan3A_3 = arith.addi %scan3A_1, %scan3A_2 : i32
    %scan3A_4 = arith.constant 1 : i32
    %scan3A_5 = scf.for %scan3A_767 = %scan3A_1 to %scan3A_3 step %scan3A_4 iter_args(%scan3A_768 = %scan3A) -> (i32)  : i32 {
      %swap3A = arith.index_cast %scan3A_767 : i32 to index
      %swap3A_769 = arith.constant 0 : index
      %swap3A_770 = tpu.vector_load %arg6[%swap3A, %swap3A_769] {strides = array<i32>} : memref<40x128xf32, #tpu.memory_space<vmem>>, vector<16xf32>,
      tpu.vector_store %arg6[%swap3A, %swap3A_769], %broadcast_in_dim3A_0 {strides = array<i32>} : memref<40x128xf32, #tpu.memory_space<vmem>>, vector<16xf32>,
      %swap3A_771 = arith.index_cast %scan3A_767 : i32 to index
      %swap3A_772 = arith.constant 16 : index
      %swap3A_773 = tpu.vector_load %arg6[%swap3A_771, %swap3A_772] {strides = array<i32>} : memref<40x128xf32, #tpu.memory_space<vmem>>, vector<16xf32>,
      tpu.vector_store %arg6[%swap3A_771, %swap3A_772], %broadcast_in_dim3A_0 {strides = array<i32>} : memref<40x128xf32, #tpu.memory_space<vmem>>, vector<16xf32>,
      %swap3A_774 = arith.index_cast %scan3A_767 : i32 to index
      %swap3A_775 = arith.constant 32 : index
      %swap3A_776 = tpu.vector_load %arg6[%swap3A_774, %swap3A_775] {strides = array<i32>} : memref<40x128xf32, #tpu.memory_space<vmem>>, vector<16xf32>,
      tpu.vector_store %arg6[%swap3A_774, %swap3A_775], %broadcast_in_dim3A_0 {strides = array<i32>} : memref<40x128xf32, #tpu.memory_space<vmem>>, vector<16xf32>,
      %swap3A_777 = arith.index_cast %scan3A_767 : i32 to index
      %swap3A_778 = arith.constant 48 : index
      %swap3A_779 = tpu.vector_load %arg6[%swap3A_777, %swap3A_778] {strides = array<i32>} : memref<40x128xf32, #tpu.memory_space<vmem>>, vector<16xf32>,
      tpu.vector_store %arg6[%swap3A_777, %swap3A_778], %broadcast_in_dim3A_0 {strides = array<i32>} : memref<40x128xf32, #tpu.memory_space<vmem>>, vector<16xf32>,
      %swap3A_780 = arith.index_cast %scan3A_767 : i32 to index
      %swap3A_781 = arith.constant 64 : index
      %swap3A_782 = tpu.vector_load %arg6[%swap3A_780, %swap3A_781] {strides = array<i32>} : memref<40x128xf32, #tpu.memory_space<vmem>>, vector<16xf32>,
      tpu.vector_store %arg6[%swap3A_780, %swap3A_781], %broadcast_in_dim3A_0 {strides = array<i32>} : memref<40x128xf32, #tpu.memory_space<vmem>>, vector<16xf32>,
      %swap3A_783 = arith.index_cast %scan3A_767 : i32 to index
      %swap3A_784 = arith.constant 80 : index
      %swap3A_785 = tpu.vector_load %arg6[%swap3A_783, %swap3A_784] {strides = array<i32>} : memref<40x128xf32, #tpu.memory_space<vmem>>, vector<16xf32>,
      tpu.vector_store %arg6[%swap3A_783, %swap3A_784], %broadcast_in_dim3A_0 {strides = array<i32>} : memref<40x128xf32, #tpu.memory_space<vmem>>, vector<16xf32>,
      %swap3A_786 = arith.index_cast %scan3A_767 : i32 to index
      %swap3A_787 = arith.constant 96 : index
      %swap3A_788 = tpu.vector_load %arg6[%swap3A_786, %swap3A_787] {strides = array<i32>} : memref<40x128xf32, #tpu.memory_space<vmem>>, vector<16xf32>,
      tpu.vector_store %arg6[%swap3A_786, %swap3A_787], %broadcast_in_dim3A_0 {strides = array<i32>} : memref<40x128xf32, #tpu.memory_space<vmem>>, vector<16xf32>,
      %swap3A_789 = arith.index_cast %scan3A_767 : i32 to index
      %swap3A_790 = arith.constant 112 : index
      %swap3A_791 = tpu.vector_load %arg6[%swap3A_789, %swap3A_790] {strides = array<i32>} : memref<40x128xf32, #tpu.memory_space<vmem>>, vector<16xf32>,
      tpu.vector_store %arg6[%swap3A_789, %swap3A_790], %broadcast_in_dim3A_0 {strides = array<i32>} : memref<40x128xf32, #tpu.memory_space<vmem>>, vector<16xf32>,
      %scan3A_792 = arith.constant 0 : i32
      scf.yield %scan3A_792 : i32
    }
    %scan3A_6 = arith.constant 40 : i32
    %mul3A = arith.constant 640 : i32
    %mul3A_7 = arith.muli %arg1, %mul3A : i32
    %add3A = arith.constant 0 : i32
    %add3A_8 = arith.addi %mul3A_7, %add3A : i32
    "tpu.region"() ({
      %run_scoped3A = tpu.sem_alloc : memref<!tpu.dma_semaphore, #tpu.memory_space<semaphore_mem>>
      %dma_start3A_767 = arith.constant 0 : i32
      %dma_start3A_768 = tpu.memref_slice %arg10[%add3A_8, %dma_start3A_767] : memref<10248x128xf32, #tpu.memory_space<vmem_shared>> -> memref<40x128xf32, #tpu.memory_space<vmem_shared>>
      %dma_start3A_769 = arith.constant 0 : i32
      %dma_start3A_770 = tpu.memref_slice %arg10[%add3A_8, %dma_start3A_769] : memref<10248x128xf32, #tpu.memory_space<vmem_shared>> -> memref<40x128xf32, #tpu.memory_space<vmem_shared>>
      tpu.enqueue_dma source(%arg6 : memref<40x128xf32, #tpu.memory_space<vmem>>) target(%dma_start3A_770 : memref<40x128xf32, #tpu.memory_space<vmem_shared>>) target_semaphore(%run_scoped3A : memref<!tpu.dma_semaphore, #tpu.memory_space<semaphore_mem>>)
      %dma_wait3A_771 = arith.constant 0 : i32
      %dma_wait3A_772 = tpu.memref_slice %arg10[%add3A_8, %dma_wait3A_771] : memref<10248x128xf32, #tpu.memory_space<vmem_shared>> -> memref<40x128xf32, #tpu.memory_space<vmem_shared>>
      %dma_wait3A_773 = arith.constant 0 : i32
      %dma_wait3A_774 = tpu.memref_slice %arg10[%add3A_8, %dma_wait3A_773] : memref<10248x128xf32, #tpu.memory_space<vmem_shared>> -> memref<40x128xf32, #tpu.memory_space<vmem_shared>>
      tpu.wait_dma2 semaphore(%run_scoped3A : memref<!tpu.dma_semaphore, #tpu.memory_space<semaphore_mem>>) src(%arg6 : memref<40x128xf32, #tpu.memory_space<vmem>>) dst(%dma_wait3A_774 : memref<40x128xf32, #tpu.memory_space<vmem_shared>>)
      tpu.yield
    }) : () -> ()
    %mul3A_9 = arith.constant 640 : i32
    %mul3A_10 = arith.muli %arg1, %mul3A_9 : i32
    %add3A_11 = arith.constant 40 : i32
    %add3A_12 = arith.addi %mul3A_10, %add3A_11 : i32
    "tpu.region"() ({
      %run_scoped3A = tpu.sem_alloc : memref<!tpu.dma_semaphore, #tpu.memory_space<semaphore_mem>>
      %dma_start3A_767 = arith.constant 0 : i32
      %dma_start3A_768 = tpu.memref_slice %arg10[%add3A_12, %dma_start3A_767] : memref<10248x128xf32, #tpu.memory_space<vmem_shared>> -> memref<40x128xf32, #tpu.memory_space<vmem_shared>>
      %dma_start3A_769 = arith.constant 0 : i32
      %dma_start3A_770 = tpu.memref_slice %arg10[%add3A_12, %dma_start3A_769] : memref<10248x128xf32, #tpu.memory_space<vmem_shared>> -> memref<40x128xf32, #tpu.memory_space<vmem_shared>>
      tpu.enqueue_dma source(%arg6 : memref<40x128xf32, #tpu.memory_space<vmem>>) target(%dma_start3A_770 : memref<40x128xf32, #tpu.memory_space<vmem_shared>>) target_semaphore(%run_scoped3A : memref<!tpu.dma_semaphore, #tpu.memory_space<semaphore_mem>>)
      %dma_wait3A_771 = arith.constant 0 : i32
      %dma_wait3A_772 = tpu.memref_slice %arg10[%add3A_12, %dma_wait3A_771] : memref<10248x128xf32, #tpu.memory_space<vmem_shared>> -> memref<40x128xf32, #tpu.memory_space<vmem_shared>>
      %dma_wait3A_773 = arith.constant 0 : i32
      %dma_wait3A_774 = tpu.memref_slice %arg10[%add3A_12, %dma_wait3A_773] : memref<10248x128xf32, #tpu.memory_space<vmem_shared>> -> memref<40x128xf32, #tpu.memory_space<vmem_shared>>
      tpu.wait_dma2 semaphore(%run_scoped3A : memref<!tpu.dma_semaphore, #tpu.memory_space<semaphore_mem>>) src(%arg6 : memref<40x128xf32, #tpu.memory_space<vmem>>) dst(%dma_wait3A_774 : memref<40x128xf32, #tpu.memory_space<vmem_shared>>)
      tpu.yield
    }) : () -> ()
    %mul3A_13 = arith.constant 640 : i32
    %mul3A_14 = arith.muli %arg1, %mul3A_13 : i32
    %add3A_15 = arith.constant 80 : i32
    %add3A_16 = arith.addi %mul3A_14, %add3A_15 : i32
    "tpu.region"() ({
      %run_scoped3A = tpu.sem_alloc : memref<!tpu.dma_semaphore, #tpu.memory_space<semaphore_mem>>
      %dma_start3A_767 = arith.constant 0 : i32
      %dma_start3A_768 = tpu.memref_slice %arg10[%add3A_16, %dma_start3A_767] : memref<10248x128xf32, #tpu.memory_space<vmem_shared>> -> memref<40x128xf32, #tpu.memory_space<vmem_shared>>
      %dma_start3A_769 = arith.constant 0 : i32
      %dma_start3A_770 = tpu.memref_slice %arg10[%add3A_16, %dma_start3A_769] : memref<10248x128xf32, #tpu.memory_space<vmem_shared>> -> memref<40x128xf32, #tpu.memory_space<vmem_shared>>
      tpu.enqueue_dma source(%arg6 : memref<40x128xf32, #tpu.memory_space<vmem>>) target(%dma_start3A_770 : memref<40x128xf32, #tpu.memory_space<vmem_shared>>) target_semaphore(%run_scoped3A : memref<!tpu.dma_semaphore, #tpu.memory_space<semaphore_mem>>)
      %dma_wait3A_771 = arith.constant 0 : i32
      %dma_wait3A_772 = tpu.memref_slice %arg10[%add3A_16, %dma_wait3A_771] : memref<10248x128xf32, #tpu.memory_space<vmem_shared>> -> memref<40x128xf32, #tpu.memory_space<vmem_shared>>
      %dma_wait3A_773 = arith.constant 0 : i32
      %dma_wait3A_774 = tpu.memref_slice %arg10[%add3A_16, %dma_wait3A_773] : memref<10248x128xf32, #tpu.memory_space<vmem_shared>> -> memref<40x128xf32, #tpu.memory_space<vmem_shared>>
      tpu.wait_dma2 semaphore(%run_scoped3A : memref<!tpu.dma_semaphore, #tpu.memory_space<semaphore_mem>>) src(%arg6 : memref<40x128xf32, #tpu.memory_space<vmem>>) dst(%dma_wait3A_774 : memref<40x128xf32, #tpu.memory_space<vmem_shared>>)
      tpu.yield
    }) : () -> ()
    %mul3A_17 = arith.constant 640 : i32
    %mul3A_18 = arith.muli %arg1, %mul3A_17 : i32
    %add3A_19 = arith.constant 120 : i32
    %add3A_20 = arith.addi %mul3A_18, %add3A_19 : i32
    "tpu.region"() ({
      %run_scoped3A = tpu.sem_alloc : memref<!tpu.dma_semaphore, #tpu.memory_space<semaphore_mem>>
      %dma_start3A_767 = arith.constant 0 : i32
      %dma_start3A_768 = tpu.memref_slice %arg10[%add3A_20, %dma_start3A_767] : memref<10248x128xf32, #tpu.memory_space<vmem_shared>> -> memref<40x128xf32, #tpu.memory_space<vmem_shared>>
      %dma_start3A_769 = arith.constant 0 : i32
      %dma_start3A_770 = tpu.memref_slice %arg10[%add3A_20, %dma_start3A_769] : memref<10248x128xf32, #tpu.memory_space<vmem_shared>> -> memref<40x128xf32, #tpu.memory_space<vmem_shared>>
      tpu.enqueue_dma source(%arg6 : memref<40x128xf32, #tpu.memory_space<vmem>>) target(%dma_start3A_770 : memref<40x128xf32, #tpu.memory_space<vmem_shared>>) target_semaphore(%run_scoped3A : memref<!tpu.dma_semaphore, #tpu.memory_space<semaphore_mem>>)
      %dma_wait3A_771 = arith.constant 0 : i32
      %dma_wait3A_772 = tpu.memref_slice %arg10[%add3A_20, %dma_wait3A_771] : memref<10248x128xf32, #tpu.memory_space<vmem_shared>> -> memref<40x128xf32, #tpu.memory_space<vmem_shared>>
      %dma_wait3A_773 = arith.constant 0 : i32
      %dma_wait3A_774 = tpu.memref_slice %arg10[%add3A_20, %dma_wait3A_773] : memref<10248x128xf32, #tpu.memory_space<vmem_shared>> -> memref<40x128xf32, #tpu.memory_space<vmem_shared>>
      tpu.wait_dma2 semaphore(%run_scoped3A : memref<!tpu.dma_semaphore, #tpu.memory_space<semaphore_mem>>) src(%arg6 : memref<40x128xf32, #tpu.memory_space<vmem>>) dst(%dma_wait3A_774 : memref<40x128xf32, #tpu.memory_space<vmem_shared>>)
      tpu.yield
    }) : () -> ()
    %mul3A_21 = arith.constant 640 : i32
    %mul3A_22 = arith.muli %arg1, %mul3A_21 : i32
    %add3A_23 = arith.constant 160 : i32
    %add3A_24 = arith.addi %mul3A_22, %add3A_23 : i32
    "tpu.region"() ({
      %run_scoped3A = tpu.sem_alloc : memref<!tpu.dma_semaphore, #tpu.memory_space<semaphore_mem>>
      %dma_start3A_767 = arith.constant 0 : i32
      %dma_start3A_768 = tpu.memref_slice %arg10[%add3A_24, %dma_start3A_767] : memref<10248x128xf32, #tpu.memory_space<vmem_shared>> -> memref<40x128xf32, #tpu.memory_space<vmem_shared>>
      %dma_start3A_769 = arith.constant 0 : i32
      %dma_start3A_770 = tpu.memref_slice %arg10[%add3A_24, %dma_start3A_769] : memref<10248x128xf32, #tpu.memory_space<vmem_shared>> -> memref<40x128xf32, #tpu.memory_space<vmem_shared>>
      tpu.enqueue_dma source(%arg6 : memref<40x128xf32, #tpu.memory_space<vmem>>) target(%dma_start3A_770 : memref<40x128xf32, #tpu.memory_space<vmem_shared>>) target_semaphore(%run_scoped3A : memref<!tpu.dma_semaphore, #tpu.memory_space<semaphore_mem>>)
      %dma_wait3A_771 = arith.constant 0 : i32
      %dma_wait3A_772 = tpu.memref_slice %arg10[%add3A_24, %dma_wait3A_771] : memref<10248x128xf32, #tpu.memory_space<vmem_shared>> -> memref<40x128xf32, #tpu.memory_space<vmem_shared>>
      %dma_wait3A_773 = arith.constant 0 : i32
      %dma_wait3A_774 = tpu.memref_slice %arg10[%add3A_24, %dma_wait3A_773] : memref<10248x128xf32, #tpu.memory_space<vmem_shared>> -> memref<40x128xf32, #tpu.memory_space<vmem_shared>>
      tpu.wait_dma2 semaphore(%run_scoped3A : memref<!tpu.dma_semaphore, #tpu.memory_space<semaphore_mem>>) src(%arg6 : memref<40x128xf32, #tpu.memory_space<vmem>>) dst(%dma_wait3A_774 : memref<40x128xf32, #tpu.memory_space<vmem_shared>>)
      tpu.yield
    }) : () -> ()
    %mul3A_25 = arith.constant 640 : i32
    %mul3A_26 = arith.muli %arg1, %mul3A_25 : i32
    %add3A_27 = arith.constant 200 : i32
    %add3A_28 = arith.addi %mul3A_26, %add3A_27 : i32
    "tpu.region"() ({
      %run_scoped3A = tpu.sem_alloc : memref<!tpu.dma_semaphore, #tpu.memory_space<semaphore_mem>>
      %dma_start3A_767 = arith.constant 0 : i32
      %dma_start3A_768 = tpu.memref_slice %arg10[%add3A_28, %dma_start3A_767] : memref<10248x128xf32, #tpu.memory_space<vmem_shared>> -> memref<40x128xf32, #tpu.memory_space<vmem_shared>>
      %dma_start3A_769 = arith.constant 0 : i32
      %dma_start3A_770 = tpu.memref_slice %arg10[%add3A_28, %dma_start3A_769] : memref<10248x128xf32, #tpu.memory_space<vmem_shared>> -> memref<40x128xf32, #tpu.memory_space<vmem_shared>>
      tpu.enqueue_dma source(%arg6 : memref<40x128xf32, #tpu.memory_space<vmem>>) target(%dma_start3A_770 : memref<40x128xf32, #tpu.memory_space<vmem_shared>>) target_semaphore(%run_scoped3A : memref<!tpu.dma_semaphore, #tpu.memory_space<semaphore_mem>>)
      %dma_wait3A_771 = arith.constant 0 : i32
      %dma_wait3A_772 = tpu.memref_slice %arg10[%add3A_28, %dma_wait3A_771] : memref<10248x128xf32, #tpu.memory_space<vmem_shared>> -> memref<40x128xf32, #tpu.memory_space<vmem_shared>>
      %dma_wait3A_773 = arith.constant 0 : i32
      %dma_wait3A_774 = tpu.memref_slice %arg10[%add3A_28, %dma_wait3A_773] : memref<10248x128xf32, #tpu.memory_space<vmem_shared>> -> memref<40x128xf32, #tpu.memory_space<vmem_shared>>
      tpu.wait_dma2 semaphore(%run_scoped3A : memref<!tpu.dma_semaphore, #tpu.memory_space<semaphore_mem>>) src(%arg6 : memref<40x128xf32, #tpu.memory_space<vmem>>) dst(%dma_wait3A_774 : memref<40x128xf32, #tpu.memory_space<vmem_shared>>)
      tpu.yield
    }) : () -> ()
    %mul3A_29 = arith.constant 640 : i32
    %mul3A_30 = arith.muli %arg1, %mul3A_29 : i32
    %add3A_31 = arith.constant 240 : i32
    %add3A_32 = arith.addi %mul3A_30, %add3A_31 : i32
    "tpu.region"() ({
      %run_scoped3A = tpu.sem_alloc : memref<!tpu.dma_semaphore, #tpu.memory_space<semaphore_mem>>
      %dma_start3A_767 = arith.constant 0 : i32
      %dma_start3A_768 = tpu.memref_slice %arg10[%add3A_32, %dma_start3A_767] : memref<10248x128xf32, #tpu.memory_space<vmem_shared>> -> memref<40x128xf32, #tpu.memory_space<vmem_shared>>
      %dma_start3A_769 = arith.constant 0 : i32
      %dma_start3A_770 = tpu.memref_slice %arg10[%add3A_32, %dma_start3A_769] : memref<10248x128xf32, #tpu.memory_space<vmem_shared>> -> memref<40x128xf32, #tpu.memory_space<vmem_shared>>
      tpu.enqueue_dma source(%arg6 : memref<40x128xf32, #tpu.memory_space<vmem>>) target(%dma_start3A_770 : memref<40x128xf32, #tpu.memory_space<vmem_shared>>) target_semaphore(%run_scoped3A : memref<!tpu.dma_semaphore, #tpu.memory_space<semaphore_mem>>)
      %dma_wait3A_771 = arith.constant 0 : i32
      %dma_wait3A_772 = tpu.memref_slice %arg10[%add3A_32, %dma_wait3A_771] : memref<10248x128xf32, #tpu.memory_space<vmem_shared>> -> memref<40x128xf32, #tpu.memory_space<vmem_shared>>
      %dma_wait3A_773 = arith.constant 0 : i32
      %dma_wait3A_774 = tpu.memref_slice %arg10[%add3A_32, %dma_wait3A_773] : memref<10248x128xf32, #tpu.memory_space<vmem_shared>> -> memref<40x128xf32, #tpu.memory_space<vmem_shared>>
      tpu.wait_dma2 semaphore(%run_scoped3A : memref<!tpu.dma_semaphore, #tpu.memory_space<semaphore_mem>>) src(%arg6 : memref<40x128xf32, #tpu.memory_space<vmem>>) dst(%dma_wait3A_774 : memref<40x128xf32, #tpu.memory_space<vmem_shared>>)
      tpu.yield
    }) : () -> ()
    %mul3A_33 = arith.constant 640 : i32
    %mul3A_34 = arith.muli %arg1, %mul3A_33 : i32
    %add3A_35 = arith.constant 280 : i32
    %add3A_36 = arith.addi %mul3A_34, %add3A_35 : i32
    "tpu.region"() ({
      %run_scoped3A = tpu.sem_alloc : memref<!tpu.dma_semaphore, #tpu.memory_space<semaphore_mem>>
      %dma_start3A_767 = arith.constant 0 : i32
      %dma_start3A_768 = tpu.memref_slice %arg10[%add3A_36, %dma_start3A_767] : memref<10248x128xf32, #tpu.memory_space<vmem_shared>> -> memref<40x128xf32, #tpu.memory_space<vmem_shared>>
      %dma_start3A_769 = arith.constant 0 : i32
      %dma_start3A_770 = tpu.memref_slice %arg10[%add3A_36, %dma_start3A_769] : memref<10248x128xf32, #tpu.memory_space<vmem_shared>> -> memref<40x128xf32, #tpu.memory_space<vmem_shared>>
      tpu.enqueue_dma source(%arg6 : memref<40x128xf32, #tpu.memory_space<vmem>>) target(%dma_start3A_770 : memref<40x128xf32, #tpu.memory_space<vmem_shared>>) target_semaphore(%run_scoped3A : memref<!tpu.dma_semaphore, #tpu.memory_space<semaphore_mem>>)
      %dma_wait3A_771 = arith.constant 0 : i32
      %dma_wait3A_772 = tpu.memref_slice %arg10[%add3A_36, %dma_wait3A_771] : memref<10248x128xf32, #tpu.memory_space<vmem_shared>> -> memref<40x128xf32, #tpu.memory_space<vmem_shared>>
      %dma_wait3A_773 = arith.constant 0 : i32
      %dma_wait3A_774 = tpu.memref_slice %arg10[%add3A_36, %dma_wait3A_773] : memref<10248x128xf32, #tpu.memory_space<vmem_shared>> -> memref<40x128xf32, #tpu.memory_space<vmem_shared>>
      tpu.wait_dma2 semaphore(%run_scoped3A : memref<!tpu.dma_semaphore, #tpu.memory_space<semaphore_mem>>) src(%arg6 : memref<40x128xf32, #tpu.memory_space<vmem>>) dst(%dma_wait3A_774 : memref<40x128xf32, #tpu.memory_space<vmem_shared>>)
      tpu.yield
    }) : () -> ()
    %mul3A_37 = arith.constant 640 : i32
    %mul3A_38 = arith.muli %arg1, %mul3A_37 : i32
    %add3A_39 = arith.constant 320 : i32
    %add3A_40 = arith.addi %mul3A_38, %add3A_39 : i32
    "tpu.region"() ({
      %run_scoped3A = tpu.sem_alloc : memref<!tpu.dma_semaphore, #tpu.memory_space<semaphore_mem>>
      %dma_start3A_767 = arith.constant 0 : i32
      %dma_start3A_768 = tpu.memref_slice %arg10[%add3A_40, %dma_start3A_767] : memref<10248x128xf32, #tpu.memory_space<vmem_shared>> -> memref<40x128xf32, #tpu.memory_space<vmem_shared>>
      %dma_start3A_769 = arith.constant 0 : i32
      %dma_start3A_770 = tpu.memref_slice %arg10[%add3A_40, %dma_start3A_769] : memref<10248x128xf32, #tpu.memory_space<vmem_shared>> -> memref<40x128xf32, #tpu.memory_space<vmem_shared>>
      tpu.enqueue_dma source(%arg6 : memref<40x128xf32, #tpu.memory_space<vmem>>) target(%dma_start3A_770 : memref<40x128xf32, #tpu.memory_space<vmem_shared>>) target_semaphore(%run_scoped3A : memref<!tpu.dma_semaphore, #tpu.memory_space<semaphore_mem>>)
      %dma_wait3A_771 = arith.constant 0 : i32
      %dma_wait3A_772 = tpu.memref_slice %arg10[%add3A_40, %dma_wait3A_771] : memref<10248x128xf32, #tpu.memory_space<vmem_shared>> -> memref<40x128xf32, #tpu.memory_space<vmem_shared>>
      %dma_wait3A_773 = arith.constant 0 : i32
      %dma_wait3A_774 = tpu.memref_slice %arg10[%add3A_40, %dma_wait3A_773] : memref<10248x128xf32, #tpu.memory_space<vmem_shared>> -> memref<40x128xf32, #tpu.memory_space<vmem_shared>>
      tpu.wait_dma2 semaphore(%run_scoped3A : memref<!tpu.dma_semaphore, #tpu.memory_space<semaphore_mem>>) src(%arg6 : memref<40x128xf32, #tpu.memory_space<vmem>>) dst(%dma_wait3A_774 : memref<40x128xf32, #tpu.memory_space<vmem_shared>>)
      tpu.yield
    }) : () -> ()
    %mul3A_41 = arith.constant 640 : i32
    %mul3A_42 = arith.muli %arg1, %mul3A_41 : i32
    %add3A_43 = arith.constant 360 : i32
    %add3A_44 = arith.addi %mul3A_42, %add3A_43 : i32
    "tpu.region"() ({
      %run_scoped3A = tpu.sem_alloc : memref<!tpu.dma_semaphore, #tpu.memory_space<semaphore_mem>>
      %dma_start3A_767 = arith.constant 0 : i32
      %dma_start3A_768 = tpu.memref_slice %arg10[%add3A_44, %dma_start3A_767] : memref<10248x128xf32, #tpu.memory_space<vmem_shared>> -> memref<40x128xf32, #tpu.memory_space<vmem_shared>>
      %dma_start3A_769 = arith.constant 0 : i32
      %dma_start3A_770 = tpu.memref_slice %arg10[%add3A_44, %dma_start3A_769] : memref<10248x128xf32, #tpu.memory_space<vmem_shared>> -> memref<40x128xf32, #tpu.memory_space<vmem_shared>>
      tpu.enqueue_dma source(%arg6 : memref<40x128xf32, #tpu.memory_space<vmem>>) target(%dma_start3A_770 : memref<40x128xf32, #tpu.memory_space<vmem_shared>>) target_semaphore(%run_scoped3A : memref<!tpu.dma_semaphore, #tpu.memory_space<semaphore_mem>>)
      %dma_wait3A_771 = arith.constant 0 : i32
      %dma_wait3A_772 = tpu.memref_slice %arg10[%add3A_44, %dma_wait3A_771] : memref<10248x128xf32, #tpu.memory_space<vmem_shared>> -> memref<40x128xf32, #tpu.memory_space<vmem_shared>>
      %dma_wait3A_773 = arith.constant 0 : i32
      %dma_wait3A_774 = tpu.memref_slice %arg10[%add3A_44, %dma_wait3A_773] : memref<10248x128xf32, #tpu.memory_space<vmem_shared>> -> memref<40x128xf32, #tpu.memory_space<vmem_shared>>
      tpu.wait_dma2 semaphore(%run_scoped3A : memref<!tpu.dma_semaphore, #tpu.memory_space<semaphore_mem>>) src(%arg6 : memref<40x128xf32, #tpu.memory_space<vmem>>) dst(%dma_wait3A_774 : memref<40x128xf32, #tpu.memory_space<vmem_shared>>)
      tpu.yield
    }) : () -> ()
    %mul3A_45 = arith.constant 640 : i32
    %mul3A_46 = arith.muli %arg1, %mul3A_45 : i32
    %add3A_47 = arith.constant 400 : i32
    %add3A_48 = arith.addi %mul3A_46, %add3A_47 : i32
    "tpu.region"() ({
      %run_scoped3A = tpu.sem_alloc : memref<!tpu.dma_semaphore, #tpu.memory_space<semaphore_mem>>
      %dma_start3A_767 = arith.constant 0 : i32
      %dma_start3A_768 = tpu.memref_slice %arg10[%add3A_48, %dma_start3A_767] : memref<10248x128xf32, #tpu.memory_space<vmem_shared>> -> memref<40x128xf32, #tpu.memory_space<vmem_shared>>
      %dma_start3A_769 = arith.constant 0 : i32
      %dma_start3A_770 = tpu.memref_slice %arg10[%add3A_48, %dma_start3A_769] : memref<10248x128xf32, #tpu.memory_space<vmem_shared>> -> memref<40x128xf32, #tpu.memory_space<vmem_shared>>
      tpu.enqueue_dma source(%arg6 : memref<40x128xf32, #tpu.memory_space<vmem>>) target(%dma_start3A_770 : memref<40x128xf32, #tpu.memory_space<vmem_shared>>) target_semaphore(%run_scoped3A : memref<!tpu.dma_semaphore, #tpu.memory_space<semaphore_mem>>)
      %dma_wait3A_771 = arith.constant 0 : i32
      %dma_wait3A_772 = tpu.memref_slice %arg10[%add3A_48, %dma_wait3A_771] : memref<10248x128xf32, #tpu.memory_space<vmem_shared>> -> memref<40x128xf32, #tpu.memory_space<vmem_shared>>
      %dma_wait3A_773 = arith.constant 0 : i32
      %dma_wait3A_774 = tpu.memref_slice %arg10[%add3A_48, %dma_wait3A_773] : memref<10248x128xf32, #tpu.memory_space<vmem_shared>> -> memref<40x128xf32, #tpu.memory_space<vmem_shared>>
      tpu.wait_dma2 semaphore(%run_scoped3A : memref<!tpu.dma_semaphore, #tpu.memory_space<semaphore_mem>>) src(%arg6 : memref<40x128xf32, #tpu.memory_space<vmem>>) dst(%dma_wait3A_774 : memref<40x128xf32, #tpu.memory_space<vmem_shared>>)
      tpu.yield
    }) : () -> ()
    %mul3A_49 = arith.constant 640 : i32
    %mul3A_50 = arith.muli %arg1, %mul3A_49 : i32
    %add3A_51 = arith.constant 440 : i32
    %add3A_52 = arith.addi %mul3A_50, %add3A_51 : i32
    "tpu.region"() ({
      %run_scoped3A = tpu.sem_alloc : memref<!tpu.dma_semaphore, #tpu.memory_space<semaphore_mem>>
      %dma_start3A_767 = arith.constant 0 : i32
      %dma_start3A_768 = tpu.memref_slice %arg10[%add3A_52, %dma_start3A_767] : memref<10248x128xf32, #tpu.memory_space<vmem_shared>> -> memref<40x128xf32, #tpu.memory_space<vmem_shared>>
      %dma_start3A_769 = arith.constant 0 : i32
      %dma_start3A_770 = tpu.memref_slice %arg10[%add3A_52, %dma_start3A_769] : memref<10248x128xf32, #tpu.memory_space<vmem_shared>> -> memref<40x128xf32, #tpu.memory_space<vmem_shared>>
      tpu.enqueue_dma source(%arg6 : memref<40x128xf32, #tpu.memory_space<vmem>>) target(%dma_start3A_770 : memref<40x128xf32, #tpu.memory_space<vmem_shared>>) target_semaphore(%run_scoped3A : memref<!tpu.dma_semaphore, #tpu.memory_space<semaphore_mem>>)
      %dma_wait3A_771 = arith.constant 0 : i32
      %dma_wait3A_772 = tpu.memref_slice %arg10[%add3A_52, %dma_wait3A_771] : memref<10248x128xf32, #tpu.memory_space<vmem_shared>> -> memref<40x128xf32, #tpu.memory_space<vmem_shared>>
      %dma_wait3A_773 = arith.constant 0 : i32
      %dma_wait3A_774 = tpu.memref_slice %arg10[%add3A_52, %dma_wait3A_773] : memref<10248x128xf32, #tpu.memory_space<vmem_shared>> -> memref<40x128xf32, #tpu.memory_space<vmem_shared>>
      tpu.wait_dma2 semaphore(%run_scoped3A : memref<!tpu.dma_semaphore, #tpu.memory_space<semaphore_mem>>) src(%arg6 : memref<40x128xf32, #tpu.memory_space<vmem>>) dst(%dma_wait3A_774 : memref<40x128xf32, #tpu.memory_space<vmem_shared>>)
      tpu.yield
    }) : () -> ()
    %mul3A_53 = arith.constant 640 : i32
    %mul3A_54 = arith.muli %arg1, %mul3A_53 : i32
    %add3A_55 = arith.constant 480 : i32
    %add3A_56 = arith.addi %mul3A_54, %add3A_55 : i32
    "tpu.region"() ({
      %run_scoped3A = tpu.sem_alloc : memref<!tpu.dma_semaphore, #tpu.memory_space<semaphore_mem>>
      %dma_start3A_767 = arith.constant 0 : i32
      %dma_start3A_768 = tpu.memref_slice %arg10[%add3A_56, %dma_start3A_767] : memref<10248x128xf32, #tpu.memory_space<vmem_shared>> -> memref<40x128xf32, #tpu.memory_space<vmem_shared>>
      %dma_start3A_769 = arith.constant 0 : i32
      %dma_start3A_770 = tpu.memref_slice %arg10[%add3A_56, %dma_start3A_769] : memref<10248x128xf32, #tpu.memory_space<vmem_shared>> -> memref<40x128xf32, #tpu.memory_space<vmem_shared>>
      tpu.enqueue_dma source(%arg6 : memref<40x128xf32, #tpu.memory_space<vmem>>) target(%dma_start3A_770 : memref<40x128xf32, #tpu.memory_space<vmem_shared>>) target_semaphore(%run_scoped3A : memref<!tpu.dma_semaphore, #tpu.memory_space<semaphore_mem>>)
      %dma_wait3A_771 = arith.constant 0 : i32
      %dma_wait3A_772 = tpu.memref_slice %arg10[%add3A_56, %dma_wait3A_771] : memref<10248x128xf32, #tpu.memory_space<vmem_shared>> -> memref<40x128xf32, #tpu.memory_space<vmem_shared>>
      %dma_wait3A_773 = arith.constant 0 : i32
      %dma_wait3A_774 = tpu.memref_slice %arg10[%add3A_56, %dma_wait3A_773] : memref<10248x128xf32, #tpu.memory_space<vmem_shared>> -> memref<40x128xf32, #tpu.memory_space<vmem_shared>>
      tpu.wait_dma2 semaphore(%run_scoped3A : memref<!tpu.dma_semaphore, #tpu.memory_space<semaphore_mem>>) src(%arg6 : memref<40x128xf32, #tpu.memory_space<vmem>>) dst(%dma_wait3A_774 : memref<40x128xf32, #tpu.memory_space<vmem_shared>>)
      tpu.yield
    }) : () -> ()
    %mul3A_57 = arith.constant 640 : i32
    %mul3A_58 = arith.muli %arg1, %mul3A_57 : i32
    %add3A_59 = arith.constant 520 : i32
    %add3A_60 = arith.addi %mul3A_58, %add3A_59 : i32
    "tpu.region"() ({
      %run_scoped3A = tpu.sem_alloc : memref<!tpu.dma_semaphore, #tpu.memory_space<semaphore_mem>>
      %dma_start3A_767 = arith.constant 0 : i32
      %dma_start3A_768 = tpu.memref_slice %arg10[%add3A_60, %dma_start3A_767] : memref<10248x128xf32, #tpu.memory_space<vmem_shared>> -> memref<40x128xf32, #tpu.memory_space<vmem_shared>>
      %dma_start3A_769 = arith.constant 0 : i32
      %dma_start3A_770 = tpu.memref_slice %arg10[%add3A_60, %dma_start3A_769] : memref<10248x128xf32, #tpu.memory_space<vmem_shared>> -> memref<40x128xf32, #tpu.memory_space<vmem_shared>>
      tpu.enqueue_dma source(%arg6 : memref<40x128xf32, #tpu.memory_space<vmem>>) target(%dma_start3A_770 : memref<40x128xf32, #tpu.memory_space<vmem_shared>>) target_semaphore(%run_scoped3A : memref<!tpu.dma_semaphore, #tpu.memory_space<semaphore_mem>>)
      %dma_wait3A_771 = arith.constant 0 : i32
      %dma_wait3A_772 = tpu.memref_slice %arg10[%add3A_60, %dma_wait3A_771] : memref<10248x128xf32, #tpu.memory_space<vmem_shared>> -> memref<40x128xf32, #tpu.memory_space<vmem_shared>>
      %dma_wait3A_773 = arith.constant 0 : i32
      %dma_wait3A_774 = tpu.memref_slice %arg10[%add3A_60, %dma_wait3A_773] : memref<10248x128xf32, #tpu.memory_space<vmem_shared>> -> memref<40x128xf32, #tpu.memory_space<vmem_shared>>
      tpu.wait_dma2 semaphore(%run_scoped3A : memref<!tpu.dma_semaphore, #tpu.memory_space<semaphore_mem>>) src(%arg6 : memref<40x128xf32, #tpu.memory_space<vmem>>) dst(%dma_wait3A_774 : memref<40x128xf32, #tpu.memory_space<vmem_shared>>)
      tpu.yield
    }) : () -> ()
    %mul3A_61 = arith.constant 640 : i32
    %mul3A_62 = arith.muli %arg1, %mul3A_61 : i32
    %add3A_63 = arith.constant 560 : i32
    %add3A_64 = arith.addi %mul3A_62, %add3A_63 : i32
    "tpu.region"() ({
      %run_scoped3A = tpu.sem_alloc : memref<!tpu.dma_semaphore, #tpu.memory_space<semaphore_mem>>
      %dma_start3A_767 = arith.constant 0 : i32
      %dma_start3A_768 = tpu.memref_slice %arg10[%add3A_64, %dma_start3A_767] : memref<10248x128xf32, #tpu.memory_space<vmem_shared>> -> memref<40x128xf32, #tpu.memory_space<vmem_shared>>
      %dma_start3A_769 = arith.constant 0 : i32
      %dma_start3A_770 = tpu.memref_slice %arg10[%add3A_64, %dma_start3A_769] : memref<10248x128xf32, #tpu.memory_space<vmem_shared>> -> memref<40x128xf32, #tpu.memory_space<vmem_shared>>
      tpu.enqueue_dma source(%arg6 : memref<40x128xf32, #tpu.memory_space<vmem>>) target(%dma_start3A_770 : memref<40x128xf32, #tpu.memory_space<vmem_shared>>) target_semaphore(%run_scoped3A : memref<!tpu.dma_semaphore, #tpu.memory_space<semaphore_mem>>)
      %dma_wait3A_771 = arith.constant 0 : i32
      %dma_wait3A_772 = tpu.memref_slice %arg10[%add3A_64, %dma_wait3A_771] : memref<10248x128xf32, #tpu.memory_space<vmem_shared>> -> memref<40x128xf32, #tpu.memory_space<vmem_shared>>
      %dma_wait3A_773 = arith.constant 0 : i32
      %dma_wait3A_774 = tpu.memref_slice %arg10[%add3A_64, %dma_wait3A_773] : memref<10248x128xf32, #tpu.memory_space<vmem_shared>> -> memref<40x128xf32, #tpu.memory_space<vmem_shared>>
      tpu.wait_dma2 semaphore(%run_scoped3A : memref<!tpu.dma_semaphore, #tpu.memory_space<semaphore_mem>>) src(%arg6 : memref<40x128xf32, #tpu.memory_space<vmem>>) dst(%dma_wait3A_774 : memref<40x128xf32, #tpu.memory_space<vmem_shared>>)
      tpu.yield
    }) : () -> ()
    %mul3A_65 = arith.constant 640 : i32
    %mul3A_66 = arith.muli %arg1, %mul3A_65 : i32
    %add3A_67 = arith.constant 600 : i32
    %add3A_68 = arith.addi %mul3A_66, %add3A_67 : i32
    "tpu.region"() ({
      %run_scoped3A = tpu.sem_alloc : memref<!tpu.dma_semaphore, #tpu.memory_space<semaphore_mem>>
      %dma_start3A_767 = arith.constant 0 : i32
      %dma_start3A_768 = tpu.memref_slice %arg10[%add3A_68, %dma_start3A_767] : memref<10248x128xf32, #tpu.memory_space<vmem_shared>> -> memref<40x128xf32, #tpu.memory_space<vmem_shared>>
      %dma_start3A_769 = arith.constant 0 : i32
      %dma_start3A_770 = tpu.memref_slice %arg10[%add3A_68, %dma_start3A_769] : memref<10248x128xf32, #tpu.memory_space<vmem_shared>> -> memref<40x128xf32, #tpu.memory_space<vmem_shared>>
      tpu.enqueue_dma source(%arg6 : memref<40x128xf32, #tpu.memory_space<vmem>>) target(%dma_start3A_770 : memref<40x128xf32, #tpu.memory_space<vmem_shared>>) target_semaphore(%run_scoped3A : memref<!tpu.dma_semaphore, #tpu.memory_space<semaphore_mem>>)
      %dma_wait3A_771 = arith.constant 0 : i32
      %dma_wait3A_772 = tpu.memref_slice %arg10[%add3A_68, %dma_wait3A_771] : memref<10248x128xf32, #tpu.memory_space<vmem_shared>> -> memref<40x128xf32, #tpu.memory_space<vmem_shared>>
      %dma_wait3A_773 = arith.constant 0 : i32
      %dma_wait3A_774 = tpu.memref_slice %arg10[%add3A_68, %dma_wait3A_773] : memref<10248x128xf32, #tpu.memory_space<vmem_shared>> -> memref<40x128xf32, #tpu.memory_space<vmem_shared>>
      tpu.wait_dma2 semaphore(%run_scoped3A : memref<!tpu.dma_semaphore, #tpu.memory_space<semaphore_mem>>) src(%arg6 : memref<40x128xf32, #tpu.memory_space<vmem>>) dst(%dma_wait3A_774 : memref<40x128xf32, #tpu.memory_space<vmem_shared>>)
      tpu.yield
    }) : () -> ()
    %eq3A = arith.constant 0 : i32
    %eq3A_69 = arith.cmpi eq, %arg1, %eq3A : i32
    %convert_element_type3A = arith.extui %eq3A_69 : i1 to i32
    %cond3A = arith.constant 0 : i32
    %cond3A_70 = arith.cmpi ne, %convert_element_type3A, %cond3A : i32
    scf.if %cond3A_70 {
      "tpu.region"() ({
        %run_scoped3A = tpu.sem_alloc : memref<!tpu.dma_semaphore, #tpu.memory_space<semaphore_mem>>
        %dma_start3A_767 = arith.constant 0 : i32
        %dma_start3A_768 = arith.constant 0 : i32
        %dma_start3A_769 = tpu.memref_slice %arg6[%dma_start3A_767, %dma_start3A_768] : memref<40x128xf32, #tpu.memory_space<vmem>> -> memref<8x128xf32, #tpu.memory_space<vmem>>
        %dma_start3A_770 = arith.constant 10240 : i32
        %dma_start3A_771 = arith.constant 0 : i32
        %dma_start3A_772 = tpu.memref_slice %arg10[%dma_start3A_770, %dma_start3A_771] : memref<10248x128xf32, #tpu.memory_space<vmem_shared>> -> memref<8x128xf32, #tpu.memory_space<vmem_shared>>
        %dma_start3A_773 = arith.constant 10240 : i32
        %dma_start3A_774 = arith.constant 0 : i32
        %dma_start3A_775 = tpu.memref_slice %arg10[%dma_start3A_773, %dma_start3A_774] : memref<10248x128xf32, #tpu.memory_space<vmem_shared>> -> memref<8x128xf32, #tpu.memory_space<vmem_shared>>
        %dma_start3A_776 = arith.constant 0 : i32
        %dma_start3A_777 = arith.constant 0 : i32
        %dma_start3A_778 = tpu.memref_slice %arg6[%dma_start3A_776, %dma_start3A_777] : memref<40x128xf32, #tpu.memory_space<vmem>> -> memref<8x128xf32, #tpu.memory_space<vmem>>
        tpu.enqueue_dma source(%dma_start3A_778 : memref<8x128xf32, #tpu.memory_space<vmem>>) target(%dma_start3A_775 : memref<8x128xf32, #tpu.memory_space<vmem_shared>>) target_semaphore(%run_scoped3A : memref<!tpu.dma_semaphore, #tpu.memory_space<semaphore_mem>>)
        %dma_wait3A_779 = arith.constant 0 : i32
        %dma_wait3A_780 = arith.constant 0 : i32
        %dma_wait3A_781 = tpu.memref_slice %arg6[%dma_wait3A_779, %dma_wait3A_780] : memref<40x128xf32, #tpu.memory_space<vmem>> -> memref<8x128xf32, #tpu.memory_space<vmem>>
        %dma_wait3A_782 = arith.constant 10240 : i32
        %dma_wait3A_783 = arith.constant 0 : i32
        %dma_wait3A_784 = tpu.memref_slice %arg10[%dma_wait3A_782, %dma_wait3A_783] : memref<10248x128xf32, #tpu.memory_space<vmem_shared>> -> memref<8x128xf32, #tpu.memory_space<vmem_shared>>
        %dma_wait3A_785 = arith.constant 10240 : i32
        %dma_wait3A_786 = arith.constant 0 : i32
        %dma_wait3A_787 = tpu.memref_slice %arg10[%dma_wait3A_785, %dma_wait3A_786] : memref<10248x128xf32, #tpu.memory_space<vmem_shared>> -> memref<8x128xf32, #tpu.memory_space<vmem_shared>>
        %dma_wait3A_788 = arith.constant 0 : i32
        %dma_wait3A_789 = arith.constant 0 : i32
        %dma_wait3A_790 = tpu.memref_slice %arg6[%dma_wait3A_788, %dma_wait3A_789] : memref<40x128xf32, #tpu.memory_space<vmem>> -> memref<8x128xf32, #tpu.memory_space<vmem>>
        tpu.wait_dma2 semaphore(%run_scoped3A : memref<!tpu.dma_semaphore, #tpu.memory_space<semaphore_mem>>) src(%dma_wait3A_790 : memref<8x128xf32, #tpu.memory_space<vmem>>) dst(%dma_wait3A_787 : memref<8x128xf32, #tpu.memory_space<vmem_shared>>)
        tpu.yield
      }) : () -> ()
    } else {
    }
    %barrier3A = arith.constant 0 : index
    tpu.barrier barrier_id(%barrier3A)
    %dma_start3A = arith.constant 0 : i32
    %dma_start3A_71 = arith.constant 0 : i32
    %dma_start3A_72 = arith.constant 0 : i32
    %dma_start3A_73 = tpu.memref_slice %arg7[%dma_start3A_71, %dma_start3A_72] : memref<14x40xi32, #tpu.memory_space<vmem>> -> memref<1x40xi32, #tpu.memory_space<vmem>>
    %dma_start3A_74 = tpu.memref_squeeze %dma_start3A_73 : memref<1x40xi32, #tpu.memory_space<vmem>> -> memref<40xi32, #tpu.memory_space<vmem>>
    %dma_start3A_75 = arith.constant 0 : i32
    %dma_start3A_76 = tpu.memref_slice %arg3[%arg0, %arg1, %dma_start3A, %dma_start3A_75] : memref<2x16x504x40xi32, #tpu.memory_space<hbm>> -> memref<1x1x1x40xi32, #tpu.memory_space<hbm>>
    %dma_start3A_77 = tpu.memref_squeeze %dma_start3A_76 : memref<1x1x1x40xi32, #tpu.memory_space<hbm>> -> memref<40xi32, #tpu.memory_space<hbm>>
    %dma_start3A_78 = arith.constant 0 : i32
    %dma_start3A_79 = tpu.memref_slice %arg7[%dma_start3A_71, %dma_start3A_78] : memref<14x40xi32, #tpu.memory_space<vmem>> -> memref<1x40xi32, #tpu.memory_space<vmem>>
    %dma_start3A_80 = tpu.memref_squeeze %dma_start3A_79 : memref<1x40xi32, #tpu.memory_space<vmem>> -> memref<40xi32, #tpu.memory_space<vmem>>
    %dma_start3A_81 = arith.constant 0 : i32
    %dma_start3A_82 = tpu.memref_slice %arg3[%arg0, %arg1, %dma_start3A, %dma_start3A_81] : memref<2x16x504x40xi32, #tpu.memory_space<hbm>> -> memref<1x1x1x40xi32, #tpu.memory_space<hbm>>
    %dma_start3A_83 = tpu.memref_squeeze %dma_start3A_82 : memref<1x1x1x40xi32, #tpu.memory_space<hbm>> -> memref<40xi32, #tpu.memory_space<hbm>>
    tpu.enqueue_dma source(%dma_start3A_83 : memref<40xi32, #tpu.memory_space<hbm>>) target(%dma_start3A_80 : memref<40xi32, #tpu.memory_space<vmem>>) target_semaphore(%arg18 : memref<!tpu.dma_semaphore, #tpu.memory_space<semaphore_mem>>)
    %dma_start3A_84 = arith.constant 0 : i32
    %dma_start3A_85 = arith.constant 0 : i32
    %dma_start3A_86 = arith.constant 0 : i32
    %dma_start3A_87 = tpu.memref_slice %arg8[%dma_start3A_85, %dma_start3A_86] : memref<14x40xi32, #tpu.memory_space<vmem>> -> memref<1x40xi32, #tpu.memory_space<vmem>>
    %dma_start3A_88 = tpu.memref_squeeze %dma_start3A_87 : memref<1x40xi32, #tpu.memory_space<vmem>> -> memref<40xi32, #tpu.memory_space<vmem>>
    %dma_start3A_89 = arith.constant 0 : i32
    %dma_start3A_90 = tpu.memref_slice %arg4[%arg1, %dma_start3A_84, %dma_start3A_89] : memref<16x504x40xi32, #tpu.memory_space<hbm>> -> memref<1x1x40xi32, #tpu.memory_space<hbm>>
    %dma_start3A_91 = tpu.memref_squeeze %dma_start3A_90 : memref<1x1x40xi32, #tpu.memory_space<hbm>> -> memref<40xi32, #tpu.memory_space<hbm>>
    %dma_start3A_92 = arith.constant 0 : i32
    %dma_start3A_93 = tpu.memref_slice %arg8[%dma_start3A_85, %dma_start3A_92] : memref<14x40xi32, #tpu.memory_space<vmem>> -> memref<1x40xi32, #tpu.memory_space<vmem>>
    %dma_start3A_94 = tpu.memref_squeeze %dma_start3A_93 : memref<1x40xi32, #tpu.memory_space<vmem>> -> memref<40xi32, #tpu.memory_space<vmem>>
    %dma_start3A_95 = arith.constant 0 : i32
    %dma_start3A_96 = tpu.memref_slice %arg4[%arg1, %dma_start3A_84, %dma_start3A_95] : memref<16x504x40xi32, #tpu.memory_space<hbm>> -> memref<1x1x40xi32, #tpu.memory_space<hbm>>
    %dma_start3A_97 = tpu.memref_squeeze %dma_start3A_96 : memref<1x1x40xi32, #tpu.memory_space<hbm>> -> memref<40xi32, #tpu.memory_space<hbm>>
    tpu.enqueue_dma source(%dma_start3A_97 : memref<40xi32, #tpu.memory_space<hbm>>) target(%dma_start3A_94 : memref<40xi32, #tpu.memory_space<vmem>>) target_semaphore(%arg18 : memref<!tpu.dma_semaphore, #tpu.memory_space<semaphore_mem>>)
    %dma_start3A_98 = arith.constant 1 : i32
    %dma_start3A_99 = arith.constant 1 : i32
    %dma_start3A_100 = arith.constant 0 : i32
    %dma_start3A_101 = tpu.memref_slice %arg7[%dma_start3A_99, %dma_start3A_100] : memref<14x40xi32, #tpu.memory_space<vmem>> -> memref<1x40xi32, #tpu.memory_space<vmem>>
    %dma_start3A_102 = tpu.memref_squeeze %dma_start3A_101 : memref<1x40xi32, #tpu.memory_space<vmem>> -> memref<40xi32, #tpu.memory_space<vmem>>
    %dma_start3A_103 = arith.constant 0 : i32
    %dma_start3A_104 = tpu.memref_slice %arg3[%arg0, %arg1, %dma_start3A_98, %dma_start3A_103] : memref<2x16x504x40xi32, #tpu.memory_space<hbm>> -> memref<1x1x1x40xi32, #tpu.memory_space<hbm>>
    %dma_start3A_105 = tpu.memref_squeeze %dma_start3A_104 : memref<1x1x1x40xi32, #tpu.memory_space<hbm>> -> memref<40xi32, #tpu.memory_space<hbm>>
    %dma_start3A_106 = arith.constant 0 : i32
    %dma_start3A_107 = tpu.memref_slice %arg7[%dma_start3A_99, %dma_start3A_106] : memref<14x40xi32, #tpu.memory_space<vmem>> -> memref<1x40xi32, #tpu.memory_space<vmem>>
    %dma_start3A_108 = tpu.memref_squeeze %dma_start3A_107 : memref<1x40xi32, #tpu.memory_space<vmem>> -> memref<40xi32, #tpu.memory_space<vmem>>
    %dma_start3A_109 = arith.constant 0 : i32
    %dma_start3A_110 = tpu.memref_slice %arg3[%arg0, %arg1, %dma_start3A_98, %dma_start3A_109] : memref<2x16x504x40xi32, #tpu.memory_space<hbm>> -> memref<1x1x1x40xi32, #tpu.memory_space<hbm>>
    %dma_start3A_111 = tpu.memref_squeeze %dma_start3A_110 : memref<1x1x1x40xi32, #tpu.memory_space<hbm>> -> memref<40xi32, #tpu.memory_space<hbm>>
    tpu.enqueue_dma source(%dma_start3A_111 : memref<40xi32, #tpu.memory_space<hbm>>) target(%dma_start3A_108 : memref<40xi32, #tpu.memory_space<vmem>>) target_semaphore(%arg19 : memref<!tpu.dma_semaphore, #tpu.memory_space<semaphore_mem>>)
    %dma_start3A_112 = arith.constant 1 : i32
    %dma_start3A_113 = arith.constant 1 : i32
    %dma_start3A_114 = arith.constant 0 : i32
    %dma_start3A_115 = tpu.memref_slice %arg8[%dma_start3A_113, %dma_start3A_114] : memref<14x40xi32, #tpu.memory_space<vmem>> -> memref<1x40xi32, #tpu.memory_space<vmem>>
    %dma_start3A_116 = tpu.memref_squeeze %dma_start3A_115 : memref<1x40xi32, #tpu.memory_space<vmem>> -> memref<40xi32, #tpu.memory_space<vmem>>
    %dma_start3A_117 = arith.constant 0 : i32
    %dma_start3A_118 = tpu.memref_slice %arg4[%arg1, %dma_start3A_112, %dma_start3A_117] : memref<16x504x40xi32, #tpu.memory_space<hbm>> -> memref<1x1x40xi32, #tpu.memory_space<hbm>>
    %dma_start3A_119 = tpu.memref_squeeze %dma_start3A_118 : memref<1x1x40xi32, #tpu.memory_space<hbm>> -> memref<40xi32, #tpu.memory_space<hbm>>
    %dma_start3A_120 = arith.constant 0 : i32
    %dma_start3A_121 = tpu.memref_slice %arg8[%dma_start3A_113, %dma_start3A_120] : memref<14x40xi32, #tpu.memory_space<vmem>> -> memref<1x40xi32, #tpu.memory_space<vmem>>
    %dma_start3A_122 = tpu.memref_squeeze %dma_start3A_121 : memref<1x40xi32, #tpu.memory_space<vmem>> -> memref<40xi32, #tpu.memory_space<vmem>>
    %dma_start3A_123 = arith.constant 0 : i32
    %dma_start3A_124 = tpu.memref_slice %arg4[%arg1, %dma_start3A_112, %dma_start3A_123] : memref<16x504x40xi32, #tpu.memory_space<hbm>> -> memref<1x1x40xi32, #tpu.memory_space<hbm>>
    %dma_start3A_125 = tpu.memref_squeeze %dma_start3A_124 : memref<1x1x40xi32, #tpu.memory_space<hbm>> -> memref<40xi32, #tpu.memory_space<hbm>>
    tpu.enqueue_dma source(%dma_start3A_125 : memref<40xi32, #tpu.memory_space<hbm>>) target(%dma_start3A_122 : memref<40xi32, #tpu.memory_space<vmem>>) target_semaphore(%arg19 : memref<!tpu.dma_semaphore, #tpu.memory_space<semaphore_mem>>)
    %dma_start3A_126 = arith.constant 2 : i32
    %dma_start3A_127 = arith.constant 2 : i32
    %dma_start3A_128 = arith.constant 0 : i32
    %dma_start3A_129 = tpu.memref_slice %arg7[%dma_start3A_127, %dma_start3A_128] : memref<14x40xi32, #tpu.memory_space<vmem>> -> memref<1x40xi32, #tpu.memory_space<vmem>>
    %dma_start3A_130 = tpu.memref_squeeze %dma_start3A_129 : memref<1x40xi32, #tpu.memory_space<vmem>> -> memref<40xi32, #tpu.memory_space<vmem>>
    %dma_start3A_131 = arith.constant 0 : i32
    %dma_start3A_132 = tpu.memref_slice %arg3[%arg0, %arg1, %dma_start3A_126, %dma_start3A_131] : memref<2x16x504x40xi32, #tpu.memory_space<hbm>> -> memref<1x1x1x40xi32, #tpu.memory_space<hbm>>
    %dma_start3A_133 = tpu.memref_squeeze %dma_start3A_132 : memref<1x1x1x40xi32, #tpu.memory_space<hbm>> -> memref<40xi32, #tpu.memory_space<hbm>>
    %dma_start3A_134 = arith.constant 0 : i32
    %dma_start3A_135 = tpu.memref_slice %arg7[%dma_start3A_127, %dma_start3A_134] : memref<14x40xi32, #tpu.memory_space<vmem>> -> memref<1x40xi32, #tpu.memory_space<vmem>>
    %dma_start3A_136 = tpu.memref_squeeze %dma_start3A_135 : memref<1x40xi32, #tpu.memory_space<vmem>> -> memref<40xi32, #tpu.memory_space<vmem>>
    %dma_start3A_137 = arith.constant 0 : i32
    %dma_start3A_138 = tpu.memref_slice %arg3[%arg0, %arg1, %dma_start3A_126, %dma_start3A_137] : memref<2x16x504x40xi32, #tpu.memory_space<hbm>> -> memref<1x1x1x40xi32, #tpu.memory_space<hbm>>
    %dma_start3A_139 = tpu.memref_squeeze %dma_start3A_138 : memref<1x1x1x40xi32, #tpu.memory_space<hbm>> -> memref<40xi32, #tpu.memory_space<hbm>>
    tpu.enqueue_dma source(%dma_start3A_139 : memref<40xi32, #tpu.memory_space<hbm>>) target(%dma_start3A_136 : memref<40xi32, #tpu.memory_space<vmem>>) target_semaphore(%arg20 : memref<!tpu.dma_semaphore, #tpu.memory_space<semaphore_mem>>)
    %dma_start3A_140 = arith.constant 2 : i32
    %dma_start3A_141 = arith.constant 2 : i32
    %dma_start3A_142 = arith.constant 0 : i32
    %dma_start3A_143 = tpu.memref_slice %arg8[%dma_start3A_141, %dma_start3A_142] : memref<14x40xi32, #tpu.memory_space<vmem>> -> memref<1x40xi32, #tpu.memory_space<vmem>>
    %dma_start3A_144 = tpu.memref_squeeze %dma_start3A_143 : memref<1x40xi32, #tpu.memory_space<vmem>> -> memref<40xi32, #tpu.memory_space<vmem>>
    %dma_start3A_145 = arith.constant 0 : i32
    %dma_start3A_146 = tpu.memref_slice %arg4[%arg1, %dma_start3A_140, %dma_start3A_145] : memref<16x504x40xi32, #tpu.memory_space<hbm>> -> memref<1x1x40xi32, #tpu.memory_space<hbm>>
    %dma_start3A_147 = tpu.memref_squeeze %dma_start3A_146 : memref<1x1x40xi32, #tpu.memory_space<hbm>> -> memref<40xi32, #tpu.memory_space<hbm>>
    %dma_start3A_148 = arith.constant 0 : i32
    %dma_start3A_149 = tpu.memref_slice %arg8[%dma_start3A_141, %dma_start3A_148] : memref<14x40xi32, #tpu.memory_space<vmem>> -> memref<1x40xi32, #tpu.memory_space<vmem>>
    %dma_start3A_150 = tpu.memref_squeeze %dma_start3A_149 : memref<1x40xi32, #tpu.memory_space<vmem>> -> memref<40xi32, #tpu.memory_space<vmem>>
    %dma_start3A_151 = arith.constant 0 : i32
    %dma_start3A_152 = tpu.memref_slice %arg4[%arg1, %dma_start3A_140, %dma_start3A_151] : memref<16x504x40xi32, #tpu.memory_space<hbm>> -> memref<1x1x40xi32, #tpu.memory_space<hbm>>
    %dma_start3A_153 = tpu.memref_squeeze %dma_start3A_152 : memref<1x1x40xi32, #tpu.memory_space<hbm>> -> memref<40xi32, #tpu.memory_space<hbm>>
    tpu.enqueue_dma source(%dma_start3A_153 : memref<40xi32, #tpu.memory_space<hbm>>) target(%dma_start3A_150 : memref<40xi32, #tpu.memory_space<vmem>>) target_semaphore(%arg20 : memref<!tpu.dma_semaphore, #tpu.memory_space<semaphore_mem>>)
    %dma_start3A_154 = arith.constant 3 : i32
    %dma_start3A_155 = arith.constant 3 : i32
    %dma_start3A_156 = arith.constant 0 : i32
    %dma_start3A_157 = tpu.memref_slice %arg7[%dma_start3A_155, %dma_start3A_156] : memref<14x40xi32, #tpu.memory_space<vmem>> -> memref<1x40xi32, #tpu.memory_space<vmem>>
    %dma_start3A_158 = tpu.memref_squeeze %dma_start3A_157 : memref<1x40xi32, #tpu.memory_space<vmem>> -> memref<40xi32, #tpu.memory_space<vmem>>
    %dma_start3A_159 = arith.constant 0 : i32
    %dma_start3A_160 = tpu.memref_slice %arg3[%arg0, %arg1, %dma_start3A_154, %dma_start3A_159] : memref<2x16x504x40xi32, #tpu.memory_space<hbm>> -> memref<1x1x1x40xi32, #tpu.memory_space<hbm>>
    %dma_start3A_161 = tpu.memref_squeeze %dma_start3A_160 : memref<1x1x1x40xi32, #tpu.memory_space<hbm>> -> memref<40xi32, #tpu.memory_space<hbm>>
    %dma_start3A_162 = arith.constant 0 : i32
    %dma_start3A_163 = tpu.memref_slice %arg7[%dma_start3A_155, %dma_start3A_162] : memref<14x40xi32, #tpu.memory_space<vmem>> -> memref<1x40xi32, #tpu.memory_space<vmem>>
    %dma_start3A_164 = tpu.memref_squeeze %dma_start3A_163 : memref<1x40xi32, #tpu.memory_space<vmem>> -> memref<40xi32, #tpu.memory_space<vmem>>
    %dma_start3A_165 = arith.constant 0 : i32
    %dma_start3A_166 = tpu.memref_slice %arg3[%arg0, %arg1, %dma_start3A_154, %dma_start3A_165] : memref<2x16x504x40xi32, #tpu.memory_space<hbm>> -> memref<1x1x1x40xi32, #tpu.memory_space<hbm>>
    %dma_start3A_167 = tpu.memref_squeeze %dma_start3A_166 : memref<1x1x1x40xi32, #tpu.memory_space<hbm>> -> memref<40xi32, #tpu.memory_space<hbm>>
    tpu.enqueue_dma source(%dma_start3A_167 : memref<40xi32, #tpu.memory_space<hbm>>) target(%dma_start3A_164 : memref<40xi32, #tpu.memory_space<vmem>>) target_semaphore(%arg21 : memref<!tpu.dma_semaphore, #tpu.memory_space<semaphore_mem>>)
    %dma_start3A_168 = arith.constant 3 : i32
    %dma_start3A_169 = arith.constant 3 : i32
    %dma_start3A_170 = arith.constant 0 : i32
    %dma_start3A_171 = tpu.memref_slice %arg8[%dma_start3A_169, %dma_start3A_170] : memref<14x40xi32, #tpu.memory_space<vmem>> -> memref<1x40xi32, #tpu.memory_space<vmem>>
    %dma_start3A_172 = tpu.memref_squeeze %dma_start3A_171 : memref<1x40xi32, #tpu.memory_space<vmem>> -> memref<40xi32, #tpu.memory_space<vmem>>
    %dma_start3A_173 = arith.constant 0 : i32
    %dma_start3A_174 = tpu.memref_slice %arg4[%arg1, %dma_start3A_168, %dma_start3A_173] : memref<16x504x40xi32, #tpu.memory_space<hbm>> -> memref<1x1x40xi32, #tpu.memory_space<hbm>>
    %dma_start3A_175 = tpu.memref_squeeze %dma_start3A_174 : memref<1x1x40xi32, #tpu.memory_space<hbm>> -> memref<40xi32, #tpu.memory_space<hbm>>
    %dma_start3A_176 = arith.constant 0 : i32
    %dma_start3A_177 = tpu.memref_slice %arg8[%dma_start3A_169, %dma_start3A_176] : memref<14x40xi32, #tpu.memory_space<vmem>> -> memref<1x40xi32, #tpu.memory_space<vmem>>
    %dma_start3A_178 = tpu.memref_squeeze %dma_start3A_177 : memref<1x40xi32, #tpu.memory_space<vmem>> -> memref<40xi32, #tpu.memory_space<vmem>>
    %dma_start3A_179 = arith.constant 0 : i32
    %dma_start3A_180 = tpu.memref_slice %arg4[%arg1, %dma_start3A_168, %dma_start3A_179] : memref<16x504x40xi32, #tpu.memory_space<hbm>> -> memref<1x1x40xi32, #tpu.memory_space<hbm>>
    %dma_start3A_181 = tpu.memref_squeeze %dma_start3A_180 : memref<1x1x40xi32, #tpu.memory_space<hbm>> -> memref<40xi32, #tpu.memory_space<hbm>>
    tpu.enqueue_dma source(%dma_start3A_181 : memref<40xi32, #tpu.memory_space<hbm>>) target(%dma_start3A_178 : memref<40xi32, #tpu.memory_space<vmem>>) target_semaphore(%arg21 : memref<!tpu.dma_semaphore, #tpu.memory_space<semaphore_mem>>)
    %dma_start3A_182 = arith.constant 4 : i32
    %dma_start3A_183 = arith.constant 4 : i32
    %dma_start3A_184 = arith.constant 0 : i32
    %dma_start3A_185 = tpu.memref_slice %arg7[%dma_start3A_183, %dma_start3A_184] : memref<14x40xi32, #tpu.memory_space<vmem>> -> memref<1x40xi32, #tpu.memory_space<vmem>>
    %dma_start3A_186 = tpu.memref_squeeze %dma_start3A_185 : memref<1x40xi32, #tpu.memory_space<vmem>> -> memref<40xi32, #tpu.memory_space<vmem>>
    %dma_start3A_187 = arith.constant 0 : i32
    %dma_start3A_188 = tpu.memref_slice %arg3[%arg0, %arg1, %dma_start3A_182, %dma_start3A_187] : memref<2x16x504x40xi32, #tpu.memory_space<hbm>> -> memref<1x1x1x40xi32, #tpu.memory_space<hbm>>
    %dma_start3A_189 = tpu.memref_squeeze %dma_start3A_188 : memref<1x1x1x40xi32, #tpu.memory_space<hbm>> -> memref<40xi32, #tpu.memory_space<hbm>>
    %dma_start3A_190 = arith.constant 0 : i32
    %dma_start3A_191 = tpu.memref_slice %arg7[%dma_start3A_183, %dma_start3A_190] : memref<14x40xi32, #tpu.memory_space<vmem>> -> memref<1x40xi32, #tpu.memory_space<vmem>>
    %dma_start3A_192 = tpu.memref_squeeze %dma_start3A_191 : memref<1x40xi32, #tpu.memory_space<vmem>> -> memref<40xi32, #tpu.memory_space<vmem>>
    %dma_start3A_193 = arith.constant 0 : i32
    %dma_start3A_194 = tpu.memref_slice %arg3[%arg0, %arg1, %dma_start3A_182, %dma_start3A_193] : memref<2x16x504x40xi32, #tpu.memory_space<hbm>> -> memref<1x1x1x40xi32, #tpu.memory_space<hbm>>
    %dma_start3A_195 = tpu.memref_squeeze %dma_start3A_194 : memref<1x1x1x40xi32, #tpu.memory_space<hbm>> -> memref<40xi32, #tpu.memory_space<hbm>>
    tpu.enqueue_dma source(%dma_start3A_195 : memref<40xi32, #tpu.memory_space<hbm>>) target(%dma_start3A_192 : memref<40xi32, #tpu.memory_space<vmem>>) target_semaphore(%arg22 : memref<!tpu.dma_semaphore, #tpu.memory_space<semaphore_mem>>)
    %dma_start3A_196 = arith.constant 4 : i32
    %dma_start3A_197 = arith.constant 4 : i32
    %dma_start3A_198 = arith.constant 0 : i32
    %dma_start3A_199 = tpu.memref_slice %arg8[%dma_start3A_197, %dma_start3A_198] : memref<14x40xi32, #tpu.memory_space<vmem>> -> memref<1x40xi32, #tpu.memory_space<vmem>>
    %dma_start3A_200 = tpu.memref_squeeze %dma_start3A_199 : memref<1x40xi32, #tpu.memory_space<vmem>> -> memref<40xi32, #tpu.memory_space<vmem>>
    %dma_start3A_201 = arith.constant 0 : i32
    %dma_start3A_202 = tpu.memref_slice %arg4[%arg1, %dma_start3A_196, %dma_start3A_201] : memref<16x504x40xi32, #tpu.memory_space<hbm>> -> memref<1x1x40xi32, #tpu.memory_space<hbm>>
    %dma_start3A_203 = tpu.memref_squeeze %dma_start3A_202 : memref<1x1x40xi32, #tpu.memory_space<hbm>> -> memref<40xi32, #tpu.memory_space<hbm>>
    %dma_start3A_204 = arith.constant 0 : i32
    %dma_start3A_205 = tpu.memref_slice %arg8[%dma_start3A_197, %dma_start3A_204] : memref<14x40xi32, #tpu.memory_space<vmem>> -> memref<1x40xi32, #tpu.memory_space<vmem>>
    %dma_start3A_206 = tpu.memref_squeeze %dma_start3A_205 : memref<1x40xi32, #tpu.memory_space<vmem>> -> memref<40xi32, #tpu.memory_space<vmem>>
    %dma_start3A_207 = arith.constant 0 : i32
    %dma_start3A_208 = tpu.memref_slice %arg4[%arg1, %dma_start3A_196, %dma_start3A_207] : memref<16x504x40xi32, #tpu.memory_space<hbm>> -> memref<1x1x40xi32, #tpu.memory_space<hbm>>
    %dma_start3A_209 = tpu.memref_squeeze %dma_start3A_208 : memref<1x1x40xi32, #tpu.memory_space<hbm>> -> memref<40xi32, #tpu.memory_space<hbm>>
    tpu.enqueue_dma source(%dma_start3A_209 : memref<40xi32, #tpu.memory_space<hbm>>) target(%dma_start3A_206 : memref<40xi32, #tpu.memory_space<vmem>>) target_semaphore(%arg22 : memref<!tpu.dma_semaphore, #tpu.memory_space<semaphore_mem>>)
    %dma_start3A_210 = arith.constant 5 : i32
    %dma_start3A_211 = arith.constant 5 : i32
    %dma_start3A_212 = arith.constant 0 : i32
    %dma_start3A_213 = tpu.memref_slice %arg7[%dma_start3A_211, %dma_start3A_212] : memref<14x40xi32, #tpu.memory_space<vmem>> -> memref<1x40xi32, #tpu.memory_space<vmem>>
    %dma_start3A_214 = tpu.memref_squeeze %dma_start3A_213 : memref<1x40xi32, #tpu.memory_space<vmem>> -> memref<40xi32, #tpu.memory_space<vmem>>
    %dma_start3A_215 = arith.constant 0 : i32
    %dma_start3A_216 = tpu.memref_slice %arg3[%arg0, %arg1, %dma_start3A_210, %dma_start3A_215] : memref<2x16x504x40xi32, #tpu.memory_space<hbm>> -> memref<1x1x1x40xi32, #tpu.memory_space<hbm>>
    %dma_start3A_217 = tpu.memref_squeeze %dma_start3A_216 : memref<1x1x1x40xi32, #tpu.memory_space<hbm>> -> memref<40xi32, #tpu.memory_space<hbm>>
    %dma_start3A_218 = arith.constant 0 : i32
    %dma_start3A_219 = tpu.memref_slice %arg7[%dma_start3A_211, %dma_start3A_218] : memref<14x40xi32, #tpu.memory_space<vmem>> -> memref<1x40xi32, #tpu.memory_space<vmem>>
    %dma_start3A_220 = tpu.memref_squeeze %dma_start3A_219 : memref<1x40xi32, #tpu.memory_space<vmem>> -> memref<40xi32, #tpu.memory_space<vmem>>
    %dma_start3A_221 = arith.constant 0 : i32
    %dma_start3A_222 = tpu.memref_slice %arg3[%arg0, %arg1, %dma_start3A_210, %dma_start3A_221] : memref<2x16x504x40xi32, #tpu.memory_space<hbm>> -> memref<1x1x1x40xi32, #tpu.memory_space<hbm>>
    %dma_start3A_223 = tpu.memref_squeeze %dma_start3A_222 : memref<1x1x1x40xi32, #tpu.memory_space<hbm>> -> memref<40xi32, #tpu.memory_space<hbm>>
    tpu.enqueue_dma source(%dma_start3A_223 : memref<40xi32, #tpu.memory_space<hbm>>) target(%dma_start3A_220 : memref<40xi32, #tpu.memory_space<vmem>>) target_semaphore(%arg23 : memref<!tpu.dma_semaphore, #tpu.memory_space<semaphore_mem>>)
    %dma_start3A_224 = arith.constant 5 : i32
    %dma_start3A_225 = arith.constant 5 : i32
    %dma_start3A_226 = arith.constant 0 : i32
    %dma_start3A_227 = tpu.memref_slice %arg8[%dma_start3A_225, %dma_start3A_226] : memref<14x40xi32, #tpu.memory_space<vmem>> -> memref<1x40xi32, #tpu.memory_space<vmem>>
    %dma_start3A_228 = tpu.memref_squeeze %dma_start3A_227 : memref<1x40xi32, #tpu.memory_space<vmem>> -> memref<40xi32, #tpu.memory_space<vmem>>
    %dma_start3A_229 = arith.constant 0 : i32
    %dma_start3A_230 = tpu.memref_slice %arg4[%arg1, %dma_start3A_224, %dma_start3A_229] : memref<16x504x40xi32, #tpu.memory_space<hbm>> -> memref<1x1x40xi32, #tpu.memory_space<hbm>>
    %dma_start3A_231 = tpu.memref_squeeze %dma_start3A_230 : memref<1x1x40xi32, #tpu.memory_space<hbm>> -> memref<40xi32, #tpu.memory_space<hbm>>
    %dma_start3A_232 = arith.constant 0 : i32
    %dma_start3A_233 = tpu.memref_slice %arg8[%dma_start3A_225, %dma_start3A_232] : memref<14x40xi32, #tpu.memory_space<vmem>> -> memref<1x40xi32, #tpu.memory_space<vmem>>
    %dma_start3A_234 = tpu.memref_squeeze %dma_start3A_233 : memref<1x40xi32, #tpu.memory_space<vmem>> -> memref<40xi32, #tpu.memory_space<vmem>>
    %dma_start3A_235 = arith.constant 0 : i32
    %dma_start3A_236 = tpu.memref_slice %arg4[%arg1, %dma_start3A_224, %dma_start3A_235] : memref<16x504x40xi32, #tpu.memory_space<hbm>> -> memref<1x1x40xi32, #tpu.memory_space<hbm>>
    %dma_start3A_237 = tpu.memref_squeeze %dma_start3A_236 : memref<1x1x40xi32, #tpu.memory_space<hbm>> -> memref<40xi32, #tpu.memory_space<hbm>>
    tpu.enqueue_dma source(%dma_start3A_237 : memref<40xi32, #tpu.memory_space<hbm>>) target(%dma_start3A_234 : memref<40xi32, #tpu.memory_space<vmem>>) target_semaphore(%arg23 : memref<!tpu.dma_semaphore, #tpu.memory_space<semaphore_mem>>)
    %dma_start3A_238 = arith.constant 6 : i32
    %dma_start3A_239 = arith.constant 6 : i32
    %dma_start3A_240 = arith.constant 0 : i32
    %dma_start3A_241 = tpu.memref_slice %arg7[%dma_start3A_239, %dma_start3A_240] : memref<14x40xi32, #tpu.memory_space<vmem>> -> memref<1x40xi32, #tpu.memory_space<vmem>>
    %dma_start3A_242 = tpu.memref_squeeze %dma_start3A_241 : memref<1x40xi32, #tpu.memory_space<vmem>> -> memref<40xi32, #tpu.memory_space<vmem>>
    %dma_start3A_243 = arith.constant 0 : i32
    %dma_start3A_244 = tpu.memref_slice %arg3[%arg0, %arg1, %dma_start3A_238, %dma_start3A_243] : memref<2x16x504x40xi32, #tpu.memory_space<hbm>> -> memref<1x1x1x40xi32, #tpu.memory_space<hbm>>
    %dma_start3A_245 = tpu.memref_squeeze %dma_start3A_244 : memref<1x1x1x40xi32, #tpu.memory_space<hbm>> -> memref<40xi32, #tpu.memory_space<hbm>>
    %dma_start3A_246 = arith.constant 0 : i32
    %dma_start3A_247 = tpu.memref_slice %arg7[%dma_start3A_239, %dma_start3A_246] : memref<14x40xi32, #tpu.memory_space<vmem>> -> memref<1x40xi32, #tpu.memory_space<vmem>>
    %dma_start3A_248 = tpu.memref_squeeze %dma_start3A_247 : memref<1x40xi32, #tpu.memory_space<vmem>> -> memref<40xi32, #tpu.memory_space<vmem>>
    %dma_start3A_249 = arith.constant 0 : i32
    %dma_start3A_250 = tpu.memref_slice %arg3[%arg0, %arg1, %dma_start3A_238, %dma_start3A_249] : memref<2x16x504x40xi32, #tpu.memory_space<hbm>> -> memref<1x1x1x40xi32, #tpu.memory_space<hbm>>
    %dma_start3A_251 = tpu.memref_squeeze %dma_start3A_250 : memref<1x1x1x40xi32, #tpu.memory_space<hbm>> -> memref<40xi32, #tpu.memory_space<hbm>>
    tpu.enqueue_dma source(%dma_start3A_251 : memref<40xi32, #tpu.memory_space<hbm>>) target(%dma_start3A_248 : memref<40xi32, #tpu.memory_space<vmem>>) target_semaphore(%arg24 : memref<!tpu.dma_semaphore, #tpu.memory_space<semaphore_mem>>)
    %dma_start3A_252 = arith.constant 6 : i32
    %dma_start3A_253 = arith.constant 6 : i32
    %dma_start3A_254 = arith.constant 0 : i32
    %dma_start3A_255 = tpu.memref_slice %arg8[%dma_start3A_253, %dma_start3A_254] : memref<14x40xi32, #tpu.memory_space<vmem>> -> memref<1x40xi32, #tpu.memory_space<vmem>>
    %dma_start3A_256 = tpu.memref_squeeze %dma_start3A_255 : memref<1x40xi32, #tpu.memory_space<vmem>> -> memref<40xi32, #tpu.memory_space<vmem>>
    %dma_start3A_257 = arith.constant 0 : i32
    %dma_start3A_258 = tpu.memref_slice %arg4[%arg1, %dma_start3A_252, %dma_start3A_257] : memref<16x504x40xi32, #tpu.memory_space<hbm>> -> memref<1x1x40xi32, #tpu.memory_space<hbm>>
    %dma_start3A_259 = tpu.memref_squeeze %dma_start3A_258 : memref<1x1x40xi32, #tpu.memory_space<hbm>> -> memref<40xi32, #tpu.memory_space<hbm>>
    %dma_start3A_260 = arith.constant 0 : i32
    %dma_start3A_261 = tpu.memref_slice %arg8[%dma_start3A_253, %dma_start3A_260] : memref<14x40xi32, #tpu.memory_space<vmem>> -> memref<1x40xi32, #tpu.memory_space<vmem>>
    %dma_start3A_262 = tpu.memref_squeeze %dma_start3A_261 : memref<1x40xi32, #tpu.memory_space<vmem>> -> memref<40xi32, #tpu.memory_space<vmem>>
    %dma_start3A_263 = arith.constant 0 : i32
    %dma_start3A_264 = tpu.memref_slice %arg4[%arg1, %dma_start3A_252, %dma_start3A_263] : memref<16x504x40xi32, #tpu.memory_space<hbm>> -> memref<1x1x40xi32, #tpu.memory_space<hbm>>
    %dma_start3A_265 = tpu.memref_squeeze %dma_start3A_264 : memref<1x1x40xi32, #tpu.memory_space<hbm>> -> memref<40xi32, #tpu.memory_space<hbm>>
    tpu.enqueue_dma source(%dma_start3A_265 : memref<40xi32, #tpu.memory_space<hbm>>) target(%dma_start3A_262 : memref<40xi32, #tpu.memory_space<vmem>>) target_semaphore(%arg24 : memref<!tpu.dma_semaphore, #tpu.memory_space<semaphore_mem>>)
    %dma_start3A_266 = arith.constant 7 : i32
    %dma_start3A_267 = arith.constant 7 : i32
    %dma_start3A_268 = arith.constant 0 : i32
    %dma_start3A_269 = tpu.memref_slice %arg7[%dma_start3A_267, %dma_start3A_268] : memref<14x40xi32, #tpu.memory_space<vmem>> -> memref<1x40xi32, #tpu.memory_space<vmem>>
    %dma_start3A_270 = tpu.memref_squeeze %dma_start3A_269 : memref<1x40xi32, #tpu.memory_space<vmem>> -> memref<40xi32, #tpu.memory_space<vmem>>
    %dma_start3A_271 = arith.constant 0 : i32
    %dma_start3A_272 = tpu.memref_slice %arg3[%arg0, %arg1, %dma_start3A_266, %dma_start3A_271] : memref<2x16x504x40xi32, #tpu.memory_space<hbm>> -> memref<1x1x1x40xi32, #tpu.memory_space<hbm>>
    %dma_start3A_273 = tpu.memref_squeeze %dma_start3A_272 : memref<1x1x1x40xi32, #tpu.memory_space<hbm>> -> memref<40xi32, #tpu.memory_space<hbm>>
    %dma_start3A_274 = arith.constant 0 : i32
    %dma_start3A_275 = tpu.memref_slice %arg7[%dma_start3A_267, %dma_start3A_274] : memref<14x40xi32, #tpu.memory_space<vmem>> -> memref<1x40xi32, #tpu.memory_space<vmem>>
    %dma_start3A_276 = tpu.memref_squeeze %dma_start3A_275 : memref<1x40xi32, #tpu.memory_space<vmem>> -> memref<40xi32, #tpu.memory_space<vmem>>
    %dma_start3A_277 = arith.constant 0 : i32
    %dma_start3A_278 = tpu.memref_slice %arg3[%arg0, %arg1, %dma_start3A_266, %dma_start3A_277] : memref<2x16x504x40xi32, #tpu.memory_space<hbm>> -> memref<1x1x1x40xi32, #tpu.memory_space<hbm>>
    %dma_start3A_279 = tpu.memref_squeeze %dma_start3A_278 : memref<1x1x1x40xi32, #tpu.memory_space<hbm>> -> memref<40xi32, #tpu.memory_space<hbm>>
    tpu.enqueue_dma source(%dma_start3A_279 : memref<40xi32, #tpu.memory_space<hbm>>) target(%dma_start3A_276 : memref<40xi32, #tpu.memory_space<vmem>>) target_semaphore(%arg25 : memref<!tpu.dma_semaphore, #tpu.memory_space<semaphore_mem>>)
    %dma_start3A_280 = arith.constant 7 : i32
    %dma_start3A_281 = arith.constant 7 : i32
    %dma_start3A_282 = arith.constant 0 : i32
    %dma_start3A_283 = tpu.memref_slice %arg8[%dma_start3A_281, %dma_start3A_282] : memref<14x40xi32, #tpu.memory_space<vmem>> -> memref<1x40xi32, #tpu.memory_space<vmem>>
    %dma_start3A_284 = tpu.memref_squeeze %dma_start3A_283 : memref<1x40xi32, #tpu.memory_space<vmem>> -> memref<40xi32, #tpu.memory_space<vmem>>
    %dma_start3A_285 = arith.constant 0 : i32
    %dma_start3A_286 = tpu.memref_slice %arg4[%arg1, %dma_start3A_280, %dma_start3A_285] : memref<16x504x40xi32, #tpu.memory_space<hbm>> -> memref<1x1x40xi32, #tpu.memory_space<hbm>>
    %dma_start3A_287 = tpu.memref_squeeze %dma_start3A_286 : memref<1x1x40xi32, #tpu.memory_space<hbm>> -> memref<40xi32, #tpu.memory_space<hbm>>
    %dma_start3A_288 = arith.constant 0 : i32
    %dma_start3A_289 = tpu.memref_slice %arg8[%dma_start3A_281, %dma_start3A_288] : memref<14x40xi32, #tpu.memory_space<vmem>> -> memref<1x40xi32, #tpu.memory_space<vmem>>
    %dma_start3A_290 = tpu.memref_squeeze %dma_start3A_289 : memref<1x40xi32, #tpu.memory_space<vmem>> -> memref<40xi32, #tpu.memory_space<vmem>>
    %dma_start3A_291 = arith.constant 0 : i32
    %dma_start3A_292 = tpu.memref_slice %arg4[%arg1, %dma_start3A_280, %dma_start3A_291] : memref<16x504x40xi32, #tpu.memory_space<hbm>> -> memref<1x1x40xi32, #tpu.memory_space<hbm>>
    %dma_start3A_293 = tpu.memref_squeeze %dma_start3A_292 : memref<1x1x40xi32, #tpu.memory_space<hbm>> -> memref<40xi32, #tpu.memory_space<hbm>>
    tpu.enqueue_dma source(%dma_start3A_293 : memref<40xi32, #tpu.memory_space<hbm>>) target(%dma_start3A_290 : memref<40xi32, #tpu.memory_space<vmem>>) target_semaphore(%arg25 : memref<!tpu.dma_semaphore, #tpu.memory_space<semaphore_mem>>)
    %dma_start3A_294 = arith.constant 8 : i32
    %dma_start3A_295 = arith.constant 8 : i32
    %dma_start3A_296 = arith.constant 0 : i32
    %dma_start3A_297 = tpu.memref_slice %arg7[%dma_start3A_295, %dma_start3A_296] : memref<14x40xi32, #tpu.memory_space<vmem>> -> memref<1x40xi32, #tpu.memory_space<vmem>>
    %dma_start3A_298 = tpu.memref_squeeze %dma_start3A_297 : memref<1x40xi32, #tpu.memory_space<vmem>> -> memref<40xi32, #tpu.memory_space<vmem>>
    %dma_start3A_299 = arith.constant 0 : i32
    %dma_start3A_300 = tpu.memref_slice %arg3[%arg0, %arg1, %dma_start3A_294, %dma_start3A_299] : memref<2x16x504x40xi32, #tpu.memory_space<hbm>> -> memref<1x1x1x40xi32, #tpu.memory_space<hbm>>
    %dma_start3A_301 = tpu.memref_squeeze %dma_start3A_300 : memref<1x1x1x40xi32, #tpu.memory_space<hbm>> -> memref<40xi32, #tpu.memory_space<hbm>>
    %dma_start3A_302 = arith.constant 0 : i32
    %dma_start3A_303 = tpu.memref_slice %arg7[%dma_start3A_295, %dma_start3A_302] : memref<14x40xi32, #tpu.memory_space<vmem>> -> memref<1x40xi32, #tpu.memory_space<vmem>>
    %dma_start3A_304 = tpu.memref_squeeze %dma_start3A_303 : memref<1x40xi32, #tpu.memory_space<vmem>> -> memref<40xi32, #tpu.memory_space<vmem>>
    %dma_start3A_305 = arith.constant 0 : i32
    %dma_start3A_306 = tpu.memref_slice %arg3[%arg0, %arg1, %dma_start3A_294, %dma_start3A_305] : memref<2x16x504x40xi32, #tpu.memory_space<hbm>> -> memref<1x1x1x40xi32, #tpu.memory_space<hbm>>
    %dma_start3A_307 = tpu.memref_squeeze %dma_start3A_306 : memref<1x1x1x40xi32, #tpu.memory_space<hbm>> -> memref<40xi32, #tpu.memory_space<hbm>>
    tpu.enqueue_dma source(%dma_start3A_307 : memref<40xi32, #tpu.memory_space<hbm>>) target(%dma_start3A_304 : memref<40xi32, #tpu.memory_space<vmem>>) target_semaphore(%arg26 : memref<!tpu.dma_semaphore, #tpu.memory_space<semaphore_mem>>)
    %dma_start3A_308 = arith.constant 8 : i32
    %dma_start3A_309 = arith.constant 8 : i32
    %dma_start3A_310 = arith.constant 0 : i32
    %dma_start3A_311 = tpu.memref_slice %arg8[%dma_start3A_309, %dma_start3A_310] : memref<14x40xi32, #tpu.memory_space<vmem>> -> memref<1x40xi32, #tpu.memory_space<vmem>>
    %dma_start3A_312 = tpu.memref_squeeze %dma_start3A_311 : memref<1x40xi32, #tpu.memory_space<vmem>> -> memref<40xi32, #tpu.memory_space<vmem>>
    %dma_start3A_313 = arith.constant 0 : i32
    %dma_start3A_314 = tpu.memref_slice %arg4[%arg1, %dma_start3A_308, %dma_start3A_313] : memref<16x504x40xi32, #tpu.memory_space<hbm>> -> memref<1x1x40xi32, #tpu.memory_space<hbm>>
    %dma_start3A_315 = tpu.memref_squeeze %dma_start3A_314 : memref<1x1x40xi32, #tpu.memory_space<hbm>> -> memref<40xi32, #tpu.memory_space<hbm>>
    %dma_start3A_316 = arith.constant 0 : i32
    %dma_start3A_317 = tpu.memref_slice %arg8[%dma_start3A_309, %dma_start3A_316] : memref<14x40xi32, #tpu.memory_space<vmem>> -> memref<1x40xi32, #tpu.memory_space<vmem>>
    %dma_start3A_318 = tpu.memref_squeeze %dma_start3A_317 : memref<1x40xi32, #tpu.memory_space<vmem>> -> memref<40xi32, #tpu.memory_space<vmem>>
    %dma_start3A_319 = arith.constant 0 : i32
    %dma_start3A_320 = tpu.memref_slice %arg4[%arg1, %dma_start3A_308, %dma_start3A_319] : memref<16x504x40xi32, #tpu.memory_space<hbm>> -> memref<1x1x40xi32, #tpu.memory_space<hbm>>
    %dma_start3A_321 = tpu.memref_squeeze %dma_start3A_320 : memref<1x1x40xi32, #tpu.memory_space<hbm>> -> memref<40xi32, #tpu.memory_space<hbm>>
    tpu.enqueue_dma source(%dma_start3A_321 : memref<40xi32, #tpu.memory_space<hbm>>) target(%dma_start3A_318 : memref<40xi32, #tpu.memory_space<vmem>>) target_semaphore(%arg26 : memref<!tpu.dma_semaphore, #tpu.memory_space<semaphore_mem>>)
    %dma_start3A_322 = arith.constant 9 : i32
    %dma_start3A_323 = arith.constant 9 : i32
    %dma_start3A_324 = arith.constant 0 : i32
    %dma_start3A_325 = tpu.memref_slice %arg7[%dma_start3A_323, %dma_start3A_324] : memref<14x40xi32, #tpu.memory_space<vmem>> -> memref<1x40xi32, #tpu.memory_space<vmem>>
    %dma_start3A_326 = tpu.memref_squeeze %dma_start3A_325 : memref<1x40xi32, #tpu.memory_space<vmem>> -> memref<40xi32, #tpu.memory_space<vmem>>
    %dma_start3A_327 = arith.constant 0 : i32
    %dma_start3A_328 = tpu.memref_slice %arg3[%arg0, %arg1, %dma_start3A_322, %dma_start3A_327] : memref<2x16x504x40xi32, #tpu.memory_space<hbm>> -> memref<1x1x1x40xi32, #tpu.memory_space<hbm>>
    %dma_start3A_329 = tpu.memref_squeeze %dma_start3A_328 : memref<1x1x1x40xi32, #tpu.memory_space<hbm>> -> memref<40xi32, #tpu.memory_space<hbm>>
    %dma_start3A_330 = arith.constant 0 : i32
    %dma_start3A_331 = tpu.memref_slice %arg7[%dma_start3A_323, %dma_start3A_330] : memref<14x40xi32, #tpu.memory_space<vmem>> -> memref<1x40xi32, #tpu.memory_space<vmem>>
    %dma_start3A_332 = tpu.memref_squeeze %dma_start3A_331 : memref<1x40xi32, #tpu.memory_space<vmem>> -> memref<40xi32, #tpu.memory_space<vmem>>
    %dma_start3A_333 = arith.constant 0 : i32
    %dma_start3A_334 = tpu.memref_slice %arg3[%arg0, %arg1, %dma_start3A_322, %dma_start3A_333] : memref<2x16x504x40xi32, #tpu.memory_space<hbm>> -> memref<1x1x1x40xi32, #tpu.memory_space<hbm>>
    %dma_start3A_335 = tpu.memref_squeeze %dma_start3A_334 : memref<1x1x1x40xi32, #tpu.memory_space<hbm>> -> memref<40xi32, #tpu.memory_space<hbm>>
    tpu.enqueue_dma source(%dma_start3A_335 : memref<40xi32, #tpu.memory_space<hbm>>) target(%dma_start3A_332 : memref<40xi32, #tpu.memory_space<vmem>>) target_semaphore(%arg27 : memref<!tpu.dma_semaphore, #tpu.memory_space<semaphore_mem>>)
    %dma_start3A_336 = arith.constant 9 : i32
    %dma_start3A_337 = arith.constant 9 : i32
    %dma_start3A_338 = arith.constant 0 : i32
    %dma_start3A_339 = tpu.memref_slice %arg8[%dma_start3A_337, %dma_start3A_338] : memref<14x40xi32, #tpu.memory_space<vmem>> -> memref<1x40xi32, #tpu.memory_space<vmem>>
    %dma_start3A_340 = tpu.memref_squeeze %dma_start3A_339 : memref<1x40xi32, #tpu.memory_space<vmem>> -> memref<40xi32, #tpu.memory_space<vmem>>
    %dma_start3A_341 = arith.constant 0 : i32
    %dma_start3A_342 = tpu.memref_slice %arg4[%arg1, %dma_start3A_336, %dma_start3A_341] : memref<16x504x40xi32, #tpu.memory_space<hbm>> -> memref<1x1x40xi32, #tpu.memory_space<hbm>>
    %dma_start3A_343 = tpu.memref_squeeze %dma_start3A_342 : memref<1x1x40xi32, #tpu.memory_space<hbm>> -> memref<40xi32, #tpu.memory_space<hbm>>
    %dma_start3A_344 = arith.constant 0 : i32
    %dma_start3A_345 = tpu.memref_slice %arg8[%dma_start3A_337, %dma_start3A_344] : memref<14x40xi32, #tpu.memory_space<vmem>> -> memref<1x40xi32, #tpu.memory_space<vmem>>
    %dma_start3A_346 = tpu.memref_squeeze %dma_start3A_345 : memref<1x40xi32, #tpu.memory_space<vmem>> -> memref<40xi32, #tpu.memory_space<vmem>>
    %dma_start3A_347 = arith.constant 0 : i32
    %dma_start3A_348 = tpu.memref_slice %arg4[%arg1, %dma_start3A_336, %dma_start3A_347] : memref<16x504x40xi32, #tpu.memory_space<hbm>> -> memref<1x1x40xi32, #tpu.memory_space<hbm>>
    %dma_start3A_349 = tpu.memref_squeeze %dma_start3A_348 : memref<1x1x40xi32, #tpu.memory_space<hbm>> -> memref<40xi32, #tpu.memory_space<hbm>>
    tpu.enqueue_dma source(%dma_start3A_349 : memref<40xi32, #tpu.memory_space<hbm>>) target(%dma_start3A_346 : memref<40xi32, #tpu.memory_space<vmem>>) target_semaphore(%arg27 : memref<!tpu.dma_semaphore, #tpu.memory_space<semaphore_mem>>)
    %dma_start3A_350 = arith.constant 10 : i32
    %dma_start3A_351 = arith.constant 10 : i32
    %dma_start3A_352 = arith.constant 0 : i32
    %dma_start3A_353 = tpu.memref_slice %arg7[%dma_start3A_351, %dma_start3A_352] : memref<14x40xi32, #tpu.memory_space<vmem>> -> memref<1x40xi32, #tpu.memory_space<vmem>>
    %dma_start3A_354 = tpu.memref_squeeze %dma_start3A_353 : memref<1x40xi32, #tpu.memory_space<vmem>> -> memref<40xi32, #tpu.memory_space<vmem>>
    %dma_start3A_355 = arith.constant 0 : i32
    %dma_start3A_356 = tpu.memref_slice %arg3[%arg0, %arg1, %dma_start3A_350, %dma_start3A_355] : memref<2x16x504x40xi32, #tpu.memory_space<hbm>> -> memref<1x1x1x40xi32, #tpu.memory_space<hbm>>
    %dma_start3A_357 = tpu.memref_squeeze %dma_start3A_356 : memref<1x1x1x40xi32, #tpu.memory_space<hbm>> -> memref<40xi32, #tpu.memory_space<hbm>>
    %dma_start3A_358 = arith.constant 0 : i32
    %dma_start3A_359 = tpu.memref_slice %arg7[%dma_start3A_351, %dma_start3A_358] : memref<14x40xi32, #tpu.memory_space<vmem>> -> memref<1x40xi32, #tpu.memory_space<vmem>>
    %dma_start3A_360 = tpu.memref_squeeze %dma_start3A_359 : memref<1x40xi32, #tpu.memory_space<vmem>> -> memref<40xi32, #tpu.memory_space<vmem>>
    %dma_start3A_361 = arith.constant 0 : i32
    %dma_start3A_362 = tpu.memref_slice %arg3[%arg0, %arg1, %dma_start3A_350, %dma_start3A_361] : memref<2x16x504x40xi32, #tpu.memory_space<hbm>> -> memref<1x1x1x40xi32, #tpu.memory_space<hbm>>
    %dma_start3A_363 = tpu.memref_squeeze %dma_start3A_362 : memref<1x1x1x40xi32, #tpu.memory_space<hbm>> -> memref<40xi32, #tpu.memory_space<hbm>>
    tpu.enqueue_dma source(%dma_start3A_363 : memref<40xi32, #tpu.memory_space<hbm>>) target(%dma_start3A_360 : memref<40xi32, #tpu.memory_space<vmem>>) target_semaphore(%arg28 : memref<!tpu.dma_semaphore, #tpu.memory_space<semaphore_mem>>)
    %dma_start3A_364 = arith.constant 10 : i32
    %dma_start3A_365 = arith.constant 10 : i32
    %dma_start3A_366 = arith.constant 0 : i32
    %dma_start3A_367 = tpu.memref_slice %arg8[%dma_start3A_365, %dma_start3A_366] : memref<14x40xi32, #tpu.memory_space<vmem>> -> memref<1x40xi32, #tpu.memory_space<vmem>>
    %dma_start3A_368 = tpu.memref_squeeze %dma_start3A_367 : memref<1x40xi32, #tpu.memory_space<vmem>> -> memref<40xi32, #tpu.memory_space<vmem>>
    %dma_start3A_369 = arith.constant 0 : i32
    %dma_start3A_370 = tpu.memref_slice %arg4[%arg1, %dma_start3A_364, %dma_start3A_369] : memref<16x504x40xi32, #tpu.memory_space<hbm>> -> memref<1x1x40xi32, #tpu.memory_space<hbm>>
    %dma_start3A_371 = tpu.memref_squeeze %dma_start3A_370 : memref<1x1x40xi32, #tpu.memory_space<hbm>> -> memref<40xi32, #tpu.memory_space<hbm>>
    %dma_start3A_372 = arith.constant 0 : i32
    %dma_start3A_373 = tpu.memref_slice %arg8[%dma_start3A_365, %dma_start3A_372] : memref<14x40xi32, #tpu.memory_space<vmem>> -> memref<1x40xi32, #tpu.memory_space<vmem>>
    %dma_start3A_374 = tpu.memref_squeeze %dma_start3A_373 : memref<1x40xi32, #tpu.memory_space<vmem>> -> memref<40xi32, #tpu.memory_space<vmem>>
    %dma_start3A_375 = arith.constant 0 : i32
    %dma_start3A_376 = tpu.memref_slice %arg4[%arg1, %dma_start3A_364, %dma_start3A_375] : memref<16x504x40xi32, #tpu.memory_space<hbm>> -> memref<1x1x40xi32, #tpu.memory_space<hbm>>
    %dma_start3A_377 = tpu.memref_squeeze %dma_start3A_376 : memref<1x1x40xi32, #tpu.memory_space<hbm>> -> memref<40xi32, #tpu.memory_space<hbm>>
    tpu.enqueue_dma source(%dma_start3A_377 : memref<40xi32, #tpu.memory_space<hbm>>) target(%dma_start3A_374 : memref<40xi32, #tpu.memory_space<vmem>>) target_semaphore(%arg28 : memref<!tpu.dma_semaphore, #tpu.memory_space<semaphore_mem>>)
    %dma_start3A_378 = arith.constant 11 : i32
    %dma_start3A_379 = arith.constant 11 : i32
    %dma_start3A_380 = arith.constant 0 : i32
    %dma_start3A_381 = tpu.memref_slice %arg7[%dma_start3A_379, %dma_start3A_380] : memref<14x40xi32, #tpu.memory_space<vmem>> -> memref<1x40xi32, #tpu.memory_space<vmem>>
    %dma_start3A_382 = tpu.memref_squeeze %dma_start3A_381 : memref<1x40xi32, #tpu.memory_space<vmem>> -> memref<40xi32, #tpu.memory_space<vmem>>
    %dma_start3A_383 = arith.constant 0 : i32
    %dma_start3A_384 = tpu.memref_slice %arg3[%arg0, %arg1, %dma_start3A_378, %dma_start3A_383] : memref<2x16x504x40xi32, #tpu.memory_space<hbm>> -> memref<1x1x1x40xi32, #tpu.memory_space<hbm>>
    %dma_start3A_385 = tpu.memref_squeeze %dma_start3A_384 : memref<1x1x1x40xi32, #tpu.memory_space<hbm>> -> memref<40xi32, #tpu.memory_space<hbm>>
    %dma_start3A_386 = arith.constant 0 : i32
    %dma_start3A_387 = tpu.memref_slice %arg7[%dma_start3A_379, %dma_start3A_386] : memref<14x40xi32, #tpu.memory_space<vmem>> -> memref<1x40xi32, #tpu.memory_space<vmem>>
    %dma_start3A_388 = tpu.memref_squeeze %dma_start3A_387 : memref<1x40xi32, #tpu.memory_space<vmem>> -> memref<40xi32, #tpu.memory_space<vmem>>
    %dma_start3A_389 = arith.constant 0 : i32
    %dma_start3A_390 = tpu.memref_slice %arg3[%arg0, %arg1, %dma_start3A_378, %dma_start3A_389] : memref<2x16x504x40xi32, #tpu.memory_space<hbm>> -> memref<1x1x1x40xi32, #tpu.memory_space<hbm>>
    %dma_start3A_391 = tpu.memref_squeeze %dma_start3A_390 : memref<1x1x1x40xi32, #tpu.memory_space<hbm>> -> memref<40xi32, #tpu.memory_space<hbm>>
    tpu.enqueue_dma source(%dma_start3A_391 : memref<40xi32, #tpu.memory_space<hbm>>) target(%dma_start3A_388 : memref<40xi32, #tpu.memory_space<vmem>>) target_semaphore(%arg29 : memref<!tpu.dma_semaphore, #tpu.memory_space<semaphore_mem>>)
    %dma_start3A_392 = arith.constant 11 : i32
    %dma_start3A_393 = arith.constant 11 : i32
    %dma_start3A_394 = arith.constant 0 : i32
    %dma_start3A_395 = tpu.memref_slice %arg8[%dma_start3A_393, %dma_start3A_394] : memref<14x40xi32, #tpu.memory_space<vmem>> -> memref<1x40xi32, #tpu.memory_space<vmem>>
    %dma_start3A_396 = tpu.memref_squeeze %dma_start3A_395 : memref<1x40xi32, #tpu.memory_space<vmem>> -> memref<40xi32, #tpu.memory_space<vmem>>
    %dma_start3A_397 = arith.constant 0 : i32
    %dma_start3A_398 = tpu.memref_slice %arg4[%arg1, %dma_start3A_392, %dma_start3A_397] : memref<16x504x40xi32, #tpu.memory_space<hbm>> -> memref<1x1x40xi32, #tpu.memory_space<hbm>>
    %dma_start3A_399 = tpu.memref_squeeze %dma_start3A_398 : memref<1x1x40xi32, #tpu.memory_space<hbm>> -> memref<40xi32, #tpu.memory_space<hbm>>
    %dma_start3A_400 = arith.constant 0 : i32
    %dma_start3A_401 = tpu.memref_slice %arg8[%dma_start3A_393, %dma_start3A_400] : memref<14x40xi32, #tpu.memory_space<vmem>> -> memref<1x40xi32, #tpu.memory_space<vmem>>
    %dma_start3A_402 = tpu.memref_squeeze %dma_start3A_401 : memref<1x40xi32, #tpu.memory_space<vmem>> -> memref<40xi32, #tpu.memory_space<vmem>>
    %dma_start3A_403 = arith.constant 0 : i32
    %dma_start3A_404 = tpu.memref_slice %arg4[%arg1, %dma_start3A_392, %dma_start3A_403] : memref<16x504x40xi32, #tpu.memory_space<hbm>> -> memref<1x1x40xi32, #tpu.memory_space<hbm>>
    %dma_start3A_405 = tpu.memref_squeeze %dma_start3A_404 : memref<1x1x40xi32, #tpu.memory_space<hbm>> -> memref<40xi32, #tpu.memory_space<hbm>>
    tpu.enqueue_dma source(%dma_start3A_405 : memref<40xi32, #tpu.memory_space<hbm>>) target(%dma_start3A_402 : memref<40xi32, #tpu.memory_space<vmem>>) target_semaphore(%arg29 : memref<!tpu.dma_semaphore, #tpu.memory_space<semaphore_mem>>)
    %dma_start3A_406 = arith.constant 12 : i32
    %dma_start3A_407 = arith.constant 12 : i32
    %dma_start3A_408 = arith.constant 0 : i32
    %dma_start3A_409 = tpu.memref_slice %arg7[%dma_start3A_407, %dma_start3A_408] : memref<14x40xi32, #tpu.memory_space<vmem>> -> memref<1x40xi32, #tpu.memory_space<vmem>>
    %dma_start3A_410 = tpu.memref_squeeze %dma_start3A_409 : memref<1x40xi32, #tpu.memory_space<vmem>> -> memref<40xi32, #tpu.memory_space<vmem>>
    %dma_start3A_411 = arith.constant 0 : i32
    %dma_start3A_412 = tpu.memref_slice %arg3[%arg0, %arg1, %dma_start3A_406, %dma_start3A_411] : memref<2x16x504x40xi32, #tpu.memory_space<hbm>> -> memref<1x1x1x40xi32, #tpu.memory_space<hbm>>
    %dma_start3A_413 = tpu.memref_squeeze %dma_start3A_412 : memref<1x1x1x40xi32, #tpu.memory_space<hbm>> -> memref<40xi32, #tpu.memory_space<hbm>>
    %dma_start3A_414 = arith.constant 0 : i32
    %dma_start3A_415 = tpu.memref_slice %arg7[%dma_start3A_407, %dma_start3A_414] : memref<14x40xi32, #tpu.memory_space<vmem>> -> memref<1x40xi32, #tpu.memory_space<vmem>>
    %dma_start3A_416 = tpu.memref_squeeze %dma_start3A_415 : memref<1x40xi32, #tpu.memory_space<vmem>> -> memref<40xi32, #tpu.memory_space<vmem>>
    %dma_start3A_417 = arith.constant 0 : i32
    %dma_start3A_418 = tpu.memref_slice %arg3[%arg0, %arg1, %dma_start3A_406, %dma_start3A_417] : memref<2x16x504x40xi32, #tpu.memory_space<hbm>> -> memref<1x1x1x40xi32, #tpu.memory_space<hbm>>
    %dma_start3A_419 = tpu.memref_squeeze %dma_start3A_418 : memref<1x1x1x40xi32, #tpu.memory_space<hbm>> -> memref<40xi32, #tpu.memory_space<hbm>>
    tpu.enqueue_dma source(%dma_start3A_419 : memref<40xi32, #tpu.memory_space<hbm>>) target(%dma_start3A_416 : memref<40xi32, #tpu.memory_space<vmem>>) target_semaphore(%arg30 : memref<!tpu.dma_semaphore, #tpu.memory_space<semaphore_mem>>)
    %dma_start3A_420 = arith.constant 12 : i32
    %dma_start3A_421 = arith.constant 12 : i32
    %dma_start3A_422 = arith.constant 0 : i32
    %dma_start3A_423 = tpu.memref_slice %arg8[%dma_start3A_421, %dma_start3A_422] : memref<14x40xi32, #tpu.memory_space<vmem>> -> memref<1x40xi32, #tpu.memory_space<vmem>>
    %dma_start3A_424 = tpu.memref_squeeze %dma_start3A_423 : memref<1x40xi32, #tpu.memory_space<vmem>> -> memref<40xi32, #tpu.memory_space<vmem>>
    %dma_start3A_425 = arith.constant 0 : i32
    %dma_start3A_426 = tpu.memref_slice %arg4[%arg1, %dma_start3A_420, %dma_start3A_425] : memref<16x504x40xi32, #tpu.memory_space<hbm>> -> memref<1x1x40xi32, #tpu.memory_space<hbm>>
    %dma_start3A_427 = tpu.memref_squeeze %dma_start3A_426 : memref<1x1x40xi32, #tpu.memory_space<hbm>> -> memref<40xi32, #tpu.memory_space<hbm>>
    %dma_start3A_428 = arith.constant 0 : i32
    %dma_start3A_429 = tpu.memref_slice %arg8[%dma_start3A_421, %dma_start3A_428] : memref<14x40xi32, #tpu.memory_space<vmem>> -> memref<1x40xi32, #tpu.memory_space<vmem>>
    %dma_start3A_430 = tpu.memref_squeeze %dma_start3A_429 : memref<1x40xi32, #tpu.memory_space<vmem>> -> memref<40xi32, #tpu.memory_space<vmem>>
    %dma_start3A_431 = arith.constant 0 : i32
    %dma_start3A_432 = tpu.memref_slice %arg4[%arg1, %dma_start3A_420, %dma_start3A_431] : memref<16x504x40xi32, #tpu.memory_space<hbm>> -> memref<1x1x40xi32, #tpu.memory_space<hbm>>
    %dma_start3A_433 = tpu.memref_squeeze %dma_start3A_432 : memref<1x1x40xi32, #tpu.memory_space<hbm>> -> memref<40xi32, #tpu.memory_space<hbm>>
    tpu.enqueue_dma source(%dma_start3A_433 : memref<40xi32, #tpu.memory_space<hbm>>) target(%dma_start3A_430 : memref<40xi32, #tpu.memory_space<vmem>>) target_semaphore(%arg30 : memref<!tpu.dma_semaphore, #tpu.memory_space<semaphore_mem>>)
    %dma_start3A_434 = arith.constant 13 : i32
    %dma_start3A_435 = arith.constant 13 : i32
    %dma_start3A_436 = arith.constant 0 : i32
    %dma_start3A_437 = tpu.memref_slice %arg7[%dma_start3A_435, %dma_start3A_436] : memref<14x40xi32, #tpu.memory_space<vmem>> -> memref<1x40xi32, #tpu.memory_space<vmem>>
    %dma_start3A_438 = tpu.memref_squeeze %dma_start3A_437 : memref<1x40xi32, #tpu.memory_space<vmem>> -> memref<40xi32, #tpu.memory_space<vmem>>
    %dma_start3A_439 = arith.constant 0 : i32
    %dma_start3A_440 = tpu.memref_slice %arg3[%arg0, %arg1, %dma_start3A_434, %dma_start3A_439] : memref<2x16x504x40xi32, #tpu.memory_space<hbm>> -> memref<1x1x1x40xi32, #tpu.memory_space<hbm>>
    %dma_start3A_441 = tpu.memref_squeeze %dma_start3A_440 : memref<1x1x1x40xi32, #tpu.memory_space<hbm>> -> memref<40xi32, #tpu.memory_space<hbm>>
    %dma_start3A_442 = arith.constant 0 : i32
    %dma_start3A_443 = tpu.memref_slice %arg7[%dma_start3A_435, %dma_start3A_442] : memref<14x40xi32, #tpu.memory_space<vmem>> -> memref<1x40xi32, #tpu.memory_space<vmem>>
    %dma_start3A_444 = tpu.memref_squeeze %dma_start3A_443 : memref<1x40xi32, #tpu.memory_space<vmem>> -> memref<40xi32, #tpu.memory_space<vmem>>
    %dma_start3A_445 = arith.constant 0 : i32
    %dma_start3A_446 = tpu.memref_slice %arg3[%arg0, %arg1, %dma_start3A_434, %dma_start3A_445] : memref<2x16x504x40xi32, #tpu.memory_space<hbm>> -> memref<1x1x1x40xi32, #tpu.memory_space<hbm>>
    %dma_start3A_447 = tpu.memref_squeeze %dma_start3A_446 : memref<1x1x1x40xi32, #tpu.memory_space<hbm>> -> memref<40xi32, #tpu.memory_space<hbm>>
    tpu.enqueue_dma source(%dma_start3A_447 : memref<40xi32, #tpu.memory_space<hbm>>) target(%dma_start3A_444 : memref<40xi32, #tpu.memory_space<vmem>>) target_semaphore(%arg31 : memref<!tpu.dma_semaphore, #tpu.memory_space<semaphore_mem>>)
    %dma_start3A_448 = arith.constant 13 : i32
    %dma_start3A_449 = arith.constant 13 : i32
    %dma_start3A_450 = arith.constant 0 : i32
    %dma_start3A_451 = tpu.memref_slice %arg8[%dma_start3A_449, %dma_start3A_450] : memref<14x40xi32, #tpu.memory_space<vmem>> -> memref<1x40xi32, #tpu.memory_space<vmem>>
    %dma_start3A_452 = tpu.memref_squeeze %dma_start3A_451 : memref<1x40xi32, #tpu.memory_space<vmem>> -> memref<40xi32, #tpu.memory_space<vmem>>
    %dma_start3A_453 = arith.constant 0 : i32
    %dma_start3A_454 = tpu.memref_slice %arg4[%arg1, %dma_start3A_448, %dma_start3A_453] : memref<16x504x40xi32, #tpu.memory_space<hbm>> -> memref<1x1x40xi32, #tpu.memory_space<hbm>>
    %dma_start3A_455 = tpu.memref_squeeze %dma_start3A_454 : memref<1x1x40xi32, #tpu.memory_space<hbm>> -> memref<40xi32, #tpu.memory_space<hbm>>
    %dma_start3A_456 = arith.constant 0 : i32
    %dma_start3A_457 = tpu.memref_slice %arg8[%dma_start3A_449, %dma_start3A_456] : memref<14x40xi32, #tpu.memory_space<vmem>> -> memref<1x40xi32, #tpu.memory_space<vmem>>
    %dma_start3A_458 = tpu.memref_squeeze %dma_start3A_457 : memref<1x40xi32, #tpu.memory_space<vmem>> -> memref<40xi32, #tpu.memory_space<vmem>>
    %dma_start3A_459 = arith.constant 0 : i32
    %dma_start3A_460 = tpu.memref_slice %arg4[%arg1, %dma_start3A_448, %dma_start3A_459] : memref<16x504x40xi32, #tpu.memory_space<hbm>> -> memref<1x1x40xi32, #tpu.memory_space<hbm>>
    %dma_start3A_461 = tpu.memref_squeeze %dma_start3A_460 : memref<1x1x40xi32, #tpu.memory_space<hbm>> -> memref<40xi32, #tpu.memory_space<hbm>>
    tpu.enqueue_dma source(%dma_start3A_461 : memref<40xi32, #tpu.memory_space<hbm>>) target(%dma_start3A_458 : memref<40xi32, #tpu.memory_space<vmem>>) target_semaphore(%arg31 : memref<!tpu.dma_semaphore, #tpu.memory_space<semaphore_mem>>)
    %dma_wait3A = arith.constant 0 : i32
    %dma_wait3A_462 = arith.constant 0 : i32
    %dma_wait3A_463 = arith.constant 0 : i32
    %dma_wait3A_464 = arith.constant 0 : i32
    %dma_wait3A_465 = tpu.memref_slice %arg7[%dma_wait3A_463, %dma_wait3A_464] : memref<14x40xi32, #tpu.memory_space<vmem>> -> memref<1x40xi32, #tpu.memory_space<vmem>>
    %dma_wait3A_466 = tpu.memref_squeeze %dma_wait3A_465 : memref<1x40xi32, #tpu.memory_space<vmem>> -> memref<40xi32, #tpu.memory_space<vmem>>
    %dma_wait3A_467 = arith.constant 0 : i32
    %dma_wait3A_468 = tpu.memref_slice %arg4[%dma_wait3A, %dma_wait3A_462, %dma_wait3A_467] : memref<16x504x40xi32, #tpu.memory_space<hbm>> -> memref<1x1x40xi32, #tpu.memory_space<hbm>>
    %dma_wait3A_469 = tpu.memref_squeeze %dma_wait3A_468 : memref<1x1x40xi32, #tpu.memory_space<hbm>> -> memref<40xi32, #tpu.memory_space<hbm>>
    %dma_wait3A_470 = arith.constant 0 : i32
    %dma_wait3A_471 = tpu.memref_slice %arg7[%dma_wait3A_463, %dma_wait3A_470] : memref<14x40xi32, #tpu.memory_space<vmem>> -> memref<1x40xi32, #tpu.memory_space<vmem>>
    %dma_wait3A_472 = tpu.memref_squeeze %dma_wait3A_471 : memref<1x40xi32, #tpu.memory_space<vmem>> -> memref<40xi32, #tpu.memory_space<vmem>>
    %dma_wait3A_473 = arith.constant 0 : i32
    %dma_wait3A_474 = tpu.memref_slice %arg4[%dma_wait3A, %dma_wait3A_462, %dma_wait3A_473] : memref<16x504x40xi32, #tpu.memory_space<hbm>> -> memref<1x1x40xi32, #tpu.memory_space<hbm>>
    %dma_wait3A_475 = tpu.memref_squeeze %dma_wait3A_474 : memref<1x1x40xi32, #tpu.memory_space<hbm>> -> memref<40xi32, #tpu.memory_space<hbm>>
    tpu.wait_dma2 semaphore(%arg18 : memref<!tpu.dma_semaphore, #tpu.memory_space<semaphore_mem>>) src(%dma_wait3A_475 : memref<40xi32, #tpu.memory_space<hbm>>) dst(%dma_wait3A_472 : memref<40xi32, #tpu.memory_space<vmem>>)
    %dma_wait3A_476 = arith.constant 0 : i32
    %dma_wait3A_477 = arith.constant 0 : i32
    %dma_wait3A_478 = arith.constant 0 : i32
    %dma_wait3A_479 = arith.constant 0 : i32
    %dma_wait3A_480 = tpu.memref_slice %arg8[%dma_wait3A_478, %dma_wait3A_479] : memref<14x40xi32, #tpu.memory_space<vmem>> -> memref<1x40xi32, #tpu.memory_space<vmem>>
    %dma_wait3A_481 = tpu.memref_squeeze %dma_wait3A_480 : memref<1x40xi32, #tpu.memory_space<vmem>> -> memref<40xi32, #tpu.memory_space<vmem>>
    %dma_wait3A_482 = arith.constant 0 : i32
    %dma_wait3A_483 = tpu.memref_slice %arg4[%dma_wait3A_476, %dma_wait3A_477, %dma_wait3A_482] : memref<16x504x40xi32, #tpu.memory_space<hbm>> -> memref<1x1x40xi32, #tpu.memory_space<hbm>>
    %dma_wait3A_484 = tpu.memref_squeeze %dma_wait3A_483 : memref<1x1x40xi32, #tpu.memory_space<hbm>> -> memref<40xi32, #tpu.memory_space<hbm>>
    %dma_wait3A_485 = arith.constant 0 : i32
    %dma_wait3A_486 = tpu.memref_slice %arg8[%dma_wait3A_478, %dma_wait3A_485] : memref<14x40xi32, #tpu.memory_space<vmem>> -> memref<1x40xi32, #tpu.memory_space<vmem>>
    %dma_wait3A_487 = tpu.memref_squeeze %dma_wait3A_486 : memref<1x40xi32, #tpu.memory_space<vmem>> -> memref<40xi32, #tpu.memory_space<vmem>>
    %dma_wait3A_488 = arith.constant 0 : i32
    %dma_wait3A_489 = tpu.memref_slice %arg4[%dma_wait3A_476, %dma_wait3A_477, %dma_wait3A_488] : memref<16x504x40xi32, #tpu.memory_space<hbm>> -> memref<1x1x40xi32, #tpu.memory_space<hbm>>
    %dma_wait3A_490 = tpu.memref_squeeze %dma_wait3A_489 : memref<1x1x40xi32, #tpu.memory_space<hbm>> -> memref<40xi32, #tpu.memory_space<hbm>>
    tpu.wait_dma2 semaphore(%arg18 : memref<!tpu.dma_semaphore, #tpu.memory_space<semaphore_mem>>) src(%dma_wait3A_490 : memref<40xi32, #tpu.memory_space<hbm>>) dst(%dma_wait3A_487 : memref<40xi32, #tpu.memory_space<vmem>>)
    %dma_start3A_491 = arith.constant 0 : i32
    %dma_start3A_492 = arith.constant 0 : i32
    %dma_start3A_493 = arith.constant 0 : i32
    %dma_start3A_494 = arith.constant 0 : i32
    %dma_start3A_495 = tpu.memref_slice %arg9[%dma_start3A_492, %dma_start3A_493, %dma_start3A_494] : memref<7x40x128xf32, #tpu.memory_space<vmem>> -> memref<1x40x128xf32, #tpu.memory_space<vmem>>
    %dma_start3A_496 = tpu.memref_squeeze %dma_start3A_495 : memref<1x40x128xf32, #tpu.memory_space<vmem>> -> memref<40x128xf32, #tpu.memory_space<vmem>>
    %dma_start3A_497 = arith.constant 0 : i32
    %dma_start3A_498 = tpu.memref_slice %arg7[%dma_start3A_491, %dma_start3A_497] : memref<14x40xi32, #tpu.memory_space<vmem>> -> memref<1x40xi32, #tpu.memory_space<vmem>>
    %dma_start3A_499 = tpu.memref_squeeze %dma_start3A_498 : memref<1x40xi32, #tpu.memory_space<vmem>> -> memref<40xi32, #tpu.memory_space<vmem>>
    %dma_start3A_500 = arith.constant 0 : i32
    %dma_start3A_501 = arith.constant 0 : i32
    %dma_start3A_502 = tpu.memref_slice %arg2[%dma_start3A_500, %dma_start3A_501] : memref<20480x128xf32, #tpu.memory_space<hbm>> -> memref<20480x128xf32, #tpu.memory_space<hbm>>
    tpu.enqueue_indirect_dma source(%dma_start3A_502 : memref<20480x128xf32, #tpu.memory_space<hbm>>) target(%dma_start3A_496 : memref<40x128xf32, #tpu.memory_space<vmem>>) offsets(%dma_start3A_499 : memref<40xi32, #tpu.memory_space<vmem>>) semaphore(%arg11 : memref<!tpu.dma_semaphore, #tpu.memory_space<semaphore_mem>>)
    %dma_wait3A_503 = arith.constant 0 : i32
    %dma_wait3A_504 = arith.constant 0 : i32
    %dma_wait3A_505 = arith.constant 1 : i32
    %dma_wait3A_506 = arith.constant 0 : i32
    %dma_wait3A_507 = tpu.memref_slice %arg7[%dma_wait3A_505, %dma_wait3A_506] : memref<14x40xi32, #tpu.memory_space<vmem>> -> memref<1x40xi32, #tpu.memory_space<vmem>>
    %dma_wait3A_508 = tpu.memref_squeeze %dma_wait3A_507 : memref<1x40xi32, #tpu.memory_space<vmem>> -> memref<40xi32, #tpu.memory_space<vmem>>
    %dma_wait3A_509 = arith.constant 0 : i32
    %dma_wait3A_510 = tpu.memref_slice %arg4[%dma_wait3A_503, %dma_wait3A_504, %dma_wait3A_509] : memref<16x504x40xi32, #tpu.memory_space<hbm>> -> memref<1x1x40xi32, #tpu.memory_space<hbm>>
    %dma_wait3A_511 = tpu.memref_squeeze %dma_wait3A_510 : memref<1x1x40xi32, #tpu.memory_space<hbm>> -> memref<40xi32, #tpu.memory_space<hbm>>
    %dma_wait3A_512 = arith.constant 0 : i32
    %dma_wait3A_513 = tpu.memref_slice %arg7[%dma_wait3A_505, %dma_wait3A_512] : memref<14x40xi32, #tpu.memory_space<vmem>> -> memref<1x40xi32, #tpu.memory_space<vmem>>
    %dma_wait3A_514 = tpu.memref_squeeze %dma_wait3A_513 : memref<1x40xi32, #tpu.memory_space<vmem>> -> memref<40xi32, #tpu.memory_space<vmem>>
    %dma_wait3A_515 = arith.constant 0 : i32
    %dma_wait3A_516 = tpu.memref_slice %arg4[%dma_wait3A_503, %dma_wait3A_504, %dma_wait3A_515] : memref<16x504x40xi32, #tpu.memory_space<hbm>> -> memref<1x1x40xi32, #tpu.memory_space<hbm>>
    %dma_wait3A_517 = tpu.memref_squeeze %dma_wait3A_516 : memref<1x1x40xi32, #tpu.memory_space<hbm>> -> memref<40xi32, #tpu.memory_space<hbm>>
    tpu.wait_dma2 semaphore(%arg19 : memref<!tpu.dma_semaphore, #tpu.memory_space<semaphore_mem>>) src(%dma_wait3A_517 : memref<40xi32, #tpu.memory_space<hbm>>) dst(%dma_wait3A_514 : memref<40xi32, #tpu.memory_space<vmem>>)
    %dma_wait3A_518 = arith.constant 0 : i32
    %dma_wait3A_519 = arith.constant 0 : i32
    %dma_wait3A_520 = arith.constant 1 : i32
    %dma_wait3A_521 = arith.constant 0 : i32
    %dma_wait3A_522 = tpu.memref_slice %arg8[%dma_wait3A_520, %dma_wait3A_521] : memref<14x40xi32, #tpu.memory_space<vmem>> -> memref<1x40xi32, #tpu.memory_space<vmem>>
    %dma_wait3A_523 = tpu.memref_squeeze %dma_wait3A_522 : memref<1x40xi32, #tpu.memory_space<vmem>> -> memref<40xi32, #tpu.memory_space<vmem>>
    %dma_wait3A_524 = arith.constant 0 : i32
    %dma_wait3A_525 = tpu.memref_slice %arg4[%dma_wait3A_518, %dma_wait3A_519, %dma_wait3A_524] : memref<16x504x40xi32, #tpu.memory_space<hbm>> -> memref<1x1x40xi32, #tpu.memory_space<hbm>>
    %dma_wait3A_526 = tpu.memref_squeeze %dma_wait3A_525 : memref<1x1x40xi32, #tpu.memory_space<hbm>> -> memref<40xi32, #tpu.memory_space<hbm>>
    %dma_wait3A_527 = arith.constant 0 : i32
    %dma_wait3A_528 = tpu.memref_slice %arg8[%dma_wait3A_520, %dma_wait3A_527] : memref<14x40xi32, #tpu.memory_space<vmem>> -> memref<1x40xi32, #tpu.memory_space<vmem>>
    %dma_wait3A_529 = tpu.memref_squeeze %dma_wait3A_528 : memref<1x40xi32, #tpu.memory_space<vmem>> -> memref<40xi32, #tpu.memory_space<vmem>>
    %dma_wait3A_530 = arith.constant 0 : i32
    %dma_wait3A_531 = tpu.memref_slice %arg4[%dma_wait3A_518, %dma_wait3A_519, %dma_wait3A_530] : memref<16x504x40xi32, #tpu.memory_space<hbm>> -> memref<1x1x40xi32, #tpu.memory_space<hbm>>
    %dma_wait3A_532 = tpu.memref_squeeze %dma_wait3A_531 : memref<1x1x40xi32, #tpu.memory_space<hbm>> -> memref<40xi32, #tpu.memory_space<hbm>>
    tpu.wait_dma2 semaphore(%arg19 : memref<!tpu.dma_semaphore, #tpu.memory_space<semaphore_mem>>) src(%dma_wait3A_532 : memref<40xi32, #tpu.memory_space<hbm>>) dst(%dma_wait3A_529 : memref<40xi32, #tpu.memory_space<vmem>>)
    %dma_start3A_533 = arith.constant 1 : i32
    %dma_start3A_534 = arith.constant 1 : i32
    %dma_start3A_535 = arith.constant 0 : i32
    %dma_start3A_536 = arith.constant 0 : i32
    %dma_start3A_537 = tpu.memref_slice %arg9[%dma_start3A_534, %dma_start3A_535, %dma_start3A_536] : memref<7x40x128xf32, #tpu.memory_space<vmem>> -> memref<1x40x128xf32, #tpu.memory_space<vmem>>
    %dma_start3A_538 = tpu.memref_squeeze %dma_start3A_537 : memref<1x40x128xf32, #tpu.memory_space<vmem>> -> memref<40x128xf32, #tpu.memory_space<vmem>>
    %dma_start3A_539 = arith.constant 0 : i32
    %dma_start3A_540 = tpu.memref_slice %arg7[%dma_start3A_533, %dma_start3A_539] : memref<14x40xi32, #tpu.memory_space<vmem>> -> memref<1x40xi32, #tpu.memory_space<vmem>>
    %dma_start3A_541 = tpu.memref_squeeze %dma_start3A_540 : memref<1x40xi32, #tpu.memory_space<vmem>> -> memref<40xi32, #tpu.memory_space<vmem>>
    %dma_start3A_542 = arith.constant 0 : i32
    %dma_start3A_543 = arith.constant 0 : i32
    %dma_start3A_544 = tpu.memref_slice %arg2[%dma_start3A_542, %dma_start3A_543] : memref<20480x128xf32, #tpu.memory_space<hbm>> -> memref<20480x128xf32, #tpu.memory_space<hbm>>
    tpu.enqueue_indirect_dma source(%dma_start3A_544 : memref<20480x128xf32, #tpu.memory_space<hbm>>) target(%dma_start3A_538 : memref<40x128xf32, #tpu.memory_space<vmem>>) offsets(%dma_start3A_541 : memref<40xi32, #tpu.memory_space<vmem>>) semaphore(%arg12 : memref<!tpu.dma_semaphore, #tpu.memory_space<semaphore_mem>>)
    %dma_wait3A_545 = arith.constant 0 : i32
    %dma_wait3A_546 = arith.constant 0 : i32
    %dma_wait3A_547 = arith.constant 2 : i32
    %dma_wait3A_548 = arith.constant 0 : i32
    %dma_wait3A_549 = tpu.memref_slice %arg7[%dma_wait3A_547, %dma_wait3A_548] : memref<14x40xi32, #tpu.memory_space<vmem>> -> memref<1x40xi32, #tpu.memory_space<vmem>>
    %dma_wait3A_550 = tpu.memref_squeeze %dma_wait3A_549 : memref<1x40xi32, #tpu.memory_space<vmem>> -> memref<40xi32, #tpu.memory_space<vmem>>
    %dma_wait3A_551 = arith.constant 0 : i32
    %dma_wait3A_552 = tpu.memref_slice %arg4[%dma_wait3A_545, %dma_wait3A_546, %dma_wait3A_551] : memref<16x504x40xi32, #tpu.memory_space<hbm>> -> memref<1x1x40xi32, #tpu.memory_space<hbm>>
    %dma_wait3A_553 = tpu.memref_squeeze %dma_wait3A_552 : memref<1x1x40xi32, #tpu.memory_space<hbm>> -> memref<40xi32, #tpu.memory_space<hbm>>
    %dma_wait3A_554 = arith.constant 0 : i32
    %dma_wait3A_555 = tpu.memref_slice %arg7[%dma_wait3A_547, %dma_wait3A_554] : memref<14x40xi32, #tpu.memory_space<vmem>> -> memref<1x40xi32, #tpu.memory_space<vmem>>
    %dma_wait3A_556 = tpu.memref_squeeze %dma_wait3A_555 : memref<1x40xi32, #tpu.memory_space<vmem>> -> memref<40xi32, #tpu.memory_space<vmem>>
    %dma_wait3A_557 = arith.constant 0 : i32
    %dma_wait3A_558 = tpu.memref_slice %arg4[%dma_wait3A_545, %dma_wait3A_546, %dma_wait3A_557] : memref<16x504x40xi32, #tpu.memory_space<hbm>> -> memref<1x1x40xi32, #tpu.memory_space<hbm>>
    %dma_wait3A_559 = tpu.memref_squeeze %dma_wait3A_558 : memref<1x1x40xi32, #tpu.memory_space<hbm>> -> memref<40xi32, #tpu.memory_space<hbm>>
    tpu.wait_dma2 semaphore(%arg20 : memref<!tpu.dma_semaphore, #tpu.memory_space<semaphore_mem>>) src(%dma_wait3A_559 : memref<40xi32, #tpu.memory_space<hbm>>) dst(%dma_wait3A_556 : memref<40xi32, #tpu.memory_space<vmem>>)
    %dma_wait3A_560 = arith.constant 0 : i32
    %dma_wait3A_561 = arith.constant 0 : i32
    %dma_wait3A_562 = arith.constant 2 : i32
    %dma_wait3A_563 = arith.constant 0 : i32
    %dma_wait3A_564 = tpu.memref_slice %arg8[%dma_wait3A_562, %dma_wait3A_563] : memref<14x40xi32, #tpu.memory_space<vmem>> -> memref<1x40xi32, #tpu.memory_space<vmem>>
    %dma_wait3A_565 = tpu.memref_squeeze %dma_wait3A_564 : memref<1x40xi32, #tpu.memory_space<vmem>> -> memref<40xi32, #tpu.memory_space<vmem>>
    %dma_wait3A_566 = arith.constant 0 : i32
    %dma_wait3A_567 = tpu.memref_slice %arg4[%dma_wait3A_560, %dma_wait3A_561, %dma_wait3A_566] : memref<16x504x40xi32, #tpu.memory_space<hbm>> -> memref<1x1x40xi32, #tpu.memory_space<hbm>>
    %dma_wait3A_568 = tpu.memref_squeeze %dma_wait3A_567 : memref<1x1x40xi32, #tpu.memory_space<hbm>> -> memref<40xi32, #tpu.memory_space<hbm>>
    %dma_wait3A_569 = arith.constant 0 : i32
    %dma_wait3A_570 = tpu.memref_slice %arg8[%dma_wait3A_562, %dma_wait3A_569] : memref<14x40xi32, #tpu.memory_space<vmem>> -> memref<1x40xi32, #tpu.memory_space<vmem>>
    %dma_wait3A_571 = tpu.memref_squeeze %dma_wait3A_570 : memref<1x40xi32, #tpu.memory_space<vmem>> -> memref<40xi32, #tpu.memory_space<vmem>>
    %dma_wait3A_572 = arith.constant 0 : i32
    %dma_wait3A_573 = tpu.memref_slice %arg4[%dma_wait3A_560, %dma_wait3A_561, %dma_wait3A_572] : memref<16x504x40xi32, #tpu.memory_space<hbm>> -> memref<1x1x40xi32, #tpu.memory_space<hbm>>
    %dma_wait3A_574 = tpu.memref_squeeze %dma_wait3A_573 : memref<1x1x40xi32, #tpu.memory_space<hbm>> -> memref<40xi32, #tpu.memory_space<hbm>>
    tpu.wait_dma2 semaphore(%arg20 : memref<!tpu.dma_semaphore, #tpu.memory_space<semaphore_mem>>) src(%dma_wait3A_574 : memref<40xi32, #tpu.memory_space<hbm>>) dst(%dma_wait3A_571 : memref<40xi32, #tpu.memory_space<vmem>>)
    %dma_start3A_575 = arith.constant 2 : i32
    %dma_start3A_576 = arith.constant 2 : i32
    %dma_start3A_577 = arith.constant 0 : i32
    %dma_start3A_578 = arith.constant 0 : i32
    %dma_start3A_579 = tpu.memref_slice %arg9[%dma_start3A_576, %dma_start3A_577, %dma_start3A_578] : memref<7x40x128xf32, #tpu.memory_space<vmem>> -> memref<1x40x128xf32, #tpu.memory_space<vmem>>
    %dma_start3A_580 = tpu.memref_squeeze %dma_start3A_579 : memref<1x40x128xf32, #tpu.memory_space<vmem>> -> memref<40x128xf32, #tpu.memory_space<vmem>>
    %dma_start3A_581 = arith.constant 0 : i32
    %dma_start3A_582 = tpu.memref_slice %arg7[%dma_start3A_575, %dma_start3A_581] : memref<14x40xi32, #tpu.memory_space<vmem>> -> memref<1x40xi32, #tpu.memory_space<vmem>>
    %dma_start3A_583 = tpu.memref_squeeze %dma_start3A_582 : memref<1x40xi32, #tpu.memory_space<vmem>> -> memref<40xi32, #tpu.memory_space<vmem>>
    %dma_start3A_584 = arith.constant 0 : i32
    %dma_start3A_585 = arith.constant 0 : i32
    %dma_start3A_586 = tpu.memref_slice %arg2[%dma_start3A_584, %dma_start3A_585] : memref<20480x128xf32, #tpu.memory_space<hbm>> -> memref<20480x128xf32, #tpu.memory_space<hbm>>
    tpu.enqueue_indirect_dma source(%dma_start3A_586 : memref<20480x128xf32, #tpu.memory_space<hbm>>) target(%dma_start3A_580 : memref<40x128xf32, #tpu.memory_space<vmem>>) offsets(%dma_start3A_583 : memref<40xi32, #tpu.memory_space<vmem>>) semaphore(%arg13 : memref<!tpu.dma_semaphore, #tpu.memory_space<semaphore_mem>>)
    %dma_wait3A_587 = arith.constant 0 : i32
    %dma_wait3A_588 = arith.constant 0 : i32
    %dma_wait3A_589 = arith.constant 3 : i32
    %dma_wait3A_590 = arith.constant 0 : i32
    %dma_wait3A_591 = tpu.memref_slice %arg7[%dma_wait3A_589, %dma_wait3A_590] : memref<14x40xi32, #tpu.memory_space<vmem>> -> memref<1x40xi32, #tpu.memory_space<vmem>>
    %dma_wait3A_592 = tpu.memref_squeeze %dma_wait3A_591 : memref<1x40xi32, #tpu.memory_space<vmem>> -> memref<40xi32, #tpu.memory_space<vmem>>
    %dma_wait3A_593 = arith.constant 0 : i32
    %dma_wait3A_594 = tpu.memref_slice %arg4[%dma_wait3A_587, %dma_wait3A_588, %dma_wait3A_593] : memref<16x504x40xi32, #tpu.memory_space<hbm>> -> memref<1x1x40xi32, #tpu.memory_space<hbm>>
    %dma_wait3A_595 = tpu.memref_squeeze %dma_wait3A_594 : memref<1x1x40xi32, #tpu.memory_space<hbm>> -> memref<40xi32, #tpu.memory_space<hbm>>
    %dma_wait3A_596 = arith.constant 0 : i32
    %dma_wait3A_597 = tpu.memref_slice %arg7[%dma_wait3A_589, %dma_wait3A_596] : memref<14x40xi32, #tpu.memory_space<vmem>> -> memref<1x40xi32, #tpu.memory_space<vmem>>
    %dma_wait3A_598 = tpu.memref_squeeze %dma_wait3A_597 : memref<1x40xi32, #tpu.memory_space<vmem>> -> memref<40xi32, #tpu.memory_space<vmem>>
    %dma_wait3A_599 = arith.constant 0 : i32
    %dma_wait3A_600 = tpu.memref_slice %arg4[%dma_wait3A_587, %dma_wait3A_588, %dma_wait3A_599] : memref<16x504x40xi32, #tpu.memory_space<hbm>> -> memref<1x1x40xi32, #tpu.memory_space<hbm>>
    %dma_wait3A_601 = tpu.memref_squeeze %dma_wait3A_600 : memref<1x1x40xi32, #tpu.memory_space<hbm>> -> memref<40xi32, #tpu.memory_space<hbm>>
    tpu.wait_dma2 semaphore(%arg21 : memref<!tpu.dma_semaphore, #tpu.memory_space<semaphore_mem>>) src(%dma_wait3A_601 : memref<40xi32, #tpu.memory_space<hbm>>) dst(%dma_wait3A_598 : memref<40xi32, #tpu.memory_space<vmem>>)
    %dma_wait3A_602 = arith.constant 0 : i32
    %dma_wait3A_603 = arith.constant 0 : i32
    %dma_wait3A_604 = arith.constant 3 : i32
    %dma_wait3A_605 = arith.constant 0 : i32
    %dma_wait3A_606 = tpu.memref_slice %arg8[%dma_wait3A_604, %dma_wait3A_605] : memref<14x40xi32, #tpu.memory_space<vmem>> -> memref<1x40xi32, #tpu.memory_space<vmem>>
    %dma_wait3A_607 = tpu.memref_squeeze %dma_wait3A_606 : memref<1x40xi32, #tpu.memory_space<vmem>> -> memref<40xi32, #tpu.memory_space<vmem>>
    %dma_wait3A_608 = arith.constant 0 : i32
    %dma_wait3A_609 = tpu.memref_slice %arg4[%dma_wait3A_602, %dma_wait3A_603, %dma_wait3A_608] : memref<16x504x40xi32, #tpu.memory_space<hbm>> -> memref<1x1x40xi32, #tpu.memory_space<hbm>>
    %dma_wait3A_610 = tpu.memref_squeeze %dma_wait3A_609 : memref<1x1x40xi32, #tpu.memory_space<hbm>> -> memref<40xi32, #tpu.memory_space<hbm>>
    %dma_wait3A_611 = arith.constant 0 : i32
    %dma_wait3A_612 = tpu.memref_slice %arg8[%dma_wait3A_604, %dma_wait3A_611] : memref<14x40xi32, #tpu.memory_space<vmem>> -> memref<1x40xi32, #tpu.memory_space<vmem>>
    %dma_wait3A_613 = tpu.memref_squeeze %dma_wait3A_612 : memref<1x40xi32, #tpu.memory_space<vmem>> -> memref<40xi32, #tpu.memory_space<vmem>>
    %dma_wait3A_614 = arith.constant 0 : i32
    %dma_wait3A_615 = tpu.memref_slice %arg4[%dma_wait3A_602, %dma_wait3A_603, %dma_wait3A_614] : memref<16x504x40xi32, #tpu.memory_space<hbm>> -> memref<1x1x40xi32, #tpu.memory_space<hbm>>
    %dma_wait3A_616 = tpu.memref_squeeze %dma_wait3A_615 : memref<1x1x40xi32, #tpu.memory_space<hbm>> -> memref<40xi32, #tpu.memory_space<hbm>>
    tpu.wait_dma2 semaphore(%arg21 : memref<!tpu.dma_semaphore, #tpu.memory_space<semaphore_mem>>) src(%dma_wait3A_616 : memref<40xi32, #tpu.memory_space<hbm>>) dst(%dma_wait3A_613 : memref<40xi32, #tpu.memory_space<vmem>>)
    %dma_start3A_617 = arith.constant 3 : i32
    %dma_start3A_618 = arith.constant 3 : i32
    %dma_start3A_619 = arith.constant 0 : i32
    %dma_start3A_620 = arith.constant 0 : i32
    %dma_start3A_621 = tpu.memref_slice %arg9[%dma_start3A_618, %dma_start3A_619, %dma_start3A_620] : memref<7x40x128xf32, #tpu.memory_space<vmem>> -> memref<1x40x128xf32, #tpu.memory_space<vmem>>
    %dma_start3A_622 = tpu.memref_squeeze %dma_start3A_621 : memref<1x40x128xf32, #tpu.memory_space<vmem>> -> memref<40x128xf32, #tpu.memory_space<vmem>>
    %dma_start3A_623 = arith.constant 0 : i32
    %dma_start3A_624 = tpu.memref_slice %arg7[%dma_start3A_617, %dma_start3A_623] : memref<14x40xi32, #tpu.memory_space<vmem>> -> memref<1x40xi32, #tpu.memory_space<vmem>>
    %dma_start3A_625 = tpu.memref_squeeze %dma_start3A_624 : memref<1x40xi32, #tpu.memory_space<vmem>> -> memref<40xi32, #tpu.memory_space<vmem>>
    %dma_start3A_626 = arith.constant 0 : i32
    %dma_start3A_627 = arith.constant 0 : i32
    %dma_start3A_628 = tpu.memref_slice %arg2[%dma_start3A_626, %dma_start3A_627] : memref<20480x128xf32, #tpu.memory_space<hbm>> -> memref<20480x128xf32, #tpu.memory_space<hbm>>
    tpu.enqueue_indirect_dma source(%dma_start3A_628 : memref<20480x128xf32, #tpu.memory_space<hbm>>) target(%dma_start3A_622 : memref<40x128xf32, #tpu.memory_space<vmem>>) offsets(%dma_start3A_625 : memref<40xi32, #tpu.memory_space<vmem>>) semaphore(%arg14 : memref<!tpu.dma_semaphore, #tpu.memory_space<semaphore_mem>>)
    %dma_wait3A_629 = arith.constant 0 : i32
    %dma_wait3A_630 = arith.constant 0 : i32
    %dma_wait3A_631 = arith.constant 4 : i32
    %dma_wait3A_632 = arith.constant 0 : i32
    %dma_wait3A_633 = tpu.memref_slice %arg7[%dma_wait3A_631, %dma_wait3A_632] : memref<14x40xi32, #tpu.memory_space<vmem>> -> memref<1x40xi32, #tpu.memory_space<vmem>>
    %dma_wait3A_634 = tpu.memref_squeeze %dma_wait3A_633 : memref<1x40xi32, #tpu.memory_space<vmem>> -> memref<40xi32, #tpu.memory_space<vmem>>
    %dma_wait3A_635 = arith.constant 0 : i32
    %dma_wait3A_636 = tpu.memref_slice %arg4[%dma_wait3A_629, %dma_wait3A_630, %dma_wait3A_635] : memref<16x504x40xi32, #tpu.memory_space<hbm>> -> memref<1x1x40xi32, #tpu.memory_space<hbm>>
    %dma_wait3A_637 = tpu.memref_squeeze %dma_wait3A_636 : memref<1x1x40xi32, #tpu.memory_space<hbm>> -> memref<40xi32, #tpu.memory_space<hbm>>
    %dma_wait3A_638 = arith.constant 0 : i32
    %dma_wait3A_639 = tpu.memref_slice %arg7[%dma_wait3A_631, %dma_wait3A_638] : memref<14x40xi32, #tpu.memory_space<vmem>> -> memref<1x40xi32, #tpu.memory_space<vmem>>
    %dma_wait3A_640 = tpu.memref_squeeze %dma_wait3A_639 : memref<1x40xi32, #tpu.memory_space<vmem>> -> memref<40xi32, #tpu.memory_space<vmem>>
    %dma_wait3A_641 = arith.constant 0 : i32
    %dma_wait3A_642 = tpu.memref_slice %arg4[%dma_wait3A_629, %dma_wait3A_630, %dma_wait3A_641] : memref<16x504x40xi32, #tpu.memory_space<hbm>> -> memref<1x1x40xi32, #tpu.memory_space<hbm>>
    %dma_wait3A_643 = tpu.memref_squeeze %dma_wait3A_642 : memref<1x1x40xi32, #tpu.memory_space<hbm>> -> memref<40xi32, #tpu.memory_space<hbm>>
    tpu.wait_dma2 semaphore(%arg22 : memref<!tpu.dma_semaphore, #tpu.memory_space<semaphore_mem>>) src(%dma_wait3A_643 : memref<40xi32, #tpu.memory_space<hbm>>) dst(%dma_wait3A_640 : memref<40xi32, #tpu.memory_space<vmem>>)
    %dma_wait3A_644 = arith.constant 0 : i32
    %dma_wait3A_645 = arith.constant 0 : i32
    %dma_wait3A_646 = arith.constant 4 : i32
    %dma_wait3A_647 = arith.constant 0 : i32
    %dma_wait3A_648 = tpu.memref_slice %arg8[%dma_wait3A_646, %dma_wait3A_647] : memref<14x40xi32, #tpu.memory_space<vmem>> -> memref<1x40xi32, #tpu.memory_space<vmem>>
    %dma_wait3A_649 = tpu.memref_squeeze %dma_wait3A_648 : memref<1x40xi32, #tpu.memory_space<vmem>> -> memref<40xi32, #tpu.memory_space<vmem>>
    %dma_wait3A_650 = arith.constant 0 : i32
    %dma_wait3A_651 = tpu.memref_slice %arg4[%dma_wait3A_644, %dma_wait3A_645, %dma_wait3A_650] : memref<16x504x40xi32, #tpu.memory_space<hbm>> -> memref<1x1x40xi32, #tpu.memory_space<hbm>>
    %dma_wait3A_652 = tpu.memref_squeeze %dma_wait3A_651 : memref<1x1x40xi32, #tpu.memory_space<hbm>> -> memref<40xi32, #tpu.memory_space<hbm>>
    %dma_wait3A_653 = arith.constant 0 : i32
    %dma_wait3A_654 = tpu.memref_slice %arg8[%dma_wait3A_646, %dma_wait3A_653] : memref<14x40xi32, #tpu.memory_space<vmem>> -> memref<1x40xi32, #tpu.memory_space<vmem>>
    %dma_wait3A_655 = tpu.memref_squeeze %dma_wait3A_654 : memref<1x40xi32, #tpu.memory_space<vmem>> -> memref<40xi32, #tpu.memory_space<vmem>>
    %dma_wait3A_656 = arith.constant 0 : i32
    %dma_wait3A_657 = tpu.memref_slice %arg4[%dma_wait3A_644, %dma_wait3A_645, %dma_wait3A_656] : memref<16x504x40xi32, #tpu.memory_space<hbm>> -> memref<1x1x40xi32, #tpu.memory_space<hbm>>
    %dma_wait3A_658 = tpu.memref_squeeze %dma_wait3A_657 : memref<1x1x40xi32, #tpu.memory_space<hbm>> -> memref<40xi32, #tpu.memory_space<hbm>>
    tpu.wait_dma2 semaphore(%arg22 : memref<!tpu.dma_semaphore, #tpu.memory_space<semaphore_mem>>) src(%dma_wait3A_658 : memref<40xi32, #tpu.memory_space<hbm>>) dst(%dma_wait3A_655 : memref<40xi32, #tpu.memory_space<vmem>>)
    %dma_start3A_659 = arith.constant 4 : i32
    %dma_start3A_660 = arith.constant 4 : i32
    %dma_start3A_661 = arith.constant 0 : i32
    %dma_start3A_662 = arith.constant 0 : i32
    %dma_start3A_663 = tpu.memref_slice %arg9[%dma_start3A_660, %dma_start3A_661, %dma_start3A_662] : memref<7x40x128xf32, #tpu.memory_space<vmem>> -> memref<1x40x128xf32, #tpu.memory_space<vmem>>
    %dma_start3A_664 = tpu.memref_squeeze %dma_start3A_663 : memref<1x40x128xf32, #tpu.memory_space<vmem>> -> memref<40x128xf32, #tpu.memory_space<vmem>>
    %dma_start3A_665 = arith.constant 0 : i32
    %dma_start3A_666 = tpu.memref_slice %arg7[%dma_start3A_659, %dma_start3A_665] : memref<14x40xi32, #tpu.memory_space<vmem>> -> memref<1x40xi32, #tpu.memory_space<vmem>>
    %dma_start3A_667 = tpu.memref_squeeze %dma_start3A_666 : memref<1x40xi32, #tpu.memory_space<vmem>> -> memref<40xi32, #tpu.memory_space<vmem>>
    %dma_start3A_668 = arith.constant 0 : i32
    %dma_start3A_669 = arith.constant 0 : i32
    %dma_start3A_670 = tpu.memref_slice %arg2[%dma_start3A_668, %dma_start3A_669] : memref<20480x128xf32, #tpu.memory_space<hbm>> -> memref<20480x128xf32, #tpu.memory_space<hbm>>
    tpu.enqueue_indirect_dma source(%dma_start3A_670 : memref<20480x128xf32, #tpu.memory_space<hbm>>) target(%dma_start3A_664 : memref<40x128xf32, #tpu.memory_space<vmem>>) offsets(%dma_start3A_667 : memref<40xi32, #tpu.memory_space<vmem>>) semaphore(%arg15 : memref<!tpu.dma_semaphore, #tpu.memory_space<semaphore_mem>>)
    %dma_wait3A_671 = arith.constant 0 : i32
    %dma_wait3A_672 = arith.constant 0 : i32
    %dma_wait3A_673 = arith.constant 5 : i32
    %dma_wait3A_674 = arith.constant 0 : i32
    %dma_wait3A_675 = tpu.memref_slice %arg7[%dma_wait3A_673, %dma_wait3A_674] : memref<14x40xi32, #tpu.memory_space<vmem>> -> memref<1x40xi32, #tpu.memory_space<vmem>>
    %dma_wait3A_676 = tpu.memref_squeeze %dma_wait3A_675 : memref<1x40xi32, #tpu.memory_space<vmem>> -> memref<40xi32, #tpu.memory_space<vmem>>
    %dma_wait3A_677 = arith.constant 0 : i32
    %dma_wait3A_678 = tpu.memref_slice %arg4[%dma_wait3A_671, %dma_wait3A_672, %dma_wait3A_677] : memref<16x504x40xi32, #tpu.memory_space<hbm>> -> memref<1x1x40xi32, #tpu.memory_space<hbm>>
    %dma_wait3A_679 = tpu.memref_squeeze %dma_wait3A_678 : memref<1x1x40xi32, #tpu.memory_space<hbm>> -> memref<40xi32, #tpu.memory_space<hbm>>
    %dma_wait3A_680 = arith.constant 0 : i32
    %dma_wait3A_681 = tpu.memref_slice %arg7[%dma_wait3A_673, %dma_wait3A_680] : memref<14x40xi32, #tpu.memory_space<vmem>> -> memref<1x40xi32, #tpu.memory_space<vmem>>
    %dma_wait3A_682 = tpu.memref_squeeze %dma_wait3A_681 : memref<1x40xi32, #tpu.memory_space<vmem>> -> memref<40xi32, #tpu.memory_space<vmem>>
    %dma_wait3A_683 = arith.constant 0 : i32
    %dma_wait3A_684 = tpu.memref_slice %arg4[%dma_wait3A_671, %dma_wait3A_672, %dma_wait3A_683] : memref<16x504x40xi32, #tpu.memory_space<hbm>> -> memref<1x1x40xi32, #tpu.memory_space<hbm>>
    %dma_wait3A_685 = tpu.memref_squeeze %dma_wait3A_684 : memref<1x1x40xi32, #tpu.memory_space<hbm>> -> memref<40xi32, #tpu.memory_space<hbm>>
    tpu.wait_dma2 semaphore(%arg23 : memref<!tpu.dma_semaphore, #tpu.memory_space<semaphore_mem>>) src(%dma_wait3A_685 : memref<40xi32, #tpu.memory_space<hbm>>) dst(%dma_wait3A_682 : memref<40xi32, #tpu.memory_space<vmem>>)
    %dma_wait3A_686 = arith.constant 0 : i32
    %dma_wait3A_687 = arith.constant 0 : i32
    %dma_wait3A_688 = arith.constant 5 : i32
    %dma_wait3A_689 = arith.constant 0 : i32
    %dma_wait3A_690 = tpu.memref_slice %arg8[%dma_wait3A_688, %dma_wait3A_689] : memref<14x40xi32, #tpu.memory_space<vmem>> -> memref<1x40xi32, #tpu.memory_space<vmem>>
    %dma_wait3A_691 = tpu.memref_squeeze %dma_wait3A_690 : memref<1x40xi32, #tpu.memory_space<vmem>> -> memref<40xi32, #tpu.memory_space<vmem>>
    %dma_wait3A_692 = arith.constant 0 : i32
    %dma_wait3A_693 = tpu.memref_slice %arg4[%dma_wait3A_686, %dma_wait3A_687, %dma_wait3A_692] : memref<16x504x40xi32, #tpu.memory_space<hbm>> -> memref<1x1x40xi32, #tpu.memory_space<hbm>>
    %dma_wait3A_694 = tpu.memref_squeeze %dma_wait3A_693 : memref<1x1x40xi32, #tpu.memory_space<hbm>> -> memref<40xi32, #tpu.memory_space<hbm>>
    %dma_wait3A_695 = arith.constant 0 : i32
    %dma_wait3A_696 = tpu.memref_slice %arg8[%dma_wait3A_688, %dma_wait3A_695] : memref<14x40xi32, #tpu.memory_space<vmem>> -> memref<1x40xi32, #tpu.memory_space<vmem>>
    %dma_wait3A_697 = tpu.memref_squeeze %dma_wait3A_696 : memref<1x40xi32, #tpu.memory_space<vmem>> -> memref<40xi32, #tpu.memory_space<vmem>>
    %dma_wait3A_698 = arith.constant 0 : i32
    %dma_wait3A_699 = tpu.memref_slice %arg4[%dma_wait3A_686, %dma_wait3A_687, %dma_wait3A_698] : memref<16x504x40xi32, #tpu.memory_space<hbm>> -> memref<1x1x40xi32, #tpu.memory_space<hbm>>
    %dma_wait3A_700 = tpu.memref_squeeze %dma_wait3A_699 : memref<1x1x40xi32, #tpu.memory_space<hbm>> -> memref<40xi32, #tpu.memory_space<hbm>>
    tpu.wait_dma2 semaphore(%arg23 : memref<!tpu.dma_semaphore, #tpu.memory_space<semaphore_mem>>) src(%dma_wait3A_700 : memref<40xi32, #tpu.memory_space<hbm>>) dst(%dma_wait3A_697 : memref<40xi32, #tpu.memory_space<vmem>>)
    %dma_start3A_701 = arith.constant 5 : i32
    %dma_start3A_702 = arith.constant 5 : i32
    %dma_start3A_703 = arith.constant 0 : i32
    %dma_start3A_704 = arith.constant 0 : i32
    %dma_start3A_705 = tpu.memref_slice %arg9[%dma_start3A_702, %dma_start3A_703, %dma_start3A_704] : memref<7x40x128xf32, #tpu.memory_space<vmem>> -> memref<1x40x128xf32, #tpu.memory_space<vmem>>
    %dma_start3A_706 = tpu.memref_squeeze %dma_start3A_705 : memref<1x40x128xf32, #tpu.memory_space<vmem>> -> memref<40x128xf32, #tpu.memory_space<vmem>>
    %dma_start3A_707 = arith.constant 0 : i32
    %dma_start3A_708 = tpu.memref_slice %arg7[%dma_start3A_701, %dma_start3A_707] : memref<14x40xi32, #tpu.memory_space<vmem>> -> memref<1x40xi32, #tpu.memory_space<vmem>>
    %dma_start3A_709 = tpu.memref_squeeze %dma_start3A_708 : memref<1x40xi32, #tpu.memory_space<vmem>> -> memref<40xi32, #tpu.memory_space<vmem>>
    %dma_start3A_710 = arith.constant 0 : i32
    %dma_start3A_711 = arith.constant 0 : i32
    %dma_start3A_712 = tpu.memref_slice %arg2[%dma_start3A_710, %dma_start3A_711] : memref<20480x128xf32, #tpu.memory_space<hbm>> -> memref<20480x128xf32, #tpu.memory_space<hbm>>
    tpu.enqueue_indirect_dma source(%dma_start3A_712 : memref<20480x128xf32, #tpu.memory_space<hbm>>) target(%dma_start3A_706 : memref<40x128xf32, #tpu.memory_space<vmem>>) offsets(%dma_start3A_709 : memref<40xi32, #tpu.memory_space<vmem>>) semaphore(%arg16 : memref<!tpu.dma_semaphore, #tpu.memory_space<semaphore_mem>>)
    %dma_wait3A_713 = arith.constant 0 : i32
    %dma_wait3A_714 = arith.constant 0 : i32
    %dma_wait3A_715 = arith.constant 6 : i32
    %dma_wait3A_716 = arith.constant 0 : i32
    %dma_wait3A_717 = tpu.memref_slice %arg7[%dma_wait3A_715, %dma_wait3A_716] : memref<14x40xi32, #tpu.memory_space<vmem>> -> memref<1x40xi32, #tpu.memory_space<vmem>>
    %dma_wait3A_718 = tpu.memref_squeeze %dma_wait3A_717 : memref<1x40xi32, #tpu.memory_space<vmem>> -> memref<40xi32, #tpu.memory_space<vmem>>
    %dma_wait3A_719 = arith.constant 0 : i32
    %dma_wait3A_720 = tpu.memref_slice %arg4[%dma_wait3A_713, %dma_wait3A_714, %dma_wait3A_719] : memref<16x504x40xi32, #tpu.memory_space<hbm>> -> memref<1x1x40xi32, #tpu.memory_space<hbm>>
    %dma_wait3A_721 = tpu.memref_squeeze %dma_wait3A_720 : memref<1x1x40xi32, #tpu.memory_space<hbm>> -> memref<40xi32, #tpu.memory_space<hbm>>
    %dma_wait3A_722 = arith.constant 0 : i32
    %dma_wait3A_723 = tpu.memref_slice %arg7[%dma_wait3A_715, %dma_wait3A_722] : memref<14x40xi32, #tpu.memory_space<vmem>> -> memref<1x40xi32, #tpu.memory_space<vmem>>
    %dma_wait3A_724 = tpu.memref_squeeze %dma_wait3A_723 : memref<1x40xi32, #tpu.memory_space<vmem>> -> memref<40xi32, #tpu.memory_space<vmem>>
    %dma_wait3A_725 = arith.constant 0 : i32
    %dma_wait3A_726 = tpu.memref_slice %arg4[%dma_wait3A_713, %dma_wait3A_714, %dma_wait3A_725] : memref<16x504x40xi32, #tpu.memory_space<hbm>> -> memref<1x1x40xi32, #tpu.memory_space<hbm>>
    %dma_wait3A_727 = tpu.memref_squeeze %dma_wait3A_726 : memref<1x1x40xi32, #tpu.memory_space<hbm>> -> memref<40xi32, #tpu.memory_space<hbm>>
    tpu.wait_dma2 semaphore(%arg24 : memref<!tpu.dma_semaphore, #tpu.memory_space<semaphore_mem>>) src(%dma_wait3A_727 : memref<40xi32, #tpu.memory_space<hbm>>) dst(%dma_wait3A_724 : memref<40xi32, #tpu.memory_space<vmem>>)
    %dma_wait3A_728 = arith.constant 0 : i32
    %dma_wait3A_729 = arith.constant 0 : i32
    %dma_wait3A_730 = arith.constant 6 : i32
    %dma_wait3A_731 = arith.constant 0 : i32
    %dma_wait3A_732 = tpu.memref_slice %arg8[%dma_wait3A_730, %dma_wait3A_731] : memref<14x40xi32, #tpu.memory_space<vmem>> -> memref<1x40xi32, #tpu.memory_space<vmem>>
    %dma_wait3A_733 = tpu.memref_squeeze %dma_wait3A_732 : memref<1x40xi32, #tpu.memory_space<vmem>> -> memref<40xi32, #tpu.memory_space<vmem>>
    %dma_wait3A_734 = arith.constant 0 : i32
    %dma_wait3A_735 = tpu.memref_slice %arg4[%dma_wait3A_728, %dma_wait3A_729, %dma_wait3A_734] : memref<16x504x40xi32, #tpu.memory_space<hbm>> -> memref<1x1x40xi32, #tpu.memory_space<hbm>>
    %dma_wait3A_736 = tpu.memref_squeeze %dma_wait3A_735 : memref<1x1x40xi32, #tpu.memory_space<hbm>> -> memref<40xi32, #tpu.memory_space<hbm>>
    %dma_wait3A_737 = arith.constant 0 : i32
    %dma_wait3A_738 = tpu.memref_slice %arg8[%dma_wait3A_730, %dma_wait3A_737] : memref<14x40xi32, #tpu.memory_space<vmem>> -> memref<1x40xi32, #tpu.memory_space<vmem>>
    %dma_wait3A_739 = tpu.memref_squeeze %dma_wait3A_738 : memref<1x40xi32, #tpu.memory_space<vmem>> -> memref<40xi32, #tpu.memory_space<vmem>>
    %dma_wait3A_740 = arith.constant 0 : i32
    %dma_wait3A_741 = tpu.memref_slice %arg4[%dma_wait3A_728, %dma_wait3A_729, %dma_wait3A_740] : memref<16x504x40xi32, #tpu.memory_space<hbm>> -> memref<1x1x40xi32, #tpu.memory_space<hbm>>
    %dma_wait3A_742 = tpu.memref_squeeze %dma_wait3A_741 : memref<1x1x40xi32, #tpu.memory_space<hbm>> -> memref<40xi32, #tpu.memory_space<hbm>>
    tpu.wait_dma2 semaphore(%arg24 : memref<!tpu.dma_semaphore, #tpu.memory_space<semaphore_mem>>) src(%dma_wait3A_742 : memref<40xi32, #tpu.memory_space<hbm>>) dst(%dma_wait3A_739 : memref<40xi32, #tpu.memory_space<vmem>>)
    %dma_start3A_743 = arith.constant 6 : i32
    %dma_start3A_744 = arith.constant 6 : i32
    %dma_start3A_745 = arith.constant 0 : i32
    %dma_start3A_746 = arith.constant 0 : i32
    %dma_start3A_747 = tpu.memref_slice %arg9[%dma_start3A_744, %dma_start3A_745, %dma_start3A_746] : memref<7x40x128xf32, #tpu.memory_space<vmem>> -> memref<1x40x128xf32, #tpu.memory_space<vmem>>
    %dma_start3A_748 = tpu.memref_squeeze %dma_start3A_747 : memref<1x40x128xf32, #tpu.memory_space<vmem>> -> memref<40x128xf32, #tpu.memory_space<vmem>>
    %dma_start3A_749 = arith.constant 0 : i32
    %dma_start3A_750 = tpu.memref_slice %arg7[%dma_start3A_743, %dma_start3A_749] : memref<14x40xi32, #tpu.memory_space<vmem>> -> memref<1x40xi32, #tpu.memory_space<vmem>>
    %dma_start3A_751 = tpu.memref_squeeze %dma_start3A_750 : memref<1x40xi32, #tpu.memory_space<vmem>> -> memref<40xi32, #tpu.memory_space<vmem>>
    %dma_start3A_752 = arith.constant 0 : i32
    %dma_start3A_753 = arith.constant 0 : i32
    %dma_start3A_754 = tpu.memref_slice %arg2[%dma_start3A_752, %dma_start3A_753] : memref<20480x128xf32, #tpu.memory_space<hbm>> -> memref<20480x128xf32, #tpu.memory_space<hbm>>
    tpu.enqueue_indirect_dma source(%dma_start3A_754 : memref<20480x128xf32, #tpu.memory_space<hbm>>) target(%dma_start3A_748 : memref<40x128xf32, #tpu.memory_space<vmem>>) offsets(%dma_start3A_751 : memref<40xi32, #tpu.memory_space<vmem>>) semaphore(%arg17 : memref<!tpu.dma_semaphore, #tpu.memory_space<semaphore_mem>>)
    %scan3A_755 = arith.constant 0 : i32
    %scan3A_756 = arith.constant 0 : i32
    %scan3A_757 = arith.constant 36 : i32
    %scan3A_758 = arith.addi %scan3A_756, %scan3A_757 : i32
    %scan3A_759 = arith.constant 1 : i32
    %scan3A_760 = scf.for %scan3A_767 = %scan3A_756 to %scan3A_758 step %scan3A_759 iter_args(%scan3A_768 = %scan3A_755) -> (i32)  : i32 {
      %mul3A_769 = arith.constant 14 : i32
      %mul3A_770 = arith.muli %scan3A_767, %mul3A_769 : i32
      %add3A_771 = arith.constant 0 : i32
      %add3A_772 = arith.addi %mul3A_770, %add3A_771 : i32
      %dma_wait3A_773 = arith.constant 0 : i32
      %dma_wait3A_774 = arith.constant 0 : i32
      %dma_wait3A_775 = arith.constant 0 : i32
      %dma_wait3A_776 = tpu.memref_slice %arg9[%dma_wait3A_773, %dma_wait3A_774, %dma_wait3A_775] : memref<7x40x128xf32, #tpu.memory_space<vmem>> -> memref<1x40x128xf32, #tpu.memory_space<vmem>>
      %dma_wait3A_777 = tpu.memref_squeeze %dma_wait3A_776 : memref<1x40x128xf32, #tpu.memory_space<vmem>> -> memref<40x128xf32, #tpu.memory_space<vmem>>
      %dma_wait3A_778 = arith.constant 0 : i32
      %dma_wait3A_779 = arith.constant 0 : i32
      %dma_wait3A_780 = tpu.memref_slice %arg2[%dma_wait3A_778, %dma_wait3A_779] : memref<20480x128xf32, #tpu.memory_space<hbm>> -> memref<40x128xf32, #tpu.memory_space<hbm>>
      %dma_wait3A_781 = arith.constant 0 : i32
      %dma_wait3A_782 = arith.constant 0 : i32
      %dma_wait3A_783 = tpu.memref_slice %arg9[%dma_wait3A_773, %dma_wait3A_781, %dma_wait3A_782] : memref<7x40x128xf32, #tpu.memory_space<vmem>> -> memref<1x40x128xf32, #tpu.memory_space<vmem>>
      %dma_wait3A_784 = tpu.memref_squeeze %dma_wait3A_783 : memref<1x40x128xf32, #tpu.memory_space<vmem>> -> memref<40x128xf32, #tpu.memory_space<vmem>>
      %dma_wait3A_785 = arith.constant 0 : i32
      %dma_wait3A_786 = arith.constant 0 : i32
      %dma_wait3A_787 = tpu.memref_slice %arg2[%dma_wait3A_785, %dma_wait3A_786] : memref<20480x128xf32, #tpu.memory_space<hbm>> -> memref<40x128xf32, #tpu.memory_space<hbm>>
      tpu.wait_dma2 semaphore(%arg11 : memref<!tpu.dma_semaphore, #tpu.memory_space<semaphore_mem>>) src(%dma_wait3A_787 : memref<40x128xf32, #tpu.memory_space<hbm>>) dst(%dma_wait3A_784 : memref<40x128xf32, #tpu.memory_space<vmem>>)
      %run_scoped3A = arith.constant 0 : i32
      %run_scoped3A_788 = arith.constant 0 : i32
      "tpu.region"() ({
        %run_scoped3A_1258 = tpu.sem_alloc : memref<!tpu.dma_semaphore, #tpu.memory_space<semaphore_mem>>
        %dma_start3A_1259 = arith.constant 0 : i32
        %dma_start3A_1260 = arith.constant 0 : i32
        %dma_start3A_1261 = tpu.memref_slice %arg9[%run_scoped3A, %dma_start3A_1259, %dma_start3A_1260] : memref<7x40x128xf32, #tpu.memory_space<vmem>> -> memref<1x40x128xf32, #tpu.memory_space<vmem>>
        %dma_start3A_1262 = tpu.memref_squeeze %dma_start3A_1261 : memref<1x40x128xf32, #tpu.memory_space<vmem>> -> memref<40x128xf32, #tpu.memory_space<vmem>>
        %dma_start3A_1263 = arith.constant 0 : i32
        %dma_start3A_1264 = tpu.memref_slice %arg8[%run_scoped3A_788, %dma_start3A_1263] : memref<14x40xi32, #tpu.memory_space<vmem>> -> memref<1x40xi32, #tpu.memory_space<vmem>>
        %dma_start3A_1265 = tpu.memref_squeeze %dma_start3A_1264 : memref<1x40xi32, #tpu.memory_space<vmem>> -> memref<40xi32, #tpu.memory_space<vmem>>
        %dma_start3A_1266 = arith.constant 0 : i32
        %dma_start3A_1267 = arith.constant 0 : i32
        %dma_start3A_1268 = tpu.memref_slice %arg10[%dma_start3A_1266, %dma_start3A_1267] : memref<10248x128xf32, #tpu.memory_space<vmem_shared>> -> memref<10248x128xf32, #tpu.memory_space<vmem_shared>>
        tpu.enqueue_indirect_dma source(%dma_start3A_1262 : memref<40x128xf32, #tpu.memory_space<vmem>>) target(%dma_start3A_1268 : memref<10248x128xf32, #tpu.memory_space<vmem_shared>>) offsets(%dma_start3A_1265 : memref<40xi32, #tpu.memory_space<vmem>>) semaphore(%run_scoped3A_1258 : memref<!tpu.dma_semaphore, #tpu.memory_space<semaphore_mem>>) {add = true}
        %dma_wait3A_1269 = arith.constant 0 : i32
        %dma_wait3A_1270 = arith.constant 0 : i32
        %dma_wait3A_1271 = tpu.memref_slice %arg9[%run_scoped3A, %dma_wait3A_1269, %dma_wait3A_1270] : memref<7x40x128xf32, #tpu.memory_space<vmem>> -> memref<1x40x128xf32, #tpu.memory_space<vmem>>
        %dma_wait3A_1272 = tpu.memref_squeeze %dma_wait3A_1271 : memref<1x40x128xf32, #tpu.memory_space<vmem>> -> memref<40x128xf32, #tpu.memory_space<vmem>>
        %dma_wait3A_1273 = arith.constant 0 : i32
        %dma_wait3A_1274 = tpu.memref_slice %arg8[%run_scoped3A_788, %dma_wait3A_1273] : memref<14x40xi32, #tpu.memory_space<vmem>> -> memref<1x40xi32, #tpu.memory_space<vmem>>
        %dma_wait3A_1275 = tpu.memref_squeeze %dma_wait3A_1274 : memref<1x40xi32, #tpu.memory_space<vmem>> -> memref<40xi32, #tpu.memory_space<vmem>>
        %dma_wait3A_1276 = arith.constant 0 : i32
        %dma_wait3A_1277 = arith.constant 0 : i32
        %dma_wait3A_1278 = tpu.memref_slice %arg10[%dma_wait3A_1276, %dma_wait3A_1277] : memref<10248x128xf32, #tpu.memory_space<vmem_shared>> -> memref<10248x128xf32, #tpu.memory_space<vmem_shared>>
        tpu.wait_indirect_dma semaphore(%run_scoped3A_1258 : memref<!tpu.dma_semaphore, #tpu.memory_space<semaphore_mem>>) src(%dma_wait3A_1272 : memref<40x128xf32, #tpu.memory_space<vmem>>) dst(%dma_wait3A_1278 : memref<10248x128xf32, #tpu.memory_space<vmem_shared>>)
        tpu.yield
      }) : () -> ()
      %add3A_789 = arith.constant 14 : i32
      %add3A_790 = arith.addi %add3A_772, %add3A_789 : i32
      %lt3A = arith.constant 504 : i32
      %lt3A_791 = arith.cmpi slt, %add3A_790, %lt3A : i32
      %convert_element_type3A_792 = arith.extui %lt3A_791 : i1 to i32
      %cond3A_793 = arith.constant 0 : i32
      %cond3A_794 = arith.cmpi ne, %convert_element_type3A_792, %cond3A_793 : i32
      scf.if %cond3A_794 {
        %add3A_1258 = arith.constant 14 : i32
        %add3A_1259 = arith.addi %add3A_772, %add3A_1258 : i32
        %dma_start3A_1260 = arith.constant 0 : i32
        %dma_start3A_1261 = arith.constant 0 : i32
        %dma_start3A_1262 = tpu.memref_slice %arg7[%dma_start3A_1260, %dma_start3A_1261] : memref<14x40xi32, #tpu.memory_space<vmem>> -> memref<1x40xi32, #tpu.memory_space<vmem>>
        %dma_start3A_1263 = tpu.memref_squeeze %dma_start3A_1262 : memref<1x40xi32, #tpu.memory_space<vmem>> -> memref<40xi32, #tpu.memory_space<vmem>>
        %dma_start3A_1264 = arith.constant 0 : i32
        %dma_start3A_1265 = tpu.memref_slice %arg3[%arg0, %arg1, %add3A_1259, %dma_start3A_1264] : memref<2x16x504x40xi32, #tpu.memory_space<hbm>> -> memref<1x1x1x40xi32, #tpu.memory_space<hbm>>
        %dma_start3A_1266 = tpu.memref_squeeze %dma_start3A_1265 : memref<1x1x1x40xi32, #tpu.memory_space<hbm>> -> memref<40xi32, #tpu.memory_space<hbm>>
        %dma_start3A_1267 = arith.constant 0 : i32
        %dma_start3A_1268 = tpu.memref_slice %arg7[%dma_start3A_1260, %dma_start3A_1267] : memref<14x40xi32, #tpu.memory_space<vmem>> -> memref<1x40xi32, #tpu.memory_space<vmem>>
        %dma_start3A_1269 = tpu.memref_squeeze %dma_start3A_1268 : memref<1x40xi32, #tpu.memory_space<vmem>> -> memref<40xi32, #tpu.memory_space<vmem>>
        %dma_start3A_1270 = arith.constant 0 : i32
        %dma_start3A_1271 = tpu.memref_slice %arg3[%arg0, %arg1, %add3A_1259, %dma_start3A_1270] : memref<2x16x504x40xi32, #tpu.memory_space<hbm>> -> memref<1x1x1x40xi32, #tpu.memory_space<hbm>>
        %dma_start3A_1272 = tpu.memref_squeeze %dma_start3A_1271 : memref<1x1x1x40xi32, #tpu.memory_space<hbm>> -> memref<40xi32, #tpu.memory_space<hbm>>
        tpu.enqueue_dma source(%dma_start3A_1272 : memref<40xi32, #tpu.memory_space<hbm>>) target(%dma_start3A_1269 : memref<40xi32, #tpu.memory_space<vmem>>) target_semaphore(%arg18 : memref<!tpu.dma_semaphore, #tpu.memory_space<semaphore_mem>>)
        %dma_start3A_1273 = arith.constant 0 : i32
        %dma_start3A_1274 = arith.constant 0 : i32
        %dma_start3A_1275 = tpu.memref_slice %arg8[%dma_start3A_1273, %dma_start3A_1274] : memref<14x40xi32, #tpu.memory_space<vmem>> -> memref<1x40xi32, #tpu.memory_space<vmem>>
        %dma_start3A_1276 = tpu.memref_squeeze %dma_start3A_1275 : memref<1x40xi32, #tpu.memory_space<vmem>> -> memref<40xi32, #tpu.memory_space<vmem>>
        %dma_start3A_1277 = arith.constant 0 : i32
        %dma_start3A_1278 = tpu.memref_slice %arg4[%arg1, %add3A_1259, %dma_start3A_1277] : memref<16x504x40xi32, #tpu.memory_space<hbm>> -> memref<1x1x40xi32, #tpu.memory_space<hbm>>
        %dma_start3A_1279 = tpu.memref_squeeze %dma_start3A_1278 : memref<1x1x40xi32, #tpu.memory_space<hbm>> -> memref<40xi32, #tpu.memory_space<hbm>>
        %dma_start3A_1280 = arith.constant 0 : i32
        %dma_start3A_1281 = tpu.memref_slice %arg8[%dma_start3A_1273, %dma_start3A_1280] : memref<14x40xi32, #tpu.memory_space<vmem>> -> memref<1x40xi32, #tpu.memory_space<vmem>>
        %dma_start3A_1282 = tpu.memref_squeeze %dma_start3A_1281 : memref<1x40xi32, #tpu.memory_space<vmem>> -> memref<40xi32, #tpu.memory_space<vmem>>
        %dma_start3A_1283 = arith.constant 0 : i32
        %dma_start3A_1284 = tpu.memref_slice %arg4[%arg1, %add3A_1259, %dma_start3A_1283] : memref<16x504x40xi32, #tpu.memory_space<hbm>> -> memref<1x1x40xi32, #tpu.memory_space<hbm>>
        %dma_start3A_1285 = tpu.memref_squeeze %dma_start3A_1284 : memref<1x1x40xi32, #tpu.memory_space<hbm>> -> memref<40xi32, #tpu.memory_space<hbm>>
        tpu.enqueue_dma source(%dma_start3A_1285 : memref<40xi32, #tpu.memory_space<hbm>>) target(%dma_start3A_1282 : memref<40xi32, #tpu.memory_space<vmem>>) target_semaphore(%arg18 : memref<!tpu.dma_semaphore, #tpu.memory_space<semaphore_mem>>)
      } else {
      }
      %add3A_795 = arith.constant 7 : i32
      %add3A_796 = arith.addi %add3A_772, %add3A_795 : i32
      %lt3A_797 = arith.constant 504 : i32
      %lt3A_798 = arith.cmpi slt, %add3A_796, %lt3A_797 : i32
      %convert_element_type3A_799 = arith.extui %lt3A_798 : i1 to i32
      %cond3A_800 = arith.constant 0 : i32
      %cond3A_801 = arith.cmpi ne, %convert_element_type3A_799, %cond3A_800 : i32
      scf.if %cond3A_801 {
        %dma_wait3A_1258 = arith.constant 0 : i32
        %dma_wait3A_1259 = arith.constant 0 : i32
        %dma_wait3A_1260 = arith.constant 7 : i32
        %dma_wait3A_1261 = arith.constant 0 : i32
        %dma_wait3A_1262 = tpu.memref_slice %arg7[%dma_wait3A_1260, %dma_wait3A_1261] : memref<14x40xi32, #tpu.memory_space<vmem>> -> memref<1x40xi32, #tpu.memory_space<vmem>>
        %dma_wait3A_1263 = tpu.memref_squeeze %dma_wait3A_1262 : memref<1x40xi32, #tpu.memory_space<vmem>> -> memref<40xi32, #tpu.memory_space<vmem>>
        %dma_wait3A_1264 = arith.constant 0 : i32
        %dma_wait3A_1265 = tpu.memref_slice %arg4[%dma_wait3A_1258, %dma_wait3A_1259, %dma_wait3A_1264] : memref<16x504x40xi32, #tpu.memory_space<hbm>> -> memref<1x1x40xi32, #tpu.memory_space<hbm>>
        %dma_wait3A_1266 = tpu.memref_squeeze %dma_wait3A_1265 : memref<1x1x40xi32, #tpu.memory_space<hbm>> -> memref<40xi32, #tpu.memory_space<hbm>>
        %dma_wait3A_1267 = arith.constant 0 : i32
        %dma_wait3A_1268 = tpu.memref_slice %arg7[%dma_wait3A_1260, %dma_wait3A_1267] : memref<14x40xi32, #tpu.memory_space<vmem>> -> memref<1x40xi32, #tpu.memory_space<vmem>>
        %dma_wait3A_1269 = tpu.memref_squeeze %dma_wait3A_1268 : memref<1x40xi32, #tpu.memory_space<vmem>> -> memref<40xi32, #tpu.memory_space<vmem>>
        %dma_wait3A_1270 = arith.constant 0 : i32
        %dma_wait3A_1271 = tpu.memref_slice %arg4[%dma_wait3A_1258, %dma_wait3A_1259, %dma_wait3A_1270] : memref<16x504x40xi32, #tpu.memory_space<hbm>> -> memref<1x1x40xi32, #tpu.memory_space<hbm>>
        %dma_wait3A_1272 = tpu.memref_squeeze %dma_wait3A_1271 : memref<1x1x40xi32, #tpu.memory_space<hbm>> -> memref<40xi32, #tpu.memory_space<hbm>>
        tpu.wait_dma2 semaphore(%arg25 : memref<!tpu.dma_semaphore, #tpu.memory_space<semaphore_mem>>) src(%dma_wait3A_1272 : memref<40xi32, #tpu.memory_space<hbm>>) dst(%dma_wait3A_1269 : memref<40xi32, #tpu.memory_space<vmem>>)
        %dma_wait3A_1273 = arith.constant 0 : i32
        %dma_wait3A_1274 = arith.constant 0 : i32
        %dma_wait3A_1275 = arith.constant 7 : i32
        %dma_wait3A_1276 = arith.constant 0 : i32
        %dma_wait3A_1277 = tpu.memref_slice %arg8[%dma_wait3A_1275, %dma_wait3A_1276] : memref<14x40xi32, #tpu.memory_space<vmem>> -> memref<1x40xi32, #tpu.memory_space<vmem>>
        %dma_wait3A_1278 = tpu.memref_squeeze %dma_wait3A_1277 : memref<1x40xi32, #tpu.memory_space<vmem>> -> memref<40xi32, #tpu.memory_space<vmem>>
        %dma_wait3A_1279 = arith.constant 0 : i32
        %dma_wait3A_1280 = tpu.memref_slice %arg4[%dma_wait3A_1273, %dma_wait3A_1274, %dma_wait3A_1279] : memref<16x504x40xi32, #tpu.memory_space<hbm>> -> memref<1x1x40xi32, #tpu.memory_space<hbm>>
        %dma_wait3A_1281 = tpu.memref_squeeze %dma_wait3A_1280 : memref<1x1x40xi32, #tpu.memory_space<hbm>> -> memref<40xi32, #tpu.memory_space<hbm>>
        %dma_wait3A_1282 = arith.constant 0 : i32
        %dma_wait3A_1283 = tpu.memref_slice %arg8[%dma_wait3A_1275, %dma_wait3A_1282] : memref<14x40xi32, #tpu.memory_space<vmem>> -> memref<1x40xi32, #tpu.memory_space<vmem>>
        %dma_wait3A_1284 = tpu.memref_squeeze %dma_wait3A_1283 : memref<1x40xi32, #tpu.memory_space<vmem>> -> memref<40xi32, #tpu.memory_space<vmem>>
        %dma_wait3A_1285 = arith.constant 0 : i32
        %dma_wait3A_1286 = tpu.memref_slice %arg4[%dma_wait3A_1273, %dma_wait3A_1274, %dma_wait3A_1285] : memref<16x504x40xi32, #tpu.memory_space<hbm>> -> memref<1x1x40xi32, #tpu.memory_space<hbm>>
        %dma_wait3A_1287 = tpu.memref_squeeze %dma_wait3A_1286 : memref<1x1x40xi32, #tpu.memory_space<hbm>> -> memref<40xi32, #tpu.memory_space<hbm>>
        tpu.wait_dma2 semaphore(%arg25 : memref<!tpu.dma_semaphore, #tpu.memory_space<semaphore_mem>>) src(%dma_wait3A_1287 : memref<40xi32, #tpu.memory_space<hbm>>) dst(%dma_wait3A_1284 : memref<40xi32, #tpu.memory_space<vmem>>)
        %add3A_1288 = arith.constant 7 : i32
        %add3A_1289 = arith.addi %add3A_772, %add3A_1288 : i32
        %dma_start3A_1290 = arith.constant 7 : i32
        %dma_start3A_1291 = arith.constant 0 : i32
        %dma_start3A_1292 = arith.constant 0 : i32
        %dma_start3A_1293 = arith.constant 0 : i32
        %dma_start3A_1294 = tpu.memref_slice %arg9[%dma_start3A_1291, %dma_start3A_1292, %dma_start3A_1293] : memref<7x40x128xf32, #tpu.memory_space<vmem>> -> memref<1x40x128xf32, #tpu.memory_space<vmem>>
        %dma_start3A_1295 = tpu.memref_squeeze %dma_start3A_1294 : memref<1x40x128xf32, #tpu.memory_space<vmem>> -> memref<40x128xf32, #tpu.memory_space<vmem>>
        %dma_start3A_1296 = arith.constant 0 : i32
        %dma_start3A_1297 = tpu.memref_slice %arg7[%dma_start3A_1290, %dma_start3A_1296] : memref<14x40xi32, #tpu.memory_space<vmem>> -> memref<1x40xi32, #tpu.memory_space<vmem>>
        %dma_start3A_1298 = tpu.memref_squeeze %dma_start3A_1297 : memref<1x40xi32, #tpu.memory_space<vmem>> -> memref<40xi32, #tpu.memory_space<vmem>>
        %dma_start3A_1299 = arith.constant 0 : i32
        %dma_start3A_1300 = arith.constant 0 : i32
        %dma_start3A_1301 = tpu.memref_slice %arg2[%dma_start3A_1299, %dma_start3A_1300] : memref<20480x128xf32, #tpu.memory_space<hbm>> -> memref<20480x128xf32, #tpu.memory_space<hbm>>
        tpu.enqueue_indirect_dma source(%dma_start3A_1301 : memref<20480x128xf32, #tpu.memory_space<hbm>>) target(%dma_start3A_1295 : memref<40x128xf32, #tpu.memory_space<vmem>>) offsets(%dma_start3A_1298 : memref<40xi32, #tpu.memory_space<vmem>>) semaphore(%arg11 : memref<!tpu.dma_semaphore, #tpu.memory_space<semaphore_mem>>)
      } else {
      }
      %mul3A_802 = arith.constant 14 : i32
      %mul3A_803 = arith.muli %scan3A_767, %mul3A_802 : i32
      %add3A_804 = arith.constant 1 : i32
      %add3A_805 = arith.addi %mul3A_803, %add3A_804 : i32
      %dma_wait3A_806 = arith.constant 1 : i32
      %dma_wait3A_807 = arith.constant 0 : i32
      %dma_wait3A_808 = arith.constant 0 : i32
      %dma_wait3A_809 = tpu.memref_slice %arg9[%dma_wait3A_806, %dma_wait3A_807, %dma_wait3A_808] : memref<7x40x128xf32, #tpu.memory_space<vmem>> -> memref<1x40x128xf32, #tpu.memory_space<vmem>>
      %dma_wait3A_810 = tpu.memref_squeeze %dma_wait3A_809 : memref<1x40x128xf32, #tpu.memory_space<vmem>> -> memref<40x128xf32, #tpu.memory_space<vmem>>
      %dma_wait3A_811 = arith.constant 0 : i32
      %dma_wait3A_812 = arith.constant 0 : i32
      %dma_wait3A_813 = tpu.memref_slice %arg2[%dma_wait3A_811, %dma_wait3A_812] : memref<20480x128xf32, #tpu.memory_space<hbm>> -> memref<40x128xf32, #tpu.memory_space<hbm>>
      %dma_wait3A_814 = arith.constant 0 : i32
      %dma_wait3A_815 = arith.constant 0 : i32
      %dma_wait3A_816 = tpu.memref_slice %arg9[%dma_wait3A_806, %dma_wait3A_814, %dma_wait3A_815] : memref<7x40x128xf32, #tpu.memory_space<vmem>> -> memref<1x40x128xf32, #tpu.memory_space<vmem>>
      %dma_wait3A_817 = tpu.memref_squeeze %dma_wait3A_816 : memref<1x40x128xf32, #tpu.memory_space<vmem>> -> memref<40x128xf32, #tpu.memory_space<vmem>>
      %dma_wait3A_818 = arith.constant 0 : i32
      %dma_wait3A_819 = arith.constant 0 : i32
      %dma_wait3A_820 = tpu.memref_slice %arg2[%dma_wait3A_818, %dma_wait3A_819] : memref<20480x128xf32, #tpu.memory_space<hbm>> -> memref<40x128xf32, #tpu.memory_space<hbm>>
      tpu.wait_dma2 semaphore(%arg12 : memref<!tpu.dma_semaphore, #tpu.memory_space<semaphore_mem>>) src(%dma_wait3A_820 : memref<40x128xf32, #tpu.memory_space<hbm>>) dst(%dma_wait3A_817 : memref<40x128xf32, #tpu.memory_space<vmem>>)
      %run_scoped3A_821 = arith.constant 1 : i32
      %run_scoped3A_822 = arith.constant 1 : i32
      "tpu.region"() ({
        %run_scoped3A_1258 = tpu.sem_alloc : memref<!tpu.dma_semaphore, #tpu.memory_space<semaphore_mem>>
        %dma_start3A_1259 = arith.constant 0 : i32
        %dma_start3A_1260 = arith.constant 0 : i32
        %dma_start3A_1261 = tpu.memref_slice %arg9[%run_scoped3A_821, %dma_start3A_1259, %dma_start3A_1260] : memref<7x40x128xf32, #tpu.memory_space<vmem>> -> memref<1x40x128xf32, #tpu.memory_space<vmem>>
        %dma_start3A_1262 = tpu.memref_squeeze %dma_start3A_1261 : memref<1x40x128xf32, #tpu.memory_space<vmem>> -> memref<40x128xf32, #tpu.memory_space<vmem>>
        %dma_start3A_1263 = arith.constant 0 : i32
        %dma_start3A_1264 = tpu.memref_slice %arg8[%run_scoped3A_822, %dma_start3A_1263] : memref<14x40xi32, #tpu.memory_space<vmem>> -> memref<1x40xi32, #tpu.memory_space<vmem>>
        %dma_start3A_1265 = tpu.memref_squeeze %dma_start3A_1264 : memref<1x40xi32, #tpu.memory_space<vmem>> -> memref<40xi32, #tpu.memory_space<vmem>>
        %dma_start3A_1266 = arith.constant 0 : i32
        %dma_start3A_1267 = arith.constant 0 : i32
        %dma_start3A_1268 = tpu.memref_slice %arg10[%dma_start3A_1266, %dma_start3A_1267] : memref<10248x128xf32, #tpu.memory_space<vmem_shared>> -> memref<10248x128xf32, #tpu.memory_space<vmem_shared>>
        tpu.enqueue_indirect_dma source(%dma_start3A_1262 : memref<40x128xf32, #tpu.memory_space<vmem>>) target(%dma_start3A_1268 : memref<10248x128xf32, #tpu.memory_space<vmem_shared>>) offsets(%dma_start3A_1265 : memref<40xi32, #tpu.memory_space<vmem>>) semaphore(%run_scoped3A_1258 : memref<!tpu.dma_semaphore, #tpu.memory_space<semaphore_mem>>) {add = true}
        %dma_wait3A_1269 = arith.constant 0 : i32
        %dma_wait3A_1270 = arith.constant 0 : i32
        %dma_wait3A_1271 = tpu.memref_slice %arg9[%run_scoped3A_821, %dma_wait3A_1269, %dma_wait3A_1270] : memref<7x40x128xf32, #tpu.memory_space<vmem>> -> memref<1x40x128xf32, #tpu.memory_space<vmem>>
        %dma_wait3A_1272 = tpu.memref_squeeze %dma_wait3A_1271 : memref<1x40x128xf32, #tpu.memory_space<vmem>> -> memref<40x128xf32, #tpu.memory_space<vmem>>
        %dma_wait3A_1273 = arith.constant 0 : i32
        %dma_wait3A_1274 = tpu.memref_slice %arg8[%run_scoped3A_822, %dma_wait3A_1273] : memref<14x40xi32, #tpu.memory_space<vmem>> -> memref<1x40xi32, #tpu.memory_space<vmem>>
        %dma_wait3A_1275 = tpu.memref_squeeze %dma_wait3A_1274 : memref<1x40xi32, #tpu.memory_space<vmem>> -> memref<40xi32, #tpu.memory_space<vmem>>
        %dma_wait3A_1276 = arith.constant 0 : i32
        %dma_wait3A_1277 = arith.constant 0 : i32
        %dma_wait3A_1278 = tpu.memref_slice %arg10[%dma_wait3A_1276, %dma_wait3A_1277] : memref<10248x128xf32, #tpu.memory_space<vmem_shared>> -> memref<10248x128xf32, #tpu.memory_space<vmem_shared>>
        tpu.wait_indirect_dma semaphore(%run_scoped3A_1258 : memref<!tpu.dma_semaphore, #tpu.memory_space<semaphore_mem>>) src(%dma_wait3A_1272 : memref<40x128xf32, #tpu.memory_space<vmem>>) dst(%dma_wait3A_1278 : memref<10248x128xf32, #tpu.memory_space<vmem_shared>>)
        tpu.yield
      }) : () -> ()
      %add3A_823 = arith.constant 14 : i32
      %add3A_824 = arith.addi %add3A_805, %add3A_823 : i32
      %lt3A_825 = arith.constant 504 : i32
      %lt3A_826 = arith.cmpi slt, %add3A_824, %lt3A_825 : i32
      %convert_element_type3A_827 = arith.extui %lt3A_826 : i1 to i32
      %cond3A_828 = arith.constant 0 : i32
      %cond3A_829 = arith.cmpi ne, %convert_element_type3A_827, %cond3A_828 : i32
      scf.if %cond3A_829 {
        %add3A_1258 = arith.constant 14 : i32
        %add3A_1259 = arith.addi %add3A_805, %add3A_1258 : i32
        %dma_start3A_1260 = arith.constant 1 : i32
        %dma_start3A_1261 = arith.constant 0 : i32
        %dma_start3A_1262 = tpu.memref_slice %arg7[%dma_start3A_1260, %dma_start3A_1261] : memref<14x40xi32, #tpu.memory_space<vmem>> -> memref<1x40xi32, #tpu.memory_space<vmem>>
        %dma_start3A_1263 = tpu.memref_squeeze %dma_start3A_1262 : memref<1x40xi32, #tpu.memory_space<vmem>> -> memref<40xi32, #tpu.memory_space<vmem>>
        %dma_start3A_1264 = arith.constant 0 : i32
        %dma_start3A_1265 = tpu.memref_slice %arg3[%arg0, %arg1, %add3A_1259, %dma_start3A_1264] : memref<2x16x504x40xi32, #tpu.memory_space<hbm>> -> memref<1x1x1x40xi32, #tpu.memory_space<hbm>>
        %dma_start3A_1266 = tpu.memref_squeeze %dma_start3A_1265 : memref<1x1x1x40xi32, #tpu.memory_space<hbm>> -> memref<40xi32, #tpu.memory_space<hbm>>
        %dma_start3A_1267 = arith.constant 0 : i32
        %dma_start3A_1268 = tpu.memref_slice %arg7[%dma_start3A_1260, %dma_start3A_1267] : memref<14x40xi32, #tpu.memory_space<vmem>> -> memref<1x40xi32, #tpu.memory_space<vmem>>
        %dma_start3A_1269 = tpu.memref_squeeze %dma_start3A_1268 : memref<1x40xi32, #tpu.memory_space<vmem>> -> memref<40xi32, #tpu.memory_space<vmem>>
        %dma_start3A_1270 = arith.constant 0 : i32
        %dma_start3A_1271 = tpu.memref_slice %arg3[%arg0, %arg1, %add3A_1259, %dma_start3A_1270] : memref<2x16x504x40xi32, #tpu.memory_space<hbm>> -> memref<1x1x1x40xi32, #tpu.memory_space<hbm>>
        %dma_start3A_1272 = tpu.memref_squeeze %dma_start3A_1271 : memref<1x1x1x40xi32, #tpu.memory_space<hbm>> -> memref<40xi32, #tpu.memory_space<hbm>>
        tpu.enqueue_dma source(%dma_start3A_1272 : memref<40xi32, #tpu.memory_space<hbm>>) target(%dma_start3A_1269 : memref<40xi32, #tpu.memory_space<vmem>>) target_semaphore(%arg19 : memref<!tpu.dma_semaphore, #tpu.memory_space<semaphore_mem>>)
        %dma_start3A_1273 = arith.constant 1 : i32
        %dma_start3A_1274 = arith.constant 0 : i32
        %dma_start3A_1275 = tpu.memref_slice %arg8[%dma_start3A_1273, %dma_start3A_1274] : memref<14x40xi32, #tpu.memory_space<vmem>> -> memref<1x40xi32, #tpu.memory_space<vmem>>
        %dma_start3A_1276 = tpu.memref_squeeze %dma_start3A_1275 : memref<1x40xi32, #tpu.memory_space<vmem>> -> memref<40xi32, #tpu.memory_space<vmem>>
        %dma_start3A_1277 = arith.constant 0 : i32
        %dma_start3A_1278 = tpu.memref_slice %arg4[%arg1, %add3A_1259, %dma_start3A_1277] : memref<16x504x40xi32, #tpu.memory_space<hbm>> -> memref<1x1x40xi32, #tpu.memory_space<hbm>>
        %dma_start3A_1279 = tpu.memref_squeeze %dma_start3A_1278 : memref<1x1x40xi32, #tpu.memory_space<hbm>> -> memref<40xi32, #tpu.memory_space<hbm>>
        %dma_start3A_1280 = arith.constant 0 : i32
        %dma_start3A_1281 = tpu.memref_slice %arg8[%dma_start3A_1273, %dma_start3A_1280] : memref<14x40xi32, #tpu.memory_space<vmem>> -> memref<1x40xi32, #tpu.memory_space<vmem>>
        %dma_start3A_1282 = tpu.memref_squeeze %dma_start3A_1281 : memref<1x40xi32, #tpu.memory_space<vmem>> -> memref<40xi32, #tpu.memory_space<vmem>>
        %dma_start3A_1283 = arith.constant 0 : i32
        %dma_start3A_1284 = tpu.memref_slice %arg4[%arg1, %add3A_1259, %dma_start3A_1283] : memref<16x504x40xi32, #tpu.memory_space<hbm>> -> memref<1x1x40xi32, #tpu.memory_space<hbm>>
        %dma_start3A_1285 = tpu.memref_squeeze %dma_start3A_1284 : memref<1x1x40xi32, #tpu.memory_space<hbm>> -> memref<40xi32, #tpu.memory_space<hbm>>
        tpu.enqueue_dma source(%dma_start3A_1285 : memref<40xi32, #tpu.memory_space<hbm>>) target(%dma_start3A_1282 : memref<40xi32, #tpu.memory_space<vmem>>) target_semaphore(%arg19 : memref<!tpu.dma_semaphore, #tpu.memory_space<semaphore_mem>>)
      } else {
      }
      %add3A_830 = arith.constant 7 : i32
      %add3A_831 = arith.addi %add3A_805, %add3A_830 : i32
      %lt3A_832 = arith.constant 504 : i32
      %lt3A_833 = arith.cmpi slt, %add3A_831, %lt3A_832 : i32
      %convert_element_type3A_834 = arith.extui %lt3A_833 : i1 to i32
      %cond3A_835 = arith.constant 0 : i32
      %cond3A_836 = arith.cmpi ne, %convert_element_type3A_834, %cond3A_835 : i32
      scf.if %cond3A_836 {
        %dma_wait3A_1258 = arith.constant 0 : i32
        %dma_wait3A_1259 = arith.constant 0 : i32
        %dma_wait3A_1260 = arith.constant 8 : i32
        %dma_wait3A_1261 = arith.constant 0 : i32
        %dma_wait3A_1262 = tpu.memref_slice %arg7[%dma_wait3A_1260, %dma_wait3A_1261] : memref<14x40xi32, #tpu.memory_space<vmem>> -> memref<1x40xi32, #tpu.memory_space<vmem>>
        %dma_wait3A_1263 = tpu.memref_squeeze %dma_wait3A_1262 : memref<1x40xi32, #tpu.memory_space<vmem>> -> memref<40xi32, #tpu.memory_space<vmem>>
        %dma_wait3A_1264 = arith.constant 0 : i32
        %dma_wait3A_1265 = tpu.memref_slice %arg4[%dma_wait3A_1258, %dma_wait3A_1259, %dma_wait3A_1264] : memref<16x504x40xi32, #tpu.memory_space<hbm>> -> memref<1x1x40xi32, #tpu.memory_space<hbm>>
        %dma_wait3A_1266 = tpu.memref_squeeze %dma_wait3A_1265 : memref<1x1x40xi32, #tpu.memory_space<hbm>> -> memref<40xi32, #tpu.memory_space<hbm>>
        %dma_wait3A_1267 = arith.constant 0 : i32
        %dma_wait3A_1268 = tpu.memref_slice %arg7[%dma_wait3A_1260, %dma_wait3A_1267] : memref<14x40xi32, #tpu.memory_space<vmem>> -> memref<1x40xi32, #tpu.memory_space<vmem>>
        %dma_wait3A_1269 = tpu.memref_squeeze %dma_wait3A_1268 : memref<1x40xi32, #tpu.memory_space<vmem>> -> memref<40xi32, #tpu.memory_space<vmem>>
        %dma_wait3A_1270 = arith.constant 0 : i32
        %dma_wait3A_1271 = tpu.memref_slice %arg4[%dma_wait3A_1258, %dma_wait3A_1259, %dma_wait3A_1270] : memref<16x504x40xi32, #tpu.memory_space<hbm>> -> memref<1x1x40xi32, #tpu.memory_space<hbm>>
        %dma_wait3A_1272 = tpu.memref_squeeze %dma_wait3A_1271 : memref<1x1x40xi32, #tpu.memory_space<hbm>> -> memref<40xi32, #tpu.memory_space<hbm>>
        tpu.wait_dma2 semaphore(%arg26 : memref<!tpu.dma_semaphore, #tpu.memory_space<semaphore_mem>>) src(%dma_wait3A_1272 : memref<40xi32, #tpu.memory_space<hbm>>) dst(%dma_wait3A_1269 : memref<40xi32, #tpu.memory_space<vmem>>)
        %dma_wait3A_1273 = arith.constant 0 : i32
        %dma_wait3A_1274 = arith.constant 0 : i32
        %dma_wait3A_1275 = arith.constant 8 : i32
        %dma_wait3A_1276 = arith.constant 0 : i32
        %dma_wait3A_1277 = tpu.memref_slice %arg8[%dma_wait3A_1275, %dma_wait3A_1276] : memref<14x40xi32, #tpu.memory_space<vmem>> -> memref<1x40xi32, #tpu.memory_space<vmem>>
        %dma_wait3A_1278 = tpu.memref_squeeze %dma_wait3A_1277 : memref<1x40xi32, #tpu.memory_space<vmem>> -> memref<40xi32, #tpu.memory_space<vmem>>
        %dma_wait3A_1279 = arith.constant 0 : i32
        %dma_wait3A_1280 = tpu.memref_slice %arg4[%dma_wait3A_1273, %dma_wait3A_1274, %dma_wait3A_1279] : memref<16x504x40xi32, #tpu.memory_space<hbm>> -> memref<1x1x40xi32, #tpu.memory_space<hbm>>
        %dma_wait3A_1281 = tpu.memref_squeeze %dma_wait3A_1280 : memref<1x1x40xi32, #tpu.memory_space<hbm>> -> memref<40xi32, #tpu.memory_space<hbm>>
        %dma_wait3A_1282 = arith.constant 0 : i32
        %dma_wait3A_1283 = tpu.memref_slice %arg8[%dma_wait3A_1275, %dma_wait3A_1282] : memref<14x40xi32, #tpu.memory_space<vmem>> -> memref<1x40xi32, #tpu.memory_space<vmem>>
        %dma_wait3A_1284 = tpu.memref_squeeze %dma_wait3A_1283 : memref<1x40xi32, #tpu.memory_space<vmem>> -> memref<40xi32, #tpu.memory_space<vmem>>
        %dma_wait3A_1285 = arith.constant 0 : i32
        %dma_wait3A_1286 = tpu.memref_slice %arg4[%dma_wait3A_1273, %dma_wait3A_1274, %dma_wait3A_1285] : memref<16x504x40xi32, #tpu.memory_space<hbm>> -> memref<1x1x40xi32, #tpu.memory_space<hbm>>
        %dma_wait3A_1287 = tpu.memref_squeeze %dma_wait3A_1286 : memref<1x1x40xi32, #tpu.memory_space<hbm>> -> memref<40xi32, #tpu.memory_space<hbm>>
        tpu.wait_dma2 semaphore(%arg26 : memref<!tpu.dma_semaphore, #tpu.memory_space<semaphore_mem>>) src(%dma_wait3A_1287 : memref<40xi32, #tpu.memory_space<hbm>>) dst(%dma_wait3A_1284 : memref<40xi32, #tpu.memory_space<vmem>>)
        %add3A_1288 = arith.constant 7 : i32
        %add3A_1289 = arith.addi %add3A_805, %add3A_1288 : i32
        %dma_start3A_1290 = arith.constant 8 : i32
        %dma_start3A_1291 = arith.constant 1 : i32
        %dma_start3A_1292 = arith.constant 0 : i32
        %dma_start3A_1293 = arith.constant 0 : i32
        %dma_start3A_1294 = tpu.memref_slice %arg9[%dma_start3A_1291, %dma_start3A_1292, %dma_start3A_1293] : memref<7x40x128xf32, #tpu.memory_space<vmem>> -> memref<1x40x128xf32, #tpu.memory_space<vmem>>
        %dma_start3A_1295 = tpu.memref_squeeze %dma_start3A_1294 : memref<1x40x128xf32, #tpu.memory_space<vmem>> -> memref<40x128xf32, #tpu.memory_space<vmem>>
        %dma_start3A_1296 = arith.constant 0 : i32
        %dma_start3A_1297 = tpu.memref_slice %arg7[%dma_start3A_1290, %dma_start3A_1296] : memref<14x40xi32, #tpu.memory_space<vmem>> -> memref<1x40xi32, #tpu.memory_space<vmem>>
        %dma_start3A_1298 = tpu.memref_squeeze %dma_start3A_1297 : memref<1x40xi32, #tpu.memory_space<vmem>> -> memref<40xi32, #tpu.memory_space<vmem>>
        %dma_start3A_1299 = arith.constant 0 : i32
        %dma_start3A_1300 = arith.constant 0 : i32
        %dma_start3A_1301 = tpu.memref_slice %arg2[%dma_start3A_1299, %dma_start3A_1300] : memref<20480x128xf32, #tpu.memory_space<hbm>> -> memref<20480x128xf32, #tpu.memory_space<hbm>>
        tpu.enqueue_indirect_dma source(%dma_start3A_1301 : memref<20480x128xf32, #tpu.memory_space<hbm>>) target(%dma_start3A_1295 : memref<40x128xf32, #tpu.memory_space<vmem>>) offsets(%dma_start3A_1298 : memref<40xi32, #tpu.memory_space<vmem>>) semaphore(%arg12 : memref<!tpu.dma_semaphore, #tpu.memory_space<semaphore_mem>>)
      } else {
      }
      %mul3A_837 = arith.constant 14 : i32
      %mul3A_838 = arith.muli %scan3A_767, %mul3A_837 : i32
      %add3A_839 = arith.constant 2 : i32
      %add3A_840 = arith.addi %mul3A_838, %add3A_839 : i32
      %dma_wait3A_841 = arith.constant 2 : i32
      %dma_wait3A_842 = arith.constant 0 : i32
      %dma_wait3A_843 = arith.constant 0 : i32
      %dma_wait3A_844 = tpu.memref_slice %arg9[%dma_wait3A_841, %dma_wait3A_842, %dma_wait3A_843] : memref<7x40x128xf32, #tpu.memory_space<vmem>> -> memref<1x40x128xf32, #tpu.memory_space<vmem>>
      %dma_wait3A_845 = tpu.memref_squeeze %dma_wait3A_844 : memref<1x40x128xf32, #tpu.memory_space<vmem>> -> memref<40x128xf32, #tpu.memory_space<vmem>>
      %dma_wait3A_846 = arith.constant 0 : i32
      %dma_wait3A_847 = arith.constant 0 : i32
      %dma_wait3A_848 = tpu.memref_slice %arg2[%dma_wait3A_846, %dma_wait3A_847] : memref<20480x128xf32, #tpu.memory_space<hbm>> -> memref<40x128xf32, #tpu.memory_space<hbm>>
      %dma_wait3A_849 = arith.constant 0 : i32
      %dma_wait3A_850 = arith.constant 0 : i32
      %dma_wait3A_851 = tpu.memref_slice %arg9[%dma_wait3A_841, %dma_wait3A_849, %dma_wait3A_850] : memref<7x40x128xf32, #tpu.memory_space<vmem>> -> memref<1x40x128xf32, #tpu.memory_space<vmem>>
      %dma_wait3A_852 = tpu.memref_squeeze %dma_wait3A_851 : memref<1x40x128xf32, #tpu.memory_space<vmem>> -> memref<40x128xf32, #tpu.memory_space<vmem>>
      %dma_wait3A_853 = arith.constant 0 : i32
      %dma_wait3A_854 = arith.constant 0 : i32
      %dma_wait3A_855 = tpu.memref_slice %arg2[%dma_wait3A_853, %dma_wait3A_854] : memref<20480x128xf32, #tpu.memory_space<hbm>> -> memref<40x128xf32, #tpu.memory_space<hbm>>
      tpu.wait_dma2 semaphore(%arg13 : memref<!tpu.dma_semaphore, #tpu.memory_space<semaphore_mem>>) src(%dma_wait3A_855 : memref<40x128xf32, #tpu.memory_space<hbm>>) dst(%dma_wait3A_852 : memref<40x128xf32, #tpu.memory_space<vmem>>)
      %run_scoped3A_856 = arith.constant 2 : i32
      %run_scoped3A_857 = arith.constant 2 : i32
      "tpu.region"() ({
        %run_scoped3A_1258 = tpu.sem_alloc : memref<!tpu.dma_semaphore, #tpu.memory_space<semaphore_mem>>
        %dma_start3A_1259 = arith.constant 0 : i32
        %dma_start3A_1260 = arith.constant 0 : i32
        %dma_start3A_1261 = tpu.memref_slice %arg9[%run_scoped3A_856, %dma_start3A_1259, %dma_start3A_1260] : memref<7x40x128xf32, #tpu.memory_space<vmem>> -> memref<1x40x128xf32, #tpu.memory_space<vmem>>
        %dma_start3A_1262 = tpu.memref_squeeze %dma_start3A_1261 : memref<1x40x128xf32, #tpu.memory_space<vmem>> -> memref<40x128xf32, #tpu.memory_space<vmem>>
        %dma_start3A_1263 = arith.constant 0 : i32
        %dma_start3A_1264 = tpu.memref_slice %arg8[%run_scoped3A_857, %dma_start3A_1263] : memref<14x40xi32, #tpu.memory_space<vmem>> -> memref<1x40xi32, #tpu.memory_space<vmem>>
        %dma_start3A_1265 = tpu.memref_squeeze %dma_start3A_1264 : memref<1x40xi32, #tpu.memory_space<vmem>> -> memref<40xi32, #tpu.memory_space<vmem>>
        %dma_start3A_1266 = arith.constant 0 : i32
        %dma_start3A_1267 = arith.constant 0 : i32
        %dma_start3A_1268 = tpu.memref_slice %arg10[%dma_start3A_1266, %dma_start3A_1267] : memref<10248x128xf32, #tpu.memory_space<vmem_shared>> -> memref<10248x128xf32, #tpu.memory_space<vmem_shared>>
        tpu.enqueue_indirect_dma source(%dma_start3A_1262 : memref<40x128xf32, #tpu.memory_space<vmem>>) target(%dma_start3A_1268 : memref<10248x128xf32, #tpu.memory_space<vmem_shared>>) offsets(%dma_start3A_1265 : memref<40xi32, #tpu.memory_space<vmem>>) semaphore(%run_scoped3A_1258 : memref<!tpu.dma_semaphore, #tpu.memory_space<semaphore_mem>>) {add = true}
        %dma_wait3A_1269 = arith.constant 0 : i32
        %dma_wait3A_1270 = arith.constant 0 : i32
        %dma_wait3A_1271 = tpu.memref_slice %arg9[%run_scoped3A_856, %dma_wait3A_1269, %dma_wait3A_1270] : memref<7x40x128xf32, #tpu.memory_space<vmem>> -> memref<1x40x128xf32, #tpu.memory_space<vmem>>
        %dma_wait3A_1272 = tpu.memref_squeeze %dma_wait3A_1271 : memref<1x40x128xf32, #tpu.memory_space<vmem>> -> memref<40x128xf32, #tpu.memory_space<vmem>>
        %dma_wait3A_1273 = arith.constant 0 : i32
        %dma_wait3A_1274 = tpu.memref_slice %arg8[%run_scoped3A_857, %dma_wait3A_1273] : memref<14x40xi32, #tpu.memory_space<vmem>> -> memref<1x40xi32, #tpu.memory_space<vmem>>
        %dma_wait3A_1275 = tpu.memref_squeeze %dma_wait3A_1274 : memref<1x40xi32, #tpu.memory_space<vmem>> -> memref<40xi32, #tpu.memory_space<vmem>>
        %dma_wait3A_1276 = arith.constant 0 : i32
        %dma_wait3A_1277 = arith.constant 0 : i32
        %dma_wait3A_1278 = tpu.memref_slice %arg10[%dma_wait3A_1276, %dma_wait3A_1277] : memref<10248x128xf32, #tpu.memory_space<vmem_shared>> -> memref<10248x128xf32, #tpu.memory_space<vmem_shared>>
        tpu.wait_indirect_dma semaphore(%run_scoped3A_1258 : memref<!tpu.dma_semaphore, #tpu.memory_space<semaphore_mem>>) src(%dma_wait3A_1272 : memref<40x128xf32, #tpu.memory_space<vmem>>) dst(%dma_wait3A_1278 : memref<10248x128xf32, #tpu.memory_space<vmem_shared>>)
        tpu.yield
      }) : () -> ()
      %add3A_858 = arith.constant 14 : i32
      %add3A_859 = arith.addi %add3A_840, %add3A_858 : i32
      %lt3A_860 = arith.constant 504 : i32
      %lt3A_861 = arith.cmpi slt, %add3A_859, %lt3A_860 : i32
      %convert_element_type3A_862 = arith.extui %lt3A_861 : i1 to i32
      %cond3A_863 = arith.constant 0 : i32
      %cond3A_864 = arith.cmpi ne, %convert_element_type3A_862, %cond3A_863 : i32
      scf.if %cond3A_864 {
        %add3A_1258 = arith.constant 14 : i32
        %add3A_1259 = arith.addi %add3A_840, %add3A_1258 : i32
        %dma_start3A_1260 = arith.constant 2 : i32
        %dma_start3A_1261 = arith.constant 0 : i32
        %dma_start3A_1262 = tpu.memref_slice %arg7[%dma_start3A_1260, %dma_start3A_1261] : memref<14x40xi32, #tpu.memory_space<vmem>> -> memref<1x40xi32, #tpu.memory_space<vmem>>
        %dma_start3A_1263 = tpu.memref_squeeze %dma_start3A_1262 : memref<1x40xi32, #tpu.memory_space<vmem>> -> memref<40xi32, #tpu.memory_space<vmem>>
        %dma_start3A_1264 = arith.constant 0 : i32
        %dma_start3A_1265 = tpu.memref_slice %arg3[%arg0, %arg1, %add3A_1259, %dma_start3A_1264] : memref<2x16x504x40xi32, #tpu.memory_space<hbm>> -> memref<1x1x1x40xi32, #tpu.memory_space<hbm>>
        %dma_start3A_1266 = tpu.memref_squeeze %dma_start3A_1265 : memref<1x1x1x40xi32, #tpu.memory_space<hbm>> -> memref<40xi32, #tpu.memory_space<hbm>>
        %dma_start3A_1267 = arith.constant 0 : i32
        %dma_start3A_1268 = tpu.memref_slice %arg7[%dma_start3A_1260, %dma_start3A_1267] : memref<14x40xi32, #tpu.memory_space<vmem>> -> memref<1x40xi32, #tpu.memory_space<vmem>>
        %dma_start3A_1269 = tpu.memref_squeeze %dma_start3A_1268 : memref<1x40xi32, #tpu.memory_space<vmem>> -> memref<40xi32, #tpu.memory_space<vmem>>
        %dma_start3A_1270 = arith.constant 0 : i32
        %dma_start3A_1271 = tpu.memref_slice %arg3[%arg0, %arg1, %add3A_1259, %dma_start3A_1270] : memref<2x16x504x40xi32, #tpu.memory_space<hbm>> -> memref<1x1x1x40xi32, #tpu.memory_space<hbm>>
        %dma_start3A_1272 = tpu.memref_squeeze %dma_start3A_1271 : memref<1x1x1x40xi32, #tpu.memory_space<hbm>> -> memref<40xi32, #tpu.memory_space<hbm>>
        tpu.enqueue_dma source(%dma_start3A_1272 : memref<40xi32, #tpu.memory_space<hbm>>) target(%dma_start3A_1269 : memref<40xi32, #tpu.memory_space<vmem>>) target_semaphore(%arg20 : memref<!tpu.dma_semaphore, #tpu.memory_space<semaphore_mem>>)
        %dma_start3A_1273 = arith.constant 2 : i32
        %dma_start3A_1274 = arith.constant 0 : i32
        %dma_start3A_1275 = tpu.memref_slice %arg8[%dma_start3A_1273, %dma_start3A_1274] : memref<14x40xi32, #tpu.memory_space<vmem>> -> memref<1x40xi32, #tpu.memory_space<vmem>>
        %dma_start3A_1276 = tpu.memref_squeeze %dma_start3A_1275 : memref<1x40xi32, #tpu.memory_space<vmem>> -> memref<40xi32, #tpu.memory_space<vmem>>
        %dma_start3A_1277 = arith.constant 0 : i32
        %dma_start3A_1278 = tpu.memref_slice %arg4[%arg1, %add3A_1259, %dma_start3A_1277] : memref<16x504x40xi32, #tpu.memory_space<hbm>> -> memref<1x1x40xi32, #tpu.memory_space<hbm>>
        %dma_start3A_1279 = tpu.memref_squeeze %dma_start3A_1278 : memref<1x1x40xi32, #tpu.memory_space<hbm>> -> memref<40xi32, #tpu.memory_space<hbm>>
        %dma_start3A_1280 = arith.constant 0 : i32
        %dma_start3A_1281 = tpu.memref_slice %arg8[%dma_start3A_1273, %dma_start3A_1280] : memref<14x40xi32, #tpu.memory_space<vmem>> -> memref<1x40xi32, #tpu.memory_space<vmem>>
        %dma_start3A_1282 = tpu.memref_squeeze %dma_start3A_1281 : memref<1x40xi32, #tpu.memory_space<vmem>> -> memref<40xi32, #tpu.memory_space<vmem>>
        %dma_start3A_1283 = arith.constant 0 : i32
        %dma_start3A_1284 = tpu.memref_slice %arg4[%arg1, %add3A_1259, %dma_start3A_1283] : memref<16x504x40xi32, #tpu.memory_space<hbm>> -> memref<1x1x40xi32, #tpu.memory_space<hbm>>
        %dma_start3A_1285 = tpu.memref_squeeze %dma_start3A_1284 : memref<1x1x40xi32, #tpu.memory_space<hbm>> -> memref<40xi32, #tpu.memory_space<hbm>>
        tpu.enqueue_dma source(%dma_start3A_1285 : memref<40xi32, #tpu.memory_space<hbm>>) target(%dma_start3A_1282 : memref<40xi32, #tpu.memory_space<vmem>>) target_semaphore(%arg20 : memref<!tpu.dma_semaphore, #tpu.memory_space<semaphore_mem>>)
      } else {
      }
      %add3A_865 = arith.constant 7 : i32
      %add3A_866 = arith.addi %add3A_840, %add3A_865 : i32
      %lt3A_867 = arith.constant 504 : i32
      %lt3A_868 = arith.cmpi slt, %add3A_866, %lt3A_867 : i32
      %convert_element_type3A_869 = arith.extui %lt3A_868 : i1 to i32
      %cond3A_870 = arith.constant 0 : i32
      %cond3A_871 = arith.cmpi ne, %convert_element_type3A_869, %cond3A_870 : i32
      scf.if %cond3A_871 {
        %dma_wait3A_1258 = arith.constant 0 : i32
        %dma_wait3A_1259 = arith.constant 0 : i32
        %dma_wait3A_1260 = arith.constant 9 : i32
        %dma_wait3A_1261 = arith.constant 0 : i32
        %dma_wait3A_1262 = tpu.memref_slice %arg7[%dma_wait3A_1260, %dma_wait3A_1261] : memref<14x40xi32, #tpu.memory_space<vmem>> -> memref<1x40xi32, #tpu.memory_space<vmem>>
        %dma_wait3A_1263 = tpu.memref_squeeze %dma_wait3A_1262 : memref<1x40xi32, #tpu.memory_space<vmem>> -> memref<40xi32, #tpu.memory_space<vmem>>
        %dma_wait3A_1264 = arith.constant 0 : i32
        %dma_wait3A_1265 = tpu.memref_slice %arg4[%dma_wait3A_1258, %dma_wait3A_1259, %dma_wait3A_1264] : memref<16x504x40xi32, #tpu.memory_space<hbm>> -> memref<1x1x40xi32, #tpu.memory_space<hbm>>
        %dma_wait3A_1266 = tpu.memref_squeeze %dma_wait3A_1265 : memref<1x1x40xi32, #tpu.memory_space<hbm>> -> memref<40xi32, #tpu.memory_space<hbm>>
        %dma_wait3A_1267 = arith.constant 0 : i32
        %dma_wait3A_1268 = tpu.memref_slice %arg7[%dma_wait3A_1260, %dma_wait3A_1267] : memref<14x40xi32, #tpu.memory_space<vmem>> -> memref<1x40xi32, #tpu.memory_space<vmem>>
        %dma_wait3A_1269 = tpu.memref_squeeze %dma_wait3A_1268 : memref<1x40xi32, #tpu.memory_space<vmem>> -> memref<40xi32, #tpu.memory_space<vmem>>
        %dma_wait3A_1270 = arith.constant 0 : i32
        %dma_wait3A_1271 = tpu.memref_slice %arg4[%dma_wait3A_1258, %dma_wait3A_1259, %dma_wait3A_1270] : memref<16x504x40xi32, #tpu.memory_space<hbm>> -> memref<1x1x40xi32, #tpu.memory_space<hbm>>
        %dma_wait3A_1272 = tpu.memref_squeeze %dma_wait3A_1271 : memref<1x1x40xi32, #tpu.memory_space<hbm>> -> memref<40xi32, #tpu.memory_space<hbm>>
        tpu.wait_dma2 semaphore(%arg27 : memref<!tpu.dma_semaphore, #tpu.memory_space<semaphore_mem>>) src(%dma_wait3A_1272 : memref<40xi32, #tpu.memory_space<hbm>>) dst(%dma_wait3A_1269 : memref<40xi32, #tpu.memory_space<vmem>>)
        %dma_wait3A_1273 = arith.constant 0 : i32
        %dma_wait3A_1274 = arith.constant 0 : i32
        %dma_wait3A_1275 = arith.constant 9 : i32
        %dma_wait3A_1276 = arith.constant 0 : i32
        %dma_wait3A_1277 = tpu.memref_slice %arg8[%dma_wait3A_1275, %dma_wait3A_1276] : memref<14x40xi32, #tpu.memory_space<vmem>> -> memref<1x40xi32, #tpu.memory_space<vmem>>
        %dma_wait3A_1278 = tpu.memref_squeeze %dma_wait3A_1277 : memref<1x40xi32, #tpu.memory_space<vmem>> -> memref<40xi32, #tpu.memory_space<vmem>>
        %dma_wait3A_1279 = arith.constant 0 : i32
        %dma_wait3A_1280 = tpu.memref_slice %arg4[%dma_wait3A_1273, %dma_wait3A_1274, %dma_wait3A_1279] : memref<16x504x40xi32, #tpu.memory_space<hbm>> -> memref<1x1x40xi32, #tpu.memory_space<hbm>>
        %dma_wait3A_1281 = tpu.memref_squeeze %dma_wait3A_1280 : memref<1x1x40xi32, #tpu.memory_space<hbm>> -> memref<40xi32, #tpu.memory_space<hbm>>
        %dma_wait3A_1282 = arith.constant 0 : i32
        %dma_wait3A_1283 = tpu.memref_slice %arg8[%dma_wait3A_1275, %dma_wait3A_1282] : memref<14x40xi32, #tpu.memory_space<vmem>> -> memref<1x40xi32, #tpu.memory_space<vmem>>
        %dma_wait3A_1284 = tpu.memref_squeeze %dma_wait3A_1283 : memref<1x40xi32, #tpu.memory_space<vmem>> -> memref<40xi32, #tpu.memory_space<vmem>>
        %dma_wait3A_1285 = arith.constant 0 : i32
        %dma_wait3A_1286 = tpu.memref_slice %arg4[%dma_wait3A_1273, %dma_wait3A_1274, %dma_wait3A_1285] : memref<16x504x40xi32, #tpu.memory_space<hbm>> -> memref<1x1x40xi32, #tpu.memory_space<hbm>>
        %dma_wait3A_1287 = tpu.memref_squeeze %dma_wait3A_1286 : memref<1x1x40xi32, #tpu.memory_space<hbm>> -> memref<40xi32, #tpu.memory_space<hbm>>
        tpu.wait_dma2 semaphore(%arg27 : memref<!tpu.dma_semaphore, #tpu.memory_space<semaphore_mem>>) src(%dma_wait3A_1287 : memref<40xi32, #tpu.memory_space<hbm>>) dst(%dma_wait3A_1284 : memref<40xi32, #tpu.memory_space<vmem>>)
        %add3A_1288 = arith.constant 7 : i32
        %add3A_1289 = arith.addi %add3A_840, %add3A_1288 : i32
        %dma_start3A_1290 = arith.constant 9 : i32
        %dma_start3A_1291 = arith.constant 2 : i32
        %dma_start3A_1292 = arith.constant 0 : i32
        %dma_start3A_1293 = arith.constant 0 : i32
        %dma_start3A_1294 = tpu.memref_slice %arg9[%dma_start3A_1291, %dma_start3A_1292, %dma_start3A_1293] : memref<7x40x128xf32, #tpu.memory_space<vmem>> -> memref<1x40x128xf32, #tpu.memory_space<vmem>>
        %dma_start3A_1295 = tpu.memref_squeeze %dma_start3A_1294 : memref<1x40x128xf32, #tpu.memory_space<vmem>> -> memref<40x128xf32, #tpu.memory_space<vmem>>
        %dma_start3A_1296 = arith.constant 0 : i32
        %dma_start3A_1297 = tpu.memref_slice %arg7[%dma_start3A_1290, %dma_start3A_1296] : memref<14x40xi32, #tpu.memory_space<vmem>> -> memref<1x40xi32, #tpu.memory_space<vmem>>
        %dma_start3A_1298 = tpu.memref_squeeze %dma_start3A_1297 : memref<1x40xi32, #tpu.memory_space<vmem>> -> memref<40xi32, #tpu.memory_space<vmem>>
        %dma_start3A_1299 = arith.constant 0 : i32
        %dma_start3A_1300 = arith.constant 0 : i32
        %dma_start3A_1301 = tpu.memref_slice %arg2[%dma_start3A_1299, %dma_start3A_1300] : memref<20480x128xf32, #tpu.memory_space<hbm>> -> memref<20480x128xf32, #tpu.memory_space<hbm>>
        tpu.enqueue_indirect_dma source(%dma_start3A_1301 : memref<20480x128xf32, #tpu.memory_space<hbm>>) target(%dma_start3A_1295 : memref<40x128xf32, #tpu.memory_space<vmem>>) offsets(%dma_start3A_1298 : memref<40xi32, #tpu.memory_space<vmem>>) semaphore(%arg13 : memref<!tpu.dma_semaphore, #tpu.memory_space<semaphore_mem>>)
      } else {
      }
      %mul3A_872 = arith.constant 14 : i32
      %mul3A_873 = arith.muli %scan3A_767, %mul3A_872 : i32
      %add3A_874 = arith.constant 3 : i32
      %add3A_875 = arith.addi %mul3A_873, %add3A_874 : i32
      %dma_wait3A_876 = arith.constant 3 : i32
      %dma_wait3A_877 = arith.constant 0 : i32
      %dma_wait3A_878 = arith.constant 0 : i32
      %dma_wait3A_879 = tpu.memref_slice %arg9[%dma_wait3A_876, %dma_wait3A_877, %dma_wait3A_878] : memref<7x40x128xf32, #tpu.memory_space<vmem>> -> memref<1x40x128xf32, #tpu.memory_space<vmem>>
      %dma_wait3A_880 = tpu.memref_squeeze %dma_wait3A_879 : memref<1x40x128xf32, #tpu.memory_space<vmem>> -> memref<40x128xf32, #tpu.memory_space<vmem>>
      %dma_wait3A_881 = arith.constant 0 : i32
      %dma_wait3A_882 = arith.constant 0 : i32
      %dma_wait3A_883 = tpu.memref_slice %arg2[%dma_wait3A_881, %dma_wait3A_882] : memref<20480x128xf32, #tpu.memory_space<hbm>> -> memref<40x128xf32, #tpu.memory_space<hbm>>
      %dma_wait3A_884 = arith.constant 0 : i32
      %dma_wait3A_885 = arith.constant 0 : i32
      %dma_wait3A_886 = tpu.memref_slice %arg9[%dma_wait3A_876, %dma_wait3A_884, %dma_wait3A_885] : memref<7x40x128xf32, #tpu.memory_space<vmem>> -> memref<1x40x128xf32, #tpu.memory_space<vmem>>
      %dma_wait3A_887 = tpu.memref_squeeze %dma_wait3A_886 : memref<1x40x128xf32, #tpu.memory_space<vmem>> -> memref<40x128xf32, #tpu.memory_space<vmem>>
      %dma_wait3A_888 = arith.constant 0 : i32
      %dma_wait3A_889 = arith.constant 0 : i32
      %dma_wait3A_890 = tpu.memref_slice %arg2[%dma_wait3A_888, %dma_wait3A_889] : memref<20480x128xf32, #tpu.memory_space<hbm>> -> memref<40x128xf32, #tpu.memory_space<hbm>>
      tpu.wait_dma2 semaphore(%arg14 : memref<!tpu.dma_semaphore, #tpu.memory_space<semaphore_mem>>) src(%dma_wait3A_890 : memref<40x128xf32, #tpu.memory_space<hbm>>) dst(%dma_wait3A_887 : memref<40x128xf32, #tpu.memory_space<vmem>>)
      %run_scoped3A_891 = arith.constant 3 : i32
      %run_scoped3A_892 = arith.constant 3 : i32
      "tpu.region"() ({
        %run_scoped3A_1258 = tpu.sem_alloc : memref<!tpu.dma_semaphore, #tpu.memory_space<semaphore_mem>>
        %dma_start3A_1259 = arith.constant 0 : i32
        %dma_start3A_1260 = arith.constant 0 : i32
        %dma_start3A_1261 = tpu.memref_slice %arg9[%run_scoped3A_891, %dma_start3A_1259, %dma_start3A_1260] : memref<7x40x128xf32, #tpu.memory_space<vmem>> -> memref<1x40x128xf32, #tpu.memory_space<vmem>>
        %dma_start3A_1262 = tpu.memref_squeeze %dma_start3A_1261 : memref<1x40x128xf32, #tpu.memory_space<vmem>> -> memref<40x128xf32, #tpu.memory_space<vmem>>
        %dma_start3A_1263 = arith.constant 0 : i32
        %dma_start3A_1264 = tpu.memref_slice %arg8[%run_scoped3A_892, %dma_start3A_1263] : memref<14x40xi32, #tpu.memory_space<vmem>> -> memref<1x40xi32, #tpu.memory_space<vmem>>
        %dma_start3A_1265 = tpu.memref_squeeze %dma_start3A_1264 : memref<1x40xi32, #tpu.memory_space<vmem>> -> memref<40xi32, #tpu.memory_space<vmem>>
        %dma_start3A_1266 = arith.constant 0 : i32
        %dma_start3A_1267 = arith.constant 0 : i32
        %dma_start3A_1268 = tpu.memref_slice %arg10[%dma_start3A_1266, %dma_start3A_1267] : memref<10248x128xf32, #tpu.memory_space<vmem_shared>> -> memref<10248x128xf32, #tpu.memory_space<vmem_shared>>
        tpu.enqueue_indirect_dma source(%dma_start3A_1262 : memref<40x128xf32, #tpu.memory_space<vmem>>) target(%dma_start3A_1268 : memref<10248x128xf32, #tpu.memory_space<vmem_shared>>) offsets(%dma_start3A_1265 : memref<40xi32, #tpu.memory_space<vmem>>) semaphore(%run_scoped3A_1258 : memref<!tpu.dma_semaphore, #tpu.memory_space<semaphore_mem>>) {add = true}
        %dma_wait3A_1269 = arith.constant 0 : i32
        %dma_wait3A_1270 = arith.constant 0 : i32
        %dma_wait3A_1271 = tpu.memref_slice %arg9[%run_scoped3A_891, %dma_wait3A_1269, %dma_wait3A_1270] : memref<7x40x128xf32, #tpu.memory_space<vmem>> -> memref<1x40x128xf32, #tpu.memory_space<vmem>>
        %dma_wait3A_1272 = tpu.memref_squeeze %dma_wait3A_1271 : memref<1x40x128xf32, #tpu.memory_space<vmem>> -> memref<40x128xf32, #tpu.memory_space<vmem>>
        %dma_wait3A_1273 = arith.constant 0 : i32
        %dma_wait3A_1274 = tpu.memref_slice %arg8[%run_scoped3A_892, %dma_wait3A_1273] : memref<14x40xi32, #tpu.memory_space<vmem>> -> memref<1x40xi32, #tpu.memory_space<vmem>>
        %dma_wait3A_1275 = tpu.memref_squeeze %dma_wait3A_1274 : memref<1x40xi32, #tpu.memory_space<vmem>> -> memref<40xi32, #tpu.memory_space<vmem>>
        %dma_wait3A_1276 = arith.constant 0 : i32
        %dma_wait3A_1277 = arith.constant 0 : i32
        %dma_wait3A_1278 = tpu.memref_slice %arg10[%dma_wait3A_1276, %dma_wait3A_1277] : memref<10248x128xf32, #tpu.memory_space<vmem_shared>> -> memref<10248x128xf32, #tpu.memory_space<vmem_shared>>
        tpu.wait_indirect_dma semaphore(%run_scoped3A_1258 : memref<!tpu.dma_semaphore, #tpu.memory_space<semaphore_mem>>) src(%dma_wait3A_1272 : memref<40x128xf32, #tpu.memory_space<vmem>>) dst(%dma_wait3A_1278 : memref<10248x128xf32, #tpu.memory_space<vmem_shared>>)
        tpu.yield
      }) : () -> ()
      %add3A_893 = arith.constant 14 : i32
      %add3A_894 = arith.addi %add3A_875, %add3A_893 : i32
      %lt3A_895 = arith.constant 504 : i32
      %lt3A_896 = arith.cmpi slt, %add3A_894, %lt3A_895 : i32
      %convert_element_type3A_897 = arith.extui %lt3A_896 : i1 to i32
      %cond3A_898 = arith.constant 0 : i32
      %cond3A_899 = arith.cmpi ne, %convert_element_type3A_897, %cond3A_898 : i32
      scf.if %cond3A_899 {
        %add3A_1258 = arith.constant 14 : i32
        %add3A_1259 = arith.addi %add3A_875, %add3A_1258 : i32
        %dma_start3A_1260 = arith.constant 3 : i32
        %dma_start3A_1261 = arith.constant 0 : i32
        %dma_start3A_1262 = tpu.memref_slice %arg7[%dma_start3A_1260, %dma_start3A_1261] : memref<14x40xi32, #tpu.memory_space<vmem>> -> memref<1x40xi32, #tpu.memory_space<vmem>>
        %dma_start3A_1263 = tpu.memref_squeeze %dma_start3A_1262 : memref<1x40xi32, #tpu.memory_space<vmem>> -> memref<40xi32, #tpu.memory_space<vmem>>
        %dma_start3A_1264 = arith.constant 0 : i32
        %dma_start3A_1265 = tpu.memref_slice %arg3[%arg0, %arg1, %add3A_1259, %dma_start3A_1264] : memref<2x16x504x40xi32, #tpu.memory_space<hbm>> -> memref<1x1x1x40xi32, #tpu.memory_space<hbm>>
        %dma_start3A_1266 = tpu.memref_squeeze %dma_start3A_1265 : memref<1x1x1x40xi32, #tpu.memory_space<hbm>> -> memref<40xi32, #tpu.memory_space<hbm>>
        %dma_start3A_1267 = arith.constant 0 : i32
        %dma_start3A_1268 = tpu.memref_slice %arg7[%dma_start3A_1260, %dma_start3A_1267] : memref<14x40xi32, #tpu.memory_space<vmem>> -> memref<1x40xi32, #tpu.memory_space<vmem>>
        %dma_start3A_1269 = tpu.memref_squeeze %dma_start3A_1268 : memref<1x40xi32, #tpu.memory_space<vmem>> -> memref<40xi32, #tpu.memory_space<vmem>>
        %dma_start3A_1270 = arith.constant 0 : i32
        %dma_start3A_1271 = tpu.memref_slice %arg3[%arg0, %arg1, %add3A_1259, %dma_start3A_1270] : memref<2x16x504x40xi32, #tpu.memory_space<hbm>> -> memref<1x1x1x40xi32, #tpu.memory_space<hbm>>
        %dma_start3A_1272 = tpu.memref_squeeze %dma_start3A_1271 : memref<1x1x1x40xi32, #tpu.memory_space<hbm>> -> memref<40xi32, #tpu.memory_space<hbm>>
        tpu.enqueue_dma source(%dma_start3A_1272 : memref<40xi32, #tpu.memory_space<hbm>>) target(%dma_start3A_1269 : memref<40xi32, #tpu.memory_space<vmem>>) target_semaphore(%arg21 : memref<!tpu.dma_semaphore, #tpu.memory_space<semaphore_mem>>)
        %dma_start3A_1273 = arith.constant 3 : i32
        %dma_start3A_1274 = arith.constant 0 : i32
        %dma_start3A_1275 = tpu.memref_slice %arg8[%dma_start3A_1273, %dma_start3A_1274] : memref<14x40xi32, #tpu.memory_space<vmem>> -> memref<1x40xi32, #tpu.memory_space<vmem>>
        %dma_start3A_1276 = tpu.memref_squeeze %dma_start3A_1275 : memref<1x40xi32, #tpu.memory_space<vmem>> -> memref<40xi32, #tpu.memory_space<vmem>>
        %dma_start3A_1277 = arith.constant 0 : i32
        %dma_start3A_1278 = tpu.memref_slice %arg4[%arg1, %add3A_1259, %dma_start3A_1277] : memref<16x504x40xi32, #tpu.memory_space<hbm>> -> memref<1x1x40xi32, #tpu.memory_space<hbm>>
        %dma_start3A_1279 = tpu.memref_squeeze %dma_start3A_1278 : memref<1x1x40xi32, #tpu.memory_space<hbm>> -> memref<40xi32, #tpu.memory_space<hbm>>
        %dma_start3A_1280 = arith.constant 0 : i32
        %dma_start3A_1281 = tpu.memref_slice %arg8[%dma_start3A_1273, %dma_start3A_1280] : memref<14x40xi32, #tpu.memory_space<vmem>> -> memref<1x40xi32, #tpu.memory_space<vmem>>
        %dma_start3A_1282 = tpu.memref_squeeze %dma_start3A_1281 : memref<1x40xi32, #tpu.memory_space<vmem>> -> memref<40xi32, #tpu.memory_space<vmem>>
        %dma_start3A_1283 = arith.constant 0 : i32
        %dma_start3A_1284 = tpu.memref_slice %arg4[%arg1, %add3A_1259, %dma_start3A_1283] : memref<16x504x40xi32, #tpu.memory_space<hbm>> -> memref<1x1x40xi32, #tpu.memory_space<hbm>>
        %dma_start3A_1285 = tpu.memref_squeeze %dma_start3A_1284 : memref<1x1x40xi32, #tpu.memory_space<hbm>> -> memref<40xi32, #tpu.memory_space<hbm>>
        tpu.enqueue_dma source(%dma_start3A_1285 : memref<40xi32, #tpu.memory_space<hbm>>) target(%dma_start3A_1282 : memref<40xi32, #tpu.memory_space<vmem>>) target_semaphore(%arg21 : memref<!tpu.dma_semaphore, #tpu.memory_space<semaphore_mem>>)
      } else {
      }
      %add3A_900 = arith.constant 7 : i32
      %add3A_901 = arith.addi %add3A_875, %add3A_900 : i32
      %lt3A_902 = arith.constant 504 : i32
      %lt3A_903 = arith.cmpi slt, %add3A_901, %lt3A_902 : i32
      %convert_element_type3A_904 = arith.extui %lt3A_903 : i1 to i32
      %cond3A_905 = arith.constant 0 : i32
      %cond3A_906 = arith.cmpi ne, %convert_element_type3A_904, %cond3A_905 : i32
      scf.if %cond3A_906 {
        %dma_wait3A_1258 = arith.constant 0 : i32
        %dma_wait3A_1259 = arith.constant 0 : i32
        %dma_wait3A_1260 = arith.constant 10 : i32
        %dma_wait3A_1261 = arith.constant 0 : i32
        %dma_wait3A_1262 = tpu.memref_slice %arg7[%dma_wait3A_1260, %dma_wait3A_1261] : memref<14x40xi32, #tpu.memory_space<vmem>> -> memref<1x40xi32, #tpu.memory_space<vmem>>
        %dma_wait3A_1263 = tpu.memref_squeeze %dma_wait3A_1262 : memref<1x40xi32, #tpu.memory_space<vmem>> -> memref<40xi32, #tpu.memory_space<vmem>>
        %dma_wait3A_1264 = arith.constant 0 : i32
        %dma_wait3A_1265 = tpu.memref_slice %arg4[%dma_wait3A_1258, %dma_wait3A_1259, %dma_wait3A_1264] : memref<16x504x40xi32, #tpu.memory_space<hbm>> -> memref<1x1x40xi32, #tpu.memory_space<hbm>>
        %dma_wait3A_1266 = tpu.memref_squeeze %dma_wait3A_1265 : memref<1x1x40xi32, #tpu.memory_space<hbm>> -> memref<40xi32, #tpu.memory_space<hbm>>
        %dma_wait3A_1267 = arith.constant 0 : i32
        %dma_wait3A_1268 = tpu.memref_slice %arg7[%dma_wait3A_1260, %dma_wait3A_1267] : memref<14x40xi32, #tpu.memory_space<vmem>> -> memref<1x40xi32, #tpu.memory_space<vmem>>
        %dma_wait3A_1269 = tpu.memref_squeeze %dma_wait3A_1268 : memref<1x40xi32, #tpu.memory_space<vmem>> -> memref<40xi32, #tpu.memory_space<vmem>>
        %dma_wait3A_1270 = arith.constant 0 : i32
        %dma_wait3A_1271 = tpu.memref_slice %arg4[%dma_wait3A_1258, %dma_wait3A_1259, %dma_wait3A_1270] : memref<16x504x40xi32, #tpu.memory_space<hbm>> -> memref<1x1x40xi32, #tpu.memory_space<hbm>>
        %dma_wait3A_1272 = tpu.memref_squeeze %dma_wait3A_1271 : memref<1x1x40xi32, #tpu.memory_space<hbm>> -> memref<40xi32, #tpu.memory_space<hbm>>
        tpu.wait_dma2 semaphore(%arg28 : memref<!tpu.dma_semaphore, #tpu.memory_space<semaphore_mem>>) src(%dma_wait3A_1272 : memref<40xi32, #tpu.memory_space<hbm>>) dst(%dma_wait3A_1269 : memref<40xi32, #tpu.memory_space<vmem>>)
        %dma_wait3A_1273 = arith.constant 0 : i32
        %dma_wait3A_1274 = arith.constant 0 : i32
        %dma_wait3A_1275 = arith.constant 10 : i32
        %dma_wait3A_1276 = arith.constant 0 : i32
        %dma_wait3A_1277 = tpu.memref_slice %arg8[%dma_wait3A_1275, %dma_wait3A_1276] : memref<14x40xi32, #tpu.memory_space<vmem>> -> memref<1x40xi32, #tpu.memory_space<vmem>>
        %dma_wait3A_1278 = tpu.memref_squeeze %dma_wait3A_1277 : memref<1x40xi32, #tpu.memory_space<vmem>> -> memref<40xi32, #tpu.memory_space<vmem>>
        %dma_wait3A_1279 = arith.constant 0 : i32
        %dma_wait3A_1280 = tpu.memref_slice %arg4[%dma_wait3A_1273, %dma_wait3A_1274, %dma_wait3A_1279] : memref<16x504x40xi32, #tpu.memory_space<hbm>> -> memref<1x1x40xi32, #tpu.memory_space<hbm>>
        %dma_wait3A_1281 = tpu.memref_squeeze %dma_wait3A_1280 : memref<1x1x40xi32, #tpu.memory_space<hbm>> -> memref<40xi32, #tpu.memory_space<hbm>>
        %dma_wait3A_1282 = arith.constant 0 : i32
        %dma_wait3A_1283 = tpu.memref_slice %arg8[%dma_wait3A_1275, %dma_wait3A_1282] : memref<14x40xi32, #tpu.memory_space<vmem>> -> memref<1x40xi32, #tpu.memory_space<vmem>>
        %dma_wait3A_1284 = tpu.memref_squeeze %dma_wait3A_1283 : memref<1x40xi32, #tpu.memory_space<vmem>> -> memref<40xi32, #tpu.memory_space<vmem>>
        %dma_wait3A_1285 = arith.constant 0 : i32
        %dma_wait3A_1286 = tpu.memref_slice %arg4[%dma_wait3A_1273, %dma_wait3A_1274, %dma_wait3A_1285] : memref<16x504x40xi32, #tpu.memory_space<hbm>> -> memref<1x1x40xi32, #tpu.memory_space<hbm>>
        %dma_wait3A_1287 = tpu.memref_squeeze %dma_wait3A_1286 : memref<1x1x40xi32, #tpu.memory_space<hbm>> -> memref<40xi32, #tpu.memory_space<hbm>>
        tpu.wait_dma2 semaphore(%arg28 : memref<!tpu.dma_semaphore, #tpu.memory_space<semaphore_mem>>) src(%dma_wait3A_1287 : memref<40xi32, #tpu.memory_space<hbm>>) dst(%dma_wait3A_1284 : memref<40xi32, #tpu.memory_space<vmem>>)
        %add3A_1288 = arith.constant 7 : i32
        %add3A_1289 = arith.addi %add3A_875, %add3A_1288 : i32
        %dma_start3A_1290 = arith.constant 10 : i32
        %dma_start3A_1291 = arith.constant 3 : i32
        %dma_start3A_1292 = arith.constant 0 : i32
        %dma_start3A_1293 = arith.constant 0 : i32
        %dma_start3A_1294 = tpu.memref_slice %arg9[%dma_start3A_1291, %dma_start3A_1292, %dma_start3A_1293] : memref<7x40x128xf32, #tpu.memory_space<vmem>> -> memref<1x40x128xf32, #tpu.memory_space<vmem>>
        %dma_start3A_1295 = tpu.memref_squeeze %dma_start3A_1294 : memref<1x40x128xf32, #tpu.memory_space<vmem>> -> memref<40x128xf32, #tpu.memory_space<vmem>>
        %dma_start3A_1296 = arith.constant 0 : i32
        %dma_start3A_1297 = tpu.memref_slice %arg7[%dma_start3A_1290, %dma_start3A_1296] : memref<14x40xi32, #tpu.memory_space<vmem>> -> memref<1x40xi32, #tpu.memory_space<vmem>>
        %dma_start3A_1298 = tpu.memref_squeeze %dma_start3A_1297 : memref<1x40xi32, #tpu.memory_space<vmem>> -> memref<40xi32, #tpu.memory_space<vmem>>
        %dma_start3A_1299 = arith.constant 0 : i32
        %dma_start3A_1300 = arith.constant 0 : i32
        %dma_start3A_1301 = tpu.memref_slice %arg2[%dma_start3A_1299, %dma_start3A_1300] : memref<20480x128xf32, #tpu.memory_space<hbm>> -> memref<20480x128xf32, #tpu.memory_space<hbm>>
        tpu.enqueue_indirect_dma source(%dma_start3A_1301 : memref<20480x128xf32, #tpu.memory_space<hbm>>) target(%dma_start3A_1295 : memref<40x128xf32, #tpu.memory_space<vmem>>) offsets(%dma_start3A_1298 : memref<40xi32, #tpu.memory_space<vmem>>) semaphore(%arg14 : memref<!tpu.dma_semaphore, #tpu.memory_space<semaphore_mem>>)
      } else {
      }
      %mul3A_907 = arith.constant 14 : i32
      %mul3A_908 = arith.muli %scan3A_767, %mul3A_907 : i32
      %add3A_909 = arith.constant 4 : i32
      %add3A_910 = arith.addi %mul3A_908, %add3A_909 : i32
      %dma_wait3A_911 = arith.constant 4 : i32
      %dma_wait3A_912 = arith.constant 0 : i32
      %dma_wait3A_913 = arith.constant 0 : i32
      %dma_wait3A_914 = tpu.memref_slice %arg9[%dma_wait3A_911, %dma_wait3A_912, %dma_wait3A_913] : memref<7x40x128xf32, #tpu.memory_space<vmem>> -> memref<1x40x128xf32, #tpu.memory_space<vmem>>
      %dma_wait3A_915 = tpu.memref_squeeze %dma_wait3A_914 : memref<1x40x128xf32, #tpu.memory_space<vmem>> -> memref<40x128xf32, #tpu.memory_space<vmem>>
      %dma_wait3A_916 = arith.constant 0 : i32
      %dma_wait3A_917 = arith.constant 0 : i32
      %dma_wait3A_918 = tpu.memref_slice %arg2[%dma_wait3A_916, %dma_wait3A_917] : memref<20480x128xf32, #tpu.memory_space<hbm>> -> memref<40x128xf32, #tpu.memory_space<hbm>>
      %dma_wait3A_919 = arith.constant 0 : i32
      %dma_wait3A_920 = arith.constant 0 : i32
      %dma_wait3A_921 = tpu.memref_slice %arg9[%dma_wait3A_911, %dma_wait3A_919, %dma_wait3A_920] : memref<7x40x128xf32, #tpu.memory_space<vmem>> -> memref<1x40x128xf32, #tpu.memory_space<vmem>>
      %dma_wait3A_922 = tpu.memref_squeeze %dma_wait3A_921 : memref<1x40x128xf32, #tpu.memory_space<vmem>> -> memref<40x128xf32, #tpu.memory_space<vmem>>
      %dma_wait3A_923 = arith.constant 0 : i32
      %dma_wait3A_924 = arith.constant 0 : i32
      %dma_wait3A_925 = tpu.memref_slice %arg2[%dma_wait3A_923, %dma_wait3A_924] : memref<20480x128xf32, #tpu.memory_space<hbm>> -> memref<40x128xf32, #tpu.memory_space<hbm>>
      tpu.wait_dma2 semaphore(%arg15 : memref<!tpu.dma_semaphore, #tpu.memory_space<semaphore_mem>>) src(%dma_wait3A_925 : memref<40x128xf32, #tpu.memory_space<hbm>>) dst(%dma_wait3A_922 : memref<40x128xf32, #tpu.memory_space<vmem>>)
      %run_scoped3A_926 = arith.constant 4 : i32
      %run_scoped3A_927 = arith.constant 4 : i32
      "tpu.region"() ({
        %run_scoped3A_1258 = tpu.sem_alloc : memref<!tpu.dma_semaphore, #tpu.memory_space<semaphore_mem>>
        %dma_start3A_1259 = arith.constant 0 : i32
        %dma_start3A_1260 = arith.constant 0 : i32
        %dma_start3A_1261 = tpu.memref_slice %arg9[%run_scoped3A_926, %dma_start3A_1259, %dma_start3A_1260] : memref<7x40x128xf32, #tpu.memory_space<vmem>> -> memref<1x40x128xf32, #tpu.memory_space<vmem>>
        %dma_start3A_1262 = tpu.memref_squeeze %dma_start3A_1261 : memref<1x40x128xf32, #tpu.memory_space<vmem>> -> memref<40x128xf32, #tpu.memory_space<vmem>>
        %dma_start3A_1263 = arith.constant 0 : i32
        %dma_start3A_1264 = tpu.memref_slice %arg8[%run_scoped3A_927, %dma_start3A_1263] : memref<14x40xi32, #tpu.memory_space<vmem>> -> memref<1x40xi32, #tpu.memory_space<vmem>>
        %dma_start3A_1265 = tpu.memref_squeeze %dma_start3A_1264 : memref<1x40xi32, #tpu.memory_space<vmem>> -> memref<40xi32, #tpu.memory_space<vmem>>
        %dma_start3A_1266 = arith.constant 0 : i32
        %dma_start3A_1267 = arith.constant 0 : i32
        %dma_start3A_1268 = tpu.memref_slice %arg10[%dma_start3A_1266, %dma_start3A_1267] : memref<10248x128xf32, #tpu.memory_space<vmem_shared>> -> memref<10248x128xf32, #tpu.memory_space<vmem_shared>>
        tpu.enqueue_indirect_dma source(%dma_start3A_1262 : memref<40x128xf32, #tpu.memory_space<vmem>>) target(%dma_start3A_1268 : memref<10248x128xf32, #tpu.memory_space<vmem_shared>>) offsets(%dma_start3A_1265 : memref<40xi32, #tpu.memory_space<vmem>>) semaphore(%run_scoped3A_1258 : memref<!tpu.dma_semaphore, #tpu.memory_space<semaphore_mem>>) {add = true}
        %dma_wait3A_1269 = arith.constant 0 : i32
        %dma_wait3A_1270 = arith.constant 0 : i32
        %dma_wait3A_1271 = tpu.memref_slice %arg9[%run_scoped3A_926, %dma_wait3A_1269, %dma_wait3A_1270] : memref<7x40x128xf32, #tpu.memory_space<vmem>> -> memref<1x40x128xf32, #tpu.memory_space<vmem>>
        %dma_wait3A_1272 = tpu.memref_squeeze %dma_wait3A_1271 : memref<1x40x128xf32, #tpu.memory_space<vmem>> -> memref<40x128xf32, #tpu.memory_space<vmem>>
        %dma_wait3A_1273 = arith.constant 0 : i32
        %dma_wait3A_1274 = tpu.memref_slice %arg8[%run_scoped3A_927, %dma_wait3A_1273] : memref<14x40xi32, #tpu.memory_space<vmem>> -> memref<1x40xi32, #tpu.memory_space<vmem>>
        %dma_wait3A_1275 = tpu.memref_squeeze %dma_wait3A_1274 : memref<1x40xi32, #tpu.memory_space<vmem>> -> memref<40xi32, #tpu.memory_space<vmem>>
        %dma_wait3A_1276 = arith.constant 0 : i32
        %dma_wait3A_1277 = arith.constant 0 : i32
        %dma_wait3A_1278 = tpu.memref_slice %arg10[%dma_wait3A_1276, %dma_wait3A_1277] : memref<10248x128xf32, #tpu.memory_space<vmem_shared>> -> memref<10248x128xf32, #tpu.memory_space<vmem_shared>>
        tpu.wait_indirect_dma semaphore(%run_scoped3A_1258 : memref<!tpu.dma_semaphore, #tpu.memory_space<semaphore_mem>>) src(%dma_wait3A_1272 : memref<40x128xf32, #tpu.memory_space<vmem>>) dst(%dma_wait3A_1278 : memref<10248x128xf32, #tpu.memory_space<vmem_shared>>)
        tpu.yield
      }) : () -> ()
      %add3A_928 = arith.constant 14 : i32
      %add3A_929 = arith.addi %add3A_910, %add3A_928 : i32
      %lt3A_930 = arith.constant 504 : i32
      %lt3A_931 = arith.cmpi slt, %add3A_929, %lt3A_930 : i32
      %convert_element_type3A_932 = arith.extui %lt3A_931 : i1 to i32
      %cond3A_933 = arith.constant 0 : i32
      %cond3A_934 = arith.cmpi ne, %convert_element_type3A_932, %cond3A_933 : i32
      scf.if %cond3A_934 {
        %add3A_1258 = arith.constant 14 : i32
        %add3A_1259 = arith.addi %add3A_910, %add3A_1258 : i32
        %dma_start3A_1260 = arith.constant 4 : i32
        %dma_start3A_1261 = arith.constant 0 : i32
        %dma_start3A_1262 = tpu.memref_slice %arg7[%dma_start3A_1260, %dma_start3A_1261] : memref<14x40xi32, #tpu.memory_space<vmem>> -> memref<1x40xi32, #tpu.memory_space<vmem>>
        %dma_start3A_1263 = tpu.memref_squeeze %dma_start3A_1262 : memref<1x40xi32, #tpu.memory_space<vmem>> -> memref<40xi32, #tpu.memory_space<vmem>>
        %dma_start3A_1264 = arith.constant 0 : i32
        %dma_start3A_1265 = tpu.memref_slice %arg3[%arg0, %arg1, %add3A_1259, %dma_start3A_1264] : memref<2x16x504x40xi32, #tpu.memory_space<hbm>> -> memref<1x1x1x40xi32, #tpu.memory_space<hbm>>
        %dma_start3A_1266 = tpu.memref_squeeze %dma_start3A_1265 : memref<1x1x1x40xi32, #tpu.memory_space<hbm>> -> memref<40xi32, #tpu.memory_space<hbm>>
        %dma_start3A_1267 = arith.constant 0 : i32
        %dma_start3A_1268 = tpu.memref_slice %arg7[%dma_start3A_1260, %dma_start3A_1267] : memref<14x40xi32, #tpu.memory_space<vmem>> -> memref<1x40xi32, #tpu.memory_space<vmem>>
        %dma_start3A_1269 = tpu.memref_squeeze %dma_start3A_1268 : memref<1x40xi32, #tpu.memory_space<vmem>> -> memref<40xi32, #tpu.memory_space<vmem>>
        %dma_start3A_1270 = arith.constant 0 : i32
        %dma_start3A_1271 = tpu.memref_slice %arg3[%arg0, %arg1, %add3A_1259, %dma_start3A_1270] : memref<2x16x504x40xi32, #tpu.memory_space<hbm>> -> memref<1x1x1x40xi32, #tpu.memory_space<hbm>>
        %dma_start3A_1272 = tpu.memref_squeeze %dma_start3A_1271 : memref<1x1x1x40xi32, #tpu.memory_space<hbm>> -> memref<40xi32, #tpu.memory_space<hbm>>
        tpu.enqueue_dma source(%dma_start3A_1272 : memref<40xi32, #tpu.memory_space<hbm>>) target(%dma_start3A_1269 : memref<40xi32, #tpu.memory_space<vmem>>) target_semaphore(%arg22 : memref<!tpu.dma_semaphore, #tpu.memory_space<semaphore_mem>>)
        %dma_start3A_1273 = arith.constant 4 : i32
        %dma_start3A_1274 = arith.constant 0 : i32
        %dma_start3A_1275 = tpu.memref_slice %arg8[%dma_start3A_1273, %dma_start3A_1274] : memref<14x40xi32, #tpu.memory_space<vmem>> -> memref<1x40xi32, #tpu.memory_space<vmem>>
        %dma_start3A_1276 = tpu.memref_squeeze %dma_start3A_1275 : memref<1x40xi32, #tpu.memory_space<vmem>> -> memref<40xi32, #tpu.memory_space<vmem>>
        %dma_start3A_1277 = arith.constant 0 : i32
        %dma_start3A_1278 = tpu.memref_slice %arg4[%arg1, %add3A_1259, %dma_start3A_1277] : memref<16x504x40xi32, #tpu.memory_space<hbm>> -> memref<1x1x40xi32, #tpu.memory_space<hbm>>
        %dma_start3A_1279 = tpu.memref_squeeze %dma_start3A_1278 : memref<1x1x40xi32, #tpu.memory_space<hbm>> -> memref<40xi32, #tpu.memory_space<hbm>>
        %dma_start3A_1280 = arith.constant 0 : i32
        %dma_start3A_1281 = tpu.memref_slice %arg8[%dma_start3A_1273, %dma_start3A_1280] : memref<14x40xi32, #tpu.memory_space<vmem>> -> memref<1x40xi32, #tpu.memory_space<vmem>>
        %dma_start3A_1282 = tpu.memref_squeeze %dma_start3A_1281 : memref<1x40xi32, #tpu.memory_space<vmem>> -> memref<40xi32, #tpu.memory_space<vmem>>
        %dma_start3A_1283 = arith.constant 0 : i32
        %dma_start3A_1284 = tpu.memref_slice %arg4[%arg1, %add3A_1259, %dma_start3A_1283] : memref<16x504x40xi32, #tpu.memory_space<hbm>> -> memref<1x1x40xi32, #tpu.memory_space<hbm>>
        %dma_start3A_1285 = tpu.memref_squeeze %dma_start3A_1284 : memref<1x1x40xi32, #tpu.memory_space<hbm>> -> memref<40xi32, #tpu.memory_space<hbm>>
        tpu.enqueue_dma source(%dma_start3A_1285 : memref<40xi32, #tpu.memory_space<hbm>>) target(%dma_start3A_1282 : memref<40xi32, #tpu.memory_space<vmem>>) target_semaphore(%arg22 : memref<!tpu.dma_semaphore, #tpu.memory_space<semaphore_mem>>)
      } else {
      }
      %add3A_935 = arith.constant 7 : i32
      %add3A_936 = arith.addi %add3A_910, %add3A_935 : i32
      %lt3A_937 = arith.constant 504 : i32
      %lt3A_938 = arith.cmpi slt, %add3A_936, %lt3A_937 : i32
      %convert_element_type3A_939 = arith.extui %lt3A_938 : i1 to i32
      %cond3A_940 = arith.constant 0 : i32
      %cond3A_941 = arith.cmpi ne, %convert_element_type3A_939, %cond3A_940 : i32
      scf.if %cond3A_941 {
        %dma_wait3A_1258 = arith.constant 0 : i32
        %dma_wait3A_1259 = arith.constant 0 : i32
        %dma_wait3A_1260 = arith.constant 11 : i32
        %dma_wait3A_1261 = arith.constant 0 : i32
        %dma_wait3A_1262 = tpu.memref_slice %arg7[%dma_wait3A_1260, %dma_wait3A_1261] : memref<14x40xi32, #tpu.memory_space<vmem>> -> memref<1x40xi32, #tpu.memory_space<vmem>>
        %dma_wait3A_1263 = tpu.memref_squeeze %dma_wait3A_1262 : memref<1x40xi32, #tpu.memory_space<vmem>> -> memref<40xi32, #tpu.memory_space<vmem>>
        %dma_wait3A_1264 = arith.constant 0 : i32
        %dma_wait3A_1265 = tpu.memref_slice %arg4[%dma_wait3A_1258, %dma_wait3A_1259, %dma_wait3A_1264] : memref<16x504x40xi32, #tpu.memory_space<hbm>> -> memref<1x1x40xi32, #tpu.memory_space<hbm>>
        %dma_wait3A_1266 = tpu.memref_squeeze %dma_wait3A_1265 : memref<1x1x40xi32, #tpu.memory_space<hbm>> -> memref<40xi32, #tpu.memory_space<hbm>>
        %dma_wait3A_1267 = arith.constant 0 : i32
        %dma_wait3A_1268 = tpu.memref_slice %arg7[%dma_wait3A_1260, %dma_wait3A_1267] : memref<14x40xi32, #tpu.memory_space<vmem>> -> memref<1x40xi32, #tpu.memory_space<vmem>>
        %dma_wait3A_1269 = tpu.memref_squeeze %dma_wait3A_1268 : memref<1x40xi32, #tpu.memory_space<vmem>> -> memref<40xi32, #tpu.memory_space<vmem>>
        %dma_wait3A_1270 = arith.constant 0 : i32
        %dma_wait3A_1271 = tpu.memref_slice %arg4[%dma_wait3A_1258, %dma_wait3A_1259, %dma_wait3A_1270] : memref<16x504x40xi32, #tpu.memory_space<hbm>> -> memref<1x1x40xi32, #tpu.memory_space<hbm>>
        %dma_wait3A_1272 = tpu.memref_squeeze %dma_wait3A_1271 : memref<1x1x40xi32, #tpu.memory_space<hbm>> -> memref<40xi32, #tpu.memory_space<hbm>>
        tpu.wait_dma2 semaphore(%arg29 : memref<!tpu.dma_semaphore, #tpu.memory_space<semaphore_mem>>) src(%dma_wait3A_1272 : memref<40xi32, #tpu.memory_space<hbm>>) dst(%dma_wait3A_1269 : memref<40xi32, #tpu.memory_space<vmem>>)
        %dma_wait3A_1273 = arith.constant 0 : i32
        %dma_wait3A_1274 = arith.constant 0 : i32
        %dma_wait3A_1275 = arith.constant 11 : i32
        %dma_wait3A_1276 = arith.constant 0 : i32
        %dma_wait3A_1277 = tpu.memref_slice %arg8[%dma_wait3A_1275, %dma_wait3A_1276] : memref<14x40xi32, #tpu.memory_space<vmem>> -> memref<1x40xi32, #tpu.memory_space<vmem>>
        %dma_wait3A_1278 = tpu.memref_squeeze %dma_wait3A_1277 : memref<1x40xi32, #tpu.memory_space<vmem>> -> memref<40xi32, #tpu.memory_space<vmem>>
        %dma_wait3A_1279 = arith.constant 0 : i32
        %dma_wait3A_1280 = tpu.memref_slice %arg4[%dma_wait3A_1273, %dma_wait3A_1274, %dma_wait3A_1279] : memref<16x504x40xi32, #tpu.memory_space<hbm>> -> memref<1x1x40xi32, #tpu.memory_space<hbm>>
        %dma_wait3A_1281 = tpu.memref_squeeze %dma_wait3A_1280 : memref<1x1x40xi32, #tpu.memory_space<hbm>> -> memref<40xi32, #tpu.memory_space<hbm>>
        %dma_wait3A_1282 = arith.constant 0 : i32
        %dma_wait3A_1283 = tpu.memref_slice %arg8[%dma_wait3A_1275, %dma_wait3A_1282] : memref<14x40xi32, #tpu.memory_space<vmem>> -> memref<1x40xi32, #tpu.memory_space<vmem>>
        %dma_wait3A_1284 = tpu.memref_squeeze %dma_wait3A_1283 : memref<1x40xi32, #tpu.memory_space<vmem>> -> memref<40xi32, #tpu.memory_space<vmem>>
        %dma_wait3A_1285 = arith.constant 0 : i32
        %dma_wait3A_1286 = tpu.memref_slice %arg4[%dma_wait3A_1273, %dma_wait3A_1274, %dma_wait3A_1285] : memref<16x504x40xi32, #tpu.memory_space<hbm>> -> memref<1x1x40xi32, #tpu.memory_space<hbm>>
        %dma_wait3A_1287 = tpu.memref_squeeze %dma_wait3A_1286 : memref<1x1x40xi32, #tpu.memory_space<hbm>> -> memref<40xi32, #tpu.memory_space<hbm>>
        tpu.wait_dma2 semaphore(%arg29 : memref<!tpu.dma_semaphore, #tpu.memory_space<semaphore_mem>>) src(%dma_wait3A_1287 : memref<40xi32, #tpu.memory_space<hbm>>) dst(%dma_wait3A_1284 : memref<40xi32, #tpu.memory_space<vmem>>)
        %add3A_1288 = arith.constant 7 : i32
        %add3A_1289 = arith.addi %add3A_910, %add3A_1288 : i32
        %dma_start3A_1290 = arith.constant 11 : i32
        %dma_start3A_1291 = arith.constant 4 : i32
        %dma_start3A_1292 = arith.constant 0 : i32
        %dma_start3A_1293 = arith.constant 0 : i32
        %dma_start3A_1294 = tpu.memref_slice %arg9[%dma_start3A_1291, %dma_start3A_1292, %dma_start3A_1293] : memref<7x40x128xf32, #tpu.memory_space<vmem>> -> memref<1x40x128xf32, #tpu.memory_space<vmem>>
        %dma_start3A_1295 = tpu.memref_squeeze %dma_start3A_1294 : memref<1x40x128xf32, #tpu.memory_space<vmem>> -> memref<40x128xf32, #tpu.memory_space<vmem>>
        %dma_start3A_1296 = arith.constant 0 : i32
        %dma_start3A_1297 = tpu.memref_slice %arg7[%dma_start3A_1290, %dma_start3A_1296] : memref<14x40xi32, #tpu.memory_space<vmem>> -> memref<1x40xi32, #tpu.memory_space<vmem>>
        %dma_start3A_1298 = tpu.memref_squeeze %dma_start3A_1297 : memref<1x40xi32, #tpu.memory_space<vmem>> -> memref<40xi32, #tpu.memory_space<vmem>>
        %dma_start3A_1299 = arith.constant 0 : i32
        %dma_start3A_1300 = arith.constant 0 : i32
        %dma_start3A_1301 = tpu.memref_slice %arg2[%dma_start3A_1299, %dma_start3A_1300] : memref<20480x128xf32, #tpu.memory_space<hbm>> -> memref<20480x128xf32, #tpu.memory_space<hbm>>
        tpu.enqueue_indirect_dma source(%dma_start3A_1301 : memref<20480x128xf32, #tpu.memory_space<hbm>>) target(%dma_start3A_1295 : memref<40x128xf32, #tpu.memory_space<vmem>>) offsets(%dma_start3A_1298 : memref<40xi32, #tpu.memory_space<vmem>>) semaphore(%arg15 : memref<!tpu.dma_semaphore, #tpu.memory_space<semaphore_mem>>)
      } else {
      }
      %mul3A_942 = arith.constant 14 : i32
      %mul3A_943 = arith.muli %scan3A_767, %mul3A_942 : i32
      %add3A_944 = arith.constant 5 : i32
      %add3A_945 = arith.addi %mul3A_943, %add3A_944 : i32
      %dma_wait3A_946 = arith.constant 5 : i32
      %dma_wait3A_947 = arith.constant 0 : i32
      %dma_wait3A_948 = arith.constant 0 : i32
      %dma_wait3A_949 = tpu.memref_slice %arg9[%dma_wait3A_946, %dma_wait3A_947, %dma_wait3A_948] : memref<7x40x128xf32, #tpu.memory_space<vmem>> -> memref<1x40x128xf32, #tpu.memory_space<vmem>>
      %dma_wait3A_950 = tpu.memref_squeeze %dma_wait3A_949 : memref<1x40x128xf32, #tpu.memory_space<vmem>> -> memref<40x128xf32, #tpu.memory_space<vmem>>
      %dma_wait3A_951 = arith.constant 0 : i32
      %dma_wait3A_952 = arith.constant 0 : i32
      %dma_wait3A_953 = tpu.memref_slice %arg2[%dma_wait3A_951, %dma_wait3A_952] : memref<20480x128xf32, #tpu.memory_space<hbm>> -> memref<40x128xf32, #tpu.memory_space<hbm>>
      %dma_wait3A_954 = arith.constant 0 : i32
      %dma_wait3A_955 = arith.constant 0 : i32
      %dma_wait3A_956 = tpu.memref_slice %arg9[%dma_wait3A_946, %dma_wait3A_954, %dma_wait3A_955] : memref<7x40x128xf32, #tpu.memory_space<vmem>> -> memref<1x40x128xf32, #tpu.memory_space<vmem>>
      %dma_wait3A_957 = tpu.memref_squeeze %dma_wait3A_956 : memref<1x40x128xf32, #tpu.memory_space<vmem>> -> memref<40x128xf32, #tpu.memory_space<vmem>>
      %dma_wait3A_958 = arith.constant 0 : i32
      %dma_wait3A_959 = arith.constant 0 : i32
      %dma_wait3A_960 = tpu.memref_slice %arg2[%dma_wait3A_958, %dma_wait3A_959] : memref<20480x128xf32, #tpu.memory_space<hbm>> -> memref<40x128xf32, #tpu.memory_space<hbm>>
      tpu.wait_dma2 semaphore(%arg16 : memref<!tpu.dma_semaphore, #tpu.memory_space<semaphore_mem>>) src(%dma_wait3A_960 : memref<40x128xf32, #tpu.memory_space<hbm>>) dst(%dma_wait3A_957 : memref<40x128xf32, #tpu.memory_space<vmem>>)
      %run_scoped3A_961 = arith.constant 5 : i32
      %run_scoped3A_962 = arith.constant 5 : i32
      "tpu.region"() ({
        %run_scoped3A_1258 = tpu.sem_alloc : memref<!tpu.dma_semaphore, #tpu.memory_space<semaphore_mem>>
        %dma_start3A_1259 = arith.constant 0 : i32
        %dma_start3A_1260 = arith.constant 0 : i32
        %dma_start3A_1261 = tpu.memref_slice %arg9[%run_scoped3A_961, %dma_start3A_1259, %dma_start3A_1260] : memref<7x40x128xf32, #tpu.memory_space<vmem>> -> memref<1x40x128xf32, #tpu.memory_space<vmem>>
        %dma_start3A_1262 = tpu.memref_squeeze %dma_start3A_1261 : memref<1x40x128xf32, #tpu.memory_space<vmem>> -> memref<40x128xf32, #tpu.memory_space<vmem>>
        %dma_start3A_1263 = arith.constant 0 : i32
        %dma_start3A_1264 = tpu.memref_slice %arg8[%run_scoped3A_962, %dma_start3A_1263] : memref<14x40xi32, #tpu.memory_space<vmem>> -> memref<1x40xi32, #tpu.memory_space<vmem>>
        %dma_start3A_1265 = tpu.memref_squeeze %dma_start3A_1264 : memref<1x40xi32, #tpu.memory_space<vmem>> -> memref<40xi32, #tpu.memory_space<vmem>>
        %dma_start3A_1266 = arith.constant 0 : i32
        %dma_start3A_1267 = arith.constant 0 : i32
        %dma_start3A_1268 = tpu.memref_slice %arg10[%dma_start3A_1266, %dma_start3A_1267] : memref<10248x128xf32, #tpu.memory_space<vmem_shared>> -> memref<10248x128xf32, #tpu.memory_space<vmem_shared>>
        tpu.enqueue_indirect_dma source(%dma_start3A_1262 : memref<40x128xf32, #tpu.memory_space<vmem>>) target(%dma_start3A_1268 : memref<10248x128xf32, #tpu.memory_space<vmem_shared>>) offsets(%dma_start3A_1265 : memref<40xi32, #tpu.memory_space<vmem>>) semaphore(%run_scoped3A_1258 : memref<!tpu.dma_semaphore, #tpu.memory_space<semaphore_mem>>) {add = true}
        %dma_wait3A_1269 = arith.constant 0 : i32
        %dma_wait3A_1270 = arith.constant 0 : i32
        %dma_wait3A_1271 = tpu.memref_slice %arg9[%run_scoped3A_961, %dma_wait3A_1269, %dma_wait3A_1270] : memref<7x40x128xf32, #tpu.memory_space<vmem>> -> memref<1x40x128xf32, #tpu.memory_space<vmem>>
        %dma_wait3A_1272 = tpu.memref_squeeze %dma_wait3A_1271 : memref<1x40x128xf32, #tpu.memory_space<vmem>> -> memref<40x128xf32, #tpu.memory_space<vmem>>
        %dma_wait3A_1273 = arith.constant 0 : i32
        %dma_wait3A_1274 = tpu.memref_slice %arg8[%run_scoped3A_962, %dma_wait3A_1273] : memref<14x40xi32, #tpu.memory_space<vmem>> -> memref<1x40xi32, #tpu.memory_space<vmem>>
        %dma_wait3A_1275 = tpu.memref_squeeze %dma_wait3A_1274 : memref<1x40xi32, #tpu.memory_space<vmem>> -> memref<40xi32, #tpu.memory_space<vmem>>
        %dma_wait3A_1276 = arith.constant 0 : i32
        %dma_wait3A_1277 = arith.constant 0 : i32
        %dma_wait3A_1278 = tpu.memref_slice %arg10[%dma_wait3A_1276, %dma_wait3A_1277] : memref<10248x128xf32, #tpu.memory_space<vmem_shared>> -> memref<10248x128xf32, #tpu.memory_space<vmem_shared>>
        tpu.wait_indirect_dma semaphore(%run_scoped3A_1258 : memref<!tpu.dma_semaphore, #tpu.memory_space<semaphore_mem>>) src(%dma_wait3A_1272 : memref<40x128xf32, #tpu.memory_space<vmem>>) dst(%dma_wait3A_1278 : memref<10248x128xf32, #tpu.memory_space<vmem_shared>>)
        tpu.yield
      }) : () -> ()
      %add3A_963 = arith.constant 14 : i32
      %add3A_964 = arith.addi %add3A_945, %add3A_963 : i32
      %lt3A_965 = arith.constant 504 : i32
      %lt3A_966 = arith.cmpi slt, %add3A_964, %lt3A_965 : i32
      %convert_element_type3A_967 = arith.extui %lt3A_966 : i1 to i32
      %cond3A_968 = arith.constant 0 : i32
      %cond3A_969 = arith.cmpi ne, %convert_element_type3A_967, %cond3A_968 : i32
      scf.if %cond3A_969 {
        %add3A_1258 = arith.constant 14 : i32
        %add3A_1259 = arith.addi %add3A_945, %add3A_1258 : i32
        %dma_start3A_1260 = arith.constant 5 : i32
        %dma_start3A_1261 = arith.constant 0 : i32
        %dma_start3A_1262 = tpu.memref_slice %arg7[%dma_start3A_1260, %dma_start3A_1261] : memref<14x40xi32, #tpu.memory_space<vmem>> -> memref<1x40xi32, #tpu.memory_space<vmem>>
        %dma_start3A_1263 = tpu.memref_squeeze %dma_start3A_1262 : memref<1x40xi32, #tpu.memory_space<vmem>> -> memref<40xi32, #tpu.memory_space<vmem>>
        %dma_start3A_1264 = arith.constant 0 : i32
        %dma_start3A_1265 = tpu.memref_slice %arg3[%arg0, %arg1, %add3A_1259, %dma_start3A_1264] : memref<2x16x504x40xi32, #tpu.memory_space<hbm>> -> memref<1x1x1x40xi32, #tpu.memory_space<hbm>>
        %dma_start3A_1266 = tpu.memref_squeeze %dma_start3A_1265 : memref<1x1x1x40xi32, #tpu.memory_space<hbm>> -> memref<40xi32, #tpu.memory_space<hbm>>
        %dma_start3A_1267 = arith.constant 0 : i32
        %dma_start3A_1268 = tpu.memref_slice %arg7[%dma_start3A_1260, %dma_start3A_1267] : memref<14x40xi32, #tpu.memory_space<vmem>> -> memref<1x40xi32, #tpu.memory_space<vmem>>
        %dma_start3A_1269 = tpu.memref_squeeze %dma_start3A_1268 : memref<1x40xi32, #tpu.memory_space<vmem>> -> memref<40xi32, #tpu.memory_space<vmem>>
        %dma_start3A_1270 = arith.constant 0 : i32
        %dma_start3A_1271 = tpu.memref_slice %arg3[%arg0, %arg1, %add3A_1259, %dma_start3A_1270] : memref<2x16x504x40xi32, #tpu.memory_space<hbm>> -> memref<1x1x1x40xi32, #tpu.memory_space<hbm>>
        %dma_start3A_1272 = tpu.memref_squeeze %dma_start3A_1271 : memref<1x1x1x40xi32, #tpu.memory_space<hbm>> -> memref<40xi32, #tpu.memory_space<hbm>>
        tpu.enqueue_dma source(%dma_start3A_1272 : memref<40xi32, #tpu.memory_space<hbm>>) target(%dma_start3A_1269 : memref<40xi32, #tpu.memory_space<vmem>>) target_semaphore(%arg23 : memref<!tpu.dma_semaphore, #tpu.memory_space<semaphore_mem>>)
        %dma_start3A_1273 = arith.constant 5 : i32
        %dma_start3A_1274 = arith.constant 0 : i32
        %dma_start3A_1275 = tpu.memref_slice %arg8[%dma_start3A_1273, %dma_start3A_1274] : memref<14x40xi32, #tpu.memory_space<vmem>> -> memref<1x40xi32, #tpu.memory_space<vmem>>
        %dma_start3A_1276 = tpu.memref_squeeze %dma_start3A_1275 : memref<1x40xi32, #tpu.memory_space<vmem>> -> memref<40xi32, #tpu.memory_space<vmem>>
        %dma_start3A_1277 = arith.constant 0 : i32
        %dma_start3A_1278 = tpu.memref_slice %arg4[%arg1, %add3A_1259, %dma_start3A_1277] : memref<16x504x40xi32, #tpu.memory_space<hbm>> -> memref<1x1x40xi32, #tpu.memory_space<hbm>>
        %dma_start3A_1279 = tpu.memref_squeeze %dma_start3A_1278 : memref<1x1x40xi32, #tpu.memory_space<hbm>> -> memref<40xi32, #tpu.memory_space<hbm>>
        %dma_start3A_1280 = arith.constant 0 : i32
        %dma_start3A_1281 = tpu.memref_slice %arg8[%dma_start3A_1273, %dma_start3A_1280] : memref<14x40xi32, #tpu.memory_space<vmem>> -> memref<1x40xi32, #tpu.memory_space<vmem>>
        %dma_start3A_1282 = tpu.memref_squeeze %dma_start3A_1281 : memref<1x40xi32, #tpu.memory_space<vmem>> -> memref<40xi32, #tpu.memory_space<vmem>>
        %dma_start3A_1283 = arith.constant 0 : i32
        %dma_start3A_1284 = tpu.memref_slice %arg4[%arg1, %add3A_1259, %dma_start3A_1283] : memref<16x504x40xi32, #tpu.memory_space<hbm>> -> memref<1x1x40xi32, #tpu.memory_space<hbm>>
        %dma_start3A_1285 = tpu.memref_squeeze %dma_start3A_1284 : memref<1x1x40xi32, #tpu.memory_space<hbm>> -> memref<40xi32, #tpu.memory_space<hbm>>
        tpu.enqueue_dma source(%dma_start3A_1285 : memref<40xi32, #tpu.memory_space<hbm>>) target(%dma_start3A_1282 : memref<40xi32, #tpu.memory_space<vmem>>) target_semaphore(%arg23 : memref<!tpu.dma_semaphore, #tpu.memory_space<semaphore_mem>>)
      } else {
      }
      %add3A_970 = arith.constant 7 : i32
      %add3A_971 = arith.addi %add3A_945, %add3A_970 : i32
      %lt3A_972 = arith.constant 504 : i32
      %lt3A_973 = arith.cmpi slt, %add3A_971, %lt3A_972 : i32
      %convert_element_type3A_974 = arith.extui %lt3A_973 : i1 to i32
      %cond3A_975 = arith.constant 0 : i32
      %cond3A_976 = arith.cmpi ne, %convert_element_type3A_974, %cond3A_975 : i32
      scf.if %cond3A_976 {
        %dma_wait3A_1258 = arith.constant 0 : i32
        %dma_wait3A_1259 = arith.constant 0 : i32
        %dma_wait3A_1260 = arith.constant 12 : i32
        %dma_wait3A_1261 = arith.constant 0 : i32
        %dma_wait3A_1262 = tpu.memref_slice %arg7[%dma_wait3A_1260, %dma_wait3A_1261] : memref<14x40xi32, #tpu.memory_space<vmem>> -> memref<1x40xi32, #tpu.memory_space<vmem>>
        %dma_wait3A_1263 = tpu.memref_squeeze %dma_wait3A_1262 : memref<1x40xi32, #tpu.memory_space<vmem>> -> memref<40xi32, #tpu.memory_space<vmem>>
        %dma_wait3A_1264 = arith.constant 0 : i32
        %dma_wait3A_1265 = tpu.memref_slice %arg4[%dma_wait3A_1258, %dma_wait3A_1259, %dma_wait3A_1264] : memref<16x504x40xi32, #tpu.memory_space<hbm>> -> memref<1x1x40xi32, #tpu.memory_space<hbm>>
        %dma_wait3A_1266 = tpu.memref_squeeze %dma_wait3A_1265 : memref<1x1x40xi32, #tpu.memory_space<hbm>> -> memref<40xi32, #tpu.memory_space<hbm>>
        %dma_wait3A_1267 = arith.constant 0 : i32
        %dma_wait3A_1268 = tpu.memref_slice %arg7[%dma_wait3A_1260, %dma_wait3A_1267] : memref<14x40xi32, #tpu.memory_space<vmem>> -> memref<1x40xi32, #tpu.memory_space<vmem>>
        %dma_wait3A_1269 = tpu.memref_squeeze %dma_wait3A_1268 : memref<1x40xi32, #tpu.memory_space<vmem>> -> memref<40xi32, #tpu.memory_space<vmem>>
        %dma_wait3A_1270 = arith.constant 0 : i32
        %dma_wait3A_1271 = tpu.memref_slice %arg4[%dma_wait3A_1258, %dma_wait3A_1259, %dma_wait3A_1270] : memref<16x504x40xi32, #tpu.memory_space<hbm>> -> memref<1x1x40xi32, #tpu.memory_space<hbm>>
        %dma_wait3A_1272 = tpu.memref_squeeze %dma_wait3A_1271 : memref<1x1x40xi32, #tpu.memory_space<hbm>> -> memref<40xi32, #tpu.memory_space<hbm>>
        tpu.wait_dma2 semaphore(%arg30 : memref<!tpu.dma_semaphore, #tpu.memory_space<semaphore_mem>>) src(%dma_wait3A_1272 : memref<40xi32, #tpu.memory_space<hbm>>) dst(%dma_wait3A_1269 : memref<40xi32, #tpu.memory_space<vmem>>)
        %dma_wait3A_1273 = arith.constant 0 : i32
        %dma_wait3A_1274 = arith.constant 0 : i32
        %dma_wait3A_1275 = arith.constant 12 : i32
        %dma_wait3A_1276 = arith.constant 0 : i32
        %dma_wait3A_1277 = tpu.memref_slice %arg8[%dma_wait3A_1275, %dma_wait3A_1276] : memref<14x40xi32, #tpu.memory_space<vmem>> -> memref<1x40xi32, #tpu.memory_space<vmem>>
        %dma_wait3A_1278 = tpu.memref_squeeze %dma_wait3A_1277 : memref<1x40xi32, #tpu.memory_space<vmem>> -> memref<40xi32, #tpu.memory_space<vmem>>
        %dma_wait3A_1279 = arith.constant 0 : i32
        %dma_wait3A_1280 = tpu.memref_slice %arg4[%dma_wait3A_1273, %dma_wait3A_1274, %dma_wait3A_1279] : memref<16x504x40xi32, #tpu.memory_space<hbm>> -> memref<1x1x40xi32, #tpu.memory_space<hbm>>
        %dma_wait3A_1281 = tpu.memref_squeeze %dma_wait3A_1280 : memref<1x1x40xi32, #tpu.memory_space<hbm>> -> memref<40xi32, #tpu.memory_space<hbm>>
        %dma_wait3A_1282 = arith.constant 0 : i32
        %dma_wait3A_1283 = tpu.memref_slice %arg8[%dma_wait3A_1275, %dma_wait3A_1282] : memref<14x40xi32, #tpu.memory_space<vmem>> -> memref<1x40xi32, #tpu.memory_space<vmem>>
        %dma_wait3A_1284 = tpu.memref_squeeze %dma_wait3A_1283 : memref<1x40xi32, #tpu.memory_space<vmem>> -> memref<40xi32, #tpu.memory_space<vmem>>
        %dma_wait3A_1285 = arith.constant 0 : i32
        %dma_wait3A_1286 = tpu.memref_slice %arg4[%dma_wait3A_1273, %dma_wait3A_1274, %dma_wait3A_1285] : memref<16x504x40xi32, #tpu.memory_space<hbm>> -> memref<1x1x40xi32, #tpu.memory_space<hbm>>
        %dma_wait3A_1287 = tpu.memref_squeeze %dma_wait3A_1286 : memref<1x1x40xi32, #tpu.memory_space<hbm>> -> memref<40xi32, #tpu.memory_space<hbm>>
        tpu.wait_dma2 semaphore(%arg30 : memref<!tpu.dma_semaphore, #tpu.memory_space<semaphore_mem>>) src(%dma_wait3A_1287 : memref<40xi32, #tpu.memory_space<hbm>>) dst(%dma_wait3A_1284 : memref<40xi32, #tpu.memory_space<vmem>>)
        %add3A_1288 = arith.constant 7 : i32
        %add3A_1289 = arith.addi %add3A_945, %add3A_1288 : i32
        %dma_start3A_1290 = arith.constant 12 : i32
        %dma_start3A_1291 = arith.constant 5 : i32
        %dma_start3A_1292 = arith.constant 0 : i32
        %dma_start3A_1293 = arith.constant 0 : i32
        %dma_start3A_1294 = tpu.memref_slice %arg9[%dma_start3A_1291, %dma_start3A_1292, %dma_start3A_1293] : memref<7x40x128xf32, #tpu.memory_space<vmem>> -> memref<1x40x128xf32, #tpu.memory_space<vmem>>
        %dma_start3A_1295 = tpu.memref_squeeze %dma_start3A_1294 : memref<1x40x128xf32, #tpu.memory_space<vmem>> -> memref<40x128xf32, #tpu.memory_space<vmem>>
        %dma_start3A_1296 = arith.constant 0 : i32
        %dma_start3A_1297 = tpu.memref_slice %arg7[%dma_start3A_1290, %dma_start3A_1296] : memref<14x40xi32, #tpu.memory_space<vmem>> -> memref<1x40xi32, #tpu.memory_space<vmem>>
        %dma_start3A_1298 = tpu.memref_squeeze %dma_start3A_1297 : memref<1x40xi32, #tpu.memory_space<vmem>> -> memref<40xi32, #tpu.memory_space<vmem>>
        %dma_start3A_1299 = arith.constant 0 : i32
        %dma_start3A_1300 = arith.constant 0 : i32
        %dma_start3A_1301 = tpu.memref_slice %arg2[%dma_start3A_1299, %dma_start3A_1300] : memref<20480x128xf32, #tpu.memory_space<hbm>> -> memref<20480x128xf32, #tpu.memory_space<hbm>>
        tpu.enqueue_indirect_dma source(%dma_start3A_1301 : memref<20480x128xf32, #tpu.memory_space<hbm>>) target(%dma_start3A_1295 : memref<40x128xf32, #tpu.memory_space<vmem>>) offsets(%dma_start3A_1298 : memref<40xi32, #tpu.memory_space<vmem>>) semaphore(%arg16 : memref<!tpu.dma_semaphore, #tpu.memory_space<semaphore_mem>>)
      } else {
      }
      %mul3A_977 = arith.constant 14 : i32
      %mul3A_978 = arith.muli %scan3A_767, %mul3A_977 : i32
      %add3A_979 = arith.constant 6 : i32
      %add3A_980 = arith.addi %mul3A_978, %add3A_979 : i32
      %dma_wait3A_981 = arith.constant 6 : i32
      %dma_wait3A_982 = arith.constant 0 : i32
      %dma_wait3A_983 = arith.constant 0 : i32
      %dma_wait3A_984 = tpu.memref_slice %arg9[%dma_wait3A_981, %dma_wait3A_982, %dma_wait3A_983] : memref<7x40x128xf32, #tpu.memory_space<vmem>> -> memref<1x40x128xf32, #tpu.memory_space<vmem>>
      %dma_wait3A_985 = tpu.memref_squeeze %dma_wait3A_984 : memref<1x40x128xf32, #tpu.memory_space<vmem>> -> memref<40x128xf32, #tpu.memory_space<vmem>>
      %dma_wait3A_986 = arith.constant 0 : i32
      %dma_wait3A_987 = arith.constant 0 : i32
      %dma_wait3A_988 = tpu.memref_slice %arg2[%dma_wait3A_986, %dma_wait3A_987] : memref<20480x128xf32, #tpu.memory_space<hbm>> -> memref<40x128xf32, #tpu.memory_space<hbm>>
      %dma_wait3A_989 = arith.constant 0 : i32
      %dma_wait3A_990 = arith.constant 0 : i32
      %dma_wait3A_991 = tpu.memref_slice %arg9[%dma_wait3A_981, %dma_wait3A_989, %dma_wait3A_990] : memref<7x40x128xf32, #tpu.memory_space<vmem>> -> memref<1x40x128xf32, #tpu.memory_space<vmem>>
      %dma_wait3A_992 = tpu.memref_squeeze %dma_wait3A_991 : memref<1x40x128xf32, #tpu.memory_space<vmem>> -> memref<40x128xf32, #tpu.memory_space<vmem>>
      %dma_wait3A_993 = arith.constant 0 : i32
      %dma_wait3A_994 = arith.constant 0 : i32
      %dma_wait3A_995 = tpu.memref_slice %arg2[%dma_wait3A_993, %dma_wait3A_994] : memref<20480x128xf32, #tpu.memory_space<hbm>> -> memref<40x128xf32, #tpu.memory_space<hbm>>
      tpu.wait_dma2 semaphore(%arg17 : memref<!tpu.dma_semaphore, #tpu.memory_space<semaphore_mem>>) src(%dma_wait3A_995 : memref<40x128xf32, #tpu.memory_space<hbm>>) dst(%dma_wait3A_992 : memref<40x128xf32, #tpu.memory_space<vmem>>)
      %run_scoped3A_996 = arith.constant 6 : i32
      %run_scoped3A_997 = arith.constant 6 : i32
      "tpu.region"() ({
        %run_scoped3A_1258 = tpu.sem_alloc : memref<!tpu.dma_semaphore, #tpu.memory_space<semaphore_mem>>
        %dma_start3A_1259 = arith.constant 0 : i32
        %dma_start3A_1260 = arith.constant 0 : i32
        %dma_start3A_1261 = tpu.memref_slice %arg9[%run_scoped3A_996, %dma_start3A_1259, %dma_start3A_1260] : memref<7x40x128xf32, #tpu.memory_space<vmem>> -> memref<1x40x128xf32, #tpu.memory_space<vmem>>
        %dma_start3A_1262 = tpu.memref_squeeze %dma_start3A_1261 : memref<1x40x128xf32, #tpu.memory_space<vmem>> -> memref<40x128xf32, #tpu.memory_space<vmem>>
        %dma_start3A_1263 = arith.constant 0 : i32
        %dma_start3A_1264 = tpu.memref_slice %arg8[%run_scoped3A_997, %dma_start3A_1263] : memref<14x40xi32, #tpu.memory_space<vmem>> -> memref<1x40xi32, #tpu.memory_space<vmem>>
        %dma_start3A_1265 = tpu.memref_squeeze %dma_start3A_1264 : memref<1x40xi32, #tpu.memory_space<vmem>> -> memref<40xi32, #tpu.memory_space<vmem>>
        %dma_start3A_1266 = arith.constant 0 : i32
        %dma_start3A_1267 = arith.constant 0 : i32
        %dma_start3A_1268 = tpu.memref_slice %arg10[%dma_start3A_1266, %dma_start3A_1267] : memref<10248x128xf32, #tpu.memory_space<vmem_shared>> -> memref<10248x128xf32, #tpu.memory_space<vmem_shared>>
        tpu.enqueue_indirect_dma source(%dma_start3A_1262 : memref<40x128xf32, #tpu.memory_space<vmem>>) target(%dma_start3A_1268 : memref<10248x128xf32, #tpu.memory_space<vmem_shared>>) offsets(%dma_start3A_1265 : memref<40xi32, #tpu.memory_space<vmem>>) semaphore(%run_scoped3A_1258 : memref<!tpu.dma_semaphore, #tpu.memory_space<semaphore_mem>>) {add = true}
        %dma_wait3A_1269 = arith.constant 0 : i32
        %dma_wait3A_1270 = arith.constant 0 : i32
        %dma_wait3A_1271 = tpu.memref_slice %arg9[%run_scoped3A_996, %dma_wait3A_1269, %dma_wait3A_1270] : memref<7x40x128xf32, #tpu.memory_space<vmem>> -> memref<1x40x128xf32, #tpu.memory_space<vmem>>
        %dma_wait3A_1272 = tpu.memref_squeeze %dma_wait3A_1271 : memref<1x40x128xf32, #tpu.memory_space<vmem>> -> memref<40x128xf32, #tpu.memory_space<vmem>>
        %dma_wait3A_1273 = arith.constant 0 : i32
        %dma_wait3A_1274 = tpu.memref_slice %arg8[%run_scoped3A_997, %dma_wait3A_1273] : memref<14x40xi32, #tpu.memory_space<vmem>> -> memref<1x40xi32, #tpu.memory_space<vmem>>
        %dma_wait3A_1275 = tpu.memref_squeeze %dma_wait3A_1274 : memref<1x40xi32, #tpu.memory_space<vmem>> -> memref<40xi32, #tpu.memory_space<vmem>>
        %dma_wait3A_1276 = arith.constant 0 : i32
        %dma_wait3A_1277 = arith.constant 0 : i32
        %dma_wait3A_1278 = tpu.memref_slice %arg10[%dma_wait3A_1276, %dma_wait3A_1277] : memref<10248x128xf32, #tpu.memory_space<vmem_shared>> -> memref<10248x128xf32, #tpu.memory_space<vmem_shared>>
        tpu.wait_indirect_dma semaphore(%run_scoped3A_1258 : memref<!tpu.dma_semaphore, #tpu.memory_space<semaphore_mem>>) src(%dma_wait3A_1272 : memref<40x128xf32, #tpu.memory_space<vmem>>) dst(%dma_wait3A_1278 : memref<10248x128xf32, #tpu.memory_space<vmem_shared>>)
        tpu.yield
      }) : () -> ()
      %add3A_998 = arith.constant 14 : i32
      %add3A_999 = arith.addi %add3A_980, %add3A_998 : i32
      %lt3A_1000 = arith.constant 504 : i32
      %lt3A_1001 = arith.cmpi slt, %add3A_999, %lt3A_1000 : i32
      %convert_element_type3A_1002 = arith.extui %lt3A_1001 : i1 to i32
      %cond3A_1003 = arith.constant 0 : i32
      %cond3A_1004 = arith.cmpi ne, %convert_element_type3A_1002, %cond3A_1003 : i32
      scf.if %cond3A_1004 {
        %add3A_1258 = arith.constant 14 : i32
        %add3A_1259 = arith.addi %add3A_980, %add3A_1258 : i32
        %dma_start3A_1260 = arith.constant 6 : i32
        %dma_start3A_1261 = arith.constant 0 : i32
        %dma_start3A_1262 = tpu.memref_slice %arg7[%dma_start3A_1260, %dma_start3A_1261] : memref<14x40xi32, #tpu.memory_space<vmem>> -> memref<1x40xi32, #tpu.memory_space<vmem>>
        %dma_start3A_1263 = tpu.memref_squeeze %dma_start3A_1262 : memref<1x40xi32, #tpu.memory_space<vmem>> -> memref<40xi32, #tpu.memory_space<vmem>>
        %dma_start3A_1264 = arith.constant 0 : i32
        %dma_start3A_1265 = tpu.memref_slice %arg3[%arg0, %arg1, %add3A_1259, %dma_start3A_1264] : memref<2x16x504x40xi32, #tpu.memory_space<hbm>> -> memref<1x1x1x40xi32, #tpu.memory_space<hbm>>
        %dma_start3A_1266 = tpu.memref_squeeze %dma_start3A_1265 : memref<1x1x1x40xi32, #tpu.memory_space<hbm>> -> memref<40xi32, #tpu.memory_space<hbm>>
        %dma_start3A_1267 = arith.constant 0 : i32
        %dma_start3A_1268 = tpu.memref_slice %arg7[%dma_start3A_1260, %dma_start3A_1267] : memref<14x40xi32, #tpu.memory_space<vmem>> -> memref<1x40xi32, #tpu.memory_space<vmem>>
        %dma_start3A_1269 = tpu.memref_squeeze %dma_start3A_1268 : memref<1x40xi32, #tpu.memory_space<vmem>> -> memref<40xi32, #tpu.memory_space<vmem>>
        %dma_start3A_1270 = arith.constant 0 : i32
        %dma_start3A_1271 = tpu.memref_slice %arg3[%arg0, %arg1, %add3A_1259, %dma_start3A_1270] : memref<2x16x504x40xi32, #tpu.memory_space<hbm>> -> memref<1x1x1x40xi32, #tpu.memory_space<hbm>>
        %dma_start3A_1272 = tpu.memref_squeeze %dma_start3A_1271 : memref<1x1x1x40xi32, #tpu.memory_space<hbm>> -> memref<40xi32, #tpu.memory_space<hbm>>
        tpu.enqueue_dma source(%dma_start3A_1272 : memref<40xi32, #tpu.memory_space<hbm>>) target(%dma_start3A_1269 : memref<40xi32, #tpu.memory_space<vmem>>) target_semaphore(%arg24 : memref<!tpu.dma_semaphore, #tpu.memory_space<semaphore_mem>>)
        %dma_start3A_1273 = arith.constant 6 : i32
        %dma_start3A_1274 = arith.constant 0 : i32
        %dma_start3A_1275 = tpu.memref_slice %arg8[%dma_start3A_1273, %dma_start3A_1274] : memref<14x40xi32, #tpu.memory_space<vmem>> -> memref<1x40xi32, #tpu.memory_space<vmem>>
        %dma_start3A_1276 = tpu.memref_squeeze %dma_start3A_1275 : memref<1x40xi32, #tpu.memory_space<vmem>> -> memref<40xi32, #tpu.memory_space<vmem>>
        %dma_start3A_1277 = arith.constant 0 : i32
        %dma_start3A_1278 = tpu.memref_slice %arg4[%arg1, %add3A_1259, %dma_start3A_1277] : memref<16x504x40xi32, #tpu.memory_space<hbm>> -> memref<1x1x40xi32, #tpu.memory_space<hbm>>
        %dma_start3A_1279 = tpu.memref_squeeze %dma_start3A_1278 : memref<1x1x40xi32, #tpu.memory_space<hbm>> -> memref<40xi32, #tpu.memory_space<hbm>>
        %dma_start3A_1280 = arith.constant 0 : i32
        %dma_start3A_1281 = tpu.memref_slice %arg8[%dma_start3A_1273, %dma_start3A_1280] : memref<14x40xi32, #tpu.memory_space<vmem>> -> memref<1x40xi32, #tpu.memory_space<vmem>>
        %dma_start3A_1282 = tpu.memref_squeeze %dma_start3A_1281 : memref<1x40xi32, #tpu.memory_space<vmem>> -> memref<40xi32, #tpu.memory_space<vmem>>
        %dma_start3A_1283 = arith.constant 0 : i32
        %dma_start3A_1284 = tpu.memref_slice %arg4[%arg1, %add3A_1259, %dma_start3A_1283] : memref<16x504x40xi32, #tpu.memory_space<hbm>> -> memref<1x1x40xi32, #tpu.memory_space<hbm>>
        %dma_start3A_1285 = tpu.memref_squeeze %dma_start3A_1284 : memref<1x1x40xi32, #tpu.memory_space<hbm>> -> memref<40xi32, #tpu.memory_space<hbm>>
        tpu.enqueue_dma source(%dma_start3A_1285 : memref<40xi32, #tpu.memory_space<hbm>>) target(%dma_start3A_1282 : memref<40xi32, #tpu.memory_space<vmem>>) target_semaphore(%arg24 : memref<!tpu.dma_semaphore, #tpu.memory_space<semaphore_mem>>)
      } else {
      }
      %add3A_1005 = arith.constant 7 : i32
      %add3A_1006 = arith.addi %add3A_980, %add3A_1005 : i32
      %lt3A_1007 = arith.constant 504 : i32
      %lt3A_1008 = arith.cmpi slt, %add3A_1006, %lt3A_1007 : i32
      %convert_element_type3A_1009 = arith.extui %lt3A_1008 : i1 to i32
      %cond3A_1010 = arith.constant 0 : i32
      %cond3A_1011 = arith.cmpi ne, %convert_element_type3A_1009, %cond3A_1010 : i32
      scf.if %cond3A_1011 {
        %dma_wait3A_1258 = arith.constant 0 : i32
        %dma_wait3A_1259 = arith.constant 0 : i32
        %dma_wait3A_1260 = arith.constant 13 : i32
        %dma_wait3A_1261 = arith.constant 0 : i32
        %dma_wait3A_1262 = tpu.memref_slice %arg7[%dma_wait3A_1260, %dma_wait3A_1261] : memref<14x40xi32, #tpu.memory_space<vmem>> -> memref<1x40xi32, #tpu.memory_space<vmem>>
        %dma_wait3A_1263 = tpu.memref_squeeze %dma_wait3A_1262 : memref<1x40xi32, #tpu.memory_space<vmem>> -> memref<40xi32, #tpu.memory_space<vmem>>
        %dma_wait3A_1264 = arith.constant 0 : i32
        %dma_wait3A_1265 = tpu.memref_slice %arg4[%dma_wait3A_1258, %dma_wait3A_1259, %dma_wait3A_1264] : memref<16x504x40xi32, #tpu.memory_space<hbm>> -> memref<1x1x40xi32, #tpu.memory_space<hbm>>
        %dma_wait3A_1266 = tpu.memref_squeeze %dma_wait3A_1265 : memref<1x1x40xi32, #tpu.memory_space<hbm>> -> memref<40xi32, #tpu.memory_space<hbm>>
        %dma_wait3A_1267 = arith.constant 0 : i32
        %dma_wait3A_1268 = tpu.memref_slice %arg7[%dma_wait3A_1260, %dma_wait3A_1267] : memref<14x40xi32, #tpu.memory_space<vmem>> -> memref<1x40xi32, #tpu.memory_space<vmem>>
        %dma_wait3A_1269 = tpu.memref_squeeze %dma_wait3A_1268 : memref<1x40xi32, #tpu.memory_space<vmem>> -> memref<40xi32, #tpu.memory_space<vmem>>
        %dma_wait3A_1270 = arith.constant 0 : i32
        %dma_wait3A_1271 = tpu.memref_slice %arg4[%dma_wait3A_1258, %dma_wait3A_1259, %dma_wait3A_1270] : memref<16x504x40xi32, #tpu.memory_space<hbm>> -> memref<1x1x40xi32, #tpu.memory_space<hbm>>
        %dma_wait3A_1272 = tpu.memref_squeeze %dma_wait3A_1271 : memref<1x1x40xi32, #tpu.memory_space<hbm>> -> memref<40xi32, #tpu.memory_space<hbm>>
        tpu.wait_dma2 semaphore(%arg31 : memref<!tpu.dma_semaphore, #tpu.memory_space<semaphore_mem>>) src(%dma_wait3A_1272 : memref<40xi32, #tpu.memory_space<hbm>>) dst(%dma_wait3A_1269 : memref<40xi32, #tpu.memory_space<vmem>>)
        %dma_wait3A_1273 = arith.constant 0 : i32
        %dma_wait3A_1274 = arith.constant 0 : i32
        %dma_wait3A_1275 = arith.constant 13 : i32
        %dma_wait3A_1276 = arith.constant 0 : i32
        %dma_wait3A_1277 = tpu.memref_slice %arg8[%dma_wait3A_1275, %dma_wait3A_1276] : memref<14x40xi32, #tpu.memory_space<vmem>> -> memref<1x40xi32, #tpu.memory_space<vmem>>
        %dma_wait3A_1278 = tpu.memref_squeeze %dma_wait3A_1277 : memref<1x40xi32, #tpu.memory_space<vmem>> -> memref<40xi32, #tpu.memory_space<vmem>>
        %dma_wait3A_1279 = arith.constant 0 : i32
        %dma_wait3A_1280 = tpu.memref_slice %arg4[%dma_wait3A_1273, %dma_wait3A_1274, %dma_wait3A_1279] : memref<16x504x40xi32, #tpu.memory_space<hbm>> -> memref<1x1x40xi32, #tpu.memory_space<hbm>>
        %dma_wait3A_1281 = tpu.memref_squeeze %dma_wait3A_1280 : memref<1x1x40xi32, #tpu.memory_space<hbm>> -> memref<40xi32, #tpu.memory_space<hbm>>
        %dma_wait3A_1282 = arith.constant 0 : i32
        %dma_wait3A_1283 = tpu.memref_slice %arg8[%dma_wait3A_1275, %dma_wait3A_1282] : memref<14x40xi32, #tpu.memory_space<vmem>> -> memref<1x40xi32, #tpu.memory_space<vmem>>
        %dma_wait3A_1284 = tpu.memref_squeeze %dma_wait3A_1283 : memref<1x40xi32, #tpu.memory_space<vmem>> -> memref<40xi32, #tpu.memory_space<vmem>>
        %dma_wait3A_1285 = arith.constant 0 : i32
        %dma_wait3A_1286 = tpu.memref_slice %arg4[%dma_wait3A_1273, %dma_wait3A_1274, %dma_wait3A_1285] : memref<16x504x40xi32, #tpu.memory_space<hbm>> -> memref<1x1x40xi32, #tpu.memory_space<hbm>>
        %dma_wait3A_1287 = tpu.memref_squeeze %dma_wait3A_1286 : memref<1x1x40xi32, #tpu.memory_space<hbm>> -> memref<40xi32, #tpu.memory_space<hbm>>
        tpu.wait_dma2 semaphore(%arg31 : memref<!tpu.dma_semaphore, #tpu.memory_space<semaphore_mem>>) src(%dma_wait3A_1287 : memref<40xi32, #tpu.memory_space<hbm>>) dst(%dma_wait3A_1284 : memref<40xi32, #tpu.memory_space<vmem>>)
        %add3A_1288 = arith.constant 7 : i32
        %add3A_1289 = arith.addi %add3A_980, %add3A_1288 : i32
        %dma_start3A_1290 = arith.constant 13 : i32
        %dma_start3A_1291 = arith.constant 6 : i32
        %dma_start3A_1292 = arith.constant 0 : i32
        %dma_start3A_1293 = arith.constant 0 : i32
        %dma_start3A_1294 = tpu.memref_slice %arg9[%dma_start3A_1291, %dma_start3A_1292, %dma_start3A_1293] : memref<7x40x128xf32, #tpu.memory_space<vmem>> -> memref<1x40x128xf32, #tpu.memory_space<vmem>>
        %dma_start3A_1295 = tpu.memref_squeeze %dma_start3A_1294 : memref<1x40x128xf32, #tpu.memory_space<vmem>> -> memref<40x128xf32, #tpu.memory_space<vmem>>
        %dma_start3A_1296 = arith.constant 0 : i32
        %dma_start3A_1297 = tpu.memref_slice %arg7[%dma_start3A_1290, %dma_start3A_1296] : memref<14x40xi32, #tpu.memory_space<vmem>> -> memref<1x40xi32, #tpu.memory_space<vmem>>
        %dma_start3A_1298 = tpu.memref_squeeze %dma_start3A_1297 : memref<1x40xi32, #tpu.memory_space<vmem>> -> memref<40xi32, #tpu.memory_space<vmem>>
        %dma_start3A_1299 = arith.constant 0 : i32
        %dma_start3A_1300 = arith.constant 0 : i32
        %dma_start3A_1301 = tpu.memref_slice %arg2[%dma_start3A_1299, %dma_start3A_1300] : memref<20480x128xf32, #tpu.memory_space<hbm>> -> memref<20480x128xf32, #tpu.memory_space<hbm>>
        tpu.enqueue_indirect_dma source(%dma_start3A_1301 : memref<20480x128xf32, #tpu.memory_space<hbm>>) target(%dma_start3A_1295 : memref<40x128xf32, #tpu.memory_space<vmem>>) offsets(%dma_start3A_1298 : memref<40xi32, #tpu.memory_space<vmem>>) semaphore(%arg17 : memref<!tpu.dma_semaphore, #tpu.memory_space<semaphore_mem>>)
      } else {
      }
      %mul3A_1012 = arith.constant 14 : i32
      %mul3A_1013 = arith.muli %scan3A_767, %mul3A_1012 : i32
      %add3A_1014 = arith.constant 7 : i32
      %add3A_1015 = arith.addi %mul3A_1013, %add3A_1014 : i32
      %dma_wait3A_1016 = arith.constant 0 : i32
      %dma_wait3A_1017 = arith.constant 0 : i32
      %dma_wait3A_1018 = arith.constant 0 : i32
      %dma_wait3A_1019 = tpu.memref_slice %arg9[%dma_wait3A_1016, %dma_wait3A_1017, %dma_wait3A_1018] : memref<7x40x128xf32, #tpu.memory_space<vmem>> -> memref<1x40x128xf32, #tpu.memory_space<vmem>>
      %dma_wait3A_1020 = tpu.memref_squeeze %dma_wait3A_1019 : memref<1x40x128xf32, #tpu.memory_space<vmem>> -> memref<40x128xf32, #tpu.memory_space<vmem>>
      %dma_wait3A_1021 = arith.constant 0 : i32
      %dma_wait3A_1022 = arith.constant 0 : i32
      %dma_wait3A_1023 = tpu.memref_slice %arg2[%dma_wait3A_1021, %dma_wait3A_1022] : memref<20480x128xf32, #tpu.memory_space<hbm>> -> memref<40x128xf32, #tpu.memory_space<hbm>>
      %dma_wait3A_1024 = arith.constant 0 : i32
      %dma_wait3A_1025 = arith.constant 0 : i32
      %dma_wait3A_1026 = tpu.memref_slice %arg9[%dma_wait3A_1016, %dma_wait3A_1024, %dma_wait3A_1025] : memref<7x40x128xf32, #tpu.memory_space<vmem>> -> memref<1x40x128xf32, #tpu.memory_space<vmem>>
      %dma_wait3A_1027 = tpu.memref_squeeze %dma_wait3A_1026 : memref<1x40x128xf32, #tpu.memory_space<vmem>> -> memref<40x128xf32, #tpu.memory_space<vmem>>
      %dma_wait3A_1028 = arith.constant 0 : i32
      %dma_wait3A_1029 = arith.constant 0 : i32
      %dma_wait3A_1030 = tpu.memref_slice %arg2[%dma_wait3A_1028, %dma_wait3A_1029] : memref<20480x128xf32, #tpu.memory_space<hbm>> -> memref<40x128xf32, #tpu.memory_space<hbm>>
      tpu.wait_dma2 semaphore(%arg11 : memref<!tpu.dma_semaphore, #tpu.memory_space<semaphore_mem>>) src(%dma_wait3A_1030 : memref<40x128xf32, #tpu.memory_space<hbm>>) dst(%dma_wait3A_1027 : memref<40x128xf32, #tpu.memory_space<vmem>>)
      %run_scoped3A_1031 = arith.constant 0 : i32
      %run_scoped3A_1032 = arith.constant 7 : i32
      "tpu.region"() ({
        %run_scoped3A_1258 = tpu.sem_alloc : memref<!tpu.dma_semaphore, #tpu.memory_space<semaphore_mem>>
        %dma_start3A_1259 = arith.constant 0 : i32
        %dma_start3A_1260 = arith.constant 0 : i32
        %dma_start3A_1261 = tpu.memref_slice %arg9[%run_scoped3A_1031, %dma_start3A_1259, %dma_start3A_1260] : memref<7x40x128xf32, #tpu.memory_space<vmem>> -> memref<1x40x128xf32, #tpu.memory_space<vmem>>
        %dma_start3A_1262 = tpu.memref_squeeze %dma_start3A_1261 : memref<1x40x128xf32, #tpu.memory_space<vmem>> -> memref<40x128xf32, #tpu.memory_space<vmem>>
        %dma_start3A_1263 = arith.constant 0 : i32
        %dma_start3A_1264 = tpu.memref_slice %arg8[%run_scoped3A_1032, %dma_start3A_1263] : memref<14x40xi32, #tpu.memory_space<vmem>> -> memref<1x40xi32, #tpu.memory_space<vmem>>
        %dma_start3A_1265 = tpu.memref_squeeze %dma_start3A_1264 : memref<1x40xi32, #tpu.memory_space<vmem>> -> memref<40xi32, #tpu.memory_space<vmem>>
        %dma_start3A_1266 = arith.constant 0 : i32
        %dma_start3A_1267 = arith.constant 0 : i32
        %dma_start3A_1268 = tpu.memref_slice %arg10[%dma_start3A_1266, %dma_start3A_1267] : memref<10248x128xf32, #tpu.memory_space<vmem_shared>> -> memref<10248x128xf32, #tpu.memory_space<vmem_shared>>
        tpu.enqueue_indirect_dma source(%dma_start3A_1262 : memref<40x128xf32, #tpu.memory_space<vmem>>) target(%dma_start3A_1268 : memref<10248x128xf32, #tpu.memory_space<vmem_shared>>) offsets(%dma_start3A_1265 : memref<40xi32, #tpu.memory_space<vmem>>) semaphore(%run_scoped3A_1258 : memref<!tpu.dma_semaphore, #tpu.memory_space<semaphore_mem>>) {add = true}
        %dma_wait3A_1269 = arith.constant 0 : i32
        %dma_wait3A_1270 = arith.constant 0 : i32
        %dma_wait3A_1271 = tpu.memref_slice %arg9[%run_scoped3A_1031, %dma_wait3A_1269, %dma_wait3A_1270] : memref<7x40x128xf32, #tpu.memory_space<vmem>> -> memref<1x40x128xf32, #tpu.memory_space<vmem>>
        %dma_wait3A_1272 = tpu.memref_squeeze %dma_wait3A_1271 : memref<1x40x128xf32, #tpu.memory_space<vmem>> -> memref<40x128xf32, #tpu.memory_space<vmem>>
        %dma_wait3A_1273 = arith.constant 0 : i32
        %dma_wait3A_1274 = tpu.memref_slice %arg8[%run_scoped3A_1032, %dma_wait3A_1273] : memref<14x40xi32, #tpu.memory_space<vmem>> -> memref<1x40xi32, #tpu.memory_space<vmem>>
        %dma_wait3A_1275 = tpu.memref_squeeze %dma_wait3A_1274 : memref<1x40xi32, #tpu.memory_space<vmem>> -> memref<40xi32, #tpu.memory_space<vmem>>
        %dma_wait3A_1276 = arith.constant 0 : i32
        %dma_wait3A_1277 = arith.constant 0 : i32
        %dma_wait3A_1278 = tpu.memref_slice %arg10[%dma_wait3A_1276, %dma_wait3A_1277] : memref<10248x128xf32, #tpu.memory_space<vmem_shared>> -> memref<10248x128xf32, #tpu.memory_space<vmem_shared>>
        tpu.wait_indirect_dma semaphore(%run_scoped3A_1258 : memref<!tpu.dma_semaphore, #tpu.memory_space<semaphore_mem>>) src(%dma_wait3A_1272 : memref<40x128xf32, #tpu.memory_space<vmem>>) dst(%dma_wait3A_1278 : memref<10248x128xf32, #tpu.memory_space<vmem_shared>>)
        tpu.yield
      }) : () -> ()
      %add3A_1033 = arith.constant 14 : i32
      %add3A_1034 = arith.addi %add3A_1015, %add3A_1033 : i32
      %lt3A_1035 = arith.constant 504 : i32
      %lt3A_1036 = arith.cmpi slt, %add3A_1034, %lt3A_1035 : i32
      %convert_element_type3A_1037 = arith.extui %lt3A_1036 : i1 to i32
      %cond3A_1038 = arith.constant 0 : i32
      %cond3A_1039 = arith.cmpi ne, %convert_element_type3A_1037, %cond3A_1038 : i32
      scf.if %cond3A_1039 {
        %add3A_1258 = arith.constant 14 : i32
        %add3A_1259 = arith.addi %add3A_1015, %add3A_1258 : i32
        %dma_start3A_1260 = arith.constant 7 : i32
        %dma_start3A_1261 = arith.constant 0 : i32
        %dma_start3A_1262 = tpu.memref_slice %arg7[%dma_start3A_1260, %dma_start3A_1261] : memref<14x40xi32, #tpu.memory_space<vmem>> -> memref<1x40xi32, #tpu.memory_space<vmem>>
        %dma_start3A_1263 = tpu.memref_squeeze %dma_start3A_1262 : memref<1x40xi32, #tpu.memory_space<vmem>> -> memref<40xi32, #tpu.memory_space<vmem>>
        %dma_start3A_1264 = arith.constant 0 : i32
        %dma_start3A_1265 = tpu.memref_slice %arg3[%arg0, %arg1, %add3A_1259, %dma_start3A_1264] : memref<2x16x504x40xi32, #tpu.memory_space<hbm>> -> memref<1x1x1x40xi32, #tpu.memory_space<hbm>>
        %dma_start3A_1266 = tpu.memref_squeeze %dma_start3A_1265 : memref<1x1x1x40xi32, #tpu.memory_space<hbm>> -> memref<40xi32, #tpu.memory_space<hbm>>
        %dma_start3A_1267 = arith.constant 0 : i32
        %dma_start3A_1268 = tpu.memref_slice %arg7[%dma_start3A_1260, %dma_start3A_1267] : memref<14x40xi32, #tpu.memory_space<vmem>> -> memref<1x40xi32, #tpu.memory_space<vmem>>
        %dma_start3A_1269 = tpu.memref_squeeze %dma_start3A_1268 : memref<1x40xi32, #tpu.memory_space<vmem>> -> memref<40xi32, #tpu.memory_space<vmem>>
        %dma_start3A_1270 = arith.constant 0 : i32
        %dma_start3A_1271 = tpu.memref_slice %arg3[%arg0, %arg1, %add3A_1259, %dma_start3A_1270] : memref<2x16x504x40xi32, #tpu.memory_space<hbm>> -> memref<1x1x1x40xi32, #tpu.memory_space<hbm>>
        %dma_start3A_1272 = tpu.memref_squeeze %dma_start3A_1271 : memref<1x1x1x40xi32, #tpu.memory_space<hbm>> -> memref<40xi32, #tpu.memory_space<hbm>>
        tpu.enqueue_dma source(%dma_start3A_1272 : memref<40xi32, #tpu.memory_space<hbm>>) target(%dma_start3A_1269 : memref<40xi32, #tpu.memory_space<vmem>>) target_semaphore(%arg25 : memref<!tpu.dma_semaphore, #tpu.memory_space<semaphore_mem>>)
        %dma_start3A_1273 = arith.constant 7 : i32
        %dma_start3A_1274 = arith.constant 0 : i32
        %dma_start3A_1275 = tpu.memref_slice %arg8[%dma_start3A_1273, %dma_start3A_1274] : memref<14x40xi32, #tpu.memory_space<vmem>> -> memref<1x40xi32, #tpu.memory_space<vmem>>
        %dma_start3A_1276 = tpu.memref_squeeze %dma_start3A_1275 : memref<1x40xi32, #tpu.memory_space<vmem>> -> memref<40xi32, #tpu.memory_space<vmem>>
        %dma_start3A_1277 = arith.constant 0 : i32
        %dma_start3A_1278 = tpu.memref_slice %arg4[%arg1, %add3A_1259, %dma_start3A_1277] : memref<16x504x40xi32, #tpu.memory_space<hbm>> -> memref<1x1x40xi32, #tpu.memory_space<hbm>>
        %dma_start3A_1279 = tpu.memref_squeeze %dma_start3A_1278 : memref<1x1x40xi32, #tpu.memory_space<hbm>> -> memref<40xi32, #tpu.memory_space<hbm>>
        %dma_start3A_1280 = arith.constant 0 : i32
        %dma_start3A_1281 = tpu.memref_slice %arg8[%dma_start3A_1273, %dma_start3A_1280] : memref<14x40xi32, #tpu.memory_space<vmem>> -> memref<1x40xi32, #tpu.memory_space<vmem>>
        %dma_start3A_1282 = tpu.memref_squeeze %dma_start3A_1281 : memref<1x40xi32, #tpu.memory_space<vmem>> -> memref<40xi32, #tpu.memory_space<vmem>>
        %dma_start3A_1283 = arith.constant 0 : i32
        %dma_start3A_1284 = tpu.memref_slice %arg4[%arg1, %add3A_1259, %dma_start3A_1283] : memref<16x504x40xi32, #tpu.memory_space<hbm>> -> memref<1x1x40xi32, #tpu.memory_space<hbm>>
        %dma_start3A_1285 = tpu.memref_squeeze %dma_start3A_1284 : memref<1x1x40xi32, #tpu.memory_space<hbm>> -> memref<40xi32, #tpu.memory_space<hbm>>
        tpu.enqueue_dma source(%dma_start3A_1285 : memref<40xi32, #tpu.memory_space<hbm>>) target(%dma_start3A_1282 : memref<40xi32, #tpu.memory_space<vmem>>) target_semaphore(%arg25 : memref<!tpu.dma_semaphore, #tpu.memory_space<semaphore_mem>>)
      } else {
      }
      %add3A_1040 = arith.constant 7 : i32
      %add3A_1041 = arith.addi %add3A_1015, %add3A_1040 : i32
      %lt3A_1042 = arith.constant 504 : i32
      %lt3A_1043 = arith.cmpi slt, %add3A_1041, %lt3A_1042 : i32
      %convert_element_type3A_1044 = arith.extui %lt3A_1043 : i1 to i32
      %cond3A_1045 = arith.constant 0 : i32
      %cond3A_1046 = arith.cmpi ne, %convert_element_type3A_1044, %cond3A_1045 : i32
      scf.if %cond3A_1046 {
        %dma_wait3A_1258 = arith.constant 0 : i32
        %dma_wait3A_1259 = arith.constant 0 : i32
        %dma_wait3A_1260 = arith.constant 0 : i32
        %dma_wait3A_1261 = arith.constant 0 : i32
        %dma_wait3A_1262 = tpu.memref_slice %arg7[%dma_wait3A_1260, %dma_wait3A_1261] : memref<14x40xi32, #tpu.memory_space<vmem>> -> memref<1x40xi32, #tpu.memory_space<vmem>>
        %dma_wait3A_1263 = tpu.memref_squeeze %dma_wait3A_1262 : memref<1x40xi32, #tpu.memory_space<vmem>> -> memref<40xi32, #tpu.memory_space<vmem>>
        %dma_wait3A_1264 = arith.constant 0 : i32
        %dma_wait3A_1265 = tpu.memref_slice %arg4[%dma_wait3A_1258, %dma_wait3A_1259, %dma_wait3A_1264] : memref<16x504x40xi32, #tpu.memory_space<hbm>> -> memref<1x1x40xi32, #tpu.memory_space<hbm>>
        %dma_wait3A_1266 = tpu.memref_squeeze %dma_wait3A_1265 : memref<1x1x40xi32, #tpu.memory_space<hbm>> -> memref<40xi32, #tpu.memory_space<hbm>>
        %dma_wait3A_1267 = arith.constant 0 : i32
        %dma_wait3A_1268 = tpu.memref_slice %arg7[%dma_wait3A_1260, %dma_wait3A_1267] : memref<14x40xi32, #tpu.memory_space<vmem>> -> memref<1x40xi32, #tpu.memory_space<vmem>>
        %dma_wait3A_1269 = tpu.memref_squeeze %dma_wait3A_1268 : memref<1x40xi32, #tpu.memory_space<vmem>> -> memref<40xi32, #tpu.memory_space<vmem>>
        %dma_wait3A_1270 = arith.constant 0 : i32
        %dma_wait3A_1271 = tpu.memref_slice %arg4[%dma_wait3A_1258, %dma_wait3A_1259, %dma_wait3A_1270] : memref<16x504x40xi32, #tpu.memory_space<hbm>> -> memref<1x1x40xi32, #tpu.memory_space<hbm>>
        %dma_wait3A_1272 = tpu.memref_squeeze %dma_wait3A_1271 : memref<1x1x40xi32, #tpu.memory_space<hbm>> -> memref<40xi32, #tpu.memory_space<hbm>>
        tpu.wait_dma2 semaphore(%arg18 : memref<!tpu.dma_semaphore, #tpu.memory_space<semaphore_mem>>) src(%dma_wait3A_1272 : memref<40xi32, #tpu.memory_space<hbm>>) dst(%dma_wait3A_1269 : memref<40xi32, #tpu.memory_space<vmem>>)
        %dma_wait3A_1273 = arith.constant 0 : i32
        %dma_wait3A_1274 = arith.constant 0 : i32
        %dma_wait3A_1275 = arith.constant 0 : i32
        %dma_wait3A_1276 = arith.constant 0 : i32
        %dma_wait3A_1277 = tpu.memref_slice %arg8[%dma_wait3A_1275, %dma_wait3A_1276] : memref<14x40xi32, #tpu.memory_space<vmem>> -> memref<1x40xi32, #tpu.memory_space<vmem>>
        %dma_wait3A_1278 = tpu.memref_squeeze %dma_wait3A_1277 : memref<1x40xi32, #tpu.memory_space<vmem>> -> memref<40xi32, #tpu.memory_space<vmem>>
        %dma_wait3A_1279 = arith.constant 0 : i32
        %dma_wait3A_1280 = tpu.memref_slice %arg4[%dma_wait3A_1273, %dma_wait3A_1274, %dma_wait3A_1279] : memref<16x504x40xi32, #tpu.memory_space<hbm>> -> memref<1x1x40xi32, #tpu.memory_space<hbm>>
        %dma_wait3A_1281 = tpu.memref_squeeze %dma_wait3A_1280 : memref<1x1x40xi32, #tpu.memory_space<hbm>> -> memref<40xi32, #tpu.memory_space<hbm>>
        %dma_wait3A_1282 = arith.constant 0 : i32
        %dma_wait3A_1283 = tpu.memref_slice %arg8[%dma_wait3A_1275, %dma_wait3A_1282] : memref<14x40xi32, #tpu.memory_space<vmem>> -> memref<1x40xi32, #tpu.memory_space<vmem>>
        %dma_wait3A_1284 = tpu.memref_squeeze %dma_wait3A_1283 : memref<1x40xi32, #tpu.memory_space<vmem>> -> memref<40xi32, #tpu.memory_space<vmem>>
        %dma_wait3A_1285 = arith.constant 0 : i32
        %dma_wait3A_1286 = tpu.memref_slice %arg4[%dma_wait3A_1273, %dma_wait3A_1274, %dma_wait3A_1285] : memref<16x504x40xi32, #tpu.memory_space<hbm>> -> memref<1x1x40xi32, #tpu.memory_space<hbm>>
        %dma_wait3A_1287 = tpu.memref_squeeze %dma_wait3A_1286 : memref<1x1x40xi32, #tpu.memory_space<hbm>> -> memref<40xi32, #tpu.memory_space<hbm>>
        tpu.wait_dma2 semaphore(%arg18 : memref<!tpu.dma_semaphore, #tpu.memory_space<semaphore_mem>>) src(%dma_wait3A_1287 : memref<40xi32, #tpu.memory_space<hbm>>) dst(%dma_wait3A_1284 : memref<40xi32, #tpu.memory_space<vmem>>)
        %add3A_1288 = arith.constant 7 : i32
        %add3A_1289 = arith.addi %add3A_1015, %add3A_1288 : i32
        %dma_start3A_1290 = arith.constant 0 : i32
        %dma_start3A_1291 = arith.constant 0 : i32
        %dma_start3A_1292 = arith.constant 0 : i32
        %dma_start3A_1293 = arith.constant 0 : i32
        %dma_start3A_1294 = tpu.memref_slice %arg9[%dma_start3A_1291, %dma_start3A_1292, %dma_start3A_1293] : memref<7x40x128xf32, #tpu.memory_space<vmem>> -> memref<1x40x128xf32, #tpu.memory_space<vmem>>
        %dma_start3A_1295 = tpu.memref_squeeze %dma_start3A_1294 : memref<1x40x128xf32, #tpu.memory_space<vmem>> -> memref<40x128xf32, #tpu.memory_space<vmem>>
        %dma_start3A_1296 = arith.constant 0 : i32
        %dma_start3A_1297 = tpu.memref_slice %arg7[%dma_start3A_1290, %dma_start3A_1296] : memref<14x40xi32, #tpu.memory_space<vmem>> -> memref<1x40xi32, #tpu.memory_space<vmem>>
        %dma_start3A_1298 = tpu.memref_squeeze %dma_start3A_1297 : memref<1x40xi32, #tpu.memory_space<vmem>> -> memref<40xi32, #tpu.memory_space<vmem>>
        %dma_start3A_1299 = arith.constant 0 : i32
        %dma_start3A_1300 = arith.constant 0 : i32
        %dma_start3A_1301 = tpu.memref_slice %arg2[%dma_start3A_1299, %dma_start3A_1300] : memref<20480x128xf32, #tpu.memory_space<hbm>> -> memref<20480x128xf32, #tpu.memory_space<hbm>>
        tpu.enqueue_indirect_dma source(%dma_start3A_1301 : memref<20480x128xf32, #tpu.memory_space<hbm>>) target(%dma_start3A_1295 : memref<40x128xf32, #tpu.memory_space<vmem>>) offsets(%dma_start3A_1298 : memref<40xi32, #tpu.memory_space<vmem>>) semaphore(%arg11 : memref<!tpu.dma_semaphore, #tpu.memory_space<semaphore_mem>>)
      } else {
      }
      %mul3A_1047 = arith.constant 14 : i32
      %mul3A_1048 = arith.muli %scan3A_767, %mul3A_1047 : i32
      %add3A_1049 = arith.constant 8 : i32
      %add3A_1050 = arith.addi %mul3A_1048, %add3A_1049 : i32
      %dma_wait3A_1051 = arith.constant 1 : i32
      %dma_wait3A_1052 = arith.constant 0 : i32
      %dma_wait3A_1053 = arith.constant 0 : i32
      %dma_wait3A_1054 = tpu.memref_slice %arg9[%dma_wait3A_1051, %dma_wait3A_1052, %dma_wait3A_1053] : memref<7x40x128xf32, #tpu.memory_space<vmem>> -> memref<1x40x128xf32, #tpu.memory_space<vmem>>
      %dma_wait3A_1055 = tpu.memref_squeeze %dma_wait3A_1054 : memref<1x40x128xf32, #tpu.memory_space<vmem>> -> memref<40x128xf32, #tpu.memory_space<vmem>>
      %dma_wait3A_1056 = arith.constant 0 : i32
      %dma_wait3A_1057 = arith.constant 0 : i32
      %dma_wait3A_1058 = tpu.memref_slice %arg2[%dma_wait3A_1056, %dma_wait3A_1057] : memref<20480x128xf32, #tpu.memory_space<hbm>> -> memref<40x128xf32, #tpu.memory_space<hbm>>
      %dma_wait3A_1059 = arith.constant 0 : i32
      %dma_wait3A_1060 = arith.constant 0 : i32
      %dma_wait3A_1061 = tpu.memref_slice %arg9[%dma_wait3A_1051, %dma_wait3A_1059, %dma_wait3A_1060] : memref<7x40x128xf32, #tpu.memory_space<vmem>> -> memref<1x40x128xf32, #tpu.memory_space<vmem>>
      %dma_wait3A_1062 = tpu.memref_squeeze %dma_wait3A_1061 : memref<1x40x128xf32, #tpu.memory_space<vmem>> -> memref<40x128xf32, #tpu.memory_space<vmem>>
      %dma_wait3A_1063 = arith.constant 0 : i32
      %dma_wait3A_1064 = arith.constant 0 : i32
      %dma_wait3A_1065 = tpu.memref_slice %arg2[%dma_wait3A_1063, %dma_wait3A_1064] : memref<20480x128xf32, #tpu.memory_space<hbm>> -> memref<40x128xf32, #tpu.memory_space<hbm>>
      tpu.wait_dma2 semaphore(%arg12 : memref<!tpu.dma_semaphore, #tpu.memory_space<semaphore_mem>>) src(%dma_wait3A_1065 : memref<40x128xf32, #tpu.memory_space<hbm>>) dst(%dma_wait3A_1062 : memref<40x128xf32, #tpu.memory_space<vmem>>)
      %run_scoped3A_1066 = arith.constant 1 : i32
      %run_scoped3A_1067 = arith.constant 8 : i32
      "tpu.region"() ({
        %run_scoped3A_1258 = tpu.sem_alloc : memref<!tpu.dma_semaphore, #tpu.memory_space<semaphore_mem>>
        %dma_start3A_1259 = arith.constant 0 : i32
        %dma_start3A_1260 = arith.constant 0 : i32
        %dma_start3A_1261 = tpu.memref_slice %arg9[%run_scoped3A_1066, %dma_start3A_1259, %dma_start3A_1260] : memref<7x40x128xf32, #tpu.memory_space<vmem>> -> memref<1x40x128xf32, #tpu.memory_space<vmem>>
        %dma_start3A_1262 = tpu.memref_squeeze %dma_start3A_1261 : memref<1x40x128xf32, #tpu.memory_space<vmem>> -> memref<40x128xf32, #tpu.memory_space<vmem>>
        %dma_start3A_1263 = arith.constant 0 : i32
        %dma_start3A_1264 = tpu.memref_slice %arg8[%run_scoped3A_1067, %dma_start3A_1263] : memref<14x40xi32, #tpu.memory_space<vmem>> -> memref<1x40xi32, #tpu.memory_space<vmem>>
        %dma_start3A_1265 = tpu.memref_squeeze %dma_start3A_1264 : memref<1x40xi32, #tpu.memory_space<vmem>> -> memref<40xi32, #tpu.memory_space<vmem>>
        %dma_start3A_1266 = arith.constant 0 : i32
        %dma_start3A_1267 = arith.constant 0 : i32
        %dma_start3A_1268 = tpu.memref_slice %arg10[%dma_start3A_1266, %dma_start3A_1267] : memref<10248x128xf32, #tpu.memory_space<vmem_shared>> -> memref<10248x128xf32, #tpu.memory_space<vmem_shared>>
        tpu.enqueue_indirect_dma source(%dma_start3A_1262 : memref<40x128xf32, #tpu.memory_space<vmem>>) target(%dma_start3A_1268 : memref<10248x128xf32, #tpu.memory_space<vmem_shared>>) offsets(%dma_start3A_1265 : memref<40xi32, #tpu.memory_space<vmem>>) semaphore(%run_scoped3A_1258 : memref<!tpu.dma_semaphore, #tpu.memory_space<semaphore_mem>>) {add = true}
        %dma_wait3A_1269 = arith.constant 0 : i32
        %dma_wait3A_1270 = arith.constant 0 : i32
        %dma_wait3A_1271 = tpu.memref_slice %arg9[%run_scoped3A_1066, %dma_wait3A_1269, %dma_wait3A_1270] : memref<7x40x128xf32, #tpu.memory_space<vmem>> -> memref<1x40x128xf32, #tpu.memory_space<vmem>>
        %dma_wait3A_1272 = tpu.memref_squeeze %dma_wait3A_1271 : memref<1x40x128xf32, #tpu.memory_space<vmem>> -> memref<40x128xf32, #tpu.memory_space<vmem>>
        %dma_wait3A_1273 = arith.constant 0 : i32
        %dma_wait3A_1274 = tpu.memref_slice %arg8[%run_scoped3A_1067, %dma_wait3A_1273] : memref<14x40xi32, #tpu.memory_space<vmem>> -> memref<1x40xi32, #tpu.memory_space<vmem>>
        %dma_wait3A_1275 = tpu.memref_squeeze %dma_wait3A_1274 : memref<1x40xi32, #tpu.memory_space<vmem>> -> memref<40xi32, #tpu.memory_space<vmem>>
        %dma_wait3A_1276 = arith.constant 0 : i32
        %dma_wait3A_1277 = arith.constant 0 : i32
        %dma_wait3A_1278 = tpu.memref_slice %arg10[%dma_wait3A_1276, %dma_wait3A_1277] : memref<10248x128xf32, #tpu.memory_space<vmem_shared>> -> memref<10248x128xf32, #tpu.memory_space<vmem_shared>>
        tpu.wait_indirect_dma semaphore(%run_scoped3A_1258 : memref<!tpu.dma_semaphore, #tpu.memory_space<semaphore_mem>>) src(%dma_wait3A_1272 : memref<40x128xf32, #tpu.memory_space<vmem>>) dst(%dma_wait3A_1278 : memref<10248x128xf32, #tpu.memory_space<vmem_shared>>)
        tpu.yield
      }) : () -> ()
      %add3A_1068 = arith.constant 14 : i32
      %add3A_1069 = arith.addi %add3A_1050, %add3A_1068 : i32
      %lt3A_1070 = arith.constant 504 : i32
      %lt3A_1071 = arith.cmpi slt, %add3A_1069, %lt3A_1070 : i32
      %convert_element_type3A_1072 = arith.extui %lt3A_1071 : i1 to i32
      %cond3A_1073 = arith.constant 0 : i32
      %cond3A_1074 = arith.cmpi ne, %convert_element_type3A_1072, %cond3A_1073 : i32
      scf.if %cond3A_1074 {
        %add3A_1258 = arith.constant 14 : i32
        %add3A_1259 = arith.addi %add3A_1050, %add3A_1258 : i32
        %dma_start3A_1260 = arith.constant 8 : i32
        %dma_start3A_1261 = arith.constant 0 : i32
        %dma_start3A_1262 = tpu.memref_slice %arg7[%dma_start3A_1260, %dma_start3A_1261] : memref<14x40xi32, #tpu.memory_space<vmem>> -> memref<1x40xi32, #tpu.memory_space<vmem>>
        %dma_start3A_1263 = tpu.memref_squeeze %dma_start3A_1262 : memref<1x40xi32, #tpu.memory_space<vmem>> -> memref<40xi32, #tpu.memory_space<vmem>>
        %dma_start3A_1264 = arith.constant 0 : i32
        %dma_start3A_1265 = tpu.memref_slice %arg3[%arg0, %arg1, %add3A_1259, %dma_start3A_1264] : memref<2x16x504x40xi32, #tpu.memory_space<hbm>> -> memref<1x1x1x40xi32, #tpu.memory_space<hbm>>
        %dma_start3A_1266 = tpu.memref_squeeze %dma_start3A_1265 : memref<1x1x1x40xi32, #tpu.memory_space<hbm>> -> memref<40xi32, #tpu.memory_space<hbm>>
        %dma_start3A_1267 = arith.constant 0 : i32
        %dma_start3A_1268 = tpu.memref_slice %arg7[%dma_start3A_1260, %dma_start3A_1267] : memref<14x40xi32, #tpu.memory_space<vmem>> -> memref<1x40xi32, #tpu.memory_space<vmem>>
        %dma_start3A_1269 = tpu.memref_squeeze %dma_start3A_1268 : memref<1x40xi32, #tpu.memory_space<vmem>> -> memref<40xi32, #tpu.memory_space<vmem>>
        %dma_start3A_1270 = arith.constant 0 : i32
        %dma_start3A_1271 = tpu.memref_slice %arg3[%arg0, %arg1, %add3A_1259, %dma_start3A_1270] : memref<2x16x504x40xi32, #tpu.memory_space<hbm>> -> memref<1x1x1x40xi32, #tpu.memory_space<hbm>>
        %dma_start3A_1272 = tpu.memref_squeeze %dma_start3A_1271 : memref<1x1x1x40xi32, #tpu.memory_space<hbm>> -> memref<40xi32, #tpu.memory_space<hbm>>
        tpu.enqueue_dma source(%dma_start3A_1272 : memref<40xi32, #tpu.memory_space<hbm>>) target(%dma_start3A_1269 : memref<40xi32, #tpu.memory_space<vmem>>) target_semaphore(%arg26 : memref<!tpu.dma_semaphore, #tpu.memory_space<semaphore_mem>>)
        %dma_start3A_1273 = arith.constant 8 : i32
        %dma_start3A_1274 = arith.constant 0 : i32
        %dma_start3A_1275 = tpu.memref_slice %arg8[%dma_start3A_1273, %dma_start3A_1274] : memref<14x40xi32, #tpu.memory_space<vmem>> -> memref<1x40xi32, #tpu.memory_space<vmem>>
        %dma_start3A_1276 = tpu.memref_squeeze %dma_start3A_1275 : memref<1x40xi32, #tpu.memory_space<vmem>> -> memref<40xi32, #tpu.memory_space<vmem>>
        %dma_start3A_1277 = arith.constant 0 : i32
        %dma_start3A_1278 = tpu.memref_slice %arg4[%arg1, %add3A_1259, %dma_start3A_1277] : memref<16x504x40xi32, #tpu.memory_space<hbm>> -> memref<1x1x40xi32, #tpu.memory_space<hbm>>
        %dma_start3A_1279 = tpu.memref_squeeze %dma_start3A_1278 : memref<1x1x40xi32, #tpu.memory_space<hbm>> -> memref<40xi32, #tpu.memory_space<hbm>>
        %dma_start3A_1280 = arith.constant 0 : i32
        %dma_start3A_1281 = tpu.memref_slice %arg8[%dma_start3A_1273, %dma_start3A_1280] : memref<14x40xi32, #tpu.memory_space<vmem>> -> memref<1x40xi32, #tpu.memory_space<vmem>>
        %dma_start3A_1282 = tpu.memref_squeeze %dma_start3A_1281 : memref<1x40xi32, #tpu.memory_space<vmem>> -> memref<40xi32, #tpu.memory_space<vmem>>
        %dma_start3A_1283 = arith.constant 0 : i32
        %dma_start3A_1284 = tpu.memref_slice %arg4[%arg1, %add3A_1259, %dma_start3A_1283] : memref<16x504x40xi32, #tpu.memory_space<hbm>> -> memref<1x1x40xi32, #tpu.memory_space<hbm>>
        %dma_start3A_1285 = tpu.memref_squeeze %dma_start3A_1284 : memref<1x1x40xi32, #tpu.memory_space<hbm>> -> memref<40xi32, #tpu.memory_space<hbm>>
        tpu.enqueue_dma source(%dma_start3A_1285 : memref<40xi32, #tpu.memory_space<hbm>>) target(%dma_start3A_1282 : memref<40xi32, #tpu.memory_space<vmem>>) target_semaphore(%arg26 : memref<!tpu.dma_semaphore, #tpu.memory_space<semaphore_mem>>)
      } else {
      }
      %add3A_1075 = arith.constant 7 : i32
      %add3A_1076 = arith.addi %add3A_1050, %add3A_1075 : i32
      %lt3A_1077 = arith.constant 504 : i32
      %lt3A_1078 = arith.cmpi slt, %add3A_1076, %lt3A_1077 : i32
      %convert_element_type3A_1079 = arith.extui %lt3A_1078 : i1 to i32
      %cond3A_1080 = arith.constant 0 : i32
      %cond3A_1081 = arith.cmpi ne, %convert_element_type3A_1079, %cond3A_1080 : i32
      scf.if %cond3A_1081 {
        %dma_wait3A_1258 = arith.constant 0 : i32
        %dma_wait3A_1259 = arith.constant 0 : i32
        %dma_wait3A_1260 = arith.constant 1 : i32
        %dma_wait3A_1261 = arith.constant 0 : i32
        %dma_wait3A_1262 = tpu.memref_slice %arg7[%dma_wait3A_1260, %dma_wait3A_1261] : memref<14x40xi32, #tpu.memory_space<vmem>> -> memref<1x40xi32, #tpu.memory_space<vmem>>
        %dma_wait3A_1263 = tpu.memref_squeeze %dma_wait3A_1262 : memref<1x40xi32, #tpu.memory_space<vmem>> -> memref<40xi32, #tpu.memory_space<vmem>>
        %dma_wait3A_1264 = arith.constant 0 : i32
        %dma_wait3A_1265 = tpu.memref_slice %arg4[%dma_wait3A_1258, %dma_wait3A_1259, %dma_wait3A_1264] : memref<16x504x40xi32, #tpu.memory_space<hbm>> -> memref<1x1x40xi32, #tpu.memory_space<hbm>>
        %dma_wait3A_1266 = tpu.memref_squeeze %dma_wait3A_1265 : memref<1x1x40xi32, #tpu.memory_space<hbm>> -> memref<40xi32, #tpu.memory_space<hbm>>
        %dma_wait3A_1267 = arith.constant 0 : i32
        %dma_wait3A_1268 = tpu.memref_slice %arg7[%dma_wait3A_1260, %dma_wait3A_1267] : memref<14x40xi32, #tpu.memory_space<vmem>> -> memref<1x40xi32, #tpu.memory_space<vmem>>
        %dma_wait3A_1269 = tpu.memref_squeeze %dma_wait3A_1268 : memref<1x40xi32, #tpu.memory_space<vmem>> -> memref<40xi32, #tpu.memory_space<vmem>>
        %dma_wait3A_1270 = arith.constant 0 : i32
        %dma_wait3A_1271 = tpu.memref_slice %arg4[%dma_wait3A_1258, %dma_wait3A_1259, %dma_wait3A_1270] : memref<16x504x40xi32, #tpu.memory_space<hbm>> -> memref<1x1x40xi32, #tpu.memory_space<hbm>>
        %dma_wait3A_1272 = tpu.memref_squeeze %dma_wait3A_1271 : memref<1x1x40xi32, #tpu.memory_space<hbm>> -> memref<40xi32, #tpu.memory_space<hbm>>
        tpu.wait_dma2 semaphore(%arg19 : memref<!tpu.dma_semaphore, #tpu.memory_space<semaphore_mem>>) src(%dma_wait3A_1272 : memref<40xi32, #tpu.memory_space<hbm>>) dst(%dma_wait3A_1269 : memref<40xi32, #tpu.memory_space<vmem>>)
        %dma_wait3A_1273 = arith.constant 0 : i32
        %dma_wait3A_1274 = arith.constant 0 : i32
        %dma_wait3A_1275 = arith.constant 1 : i32
        %dma_wait3A_1276 = arith.constant 0 : i32
        %dma_wait3A_1277 = tpu.memref_slice %arg8[%dma_wait3A_1275, %dma_wait3A_1276] : memref<14x40xi32, #tpu.memory_space<vmem>> -> memref<1x40xi32, #tpu.memory_space<vmem>>
        %dma_wait3A_1278 = tpu.memref_squeeze %dma_wait3A_1277 : memref<1x40xi32, #tpu.memory_space<vmem>> -> memref<40xi32, #tpu.memory_space<vmem>>
        %dma_wait3A_1279 = arith.constant 0 : i32
        %dma_wait3A_1280 = tpu.memref_slice %arg4[%dma_wait3A_1273, %dma_wait3A_1274, %dma_wait3A_1279] : memref<16x504x40xi32, #tpu.memory_space<hbm>> -> memref<1x1x40xi32, #tpu.memory_space<hbm>>
        %dma_wait3A_1281 = tpu.memref_squeeze %dma_wait3A_1280 : memref<1x1x40xi32, #tpu.memory_space<hbm>> -> memref<40xi32, #tpu.memory_space<hbm>>
        %dma_wait3A_1282 = arith.constant 0 : i32
        %dma_wait3A_1283 = tpu.memref_slice %arg8[%dma_wait3A_1275, %dma_wait3A_1282] : memref<14x40xi32, #tpu.memory_space<vmem>> -> memref<1x40xi32, #tpu.memory_space<vmem>>
        %dma_wait3A_1284 = tpu.memref_squeeze %dma_wait3A_1283 : memref<1x40xi32, #tpu.memory_space<vmem>> -> memref<40xi32, #tpu.memory_space<vmem>>
        %dma_wait3A_1285 = arith.constant 0 : i32
        %dma_wait3A_1286 = tpu.memref_slice %arg4[%dma_wait3A_1273, %dma_wait3A_1274, %dma_wait3A_1285] : memref<16x504x40xi32, #tpu.memory_space<hbm>> -> memref<1x1x40xi32, #tpu.memory_space<hbm>>
        %dma_wait3A_1287 = tpu.memref_squeeze %dma_wait3A_1286 : memref<1x1x40xi32, #tpu.memory_space<hbm>> -> memref<40xi32, #tpu.memory_space<hbm>>
        tpu.wait_dma2 semaphore(%arg19 : memref<!tpu.dma_semaphore, #tpu.memory_space<semaphore_mem>>) src(%dma_wait3A_1287 : memref<40xi32, #tpu.memory_space<hbm>>) dst(%dma_wait3A_1284 : memref<40xi32, #tpu.memory_space<vmem>>)
        %add3A_1288 = arith.constant 7 : i32
        %add3A_1289 = arith.addi %add3A_1050, %add3A_1288 : i32
        %dma_start3A_1290 = arith.constant 1 : i32
        %dma_start3A_1291 = arith.constant 1 : i32
        %dma_start3A_1292 = arith.constant 0 : i32
        %dma_start3A_1293 = arith.constant 0 : i32
        %dma_start3A_1294 = tpu.memref_slice %arg9[%dma_start3A_1291, %dma_start3A_1292, %dma_start3A_1293] : memref<7x40x128xf32, #tpu.memory_space<vmem>> -> memref<1x40x128xf32, #tpu.memory_space<vmem>>
        %dma_start3A_1295 = tpu.memref_squeeze %dma_start3A_1294 : memref<1x40x128xf32, #tpu.memory_space<vmem>> -> memref<40x128xf32, #tpu.memory_space<vmem>>
        %dma_start3A_1296 = arith.constant 0 : i32
        %dma_start3A_1297 = tpu.memref_slice %arg7[%dma_start3A_1290, %dma_start3A_1296] : memref<14x40xi32, #tpu.memory_space<vmem>> -> memref<1x40xi32, #tpu.memory_space<vmem>>
        %dma_start3A_1298 = tpu.memref_squeeze %dma_start3A_1297 : memref<1x40xi32, #tpu.memory_space<vmem>> -> memref<40xi32, #tpu.memory_space<vmem>>
        %dma_start3A_1299 = arith.constant 0 : i32
        %dma_start3A_1300 = arith.constant 0 : i32
        %dma_start3A_1301 = tpu.memref_slice %arg2[%dma_start3A_1299, %dma_start3A_1300] : memref<20480x128xf32, #tpu.memory_space<hbm>> -> memref<20480x128xf32, #tpu.memory_space<hbm>>
        tpu.enqueue_indirect_dma source(%dma_start3A_1301 : memref<20480x128xf32, #tpu.memory_space<hbm>>) target(%dma_start3A_1295 : memref<40x128xf32, #tpu.memory_space<vmem>>) offsets(%dma_start3A_1298 : memref<40xi32, #tpu.memory_space<vmem>>) semaphore(%arg12 : memref<!tpu.dma_semaphore, #tpu.memory_space<semaphore_mem>>)
      } else {
      }
      %mul3A_1082 = arith.constant 14 : i32
      %mul3A_1083 = arith.muli %scan3A_767, %mul3A_1082 : i32
      %add3A_1084 = arith.constant 9 : i32
      %add3A_1085 = arith.addi %mul3A_1083, %add3A_1084 : i32
      %dma_wait3A_1086 = arith.constant 2 : i32
      %dma_wait3A_1087 = arith.constant 0 : i32
      %dma_wait3A_1088 = arith.constant 0 : i32
      %dma_wait3A_1089 = tpu.memref_slice %arg9[%dma_wait3A_1086, %dma_wait3A_1087, %dma_wait3A_1088] : memref<7x40x128xf32, #tpu.memory_space<vmem>> -> memref<1x40x128xf32, #tpu.memory_space<vmem>>
      %dma_wait3A_1090 = tpu.memref_squeeze %dma_wait3A_1089 : memref<1x40x128xf32, #tpu.memory_space<vmem>> -> memref<40x128xf32, #tpu.memory_space<vmem>>
      %dma_wait3A_1091 = arith.constant 0 : i32
      %dma_wait3A_1092 = arith.constant 0 : i32
      %dma_wait3A_1093 = tpu.memref_slice %arg2[%dma_wait3A_1091, %dma_wait3A_1092] : memref<20480x128xf32, #tpu.memory_space<hbm>> -> memref<40x128xf32, #tpu.memory_space<hbm>>
      %dma_wait3A_1094 = arith.constant 0 : i32
      %dma_wait3A_1095 = arith.constant 0 : i32
      %dma_wait3A_1096 = tpu.memref_slice %arg9[%dma_wait3A_1086, %dma_wait3A_1094, %dma_wait3A_1095] : memref<7x40x128xf32, #tpu.memory_space<vmem>> -> memref<1x40x128xf32, #tpu.memory_space<vmem>>
      %dma_wait3A_1097 = tpu.memref_squeeze %dma_wait3A_1096 : memref<1x40x128xf32, #tpu.memory_space<vmem>> -> memref<40x128xf32, #tpu.memory_space<vmem>>
      %dma_wait3A_1098 = arith.constant 0 : i32
      %dma_wait3A_1099 = arith.constant 0 : i32
      %dma_wait3A_1100 = tpu.memref_slice %arg2[%dma_wait3A_1098, %dma_wait3A_1099] : memref<20480x128xf32, #tpu.memory_space<hbm>> -> memref<40x128xf32, #tpu.memory_space<hbm>>
      tpu.wait_dma2 semaphore(%arg13 : memref<!tpu.dma_semaphore, #tpu.memory_space<semaphore_mem>>) src(%dma_wait3A_1100 : memref<40x128xf32, #tpu.memory_space<hbm>>) dst(%dma_wait3A_1097 : memref<40x128xf32, #tpu.memory_space<vmem>>)
      %run_scoped3A_1101 = arith.constant 2 : i32
      %run_scoped3A_1102 = arith.constant 9 : i32
      "tpu.region"() ({
        %run_scoped3A_1258 = tpu.sem_alloc : memref<!tpu.dma_semaphore, #tpu.memory_space<semaphore_mem>>
        %dma_start3A_1259 = arith.constant 0 : i32
        %dma_start3A_1260 = arith.constant 0 : i32
        %dma_start3A_1261 = tpu.memref_slice %arg9[%run_scoped3A_1101, %dma_start3A_1259, %dma_start3A_1260] : memref<7x40x128xf32, #tpu.memory_space<vmem>> -> memref<1x40x128xf32, #tpu.memory_space<vmem>>
        %dma_start3A_1262 = tpu.memref_squeeze %dma_start3A_1261 : memref<1x40x128xf32, #tpu.memory_space<vmem>> -> memref<40x128xf32, #tpu.memory_space<vmem>>
        %dma_start3A_1263 = arith.constant 0 : i32
        %dma_start3A_1264 = tpu.memref_slice %arg8[%run_scoped3A_1102, %dma_start3A_1263] : memref<14x40xi32, #tpu.memory_space<vmem>> -> memref<1x40xi32, #tpu.memory_space<vmem>>
        %dma_start3A_1265 = tpu.memref_squeeze %dma_start3A_1264 : memref<1x40xi32, #tpu.memory_space<vmem>> -> memref<40xi32, #tpu.memory_space<vmem>>
        %dma_start3A_1266 = arith.constant 0 : i32
        %dma_start3A_1267 = arith.constant 0 : i32
        %dma_start3A_1268 = tpu.memref_slice %arg10[%dma_start3A_1266, %dma_start3A_1267] : memref<10248x128xf32, #tpu.memory_space<vmem_shared>> -> memref<10248x128xf32, #tpu.memory_space<vmem_shared>>
        tpu.enqueue_indirect_dma source(%dma_start3A_1262 : memref<40x128xf32, #tpu.memory_space<vmem>>) target(%dma_start3A_1268 : memref<10248x128xf32, #tpu.memory_space<vmem_shared>>) offsets(%dma_start3A_1265 : memref<40xi32, #tpu.memory_space<vmem>>) semaphore(%run_scoped3A_1258 : memref<!tpu.dma_semaphore, #tpu.memory_space<semaphore_mem>>) {add = true}
        %dma_wait3A_1269 = arith.constant 0 : i32
        %dma_wait3A_1270 = arith.constant 0 : i32
        %dma_wait3A_1271 = tpu.memref_slice %arg9[%run_scoped3A_1101, %dma_wait3A_1269, %dma_wait3A_1270] : memref<7x40x128xf32, #tpu.memory_space<vmem>> -> memref<1x40x128xf32, #tpu.memory_space<vmem>>
        %dma_wait3A_1272 = tpu.memref_squeeze %dma_wait3A_1271 : memref<1x40x128xf32, #tpu.memory_space<vmem>> -> memref<40x128xf32, #tpu.memory_space<vmem>>
        %dma_wait3A_1273 = arith.constant 0 : i32
        %dma_wait3A_1274 = tpu.memref_slice %arg8[%run_scoped3A_1102, %dma_wait3A_1273] : memref<14x40xi32, #tpu.memory_space<vmem>> -> memref<1x40xi32, #tpu.memory_space<vmem>>
        %dma_wait3A_1275 = tpu.memref_squeeze %dma_wait3A_1274 : memref<1x40xi32, #tpu.memory_space<vmem>> -> memref<40xi32, #tpu.memory_space<vmem>>
        %dma_wait3A_1276 = arith.constant 0 : i32
        %dma_wait3A_1277 = arith.constant 0 : i32
        %dma_wait3A_1278 = tpu.memref_slice %arg10[%dma_wait3A_1276, %dma_wait3A_1277] : memref<10248x128xf32, #tpu.memory_space<vmem_shared>> -> memref<10248x128xf32, #tpu.memory_space<vmem_shared>>
        tpu.wait_indirect_dma semaphore(%run_scoped3A_1258 : memref<!tpu.dma_semaphore, #tpu.memory_space<semaphore_mem>>) src(%dma_wait3A_1272 : memref<40x128xf32, #tpu.memory_space<vmem>>) dst(%dma_wait3A_1278 : memref<10248x128xf32, #tpu.memory_space<vmem_shared>>)
        tpu.yield
      }) : () -> ()
      %add3A_1103 = arith.constant 14 : i32
      %add3A_1104 = arith.addi %add3A_1085, %add3A_1103 : i32
      %lt3A_1105 = arith.constant 504 : i32
      %lt3A_1106 = arith.cmpi slt, %add3A_1104, %lt3A_1105 : i32
      %convert_element_type3A_1107 = arith.extui %lt3A_1106 : i1 to i32
      %cond3A_1108 = arith.constant 0 : i32
      %cond3A_1109 = arith.cmpi ne, %convert_element_type3A_1107, %cond3A_1108 : i32
      scf.if %cond3A_1109 {
        %add3A_1258 = arith.constant 14 : i32
        %add3A_1259 = arith.addi %add3A_1085, %add3A_1258 : i32
        %dma_start3A_1260 = arith.constant 9 : i32
        %dma_start3A_1261 = arith.constant 0 : i32
        %dma_start3A_1262 = tpu.memref_slice %arg7[%dma_start3A_1260, %dma_start3A_1261] : memref<14x40xi32, #tpu.memory_space<vmem>> -> memref<1x40xi32, #tpu.memory_space<vmem>>
        %dma_start3A_1263 = tpu.memref_squeeze %dma_start3A_1262 : memref<1x40xi32, #tpu.memory_space<vmem>> -> memref<40xi32, #tpu.memory_space<vmem>>
        %dma_start3A_1264 = arith.constant 0 : i32
        %dma_start3A_1265 = tpu.memref_slice %arg3[%arg0, %arg1, %add3A_1259, %dma_start3A_1264] : memref<2x16x504x40xi32, #tpu.memory_space<hbm>> -> memref<1x1x1x40xi32, #tpu.memory_space<hbm>>
        %dma_start3A_1266 = tpu.memref_squeeze %dma_start3A_1265 : memref<1x1x1x40xi32, #tpu.memory_space<hbm>> -> memref<40xi32, #tpu.memory_space<hbm>>
        %dma_start3A_1267 = arith.constant 0 : i32
        %dma_start3A_1268 = tpu.memref_slice %arg7[%dma_start3A_1260, %dma_start3A_1267] : memref<14x40xi32, #tpu.memory_space<vmem>> -> memref<1x40xi32, #tpu.memory_space<vmem>>
        %dma_start3A_1269 = tpu.memref_squeeze %dma_start3A_1268 : memref<1x40xi32, #tpu.memory_space<vmem>> -> memref<40xi32, #tpu.memory_space<vmem>>
        %dma_start3A_1270 = arith.constant 0 : i32
        %dma_start3A_1271 = tpu.memref_slice %arg3[%arg0, %arg1, %add3A_1259, %dma_start3A_1270] : memref<2x16x504x40xi32, #tpu.memory_space<hbm>> -> memref<1x1x1x40xi32, #tpu.memory_space<hbm>>
        %dma_start3A_1272 = tpu.memref_squeeze %dma_start3A_1271 : memref<1x1x1x40xi32, #tpu.memory_space<hbm>> -> memref<40xi32, #tpu.memory_space<hbm>>
        tpu.enqueue_dma source(%dma_start3A_1272 : memref<40xi32, #tpu.memory_space<hbm>>) target(%dma_start3A_1269 : memref<40xi32, #tpu.memory_space<vmem>>) target_semaphore(%arg27 : memref<!tpu.dma_semaphore, #tpu.memory_space<semaphore_mem>>)
        %dma_start3A_1273 = arith.constant 9 : i32
        %dma_start3A_1274 = arith.constant 0 : i32
        %dma_start3A_1275 = tpu.memref_slice %arg8[%dma_start3A_1273, %dma_start3A_1274] : memref<14x40xi32, #tpu.memory_space<vmem>> -> memref<1x40xi32, #tpu.memory_space<vmem>>
        %dma_start3A_1276 = tpu.memref_squeeze %dma_start3A_1275 : memref<1x40xi32, #tpu.memory_space<vmem>> -> memref<40xi32, #tpu.memory_space<vmem>>
        %dma_start3A_1277 = arith.constant 0 : i32
        %dma_start3A_1278 = tpu.memref_slice %arg4[%arg1, %add3A_1259, %dma_start3A_1277] : memref<16x504x40xi32, #tpu.memory_space<hbm>> -> memref<1x1x40xi32, #tpu.memory_space<hbm>>
        %dma_start3A_1279 = tpu.memref_squeeze %dma_start3A_1278 : memref<1x1x40xi32, #tpu.memory_space<hbm>> -> memref<40xi32, #tpu.memory_space<hbm>>
        %dma_start3A_1280 = arith.constant 0 : i32
        %dma_start3A_1281 = tpu.memref_slice %arg8[%dma_start3A_1273, %dma_start3A_1280] : memref<14x40xi32, #tpu.memory_space<vmem>> -> memref<1x40xi32, #tpu.memory_space<vmem>>
        %dma_start3A_1282 = tpu.memref_squeeze %dma_start3A_1281 : memref<1x40xi32, #tpu.memory_space<vmem>> -> memref<40xi32, #tpu.memory_space<vmem>>
        %dma_start3A_1283 = arith.constant 0 : i32
        %dma_start3A_1284 = tpu.memref_slice %arg4[%arg1, %add3A_1259, %dma_start3A_1283] : memref<16x504x40xi32, #tpu.memory_space<hbm>> -> memref<1x1x40xi32, #tpu.memory_space<hbm>>
        %dma_start3A_1285 = tpu.memref_squeeze %dma_start3A_1284 : memref<1x1x40xi32, #tpu.memory_space<hbm>> -> memref<40xi32, #tpu.memory_space<hbm>>
        tpu.enqueue_dma source(%dma_start3A_1285 : memref<40xi32, #tpu.memory_space<hbm>>) target(%dma_start3A_1282 : memref<40xi32, #tpu.memory_space<vmem>>) target_semaphore(%arg27 : memref<!tpu.dma_semaphore, #tpu.memory_space<semaphore_mem>>)
      } else {
      }
      %add3A_1110 = arith.constant 7 : i32
      %add3A_1111 = arith.addi %add3A_1085, %add3A_1110 : i32
      %lt3A_1112 = arith.constant 504 : i32
      %lt3A_1113 = arith.cmpi slt, %add3A_1111, %lt3A_1112 : i32
      %convert_element_type3A_1114 = arith.extui %lt3A_1113 : i1 to i32
      %cond3A_1115 = arith.constant 0 : i32
      %cond3A_1116 = arith.cmpi ne, %convert_element_type3A_1114, %cond3A_1115 : i32
      scf.if %cond3A_1116 {
        %dma_wait3A_1258 = arith.constant 0 : i32
        %dma_wait3A_1259 = arith.constant 0 : i32
        %dma_wait3A_1260 = arith.constant 2 : i32
        %dma_wait3A_1261 = arith.constant 0 : i32
        %dma_wait3A_1262 = tpu.memref_slice %arg7[%dma_wait3A_1260, %dma_wait3A_1261] : memref<14x40xi32, #tpu.memory_space<vmem>> -> memref<1x40xi32, #tpu.memory_space<vmem>>
        %dma_wait3A_1263 = tpu.memref_squeeze %dma_wait3A_1262 : memref<1x40xi32, #tpu.memory_space<vmem>> -> memref<40xi32, #tpu.memory_space<vmem>>
        %dma_wait3A_1264 = arith.constant 0 : i32
        %dma_wait3A_1265 = tpu.memref_slice %arg4[%dma_wait3A_1258, %dma_wait3A_1259, %dma_wait3A_1264] : memref<16x504x40xi32, #tpu.memory_space<hbm>> -> memref<1x1x40xi32, #tpu.memory_space<hbm>>
        %dma_wait3A_1266 = tpu.memref_squeeze %dma_wait3A_1265 : memref<1x1x40xi32, #tpu.memory_space<hbm>> -> memref<40xi32, #tpu.memory_space<hbm>>
        %dma_wait3A_1267 = arith.constant 0 : i32
        %dma_wait3A_1268 = tpu.memref_slice %arg7[%dma_wait3A_1260, %dma_wait3A_1267] : memref<14x40xi32, #tpu.memory_space<vmem>> -> memref<1x40xi32, #tpu.memory_space<vmem>>
        %dma_wait3A_1269 = tpu.memref_squeeze %dma_wait3A_1268 : memref<1x40xi32, #tpu.memory_space<vmem>> -> memref<40xi32, #tpu.memory_space<vmem>>
        %dma_wait3A_1270 = arith.constant 0 : i32
        %dma_wait3A_1271 = tpu.memref_slice %arg4[%dma_wait3A_1258, %dma_wait3A_1259, %dma_wait3A_1270] : memref<16x504x40xi32, #tpu.memory_space<hbm>> -> memref<1x1x40xi32, #tpu.memory_space<hbm>>
        %dma_wait3A_1272 = tpu.memref_squeeze %dma_wait3A_1271 : memref<1x1x40xi32, #tpu.memory_space<hbm>> -> memref<40xi32, #tpu.memory_space<hbm>>
        tpu.wait_dma2 semaphore(%arg20 : memref<!tpu.dma_semaphore, #tpu.memory_space<semaphore_mem>>) src(%dma_wait3A_1272 : memref<40xi32, #tpu.memory_space<hbm>>) dst(%dma_wait3A_1269 : memref<40xi32, #tpu.memory_space<vmem>>)
        %dma_wait3A_1273 = arith.constant 0 : i32
        %dma_wait3A_1274 = arith.constant 0 : i32
        %dma_wait3A_1275 = arith.constant 2 : i32
        %dma_wait3A_1276 = arith.constant 0 : i32
        %dma_wait3A_1277 = tpu.memref_slice %arg8[%dma_wait3A_1275, %dma_wait3A_1276] : memref<14x40xi32, #tpu.memory_space<vmem>> -> memref<1x40xi32, #tpu.memory_space<vmem>>
        %dma_wait3A_1278 = tpu.memref_squeeze %dma_wait3A_1277 : memref<1x40xi32, #tpu.memory_space<vmem>> -> memref<40xi32, #tpu.memory_space<vmem>>
        %dma_wait3A_1279 = arith.constant 0 : i32
        %dma_wait3A_1280 = tpu.memref_slice %arg4[%dma_wait3A_1273, %dma_wait3A_1274, %dma_wait3A_1279] : memref<16x504x40xi32, #tpu.memory_space<hbm>> -> memref<1x1x40xi32, #tpu.memory_space<hbm>>
        %dma_wait3A_1281 = tpu.memref_squeeze %dma_wait3A_1280 : memref<1x1x40xi32, #tpu.memory_space<hbm>> -> memref<40xi32, #tpu.memory_space<hbm>>
        %dma_wait3A_1282 = arith.constant 0 : i32
        %dma_wait3A_1283 = tpu.memref_slice %arg8[%dma_wait3A_1275, %dma_wait3A_1282] : memref<14x40xi32, #tpu.memory_space<vmem>> -> memref<1x40xi32, #tpu.memory_space<vmem>>
        %dma_wait3A_1284 = tpu.memref_squeeze %dma_wait3A_1283 : memref<1x40xi32, #tpu.memory_space<vmem>> -> memref<40xi32, #tpu.memory_space<vmem>>
        %dma_wait3A_1285 = arith.constant 0 : i32
        %dma_wait3A_1286 = tpu.memref_slice %arg4[%dma_wait3A_1273, %dma_wait3A_1274, %dma_wait3A_1285] : memref<16x504x40xi32, #tpu.memory_space<hbm>> -> memref<1x1x40xi32, #tpu.memory_space<hbm>>
        %dma_wait3A_1287 = tpu.memref_squeeze %dma_wait3A_1286 : memref<1x1x40xi32, #tpu.memory_space<hbm>> -> memref<40xi32, #tpu.memory_space<hbm>>
        tpu.wait_dma2 semaphore(%arg20 : memref<!tpu.dma_semaphore, #tpu.memory_space<semaphore_mem>>) src(%dma_wait3A_1287 : memref<40xi32, #tpu.memory_space<hbm>>) dst(%dma_wait3A_1284 : memref<40xi32, #tpu.memory_space<vmem>>)
        %add3A_1288 = arith.constant 7 : i32
        %add3A_1289 = arith.addi %add3A_1085, %add3A_1288 : i32
        %dma_start3A_1290 = arith.constant 2 : i32
        %dma_start3A_1291 = arith.constant 2 : i32
        %dma_start3A_1292 = arith.constant 0 : i32
        %dma_start3A_1293 = arith.constant 0 : i32
        %dma_start3A_1294 = tpu.memref_slice %arg9[%dma_start3A_1291, %dma_start3A_1292, %dma_start3A_1293] : memref<7x40x128xf32, #tpu.memory_space<vmem>> -> memref<1x40x128xf32, #tpu.memory_space<vmem>>
        %dma_start3A_1295 = tpu.memref_squeeze %dma_start3A_1294 : memref<1x40x128xf32, #tpu.memory_space<vmem>> -> memref<40x128xf32, #tpu.memory_space<vmem>>
        %dma_start3A_1296 = arith.constant 0 : i32
        %dma_start3A_1297 = tpu.memref_slice %arg7[%dma_start3A_1290, %dma_start3A_1296] : memref<14x40xi32, #tpu.memory_space<vmem>> -> memref<1x40xi32, #tpu.memory_space<vmem>>
        %dma_start3A_1298 = tpu.memref_squeeze %dma_start3A_1297 : memref<1x40xi32, #tpu.memory_space<vmem>> -> memref<40xi32, #tpu.memory_space<vmem>>
        %dma_start3A_1299 = arith.constant 0 : i32
        %dma_start3A_1300 = arith.constant 0 : i32
        %dma_start3A_1301 = tpu.memref_slice %arg2[%dma_start3A_1299, %dma_start3A_1300] : memref<20480x128xf32, #tpu.memory_space<hbm>> -> memref<20480x128xf32, #tpu.memory_space<hbm>>
        tpu.enqueue_indirect_dma source(%dma_start3A_1301 : memref<20480x128xf32, #tpu.memory_space<hbm>>) target(%dma_start3A_1295 : memref<40x128xf32, #tpu.memory_space<vmem>>) offsets(%dma_start3A_1298 : memref<40xi32, #tpu.memory_space<vmem>>) semaphore(%arg13 : memref<!tpu.dma_semaphore, #tpu.memory_space<semaphore_mem>>)
      } else {
      }
      %mul3A_1117 = arith.constant 14 : i32
      %mul3A_1118 = arith.muli %scan3A_767, %mul3A_1117 : i32
      %add3A_1119 = arith.constant 10 : i32
      %add3A_1120 = arith.addi %mul3A_1118, %add3A_1119 : i32
      %dma_wait3A_1121 = arith.constant 3 : i32
      %dma_wait3A_1122 = arith.constant 0 : i32
      %dma_wait3A_1123 = arith.constant 0 : i32
      %dma_wait3A_1124 = tpu.memref_slice %arg9[%dma_wait3A_1121, %dma_wait3A_1122, %dma_wait3A_1123] : memref<7x40x128xf32, #tpu.memory_space<vmem>> -> memref<1x40x128xf32, #tpu.memory_space<vmem>>
      %dma_wait3A_1125 = tpu.memref_squeeze %dma_wait3A_1124 : memref<1x40x128xf32, #tpu.memory_space<vmem>> -> memref<40x128xf32, #tpu.memory_space<vmem>>
      %dma_wait3A_1126 = arith.constant 0 : i32
      %dma_wait3A_1127 = arith.constant 0 : i32
      %dma_wait3A_1128 = tpu.memref_slice %arg2[%dma_wait3A_1126, %dma_wait3A_1127] : memref<20480x128xf32, #tpu.memory_space<hbm>> -> memref<40x128xf32, #tpu.memory_space<hbm>>
      %dma_wait3A_1129 = arith.constant 0 : i32
      %dma_wait3A_1130 = arith.constant 0 : i32
      %dma_wait3A_1131 = tpu.memref_slice %arg9[%dma_wait3A_1121, %dma_wait3A_1129, %dma_wait3A_1130] : memref<7x40x128xf32, #tpu.memory_space<vmem>> -> memref<1x40x128xf32, #tpu.memory_space<vmem>>
      %dma_wait3A_1132 = tpu.memref_squeeze %dma_wait3A_1131 : memref<1x40x128xf32, #tpu.memory_space<vmem>> -> memref<40x128xf32, #tpu.memory_space<vmem>>
      %dma_wait3A_1133 = arith.constant 0 : i32
      %dma_wait3A_1134 = arith.constant 0 : i32
      %dma_wait3A_1135 = tpu.memref_slice %arg2[%dma_wait3A_1133, %dma_wait3A_1134] : memref<20480x128xf32, #tpu.memory_space<hbm>> -> memref<40x128xf32, #tpu.memory_space<hbm>>
      tpu.wait_dma2 semaphore(%arg14 : memref<!tpu.dma_semaphore, #tpu.memory_space<semaphore_mem>>) src(%dma_wait3A_1135 : memref<40x128xf32, #tpu.memory_space<hbm>>) dst(%dma_wait3A_1132 : memref<40x128xf32, #tpu.memory_space<vmem>>)
      %run_scoped3A_1136 = arith.constant 3 : i32
      %run_scoped3A_1137 = arith.constant 10 : i32
      "tpu.region"() ({
        %run_scoped3A_1258 = tpu.sem_alloc : memref<!tpu.dma_semaphore, #tpu.memory_space<semaphore_mem>>
        %dma_start3A_1259 = arith.constant 0 : i32
        %dma_start3A_1260 = arith.constant 0 : i32
        %dma_start3A_1261 = tpu.memref_slice %arg9[%run_scoped3A_1136, %dma_start3A_1259, %dma_start3A_1260] : memref<7x40x128xf32, #tpu.memory_space<vmem>> -> memref<1x40x128xf32, #tpu.memory_space<vmem>>
        %dma_start3A_1262 = tpu.memref_squeeze %dma_start3A_1261 : memref<1x40x128xf32, #tpu.memory_space<vmem>> -> memref<40x128xf32, #tpu.memory_space<vmem>>
        %dma_start3A_1263 = arith.constant 0 : i32
        %dma_start3A_1264 = tpu.memref_slice %arg8[%run_scoped3A_1137, %dma_start3A_1263] : memref<14x40xi32, #tpu.memory_space<vmem>> -> memref<1x40xi32, #tpu.memory_space<vmem>>
        %dma_start3A_1265 = tpu.memref_squeeze %dma_start3A_1264 : memref<1x40xi32, #tpu.memory_space<vmem>> -> memref<40xi32, #tpu.memory_space<vmem>>
        %dma_start3A_1266 = arith.constant 0 : i32
        %dma_start3A_1267 = arith.constant 0 : i32
        %dma_start3A_1268 = tpu.memref_slice %arg10[%dma_start3A_1266, %dma_start3A_1267] : memref<10248x128xf32, #tpu.memory_space<vmem_shared>> -> memref<10248x128xf32, #tpu.memory_space<vmem_shared>>
        tpu.enqueue_indirect_dma source(%dma_start3A_1262 : memref<40x128xf32, #tpu.memory_space<vmem>>) target(%dma_start3A_1268 : memref<10248x128xf32, #tpu.memory_space<vmem_shared>>) offsets(%dma_start3A_1265 : memref<40xi32, #tpu.memory_space<vmem>>) semaphore(%run_scoped3A_1258 : memref<!tpu.dma_semaphore, #tpu.memory_space<semaphore_mem>>) {add = true}
        %dma_wait3A_1269 = arith.constant 0 : i32
        %dma_wait3A_1270 = arith.constant 0 : i32
        %dma_wait3A_1271 = tpu.memref_slice %arg9[%run_scoped3A_1136, %dma_wait3A_1269, %dma_wait3A_1270] : memref<7x40x128xf32, #tpu.memory_space<vmem>> -> memref<1x40x128xf32, #tpu.memory_space<vmem>>
        %dma_wait3A_1272 = tpu.memref_squeeze %dma_wait3A_1271 : memref<1x40x128xf32, #tpu.memory_space<vmem>> -> memref<40x128xf32, #tpu.memory_space<vmem>>
        %dma_wait3A_1273 = arith.constant 0 : i32
        %dma_wait3A_1274 = tpu.memref_slice %arg8[%run_scoped3A_1137, %dma_wait3A_1273] : memref<14x40xi32, #tpu.memory_space<vmem>> -> memref<1x40xi32, #tpu.memory_space<vmem>>
        %dma_wait3A_1275 = tpu.memref_squeeze %dma_wait3A_1274 : memref<1x40xi32, #tpu.memory_space<vmem>> -> memref<40xi32, #tpu.memory_space<vmem>>
        %dma_wait3A_1276 = arith.constant 0 : i32
        %dma_wait3A_1277 = arith.constant 0 : i32
        %dma_wait3A_1278 = tpu.memref_slice %arg10[%dma_wait3A_1276, %dma_wait3A_1277] : memref<10248x128xf32, #tpu.memory_space<vmem_shared>> -> memref<10248x128xf32, #tpu.memory_space<vmem_shared>>
        tpu.wait_indirect_dma semaphore(%run_scoped3A_1258 : memref<!tpu.dma_semaphore, #tpu.memory_space<semaphore_mem>>) src(%dma_wait3A_1272 : memref<40x128xf32, #tpu.memory_space<vmem>>) dst(%dma_wait3A_1278 : memref<10248x128xf32, #tpu.memory_space<vmem_shared>>)
        tpu.yield
      }) : () -> ()
      %add3A_1138 = arith.constant 14 : i32
      %add3A_1139 = arith.addi %add3A_1120, %add3A_1138 : i32
      %lt3A_1140 = arith.constant 504 : i32
      %lt3A_1141 = arith.cmpi slt, %add3A_1139, %lt3A_1140 : i32
      %convert_element_type3A_1142 = arith.extui %lt3A_1141 : i1 to i32
      %cond3A_1143 = arith.constant 0 : i32
      %cond3A_1144 = arith.cmpi ne, %convert_element_type3A_1142, %cond3A_1143 : i32
      scf.if %cond3A_1144 {
        %add3A_1258 = arith.constant 14 : i32
        %add3A_1259 = arith.addi %add3A_1120, %add3A_1258 : i32
        %dma_start3A_1260 = arith.constant 10 : i32
        %dma_start3A_1261 = arith.constant 0 : i32
        %dma_start3A_1262 = tpu.memref_slice %arg7[%dma_start3A_1260, %dma_start3A_1261] : memref<14x40xi32, #tpu.memory_space<vmem>> -> memref<1x40xi32, #tpu.memory_space<vmem>>
        %dma_start3A_1263 = tpu.memref_squeeze %dma_start3A_1262 : memref<1x40xi32, #tpu.memory_space<vmem>> -> memref<40xi32, #tpu.memory_space<vmem>>
        %dma_start3A_1264 = arith.constant 0 : i32
        %dma_start3A_1265 = tpu.memref_slice %arg3[%arg0, %arg1, %add3A_1259, %dma_start3A_1264] : memref<2x16x504x40xi32, #tpu.memory_space<hbm>> -> memref<1x1x1x40xi32, #tpu.memory_space<hbm>>
        %dma_start3A_1266 = tpu.memref_squeeze %dma_start3A_1265 : memref<1x1x1x40xi32, #tpu.memory_space<hbm>> -> memref<40xi32, #tpu.memory_space<hbm>>
        %dma_start3A_1267 = arith.constant 0 : i32
        %dma_start3A_1268 = tpu.memref_slice %arg7[%dma_start3A_1260, %dma_start3A_1267] : memref<14x40xi32, #tpu.memory_space<vmem>> -> memref<1x40xi32, #tpu.memory_space<vmem>>
        %dma_start3A_1269 = tpu.memref_squeeze %dma_start3A_1268 : memref<1x40xi32, #tpu.memory_space<vmem>> -> memref<40xi32, #tpu.memory_space<vmem>>
        %dma_start3A_1270 = arith.constant 0 : i32
        %dma_start3A_1271 = tpu.memref_slice %arg3[%arg0, %arg1, %add3A_1259, %dma_start3A_1270] : memref<2x16x504x40xi32, #tpu.memory_space<hbm>> -> memref<1x1x1x40xi32, #tpu.memory_space<hbm>>
        %dma_start3A_1272 = tpu.memref_squeeze %dma_start3A_1271 : memref<1x1x1x40xi32, #tpu.memory_space<hbm>> -> memref<40xi32, #tpu.memory_space<hbm>>
        tpu.enqueue_dma source(%dma_start3A_1272 : memref<40xi32, #tpu.memory_space<hbm>>) target(%dma_start3A_1269 : memref<40xi32, #tpu.memory_space<vmem>>) target_semaphore(%arg28 : memref<!tpu.dma_semaphore, #tpu.memory_space<semaphore_mem>>)
        %dma_start3A_1273 = arith.constant 10 : i32
        %dma_start3A_1274 = arith.constant 0 : i32
        %dma_start3A_1275 = tpu.memref_slice %arg8[%dma_start3A_1273, %dma_start3A_1274] : memref<14x40xi32, #tpu.memory_space<vmem>> -> memref<1x40xi32, #tpu.memory_space<vmem>>
        %dma_start3A_1276 = tpu.memref_squeeze %dma_start3A_1275 : memref<1x40xi32, #tpu.memory_space<vmem>> -> memref<40xi32, #tpu.memory_space<vmem>>
        %dma_start3A_1277 = arith.constant 0 : i32
        %dma_start3A_1278 = tpu.memref_slice %arg4[%arg1, %add3A_1259, %dma_start3A_1277] : memref<16x504x40xi32, #tpu.memory_space<hbm>> -> memref<1x1x40xi32, #tpu.memory_space<hbm>>
        %dma_start3A_1279 = tpu.memref_squeeze %dma_start3A_1278 : memref<1x1x40xi32, #tpu.memory_space<hbm>> -> memref<40xi32, #tpu.memory_space<hbm>>
        %dma_start3A_1280 = arith.constant 0 : i32
        %dma_start3A_1281 = tpu.memref_slice %arg8[%dma_start3A_1273, %dma_start3A_1280] : memref<14x40xi32, #tpu.memory_space<vmem>> -> memref<1x40xi32, #tpu.memory_space<vmem>>
        %dma_start3A_1282 = tpu.memref_squeeze %dma_start3A_1281 : memref<1x40xi32, #tpu.memory_space<vmem>> -> memref<40xi32, #tpu.memory_space<vmem>>
        %dma_start3A_1283 = arith.constant 0 : i32
        %dma_start3A_1284 = tpu.memref_slice %arg4[%arg1, %add3A_1259, %dma_start3A_1283] : memref<16x504x40xi32, #tpu.memory_space<hbm>> -> memref<1x1x40xi32, #tpu.memory_space<hbm>>
        %dma_start3A_1285 = tpu.memref_squeeze %dma_start3A_1284 : memref<1x1x40xi32, #tpu.memory_space<hbm>> -> memref<40xi32, #tpu.memory_space<hbm>>
        tpu.enqueue_dma source(%dma_start3A_1285 : memref<40xi32, #tpu.memory_space<hbm>>) target(%dma_start3A_1282 : memref<40xi32, #tpu.memory_space<vmem>>) target_semaphore(%arg28 : memref<!tpu.dma_semaphore, #tpu.memory_space<semaphore_mem>>)
      } else {
      }
      %add3A_1145 = arith.constant 7 : i32
      %add3A_1146 = arith.addi %add3A_1120, %add3A_1145 : i32
      %lt3A_1147 = arith.constant 504 : i32
      %lt3A_1148 = arith.cmpi slt, %add3A_1146, %lt3A_1147 : i32
      %convert_element_type3A_1149 = arith.extui %lt3A_1148 : i1 to i32
      %cond3A_1150 = arith.constant 0 : i32
      %cond3A_1151 = arith.cmpi ne, %convert_element_type3A_1149, %cond3A_1150 : i32
      scf.if %cond3A_1151 {
        %dma_wait3A_1258 = arith.constant 0 : i32
        %dma_wait3A_1259 = arith.constant 0 : i32
        %dma_wait3A_1260 = arith.constant 3 : i32
        %dma_wait3A_1261 = arith.constant 0 : i32
        %dma_wait3A_1262 = tpu.memref_slice %arg7[%dma_wait3A_1260, %dma_wait3A_1261] : memref<14x40xi32, #tpu.memory_space<vmem>> -> memref<1x40xi32, #tpu.memory_space<vmem>>
        %dma_wait3A_1263 = tpu.memref_squeeze %dma_wait3A_1262 : memref<1x40xi32, #tpu.memory_space<vmem>> -> memref<40xi32, #tpu.memory_space<vmem>>
        %dma_wait3A_1264 = arith.constant 0 : i32
        %dma_wait3A_1265 = tpu.memref_slice %arg4[%dma_wait3A_1258, %dma_wait3A_1259, %dma_wait3A_1264] : memref<16x504x40xi32, #tpu.memory_space<hbm>> -> memref<1x1x40xi32, #tpu.memory_space<hbm>>
        %dma_wait3A_1266 = tpu.memref_squeeze %dma_wait3A_1265 : memref<1x1x40xi32, #tpu.memory_space<hbm>> -> memref<40xi32, #tpu.memory_space<hbm>>
        %dma_wait3A_1267 = arith.constant 0 : i32
        %dma_wait3A_1268 = tpu.memref_slice %arg7[%dma_wait3A_1260, %dma_wait3A_1267] : memref<14x40xi32, #tpu.memory_space<vmem>> -> memref<1x40xi32, #tpu.memory_space<vmem>>
        %dma_wait3A_1269 = tpu.memref_squeeze %dma_wait3A_1268 : memref<1x40xi32, #tpu.memory_space<vmem>> -> memref<40xi32, #tpu.memory_space<vmem>>
        %dma_wait3A_1270 = arith.constant 0 : i32
        %dma_wait3A_1271 = tpu.memref_slice %arg4[%dma_wait3A_1258, %dma_wait3A_1259, %dma_wait3A_1270] : memref<16x504x40xi32, #tpu.memory_space<hbm>> -> memref<1x1x40xi32, #tpu.memory_space<hbm>>
        %dma_wait3A_1272 = tpu.memref_squeeze %dma_wait3A_1271 : memref<1x1x40xi32, #tpu.memory_space<hbm>> -> memref<40xi32, #tpu.memory_space<hbm>>
        tpu.wait_dma2 semaphore(%arg21 : memref<!tpu.dma_semaphore, #tpu.memory_space<semaphore_mem>>) src(%dma_wait3A_1272 : memref<40xi32, #tpu.memory_space<hbm>>) dst(%dma_wait3A_1269 : memref<40xi32, #tpu.memory_space<vmem>>)
        %dma_wait3A_1273 = arith.constant 0 : i32
        %dma_wait3A_1274 = arith.constant 0 : i32
        %dma_wait3A_1275 = arith.constant 3 : i32
        %dma_wait3A_1276 = arith.constant 0 : i32
        %dma_wait3A_1277 = tpu.memref_slice %arg8[%dma_wait3A_1275, %dma_wait3A_1276] : memref<14x40xi32, #tpu.memory_space<vmem>> -> memref<1x40xi32, #tpu.memory_space<vmem>>
        %dma_wait3A_1278 = tpu.memref_squeeze %dma_wait3A_1277 : memref<1x40xi32, #tpu.memory_space<vmem>> -> memref<40xi32, #tpu.memory_space<vmem>>
        %dma_wait3A_1279 = arith.constant 0 : i32
        %dma_wait3A_1280 = tpu.memref_slice %arg4[%dma_wait3A_1273, %dma_wait3A_1274, %dma_wait3A_1279] : memref<16x504x40xi32, #tpu.memory_space<hbm>> -> memref<1x1x40xi32, #tpu.memory_space<hbm>>
        %dma_wait3A_1281 = tpu.memref_squeeze %dma_wait3A_1280 : memref<1x1x40xi32, #tpu.memory_space<hbm>> -> memref<40xi32, #tpu.memory_space<hbm>>
        %dma_wait3A_1282 = arith.constant 0 : i32
        %dma_wait3A_1283 = tpu.memref_slice %arg8[%dma_wait3A_1275, %dma_wait3A_1282] : memref<14x40xi32, #tpu.memory_space<vmem>> -> memref<1x40xi32, #tpu.memory_space<vmem>>
        %dma_wait3A_1284 = tpu.memref_squeeze %dma_wait3A_1283 : memref<1x40xi32, #tpu.memory_space<vmem>> -> memref<40xi32, #tpu.memory_space<vmem>>
        %dma_wait3A_1285 = arith.constant 0 : i32
        %dma_wait3A_1286 = tpu.memref_slice %arg4[%dma_wait3A_1273, %dma_wait3A_1274, %dma_wait3A_1285] : memref<16x504x40xi32, #tpu.memory_space<hbm>> -> memref<1x1x40xi32, #tpu.memory_space<hbm>>
        %dma_wait3A_1287 = tpu.memref_squeeze %dma_wait3A_1286 : memref<1x1x40xi32, #tpu.memory_space<hbm>> -> memref<40xi32, #tpu.memory_space<hbm>>
        tpu.wait_dma2 semaphore(%arg21 : memref<!tpu.dma_semaphore, #tpu.memory_space<semaphore_mem>>) src(%dma_wait3A_1287 : memref<40xi32, #tpu.memory_space<hbm>>) dst(%dma_wait3A_1284 : memref<40xi32, #tpu.memory_space<vmem>>)
        %add3A_1288 = arith.constant 7 : i32
        %add3A_1289 = arith.addi %add3A_1120, %add3A_1288 : i32
        %dma_start3A_1290 = arith.constant 3 : i32
        %dma_start3A_1291 = arith.constant 3 : i32
        %dma_start3A_1292 = arith.constant 0 : i32
        %dma_start3A_1293 = arith.constant 0 : i32
        %dma_start3A_1294 = tpu.memref_slice %arg9[%dma_start3A_1291, %dma_start3A_1292, %dma_start3A_1293] : memref<7x40x128xf32, #tpu.memory_space<vmem>> -> memref<1x40x128xf32, #tpu.memory_space<vmem>>
        %dma_start3A_1295 = tpu.memref_squeeze %dma_start3A_1294 : memref<1x40x128xf32, #tpu.memory_space<vmem>> -> memref<40x128xf32, #tpu.memory_space<vmem>>
        %dma_start3A_1296 = arith.constant 0 : i32
        %dma_start3A_1297 = tpu.memref_slice %arg7[%dma_start3A_1290, %dma_start3A_1296] : memref<14x40xi32, #tpu.memory_space<vmem>> -> memref<1x40xi32, #tpu.memory_space<vmem>>
        %dma_start3A_1298 = tpu.memref_squeeze %dma_start3A_1297 : memref<1x40xi32, #tpu.memory_space<vmem>> -> memref<40xi32, #tpu.memory_space<vmem>>
        %dma_start3A_1299 = arith.constant 0 : i32
        %dma_start3A_1300 = arith.constant 0 : i32
        %dma_start3A_1301 = tpu.memref_slice %arg2[%dma_start3A_1299, %dma_start3A_1300] : memref<20480x128xf32, #tpu.memory_space<hbm>> -> memref<20480x128xf32, #tpu.memory_space<hbm>>
        tpu.enqueue_indirect_dma source(%dma_start3A_1301 : memref<20480x128xf32, #tpu.memory_space<hbm>>) target(%dma_start3A_1295 : memref<40x128xf32, #tpu.memory_space<vmem>>) offsets(%dma_start3A_1298 : memref<40xi32, #tpu.memory_space<vmem>>) semaphore(%arg14 : memref<!tpu.dma_semaphore, #tpu.memory_space<semaphore_mem>>)
      } else {
      }
      %mul3A_1152 = arith.constant 14 : i32
      %mul3A_1153 = arith.muli %scan3A_767, %mul3A_1152 : i32
      %add3A_1154 = arith.constant 11 : i32
      %add3A_1155 = arith.addi %mul3A_1153, %add3A_1154 : i32
      %dma_wait3A_1156 = arith.constant 4 : i32
      %dma_wait3A_1157 = arith.constant 0 : i32
      %dma_wait3A_1158 = arith.constant 0 : i32
      %dma_wait3A_1159 = tpu.memref_slice %arg9[%dma_wait3A_1156, %dma_wait3A_1157, %dma_wait3A_1158] : memref<7x40x128xf32, #tpu.memory_space<vmem>> -> memref<1x40x128xf32, #tpu.memory_space<vmem>>
      %dma_wait3A_1160 = tpu.memref_squeeze %dma_wait3A_1159 : memref<1x40x128xf32, #tpu.memory_space<vmem>> -> memref<40x128xf32, #tpu.memory_space<vmem>>
      %dma_wait3A_1161 = arith.constant 0 : i32
      %dma_wait3A_1162 = arith.constant 0 : i32
      %dma_wait3A_1163 = tpu.memref_slice %arg2[%dma_wait3A_1161, %dma_wait3A_1162] : memref<20480x128xf32, #tpu.memory_space<hbm>> -> memref<40x128xf32, #tpu.memory_space<hbm>>
      %dma_wait3A_1164 = arith.constant 0 : i32
      %dma_wait3A_1165 = arith.constant 0 : i32
      %dma_wait3A_1166 = tpu.memref_slice %arg9[%dma_wait3A_1156, %dma_wait3A_1164, %dma_wait3A_1165] : memref<7x40x128xf32, #tpu.memory_space<vmem>> -> memref<1x40x128xf32, #tpu.memory_space<vmem>>
      %dma_wait3A_1167 = tpu.memref_squeeze %dma_wait3A_1166 : memref<1x40x128xf32, #tpu.memory_space<vmem>> -> memref<40x128xf32, #tpu.memory_space<vmem>>
      %dma_wait3A_1168 = arith.constant 0 : i32
      %dma_wait3A_1169 = arith.constant 0 : i32
      %dma_wait3A_1170 = tpu.memref_slice %arg2[%dma_wait3A_1168, %dma_wait3A_1169] : memref<20480x128xf32, #tpu.memory_space<hbm>> -> memref<40x128xf32, #tpu.memory_space<hbm>>
      tpu.wait_dma2 semaphore(%arg15 : memref<!tpu.dma_semaphore, #tpu.memory_space<semaphore_mem>>) src(%dma_wait3A_1170 : memref<40x128xf32, #tpu.memory_space<hbm>>) dst(%dma_wait3A_1167 : memref<40x128xf32, #tpu.memory_space<vmem>>)
      %run_scoped3A_1171 = arith.constant 4 : i32
      %run_scoped3A_1172 = arith.constant 11 : i32
      "tpu.region"() ({
        %run_scoped3A_1258 = tpu.sem_alloc : memref<!tpu.dma_semaphore, #tpu.memory_space<semaphore_mem>>
        %dma_start3A_1259 = arith.constant 0 : i32
        %dma_start3A_1260 = arith.constant 0 : i32
        %dma_start3A_1261 = tpu.memref_slice %arg9[%run_scoped3A_1171, %dma_start3A_1259, %dma_start3A_1260] : memref<7x40x128xf32, #tpu.memory_space<vmem>> -> memref<1x40x128xf32, #tpu.memory_space<vmem>>
        %dma_start3A_1262 = tpu.memref_squeeze %dma_start3A_1261 : memref<1x40x128xf32, #tpu.memory_space<vmem>> -> memref<40x128xf32, #tpu.memory_space<vmem>>
        %dma_start3A_1263 = arith.constant 0 : i32
        %dma_start3A_1264 = tpu.memref_slice %arg8[%run_scoped3A_1172, %dma_start3A_1263] : memref<14x40xi32, #tpu.memory_space<vmem>> -> memref<1x40xi32, #tpu.memory_space<vmem>>
        %dma_start3A_1265 = tpu.memref_squeeze %dma_start3A_1264 : memref<1x40xi32, #tpu.memory_space<vmem>> -> memref<40xi32, #tpu.memory_space<vmem>>
        %dma_start3A_1266 = arith.constant 0 : i32
        %dma_start3A_1267 = arith.constant 0 : i32
        %dma_start3A_1268 = tpu.memref_slice %arg10[%dma_start3A_1266, %dma_start3A_1267] : memref<10248x128xf32, #tpu.memory_space<vmem_shared>> -> memref<10248x128xf32, #tpu.memory_space<vmem_shared>>
        tpu.enqueue_indirect_dma source(%dma_start3A_1262 : memref<40x128xf32, #tpu.memory_space<vmem>>) target(%dma_start3A_1268 : memref<10248x128xf32, #tpu.memory_space<vmem_shared>>) offsets(%dma_start3A_1265 : memref<40xi32, #tpu.memory_space<vmem>>) semaphore(%run_scoped3A_1258 : memref<!tpu.dma_semaphore, #tpu.memory_space<semaphore_mem>>) {add = true}
        %dma_wait3A_1269 = arith.constant 0 : i32
        %dma_wait3A_1270 = arith.constant 0 : i32
        %dma_wait3A_1271 = tpu.memref_slice %arg9[%run_scoped3A_1171, %dma_wait3A_1269, %dma_wait3A_1270] : memref<7x40x128xf32, #tpu.memory_space<vmem>> -> memref<1x40x128xf32, #tpu.memory_space<vmem>>
        %dma_wait3A_1272 = tpu.memref_squeeze %dma_wait3A_1271 : memref<1x40x128xf32, #tpu.memory_space<vmem>> -> memref<40x128xf32, #tpu.memory_space<vmem>>
        %dma_wait3A_1273 = arith.constant 0 : i32
        %dma_wait3A_1274 = tpu.memref_slice %arg8[%run_scoped3A_1172, %dma_wait3A_1273] : memref<14x40xi32, #tpu.memory_space<vmem>> -> memref<1x40xi32, #tpu.memory_space<vmem>>
        %dma_wait3A_1275 = tpu.memref_squeeze %dma_wait3A_1274 : memref<1x40xi32, #tpu.memory_space<vmem>> -> memref<40xi32, #tpu.memory_space<vmem>>
        %dma_wait3A_1276 = arith.constant 0 : i32
        %dma_wait3A_1277 = arith.constant 0 : i32
        %dma_wait3A_1278 = tpu.memref_slice %arg10[%dma_wait3A_1276, %dma_wait3A_1277] : memref<10248x128xf32, #tpu.memory_space<vmem_shared>> -> memref<10248x128xf32, #tpu.memory_space<vmem_shared>>
        tpu.wait_indirect_dma semaphore(%run_scoped3A_1258 : memref<!tpu.dma_semaphore, #tpu.memory_space<semaphore_mem>>) src(%dma_wait3A_1272 : memref<40x128xf32, #tpu.memory_space<vmem>>) dst(%dma_wait3A_1278 : memref<10248x128xf32, #tpu.memory_space<vmem_shared>>)
        tpu.yield
      }) : () -> ()
      %add3A_1173 = arith.constant 14 : i32
      %add3A_1174 = arith.addi %add3A_1155, %add3A_1173 : i32
      %lt3A_1175 = arith.constant 504 : i32
      %lt3A_1176 = arith.cmpi slt, %add3A_1174, %lt3A_1175 : i32
      %convert_element_type3A_1177 = arith.extui %lt3A_1176 : i1 to i32
      %cond3A_1178 = arith.constant 0 : i32
      %cond3A_1179 = arith.cmpi ne, %convert_element_type3A_1177, %cond3A_1178 : i32
      scf.if %cond3A_1179 {
        %add3A_1258 = arith.constant 14 : i32
        %add3A_1259 = arith.addi %add3A_1155, %add3A_1258 : i32
        %dma_start3A_1260 = arith.constant 11 : i32
        %dma_start3A_1261 = arith.constant 0 : i32
        %dma_start3A_1262 = tpu.memref_slice %arg7[%dma_start3A_1260, %dma_start3A_1261] : memref<14x40xi32, #tpu.memory_space<vmem>> -> memref<1x40xi32, #tpu.memory_space<vmem>>
        %dma_start3A_1263 = tpu.memref_squeeze %dma_start3A_1262 : memref<1x40xi32, #tpu.memory_space<vmem>> -> memref<40xi32, #tpu.memory_space<vmem>>
        %dma_start3A_1264 = arith.constant 0 : i32
        %dma_start3A_1265 = tpu.memref_slice %arg3[%arg0, %arg1, %add3A_1259, %dma_start3A_1264] : memref<2x16x504x40xi32, #tpu.memory_space<hbm>> -> memref<1x1x1x40xi32, #tpu.memory_space<hbm>>
        %dma_start3A_1266 = tpu.memref_squeeze %dma_start3A_1265 : memref<1x1x1x40xi32, #tpu.memory_space<hbm>> -> memref<40xi32, #tpu.memory_space<hbm>>
        %dma_start3A_1267 = arith.constant 0 : i32
        %dma_start3A_1268 = tpu.memref_slice %arg7[%dma_start3A_1260, %dma_start3A_1267] : memref<14x40xi32, #tpu.memory_space<vmem>> -> memref<1x40xi32, #tpu.memory_space<vmem>>
        %dma_start3A_1269 = tpu.memref_squeeze %dma_start3A_1268 : memref<1x40xi32, #tpu.memory_space<vmem>> -> memref<40xi32, #tpu.memory_space<vmem>>
        %dma_start3A_1270 = arith.constant 0 : i32
        %dma_start3A_1271 = tpu.memref_slice %arg3[%arg0, %arg1, %add3A_1259, %dma_start3A_1270] : memref<2x16x504x40xi32, #tpu.memory_space<hbm>> -> memref<1x1x1x40xi32, #tpu.memory_space<hbm>>
        %dma_start3A_1272 = tpu.memref_squeeze %dma_start3A_1271 : memref<1x1x1x40xi32, #tpu.memory_space<hbm>> -> memref<40xi32, #tpu.memory_space<hbm>>
        tpu.enqueue_dma source(%dma_start3A_1272 : memref<40xi32, #tpu.memory_space<hbm>>) target(%dma_start3A_1269 : memref<40xi32, #tpu.memory_space<vmem>>) target_semaphore(%arg29 : memref<!tpu.dma_semaphore, #tpu.memory_space<semaphore_mem>>)
        %dma_start3A_1273 = arith.constant 11 : i32
        %dma_start3A_1274 = arith.constant 0 : i32
        %dma_start3A_1275 = tpu.memref_slice %arg8[%dma_start3A_1273, %dma_start3A_1274] : memref<14x40xi32, #tpu.memory_space<vmem>> -> memref<1x40xi32, #tpu.memory_space<vmem>>
        %dma_start3A_1276 = tpu.memref_squeeze %dma_start3A_1275 : memref<1x40xi32, #tpu.memory_space<vmem>> -> memref<40xi32, #tpu.memory_space<vmem>>
        %dma_start3A_1277 = arith.constant 0 : i32
        %dma_start3A_1278 = tpu.memref_slice %arg4[%arg1, %add3A_1259, %dma_start3A_1277] : memref<16x504x40xi32, #tpu.memory_space<hbm>> -> memref<1x1x40xi32, #tpu.memory_space<hbm>>
        %dma_start3A_1279 = tpu.memref_squeeze %dma_start3A_1278 : memref<1x1x40xi32, #tpu.memory_space<hbm>> -> memref<40xi32, #tpu.memory_space<hbm>>
        %dma_start3A_1280 = arith.constant 0 : i32
        %dma_start3A_1281 = tpu.memref_slice %arg8[%dma_start3A_1273, %dma_start3A_1280] : memref<14x40xi32, #tpu.memory_space<vmem>> -> memref<1x40xi32, #tpu.memory_space<vmem>>
        %dma_start3A_1282 = tpu.memref_squeeze %dma_start3A_1281 : memref<1x40xi32, #tpu.memory_space<vmem>> -> memref<40xi32, #tpu.memory_space<vmem>>
        %dma_start3A_1283 = arith.constant 0 : i32
        %dma_start3A_1284 = tpu.memref_slice %arg4[%arg1, %add3A_1259, %dma_start3A_1283] : memref<16x504x40xi32, #tpu.memory_space<hbm>> -> memref<1x1x40xi32, #tpu.memory_space<hbm>>
        %dma_start3A_1285 = tpu.memref_squeeze %dma_start3A_1284 : memref<1x1x40xi32, #tpu.memory_space<hbm>> -> memref<40xi32, #tpu.memory_space<hbm>>
        tpu.enqueue_dma source(%dma_start3A_1285 : memref<40xi32, #tpu.memory_space<hbm>>) target(%dma_start3A_1282 : memref<40xi32, #tpu.memory_space<vmem>>) target_semaphore(%arg29 : memref<!tpu.dma_semaphore, #tpu.memory_space<semaphore_mem>>)
      } else {
      }
      %add3A_1180 = arith.constant 7 : i32
      %add3A_1181 = arith.addi %add3A_1155, %add3A_1180 : i32
      %lt3A_1182 = arith.constant 504 : i32
      %lt3A_1183 = arith.cmpi slt, %add3A_1181, %lt3A_1182 : i32
      %convert_element_type3A_1184 = arith.extui %lt3A_1183 : i1 to i32
      %cond3A_1185 = arith.constant 0 : i32
      %cond3A_1186 = arith.cmpi ne, %convert_element_type3A_1184, %cond3A_1185 : i32
      scf.if %cond3A_1186 {
        %dma_wait3A_1258 = arith.constant 0 : i32
        %dma_wait3A_1259 = arith.constant 0 : i32
        %dma_wait3A_1260 = arith.constant 4 : i32
        %dma_wait3A_1261 = arith.constant 0 : i32
        %dma_wait3A_1262 = tpu.memref_slice %arg7[%dma_wait3A_1260, %dma_wait3A_1261] : memref<14x40xi32, #tpu.memory_space<vmem>> -> memref<1x40xi32, #tpu.memory_space<vmem>>
        %dma_wait3A_1263 = tpu.memref_squeeze %dma_wait3A_1262 : memref<1x40xi32, #tpu.memory_space<vmem>> -> memref<40xi32, #tpu.memory_space<vmem>>
        %dma_wait3A_1264 = arith.constant 0 : i32
        %dma_wait3A_1265 = tpu.memref_slice %arg4[%dma_wait3A_1258, %dma_wait3A_1259, %dma_wait3A_1264] : memref<16x504x40xi32, #tpu.memory_space<hbm>> -> memref<1x1x40xi32, #tpu.memory_space<hbm>>
        %dma_wait3A_1266 = tpu.memref_squeeze %dma_wait3A_1265 : memref<1x1x40xi32, #tpu.memory_space<hbm>> -> memref<40xi32, #tpu.memory_space<hbm>>
        %dma_wait3A_1267 = arith.constant 0 : i32
        %dma_wait3A_1268 = tpu.memref_slice %arg7[%dma_wait3A_1260, %dma_wait3A_1267] : memref<14x40xi32, #tpu.memory_space<vmem>> -> memref<1x40xi32, #tpu.memory_space<vmem>>
        %dma_wait3A_1269 = tpu.memref_squeeze %dma_wait3A_1268 : memref<1x40xi32, #tpu.memory_space<vmem>> -> memref<40xi32, #tpu.memory_space<vmem>>
        %dma_wait3A_1270 = arith.constant 0 : i32
        %dma_wait3A_1271 = tpu.memref_slice %arg4[%dma_wait3A_1258, %dma_wait3A_1259, %dma_wait3A_1270] : memref<16x504x40xi32, #tpu.memory_space<hbm>> -> memref<1x1x40xi32, #tpu.memory_space<hbm>>
        %dma_wait3A_1272 = tpu.memref_squeeze %dma_wait3A_1271 : memref<1x1x40xi32, #tpu.memory_space<hbm>> -> memref<40xi32, #tpu.memory_space<hbm>>
        tpu.wait_dma2 semaphore(%arg22 : memref<!tpu.dma_semaphore, #tpu.memory_space<semaphore_mem>>) src(%dma_wait3A_1272 : memref<40xi32, #tpu.memory_space<hbm>>) dst(%dma_wait3A_1269 : memref<40xi32, #tpu.memory_space<vmem>>)
        %dma_wait3A_1273 = arith.constant 0 : i32
        %dma_wait3A_1274 = arith.constant 0 : i32
        %dma_wait3A_1275 = arith.constant 4 : i32
        %dma_wait3A_1276 = arith.constant 0 : i32
        %dma_wait3A_1277 = tpu.memref_slice %arg8[%dma_wait3A_1275, %dma_wait3A_1276] : memref<14x40xi32, #tpu.memory_space<vmem>> -> memref<1x40xi32, #tpu.memory_space<vmem>>
        %dma_wait3A_1278 = tpu.memref_squeeze %dma_wait3A_1277 : memref<1x40xi32, #tpu.memory_space<vmem>> -> memref<40xi32, #tpu.memory_space<vmem>>
        %dma_wait3A_1279 = arith.constant 0 : i32
        %dma_wait3A_1280 = tpu.memref_slice %arg4[%dma_wait3A_1273, %dma_wait3A_1274, %dma_wait3A_1279] : memref<16x504x40xi32, #tpu.memory_space<hbm>> -> memref<1x1x40xi32, #tpu.memory_space<hbm>>
        %dma_wait3A_1281 = tpu.memref_squeeze %dma_wait3A_1280 : memref<1x1x40xi32, #tpu.memory_space<hbm>> -> memref<40xi32, #tpu.memory_space<hbm>>
        %dma_wait3A_1282 = arith.constant 0 : i32
        %dma_wait3A_1283 = tpu.memref_slice %arg8[%dma_wait3A_1275, %dma_wait3A_1282] : memref<14x40xi32, #tpu.memory_space<vmem>> -> memref<1x40xi32, #tpu.memory_space<vmem>>
        %dma_wait3A_1284 = tpu.memref_squeeze %dma_wait3A_1283 : memref<1x40xi32, #tpu.memory_space<vmem>> -> memref<40xi32, #tpu.memory_space<vmem>>
        %dma_wait3A_1285 = arith.constant 0 : i32
        %dma_wait3A_1286 = tpu.memref_slice %arg4[%dma_wait3A_1273, %dma_wait3A_1274, %dma_wait3A_1285] : memref<16x504x40xi32, #tpu.memory_space<hbm>> -> memref<1x1x40xi32, #tpu.memory_space<hbm>>
        %dma_wait3A_1287 = tpu.memref_squeeze %dma_wait3A_1286 : memref<1x1x40xi32, #tpu.memory_space<hbm>> -> memref<40xi32, #tpu.memory_space<hbm>>
        tpu.wait_dma2 semaphore(%arg22 : memref<!tpu.dma_semaphore, #tpu.memory_space<semaphore_mem>>) src(%dma_wait3A_1287 : memref<40xi32, #tpu.memory_space<hbm>>) dst(%dma_wait3A_1284 : memref<40xi32, #tpu.memory_space<vmem>>)
        %add3A_1288 = arith.constant 7 : i32
        %add3A_1289 = arith.addi %add3A_1155, %add3A_1288 : i32
        %dma_start3A_1290 = arith.constant 4 : i32
        %dma_start3A_1291 = arith.constant 4 : i32
        %dma_start3A_1292 = arith.constant 0 : i32
        %dma_start3A_1293 = arith.constant 0 : i32
        %dma_start3A_1294 = tpu.memref_slice %arg9[%dma_start3A_1291, %dma_start3A_1292, %dma_start3A_1293] : memref<7x40x128xf32, #tpu.memory_space<vmem>> -> memref<1x40x128xf32, #tpu.memory_space<vmem>>
        %dma_start3A_1295 = tpu.memref_squeeze %dma_start3A_1294 : memref<1x40x128xf32, #tpu.memory_space<vmem>> -> memref<40x128xf32, #tpu.memory_space<vmem>>
        %dma_start3A_1296 = arith.constant 0 : i32
        %dma_start3A_1297 = tpu.memref_slice %arg7[%dma_start3A_1290, %dma_start3A_1296] : memref<14x40xi32, #tpu.memory_space<vmem>> -> memref<1x40xi32, #tpu.memory_space<vmem>>
        %dma_start3A_1298 = tpu.memref_squeeze %dma_start3A_1297 : memref<1x40xi32, #tpu.memory_space<vmem>> -> memref<40xi32, #tpu.memory_space<vmem>>
        %dma_start3A_1299 = arith.constant 0 : i32
        %dma_start3A_1300 = arith.constant 0 : i32
        %dma_start3A_1301 = tpu.memref_slice %arg2[%dma_start3A_1299, %dma_start3A_1300] : memref<20480x128xf32, #tpu.memory_space<hbm>> -> memref<20480x128xf32, #tpu.memory_space<hbm>>
        tpu.enqueue_indirect_dma source(%dma_start3A_1301 : memref<20480x128xf32, #tpu.memory_space<hbm>>) target(%dma_start3A_1295 : memref<40x128xf32, #tpu.memory_space<vmem>>) offsets(%dma_start3A_1298 : memref<40xi32, #tpu.memory_space<vmem>>) semaphore(%arg15 : memref<!tpu.dma_semaphore, #tpu.memory_space<semaphore_mem>>)
      } else {
      }
      %mul3A_1187 = arith.constant 14 : i32
      %mul3A_1188 = arith.muli %scan3A_767, %mul3A_1187 : i32
      %add3A_1189 = arith.constant 12 : i32
      %add3A_1190 = arith.addi %mul3A_1188, %add3A_1189 : i32
      %dma_wait3A_1191 = arith.constant 5 : i32
      %dma_wait3A_1192 = arith.constant 0 : i32
      %dma_wait3A_1193 = arith.constant 0 : i32
      %dma_wait3A_1194 = tpu.memref_slice %arg9[%dma_wait3A_1191, %dma_wait3A_1192, %dma_wait3A_1193] : memref<7x40x128xf32, #tpu.memory_space<vmem>> -> memref<1x40x128xf32, #tpu.memory_space<vmem>>
      %dma_wait3A_1195 = tpu.memref_squeeze %dma_wait3A_1194 : memref<1x40x128xf32, #tpu.memory_space<vmem>> -> memref<40x128xf32, #tpu.memory_space<vmem>>
      %dma_wait3A_1196 = arith.constant 0 : i32
      %dma_wait3A_1197 = arith.constant 0 : i32
      %dma_wait3A_1198 = tpu.memref_slice %arg2[%dma_wait3A_1196, %dma_wait3A_1197] : memref<20480x128xf32, #tpu.memory_space<hbm>> -> memref<40x128xf32, #tpu.memory_space<hbm>>
      %dma_wait3A_1199 = arith.constant 0 : i32
      %dma_wait3A_1200 = arith.constant 0 : i32
      %dma_wait3A_1201 = tpu.memref_slice %arg9[%dma_wait3A_1191, %dma_wait3A_1199, %dma_wait3A_1200] : memref<7x40x128xf32, #tpu.memory_space<vmem>> -> memref<1x40x128xf32, #tpu.memory_space<vmem>>
      %dma_wait3A_1202 = tpu.memref_squeeze %dma_wait3A_1201 : memref<1x40x128xf32, #tpu.memory_space<vmem>> -> memref<40x128xf32, #tpu.memory_space<vmem>>
      %dma_wait3A_1203 = arith.constant 0 : i32
      %dma_wait3A_1204 = arith.constant 0 : i32
      %dma_wait3A_1205 = tpu.memref_slice %arg2[%dma_wait3A_1203, %dma_wait3A_1204] : memref<20480x128xf32, #tpu.memory_space<hbm>> -> memref<40x128xf32, #tpu.memory_space<hbm>>
      tpu.wait_dma2 semaphore(%arg16 : memref<!tpu.dma_semaphore, #tpu.memory_space<semaphore_mem>>) src(%dma_wait3A_1205 : memref<40x128xf32, #tpu.memory_space<hbm>>) dst(%dma_wait3A_1202 : memref<40x128xf32, #tpu.memory_space<vmem>>)
      %run_scoped3A_1206 = arith.constant 5 : i32
      %run_scoped3A_1207 = arith.constant 12 : i32
      "tpu.region"() ({
        %run_scoped3A_1258 = tpu.sem_alloc : memref<!tpu.dma_semaphore, #tpu.memory_space<semaphore_mem>>
        %dma_start3A_1259 = arith.constant 0 : i32
        %dma_start3A_1260 = arith.constant 0 : i32
        %dma_start3A_1261 = tpu.memref_slice %arg9[%run_scoped3A_1206, %dma_start3A_1259, %dma_start3A_1260] : memref<7x40x128xf32, #tpu.memory_space<vmem>> -> memref<1x40x128xf32, #tpu.memory_space<vmem>>
        %dma_start3A_1262 = tpu.memref_squeeze %dma_start3A_1261 : memref<1x40x128xf32, #tpu.memory_space<vmem>> -> memref<40x128xf32, #tpu.memory_space<vmem>>
        %dma_start3A_1263 = arith.constant 0 : i32
        %dma_start3A_1264 = tpu.memref_slice %arg8[%run_scoped3A_1207, %dma_start3A_1263] : memref<14x40xi32, #tpu.memory_space<vmem>> -> memref<1x40xi32, #tpu.memory_space<vmem>>
        %dma_start3A_1265 = tpu.memref_squeeze %dma_start3A_1264 : memref<1x40xi32, #tpu.memory_space<vmem>> -> memref<40xi32, #tpu.memory_space<vmem>>
        %dma_start3A_1266 = arith.constant 0 : i32
        %dma_start3A_1267 = arith.constant 0 : i32
        %dma_start3A_1268 = tpu.memref_slice %arg10[%dma_start3A_1266, %dma_start3A_1267] : memref<10248x128xf32, #tpu.memory_space<vmem_shared>> -> memref<10248x128xf32, #tpu.memory_space<vmem_shared>>
        tpu.enqueue_indirect_dma source(%dma_start3A_1262 : memref<40x128xf32, #tpu.memory_space<vmem>>) target(%dma_start3A_1268 : memref<10248x128xf32, #tpu.memory_space<vmem_shared>>) offsets(%dma_start3A_1265 : memref<40xi32, #tpu.memory_space<vmem>>) semaphore(%run_scoped3A_1258 : memref<!tpu.dma_semaphore, #tpu.memory_space<semaphore_mem>>) {add = true}
        %dma_wait3A_1269 = arith.constant 0 : i32
        %dma_wait3A_1270 = arith.constant 0 : i32
        %dma_wait3A_1271 = tpu.memref_slice %arg9[%run_scoped3A_1206, %dma_wait3A_1269, %dma_wait3A_1270] : memref<7x40x128xf32, #tpu.memory_space<vmem>> -> memref<1x40x128xf32, #tpu.memory_space<vmem>>
        %dma_wait3A_1272 = tpu.memref_squeeze %dma_wait3A_1271 : memref<1x40x128xf32, #tpu.memory_space<vmem>> -> memref<40x128xf32, #tpu.memory_space<vmem>>
        %dma_wait3A_1273 = arith.constant 0 : i32
        %dma_wait3A_1274 = tpu.memref_slice %arg8[%run_scoped3A_1207, %dma_wait3A_1273] : memref<14x40xi32, #tpu.memory_space<vmem>> -> memref<1x40xi32, #tpu.memory_space<vmem>>
        %dma_wait3A_1275 = tpu.memref_squeeze %dma_wait3A_1274 : memref<1x40xi32, #tpu.memory_space<vmem>> -> memref<40xi32, #tpu.memory_space<vmem>>
        %dma_wait3A_1276 = arith.constant 0 : i32
        %dma_wait3A_1277 = arith.constant 0 : i32
        %dma_wait3A_1278 = tpu.memref_slice %arg10[%dma_wait3A_1276, %dma_wait3A_1277] : memref<10248x128xf32, #tpu.memory_space<vmem_shared>> -> memref<10248x128xf32, #tpu.memory_space<vmem_shared>>
        tpu.wait_indirect_dma semaphore(%run_scoped3A_1258 : memref<!tpu.dma_semaphore, #tpu.memory_space<semaphore_mem>>) src(%dma_wait3A_1272 : memref<40x128xf32, #tpu.memory_space<vmem>>) dst(%dma_wait3A_1278 : memref<10248x128xf32, #tpu.memory_space<vmem_shared>>)
        tpu.yield
      }) : () -> ()
      %add3A_1208 = arith.constant 14 : i32
      %add3A_1209 = arith.addi %add3A_1190, %add3A_1208 : i32
      %lt3A_1210 = arith.constant 504 : i32
      %lt3A_1211 = arith.cmpi slt, %add3A_1209, %lt3A_1210 : i32
      %convert_element_type3A_1212 = arith.extui %lt3A_1211 : i1 to i32
      %cond3A_1213 = arith.constant 0 : i32
      %cond3A_1214 = arith.cmpi ne, %convert_element_type3A_1212, %cond3A_1213 : i32
      scf.if %cond3A_1214 {
        %add3A_1258 = arith.constant 14 : i32
        %add3A_1259 = arith.addi %add3A_1190, %add3A_1258 : i32
        %dma_start3A_1260 = arith.constant 12 : i32
        %dma_start3A_1261 = arith.constant 0 : i32
        %dma_start3A_1262 = tpu.memref_slice %arg7[%dma_start3A_1260, %dma_start3A_1261] : memref<14x40xi32, #tpu.memory_space<vmem>> -> memref<1x40xi32, #tpu.memory_space<vmem>>
        %dma_start3A_1263 = tpu.memref_squeeze %dma_start3A_1262 : memref<1x40xi32, #tpu.memory_space<vmem>> -> memref<40xi32, #tpu.memory_space<vmem>>
        %dma_start3A_1264 = arith.constant 0 : i32
        %dma_start3A_1265 = tpu.memref_slice %arg3[%arg0, %arg1, %add3A_1259, %dma_start3A_1264] : memref<2x16x504x40xi32, #tpu.memory_space<hbm>> -> memref<1x1x1x40xi32, #tpu.memory_space<hbm>>
        %dma_start3A_1266 = tpu.memref_squeeze %dma_start3A_1265 : memref<1x1x1x40xi32, #tpu.memory_space<hbm>> -> memref<40xi32, #tpu.memory_space<hbm>>
        %dma_start3A_1267 = arith.constant 0 : i32
        %dma_start3A_1268 = tpu.memref_slice %arg7[%dma_start3A_1260, %dma_start3A_1267] : memref<14x40xi32, #tpu.memory_space<vmem>> -> memref<1x40xi32, #tpu.memory_space<vmem>>
        %dma_start3A_1269 = tpu.memref_squeeze %dma_start3A_1268 : memref<1x40xi32, #tpu.memory_space<vmem>> -> memref<40xi32, #tpu.memory_space<vmem>>
        %dma_start3A_1270 = arith.constant 0 : i32
        %dma_start3A_1271 = tpu.memref_slice %arg3[%arg0, %arg1, %add3A_1259, %dma_start3A_1270] : memref<2x16x504x40xi32, #tpu.memory_space<hbm>> -> memref<1x1x1x40xi32, #tpu.memory_space<hbm>>
        %dma_start3A_1272 = tpu.memref_squeeze %dma_start3A_1271 : memref<1x1x1x40xi32, #tpu.memory_space<hbm>> -> memref<40xi32, #tpu.memory_space<hbm>>
        tpu.enqueue_dma source(%dma_start3A_1272 : memref<40xi32, #tpu.memory_space<hbm>>) target(%dma_start3A_1269 : memref<40xi32, #tpu.memory_space<vmem>>) target_semaphore(%arg30 : memref<!tpu.dma_semaphore, #tpu.memory_space<semaphore_mem>>)
        %dma_start3A_1273 = arith.constant 12 : i32
        %dma_start3A_1274 = arith.constant 0 : i32
        %dma_start3A_1275 = tpu.memref_slice %arg8[%dma_start3A_1273, %dma_start3A_1274] : memref<14x40xi32, #tpu.memory_space<vmem>> -> memref<1x40xi32, #tpu.memory_space<vmem>>
        %dma_start3A_1276 = tpu.memref_squeeze %dma_start3A_1275 : memref<1x40xi32, #tpu.memory_space<vmem>> -> memref<40xi32, #tpu.memory_space<vmem>>
        %dma_start3A_1277 = arith.constant 0 : i32
        %dma_start3A_1278 = tpu.memref_slice %arg4[%arg1, %add3A_1259, %dma_start3A_1277] : memref<16x504x40xi32, #tpu.memory_space<hbm>> -> memref<1x1x40xi32, #tpu.memory_space<hbm>>
        %dma_start3A_1279 = tpu.memref_squeeze %dma_start3A_1278 : memref<1x1x40xi32, #tpu.memory_space<hbm>> -> memref<40xi32, #tpu.memory_space<hbm>>
        %dma_start3A_1280 = arith.constant 0 : i32
        %dma_start3A_1281 = tpu.memref_slice %arg8[%dma_start3A_1273, %dma_start3A_1280] : memref<14x40xi32, #tpu.memory_space<vmem>> -> memref<1x40xi32, #tpu.memory_space<vmem>>
        %dma_start3A_1282 = tpu.memref_squeeze %dma_start3A_1281 : memref<1x40xi32, #tpu.memory_space<vmem>> -> memref<40xi32, #tpu.memory_space<vmem>>
        %dma_start3A_1283 = arith.constant 0 : i32
        %dma_start3A_1284 = tpu.memref_slice %arg4[%arg1, %add3A_1259, %dma_start3A_1283] : memref<16x504x40xi32, #tpu.memory_space<hbm>> -> memref<1x1x40xi32, #tpu.memory_space<hbm>>
        %dma_start3A_1285 = tpu.memref_squeeze %dma_start3A_1284 : memref<1x1x40xi32, #tpu.memory_space<hbm>> -> memref<40xi32, #tpu.memory_space<hbm>>
        tpu.enqueue_dma source(%dma_start3A_1285 : memref<40xi32, #tpu.memory_space<hbm>>) target(%dma_start3A_1282 : memref<40xi32, #tpu.memory_space<vmem>>) target_semaphore(%arg30 : memref<!tpu.dma_semaphore, #tpu.memory_space<semaphore_mem>>)
      } else {
      }
      %add3A_1215 = arith.constant 7 : i32
      %add3A_1216 = arith.addi %add3A_1190, %add3A_1215 : i32
      %lt3A_1217 = arith.constant 504 : i32
      %lt3A_1218 = arith.cmpi slt, %add3A_1216, %lt3A_1217 : i32
      %convert_element_type3A_1219 = arith.extui %lt3A_1218 : i1 to i32
      %cond3A_1220 = arith.constant 0 : i32
      %cond3A_1221 = arith.cmpi ne, %convert_element_type3A_1219, %cond3A_1220 : i32
      scf.if %cond3A_1221 {
        %dma_wait3A_1258 = arith.constant 0 : i32
        %dma_wait3A_1259 = arith.constant 0 : i32
        %dma_wait3A_1260 = arith.constant 5 : i32
        %dma_wait3A_1261 = arith.constant 0 : i32
        %dma_wait3A_1262 = tpu.memref_slice %arg7[%dma_wait3A_1260, %dma_wait3A_1261] : memref<14x40xi32, #tpu.memory_space<vmem>> -> memref<1x40xi32, #tpu.memory_space<vmem>>
        %dma_wait3A_1263 = tpu.memref_squeeze %dma_wait3A_1262 : memref<1x40xi32, #tpu.memory_space<vmem>> -> memref<40xi32, #tpu.memory_space<vmem>>
        %dma_wait3A_1264 = arith.constant 0 : i32
        %dma_wait3A_1265 = tpu.memref_slice %arg4[%dma_wait3A_1258, %dma_wait3A_1259, %dma_wait3A_1264] : memref<16x504x40xi32, #tpu.memory_space<hbm>> -> memref<1x1x40xi32, #tpu.memory_space<hbm>>
        %dma_wait3A_1266 = tpu.memref_squeeze %dma_wait3A_1265 : memref<1x1x40xi32, #tpu.memory_space<hbm>> -> memref<40xi32, #tpu.memory_space<hbm>>
        %dma_wait3A_1267 = arith.constant 0 : i32
        %dma_wait3A_1268 = tpu.memref_slice %arg7[%dma_wait3A_1260, %dma_wait3A_1267] : memref<14x40xi32, #tpu.memory_space<vmem>> -> memref<1x40xi32, #tpu.memory_space<vmem>>
        %dma_wait3A_1269 = tpu.memref_squeeze %dma_wait3A_1268 : memref<1x40xi32, #tpu.memory_space<vmem>> -> memref<40xi32, #tpu.memory_space<vmem>>
        %dma_wait3A_1270 = arith.constant 0 : i32
        %dma_wait3A_1271 = tpu.memref_slice %arg4[%dma_wait3A_1258, %dma_wait3A_1259, %dma_wait3A_1270] : memref<16x504x40xi32, #tpu.memory_space<hbm>> -> memref<1x1x40xi32, #tpu.memory_space<hbm>>
        %dma_wait3A_1272 = tpu.memref_squeeze %dma_wait3A_1271 : memref<1x1x40xi32, #tpu.memory_space<hbm>> -> memref<40xi32, #tpu.memory_space<hbm>>
        tpu.wait_dma2 semaphore(%arg23 : memref<!tpu.dma_semaphore, #tpu.memory_space<semaphore_mem>>) src(%dma_wait3A_1272 : memref<40xi32, #tpu.memory_space<hbm>>) dst(%dma_wait3A_1269 : memref<40xi32, #tpu.memory_space<vmem>>)
        %dma_wait3A_1273 = arith.constant 0 : i32
        %dma_wait3A_1274 = arith.constant 0 : i32
        %dma_wait3A_1275 = arith.constant 5 : i32
        %dma_wait3A_1276 = arith.constant 0 : i32
        %dma_wait3A_1277 = tpu.memref_slice %arg8[%dma_wait3A_1275, %dma_wait3A_1276] : memref<14x40xi32, #tpu.memory_space<vmem>> -> memref<1x40xi32, #tpu.memory_space<vmem>>
        %dma_wait3A_1278 = tpu.memref_squeeze %dma_wait3A_1277 : memref<1x40xi32, #tpu.memory_space<vmem>> -> memref<40xi32, #tpu.memory_space<vmem>>
        %dma_wait3A_1279 = arith.constant 0 : i32
        %dma_wait3A_1280 = tpu.memref_slice %arg4[%dma_wait3A_1273, %dma_wait3A_1274, %dma_wait3A_1279] : memref<16x504x40xi32, #tpu.memory_space<hbm>> -> memref<1x1x40xi32, #tpu.memory_space<hbm>>
        %dma_wait3A_1281 = tpu.memref_squeeze %dma_wait3A_1280 : memref<1x1x40xi32, #tpu.memory_space<hbm>> -> memref<40xi32, #tpu.memory_space<hbm>>
        %dma_wait3A_1282 = arith.constant 0 : i32
        %dma_wait3A_1283 = tpu.memref_slice %arg8[%dma_wait3A_1275, %dma_wait3A_1282] : memref<14x40xi32, #tpu.memory_space<vmem>> -> memref<1x40xi32, #tpu.memory_space<vmem>>
        %dma_wait3A_1284 = tpu.memref_squeeze %dma_wait3A_1283 : memref<1x40xi32, #tpu.memory_space<vmem>> -> memref<40xi32, #tpu.memory_space<vmem>>
        %dma_wait3A_1285 = arith.constant 0 : i32
        %dma_wait3A_1286 = tpu.memref_slice %arg4[%dma_wait3A_1273, %dma_wait3A_1274, %dma_wait3A_1285] : memref<16x504x40xi32, #tpu.memory_space<hbm>> -> memref<1x1x40xi32, #tpu.memory_space<hbm>>
        %dma_wait3A_1287 = tpu.memref_squeeze %dma_wait3A_1286 : memref<1x1x40xi32, #tpu.memory_space<hbm>> -> memref<40xi32, #tpu.memory_space<hbm>>
        tpu.wait_dma2 semaphore(%arg23 : memref<!tpu.dma_semaphore, #tpu.memory_space<semaphore_mem>>) src(%dma_wait3A_1287 : memref<40xi32, #tpu.memory_space<hbm>>) dst(%dma_wait3A_1284 : memref<40xi32, #tpu.memory_space<vmem>>)
        %add3A_1288 = arith.constant 7 : i32
        %add3A_1289 = arith.addi %add3A_1190, %add3A_1288 : i32
        %dma_start3A_1290 = arith.constant 5 : i32
        %dma_start3A_1291 = arith.constant 5 : i32
        %dma_start3A_1292 = arith.constant 0 : i32
        %dma_start3A_1293 = arith.constant 0 : i32
        %dma_start3A_1294 = tpu.memref_slice %arg9[%dma_start3A_1291, %dma_start3A_1292, %dma_start3A_1293] : memref<7x40x128xf32, #tpu.memory_space<vmem>> -> memref<1x40x128xf32, #tpu.memory_space<vmem>>
        %dma_start3A_1295 = tpu.memref_squeeze %dma_start3A_1294 : memref<1x40x128xf32, #tpu.memory_space<vmem>> -> memref<40x128xf32, #tpu.memory_space<vmem>>
        %dma_start3A_1296 = arith.constant 0 : i32
        %dma_start3A_1297 = tpu.memref_slice %arg7[%dma_start3A_1290, %dma_start3A_1296] : memref<14x40xi32, #tpu.memory_space<vmem>> -> memref<1x40xi32, #tpu.memory_space<vmem>>
        %dma_start3A_1298 = tpu.memref_squeeze %dma_start3A_1297 : memref<1x40xi32, #tpu.memory_space<vmem>> -> memref<40xi32, #tpu.memory_space<vmem>>
        %dma_start3A_1299 = arith.constant 0 : i32
        %dma_start3A_1300 = arith.constant 0 : i32
        %dma_start3A_1301 = tpu.memref_slice %arg2[%dma_start3A_1299, %dma_start3A_1300] : memref<20480x128xf32, #tpu.memory_space<hbm>> -> memref<20480x128xf32, #tpu.memory_space<hbm>>
        tpu.enqueue_indirect_dma source(%dma_start3A_1301 : memref<20480x128xf32, #tpu.memory_space<hbm>>) target(%dma_start3A_1295 : memref<40x128xf32, #tpu.memory_space<vmem>>) offsets(%dma_start3A_1298 : memref<40xi32, #tpu.memory_space<vmem>>) semaphore(%arg16 : memref<!tpu.dma_semaphore, #tpu.memory_space<semaphore_mem>>)
      } else {
      }
      %mul3A_1222 = arith.constant 14 : i32
      %mul3A_1223 = arith.muli %scan3A_767, %mul3A_1222 : i32
      %add3A_1224 = arith.constant 13 : i32
      %add3A_1225 = arith.addi %mul3A_1223, %add3A_1224 : i32
      %dma_wait3A_1226 = arith.constant 6 : i32
      %dma_wait3A_1227 = arith.constant 0 : i32
      %dma_wait3A_1228 = arith.constant 0 : i32
      %dma_wait3A_1229 = tpu.memref_slice %arg9[%dma_wait3A_1226, %dma_wait3A_1227, %dma_wait3A_1228] : memref<7x40x128xf32, #tpu.memory_space<vmem>> -> memref<1x40x128xf32, #tpu.memory_space<vmem>>
      %dma_wait3A_1230 = tpu.memref_squeeze %dma_wait3A_1229 : memref<1x40x128xf32, #tpu.memory_space<vmem>> -> memref<40x128xf32, #tpu.memory_space<vmem>>
      %dma_wait3A_1231 = arith.constant 0 : i32
      %dma_wait3A_1232 = arith.constant 0 : i32
      %dma_wait3A_1233 = tpu.memref_slice %arg2[%dma_wait3A_1231, %dma_wait3A_1232] : memref<20480x128xf32, #tpu.memory_space<hbm>> -> memref<40x128xf32, #tpu.memory_space<hbm>>
      %dma_wait3A_1234 = arith.constant 0 : i32
      %dma_wait3A_1235 = arith.constant 0 : i32
      %dma_wait3A_1236 = tpu.memref_slice %arg9[%dma_wait3A_1226, %dma_wait3A_1234, %dma_wait3A_1235] : memref<7x40x128xf32, #tpu.memory_space<vmem>> -> memref<1x40x128xf32, #tpu.memory_space<vmem>>
      %dma_wait3A_1237 = tpu.memref_squeeze %dma_wait3A_1236 : memref<1x40x128xf32, #tpu.memory_space<vmem>> -> memref<40x128xf32, #tpu.memory_space<vmem>>
      %dma_wait3A_1238 = arith.constant 0 : i32
      %dma_wait3A_1239 = arith.constant 0 : i32
      %dma_wait3A_1240 = tpu.memref_slice %arg2[%dma_wait3A_1238, %dma_wait3A_1239] : memref<20480x128xf32, #tpu.memory_space<hbm>> -> memref<40x128xf32, #tpu.memory_space<hbm>>
      tpu.wait_dma2 semaphore(%arg17 : memref<!tpu.dma_semaphore, #tpu.memory_space<semaphore_mem>>) src(%dma_wait3A_1240 : memref<40x128xf32, #tpu.memory_space<hbm>>) dst(%dma_wait3A_1237 : memref<40x128xf32, #tpu.memory_space<vmem>>)
      %run_scoped3A_1241 = arith.constant 6 : i32
      %run_scoped3A_1242 = arith.constant 13 : i32
      "tpu.region"() ({
        %run_scoped3A_1258 = tpu.sem_alloc : memref<!tpu.dma_semaphore, #tpu.memory_space<semaphore_mem>>
        %dma_start3A_1259 = arith.constant 0 : i32
        %dma_start3A_1260 = arith.constant 0 : i32
        %dma_start3A_1261 = tpu.memref_slice %arg9[%run_scoped3A_1241, %dma_start3A_1259, %dma_start3A_1260] : memref<7x40x128xf32, #tpu.memory_space<vmem>> -> memref<1x40x128xf32, #tpu.memory_space<vmem>>
        %dma_start3A_1262 = tpu.memref_squeeze %dma_start3A_1261 : memref<1x40x128xf32, #tpu.memory_space<vmem>> -> memref<40x128xf32, #tpu.memory_space<vmem>>
        %dma_start3A_1263 = arith.constant 0 : i32
        %dma_start3A_1264 = tpu.memref_slice %arg8[%run_scoped3A_1242, %dma_start3A_1263] : memref<14x40xi32, #tpu.memory_space<vmem>> -> memref<1x40xi32, #tpu.memory_space<vmem>>
        %dma_start3A_1265 = tpu.memref_squeeze %dma_start3A_1264 : memref<1x40xi32, #tpu.memory_space<vmem>> -> memref<40xi32, #tpu.memory_space<vmem>>
        %dma_start3A_1266 = arith.constant 0 : i32
        %dma_start3A_1267 = arith.constant 0 : i32
        %dma_start3A_1268 = tpu.memref_slice %arg10[%dma_start3A_1266, %dma_start3A_1267] : memref<10248x128xf32, #tpu.memory_space<vmem_shared>> -> memref<10248x128xf32, #tpu.memory_space<vmem_shared>>
        tpu.enqueue_indirect_dma source(%dma_start3A_1262 : memref<40x128xf32, #tpu.memory_space<vmem>>) target(%dma_start3A_1268 : memref<10248x128xf32, #tpu.memory_space<vmem_shared>>) offsets(%dma_start3A_1265 : memref<40xi32, #tpu.memory_space<vmem>>) semaphore(%run_scoped3A_1258 : memref<!tpu.dma_semaphore, #tpu.memory_space<semaphore_mem>>) {add = true}
        %dma_wait3A_1269 = arith.constant 0 : i32
        %dma_wait3A_1270 = arith.constant 0 : i32
        %dma_wait3A_1271 = tpu.memref_slice %arg9[%run_scoped3A_1241, %dma_wait3A_1269, %dma_wait3A_1270] : memref<7x40x128xf32, #tpu.memory_space<vmem>> -> memref<1x40x128xf32, #tpu.memory_space<vmem>>
        %dma_wait3A_1272 = tpu.memref_squeeze %dma_wait3A_1271 : memref<1x40x128xf32, #tpu.memory_space<vmem>> -> memref<40x128xf32, #tpu.memory_space<vmem>>
        %dma_wait3A_1273 = arith.constant 0 : i32
        %dma_wait3A_1274 = tpu.memref_slice %arg8[%run_scoped3A_1242, %dma_wait3A_1273] : memref<14x40xi32, #tpu.memory_space<vmem>> -> memref<1x40xi32, #tpu.memory_space<vmem>>
        %dma_wait3A_1275 = tpu.memref_squeeze %dma_wait3A_1274 : memref<1x40xi32, #tpu.memory_space<vmem>> -> memref<40xi32, #tpu.memory_space<vmem>>
        %dma_wait3A_1276 = arith.constant 0 : i32
        %dma_wait3A_1277 = arith.constant 0 : i32
        %dma_wait3A_1278 = tpu.memref_slice %arg10[%dma_wait3A_1276, %dma_wait3A_1277] : memref<10248x128xf32, #tpu.memory_space<vmem_shared>> -> memref<10248x128xf32, #tpu.memory_space<vmem_shared>>
        tpu.wait_indirect_dma semaphore(%run_scoped3A_1258 : memref<!tpu.dma_semaphore, #tpu.memory_space<semaphore_mem>>) src(%dma_wait3A_1272 : memref<40x128xf32, #tpu.memory_space<vmem>>) dst(%dma_wait3A_1278 : memref<10248x128xf32, #tpu.memory_space<vmem_shared>>)
        tpu.yield
      }) : () -> ()
      %add3A_1243 = arith.constant 14 : i32
      %add3A_1244 = arith.addi %add3A_1225, %add3A_1243 : i32
      %lt3A_1245 = arith.constant 504 : i32
      %lt3A_1246 = arith.cmpi slt, %add3A_1244, %lt3A_1245 : i32
      %convert_element_type3A_1247 = arith.extui %lt3A_1246 : i1 to i32
      %cond3A_1248 = arith.constant 0 : i32
      %cond3A_1249 = arith.cmpi ne, %convert_element_type3A_1247, %cond3A_1248 : i32
      scf.if %cond3A_1249 {
        %add3A_1258 = arith.constant 14 : i32
        %add3A_1259 = arith.addi %add3A_1225, %add3A_1258 : i32
        %dma_start3A_1260 = arith.constant 13 : i32
        %dma_start3A_1261 = arith.constant 0 : i32
        %dma_start3A_1262 = tpu.memref_slice %arg7[%dma_start3A_1260, %dma_start3A_1261] : memref<14x40xi32, #tpu.memory_space<vmem>> -> memref<1x40xi32, #tpu.memory_space<vmem>>
        %dma_start3A_1263 = tpu.memref_squeeze %dma_start3A_1262 : memref<1x40xi32, #tpu.memory_space<vmem>> -> memref<40xi32, #tpu.memory_space<vmem>>
        %dma_start3A_1264 = arith.constant 0 : i32
        %dma_start3A_1265 = tpu.memref_slice %arg3[%arg0, %arg1, %add3A_1259, %dma_start3A_1264] : memref<2x16x504x40xi32, #tpu.memory_space<hbm>> -> memref<1x1x1x40xi32, #tpu.memory_space<hbm>>
        %dma_start3A_1266 = tpu.memref_squeeze %dma_start3A_1265 : memref<1x1x1x40xi32, #tpu.memory_space<hbm>> -> memref<40xi32, #tpu.memory_space<hbm>>
        %dma_start3A_1267 = arith.constant 0 : i32
        %dma_start3A_1268 = tpu.memref_slice %arg7[%dma_start3A_1260, %dma_start3A_1267] : memref<14x40xi32, #tpu.memory_space<vmem>> -> memref<1x40xi32, #tpu.memory_space<vmem>>
        %dma_start3A_1269 = tpu.memref_squeeze %dma_start3A_1268 : memref<1x40xi32, #tpu.memory_space<vmem>> -> memref<40xi32, #tpu.memory_space<vmem>>
        %dma_start3A_1270 = arith.constant 0 : i32
        %dma_start3A_1271 = tpu.memref_slice %arg3[%arg0, %arg1, %add3A_1259, %dma_start3A_1270] : memref<2x16x504x40xi32, #tpu.memory_space<hbm>> -> memref<1x1x1x40xi32, #tpu.memory_space<hbm>>
        %dma_start3A_1272 = tpu.memref_squeeze %dma_start3A_1271 : memref<1x1x1x40xi32, #tpu.memory_space<hbm>> -> memref<40xi32, #tpu.memory_space<hbm>>
        tpu.enqueue_dma source(%dma_start3A_1272 : memref<40xi32, #tpu.memory_space<hbm>>) target(%dma_start3A_1269 : memref<40xi32, #tpu.memory_space<vmem>>) target_semaphore(%arg31 : memref<!tpu.dma_semaphore, #tpu.memory_space<semaphore_mem>>)
        %dma_start3A_1273 = arith.constant 13 : i32
        %dma_start3A_1274 = arith.constant 0 : i32
        %dma_start3A_1275 = tpu.memref_slice %arg8[%dma_start3A_1273, %dma_start3A_1274] : memref<14x40xi32, #tpu.memory_space<vmem>> -> memref<1x40xi32, #tpu.memory_space<vmem>>
        %dma_start3A_1276 = tpu.memref_squeeze %dma_start3A_1275 : memref<1x40xi32, #tpu.memory_space<vmem>> -> memref<40xi32, #tpu.memory_space<vmem>>
        %dma_start3A_1277 = arith.constant 0 : i32
        %dma_start3A_1278 = tpu.memref_slice %arg4[%arg1, %add3A_1259, %dma_start3A_1277] : memref<16x504x40xi32, #tpu.memory_space<hbm>> -> memref<1x1x40xi32, #tpu.memory_space<hbm>>
        %dma_start3A_1279 = tpu.memref_squeeze %dma_start3A_1278 : memref<1x1x40xi32, #tpu.memory_space<hbm>> -> memref<40xi32, #tpu.memory_space<hbm>>
        %dma_start3A_1280 = arith.constant 0 : i32
        %dma_start3A_1281 = tpu.memref_slice %arg8[%dma_start3A_1273, %dma_start3A_1280] : memref<14x40xi32, #tpu.memory_space<vmem>> -> memref<1x40xi32, #tpu.memory_space<vmem>>
        %dma_start3A_1282 = tpu.memref_squeeze %dma_start3A_1281 : memref<1x40xi32, #tpu.memory_space<vmem>> -> memref<40xi32, #tpu.memory_space<vmem>>
        %dma_start3A_1283 = arith.constant 0 : i32
        %dma_start3A_1284 = tpu.memref_slice %arg4[%arg1, %add3A_1259, %dma_start3A_1283] : memref<16x504x40xi32, #tpu.memory_space<hbm>> -> memref<1x1x40xi32, #tpu.memory_space<hbm>>
        %dma_start3A_1285 = tpu.memref_squeeze %dma_start3A_1284 : memref<1x1x40xi32, #tpu.memory_space<hbm>> -> memref<40xi32, #tpu.memory_space<hbm>>
        tpu.enqueue_dma source(%dma_start3A_1285 : memref<40xi32, #tpu.memory_space<hbm>>) target(%dma_start3A_1282 : memref<40xi32, #tpu.memory_space<vmem>>) target_semaphore(%arg31 : memref<!tpu.dma_semaphore, #tpu.memory_space<semaphore_mem>>)
      } else {
      }
      %add3A_1250 = arith.constant 7 : i32
      %add3A_1251 = arith.addi %add3A_1225, %add3A_1250 : i32
      %lt3A_1252 = arith.constant 504 : i32
      %lt3A_1253 = arith.cmpi slt, %add3A_1251, %lt3A_1252 : i32
      %convert_element_type3A_1254 = arith.extui %lt3A_1253 : i1 to i32
      %cond3A_1255 = arith.constant 0 : i32
      %cond3A_1256 = arith.cmpi ne, %convert_element_type3A_1254, %cond3A_1255 : i32
      scf.if %cond3A_1256 {
        %dma_wait3A_1258 = arith.constant 0 : i32
        %dma_wait3A_1259 = arith.constant 0 : i32
        %dma_wait3A_1260 = arith.constant 6 : i32
        %dma_wait3A_1261 = arith.constant 0 : i32
        %dma_wait3A_1262 = tpu.memref_slice %arg7[%dma_wait3A_1260, %dma_wait3A_1261] : memref<14x40xi32, #tpu.memory_space<vmem>> -> memref<1x40xi32, #tpu.memory_space<vmem>>
        %dma_wait3A_1263 = tpu.memref_squeeze %dma_wait3A_1262 : memref<1x40xi32, #tpu.memory_space<vmem>> -> memref<40xi32, #tpu.memory_space<vmem>>
        %dma_wait3A_1264 = arith.constant 0 : i32
        %dma_wait3A_1265 = tpu.memref_slice %arg4[%dma_wait3A_1258, %dma_wait3A_1259, %dma_wait3A_1264] : memref<16x504x40xi32, #tpu.memory_space<hbm>> -> memref<1x1x40xi32, #tpu.memory_space<hbm>>
        %dma_wait3A_1266 = tpu.memref_squeeze %dma_wait3A_1265 : memref<1x1x40xi32, #tpu.memory_space<hbm>> -> memref<40xi32, #tpu.memory_space<hbm>>
        %dma_wait3A_1267 = arith.constant 0 : i32
        %dma_wait3A_1268 = tpu.memref_slice %arg7[%dma_wait3A_1260, %dma_wait3A_1267] : memref<14x40xi32, #tpu.memory_space<vmem>> -> memref<1x40xi32, #tpu.memory_space<vmem>>
        %dma_wait3A_1269 = tpu.memref_squeeze %dma_wait3A_1268 : memref<1x40xi32, #tpu.memory_space<vmem>> -> memref<40xi32, #tpu.memory_space<vmem>>
        %dma_wait3A_1270 = arith.constant 0 : i32
        %dma_wait3A_1271 = tpu.memref_slice %arg4[%dma_wait3A_1258, %dma_wait3A_1259, %dma_wait3A_1270] : memref<16x504x40xi32, #tpu.memory_space<hbm>> -> memref<1x1x40xi32, #tpu.memory_space<hbm>>
        %dma_wait3A_1272 = tpu.memref_squeeze %dma_wait3A_1271 : memref<1x1x40xi32, #tpu.memory_space<hbm>> -> memref<40xi32, #tpu.memory_space<hbm>>
        tpu.wait_dma2 semaphore(%arg24 : memref<!tpu.dma_semaphore, #tpu.memory_space<semaphore_mem>>) src(%dma_wait3A_1272 : memref<40xi32, #tpu.memory_space<hbm>>) dst(%dma_wait3A_1269 : memref<40xi32, #tpu.memory_space<vmem>>)
        %dma_wait3A_1273 = arith.constant 0 : i32
        %dma_wait3A_1274 = arith.constant 0 : i32
        %dma_wait3A_1275 = arith.constant 6 : i32
        %dma_wait3A_1276 = arith.constant 0 : i32
        %dma_wait3A_1277 = tpu.memref_slice %arg8[%dma_wait3A_1275, %dma_wait3A_1276] : memref<14x40xi32, #tpu.memory_space<vmem>> -> memref<1x40xi32, #tpu.memory_space<vmem>>
        %dma_wait3A_1278 = tpu.memref_squeeze %dma_wait3A_1277 : memref<1x40xi32, #tpu.memory_space<vmem>> -> memref<40xi32, #tpu.memory_space<vmem>>
        %dma_wait3A_1279 = arith.constant 0 : i32
        %dma_wait3A_1280 = tpu.memref_slice %arg4[%dma_wait3A_1273, %dma_wait3A_1274, %dma_wait3A_1279] : memref<16x504x40xi32, #tpu.memory_space<hbm>> -> memref<1x1x40xi32, #tpu.memory_space<hbm>>
        %dma_wait3A_1281 = tpu.memref_squeeze %dma_wait3A_1280 : memref<1x1x40xi32, #tpu.memory_space<hbm>> -> memref<40xi32, #tpu.memory_space<hbm>>
        %dma_wait3A_1282 = arith.constant 0 : i32
        %dma_wait3A_1283 = tpu.memref_slice %arg8[%dma_wait3A_1275, %dma_wait3A_1282] : memref<14x40xi32, #tpu.memory_space<vmem>> -> memref<1x40xi32, #tpu.memory_space<vmem>>
        %dma_wait3A_1284 = tpu.memref_squeeze %dma_wait3A_1283 : memref<1x40xi32, #tpu.memory_space<vmem>> -> memref<40xi32, #tpu.memory_space<vmem>>
        %dma_wait3A_1285 = arith.constant 0 : i32
        %dma_wait3A_1286 = tpu.memref_slice %arg4[%dma_wait3A_1273, %dma_wait3A_1274, %dma_wait3A_1285] : memref<16x504x40xi32, #tpu.memory_space<hbm>> -> memref<1x1x40xi32, #tpu.memory_space<hbm>>
        %dma_wait3A_1287 = tpu.memref_squeeze %dma_wait3A_1286 : memref<1x1x40xi32, #tpu.memory_space<hbm>> -> memref<40xi32, #tpu.memory_space<hbm>>
        tpu.wait_dma2 semaphore(%arg24 : memref<!tpu.dma_semaphore, #tpu.memory_space<semaphore_mem>>) src(%dma_wait3A_1287 : memref<40xi32, #tpu.memory_space<hbm>>) dst(%dma_wait3A_1284 : memref<40xi32, #tpu.memory_space<vmem>>)
        %add3A_1288 = arith.constant 7 : i32
        %add3A_1289 = arith.addi %add3A_1225, %add3A_1288 : i32
        %dma_start3A_1290 = arith.constant 6 : i32
        %dma_start3A_1291 = arith.constant 6 : i32
        %dma_start3A_1292 = arith.constant 0 : i32
        %dma_start3A_1293 = arith.constant 0 : i32
        %dma_start3A_1294 = tpu.memref_slice %arg9[%dma_start3A_1291, %dma_start3A_1292, %dma_start3A_1293] : memref<7x40x128xf32, #tpu.memory_space<vmem>> -> memref<1x40x128xf32, #tpu.memory_space<vmem>>
        %dma_start3A_1295 = tpu.memref_squeeze %dma_start3A_1294 : memref<1x40x128xf32, #tpu.memory_space<vmem>> -> memref<40x128xf32, #tpu.memory_space<vmem>>
        %dma_start3A_1296 = arith.constant 0 : i32
        %dma_start3A_1297 = tpu.memref_slice %arg7[%dma_start3A_1290, %dma_start3A_1296] : memref<14x40xi32, #tpu.memory_space<vmem>> -> memref<1x40xi32, #tpu.memory_space<vmem>>
        %dma_start3A_1298 = tpu.memref_squeeze %dma_start3A_1297 : memref<1x40xi32, #tpu.memory_space<vmem>> -> memref<40xi32, #tpu.memory_space<vmem>>
        %dma_start3A_1299 = arith.constant 0 : i32
        %dma_start3A_1300 = arith.constant 0 : i32
        %dma_start3A_1301 = tpu.memref_slice %arg2[%dma_start3A_1299, %dma_start3A_1300] : memref<20480x128xf32, #tpu.memory_space<hbm>> -> memref<20480x128xf32, #tpu.memory_space<hbm>>
        tpu.enqueue_indirect_dma source(%dma_start3A_1301 : memref<20480x128xf32, #tpu.memory_space<hbm>>) target(%dma_start3A_1295 : memref<40x128xf32, #tpu.memory_space<vmem>>) offsets(%dma_start3A_1298 : memref<40xi32, #tpu.memory_space<vmem>>) semaphore(%arg17 : memref<!tpu.dma_semaphore, #tpu.memory_space<semaphore_mem>>)
      } else {
      }
      %scan3A_1257 = arith.constant 0 : i32
      scf.yield %scan3A_1257 : i32
    }
    %scan3A_761 = arith.constant 36 : i32
    %barrier3A_762 = arith.constant 0 : index
    tpu.barrier barrier_id(%barrier3A_762)
    %mul3A_763 = arith.constant 640 : i32
    %mul3A_764 = arith.muli %arg1, %mul3A_763 : i32
    %mul3A_765 = arith.constant 640 : i32
    %mul3A_766 = arith.muli %arg1, %mul3A_765 : i32
    "tpu.region"() ({
      %run_scoped3A = tpu.sem_alloc : memref<!tpu.dma_semaphore, #tpu.memory_space<semaphore_mem>>
      %dma_start3A_767 = arith.constant 0 : i32
      %dma_start3A_768 = tpu.memref_slice %arg5[%arg0, %mul3A_766, %dma_start3A_767] : memref<2x10240x128xf32, #tpu.memory_space<hbm>> -> memref<1x640x128xf32, #tpu.memory_space<hbm>>
      %dma_start3A_769 = tpu.memref_squeeze %dma_start3A_768 : memref<1x640x128xf32, #tpu.memory_space<hbm>> -> memref<640x128xf32, #tpu.memory_space<hbm>>
      %dma_start3A_770 = arith.constant 0 : i32
      %dma_start3A_771 = tpu.memref_slice %arg10[%mul3A_764, %dma_start3A_770] : memref<10248x128xf32, #tpu.memory_space<vmem_shared>> -> memref<640x128xf32, #tpu.memory_space<vmem_shared>>
      tpu.enqueue_dma source(%dma_start3A_771 : memref<640x128xf32, #tpu.memory_space<vmem_shared>>) target(%dma_start3A_769 : memref<640x128xf32, #tpu.memory_space<hbm>>) target_semaphore(%run_scoped3A : memref<!tpu.dma_semaphore, #tpu.memory_space<semaphore_mem>>)
      %dma_wait3A_772 = arith.constant 0 : i32
      %dma_wait3A_773 = tpu.memref_slice %arg5[%arg0, %mul3A_766, %dma_wait3A_772] : memref<2x10240x128xf32, #tpu.memory_space<hbm>> -> memref<1x640x128xf32, #tpu.memory_space<hbm>>
      %dma_wait3A_774 = tpu.memref_squeeze %dma_wait3A_773 : memref<1x640x128xf32, #tpu.memory_space<hbm>> -> memref<640x128xf32, #tpu.memory_space<hbm>>
      %dma_wait3A_775 = arith.constant 0 : i32
      %dma_wait3A_776 = tpu.memref_slice %arg10[%mul3A_764, %dma_wait3A_775] : memref<10248x128xf32, #tpu.memory_space<vmem_shared>> -> memref<640x128xf32, #tpu.memory_space<vmem_shared>>
      tpu.wait_dma2 semaphore(%run_scoped3A : memref<!tpu.dma_semaphore, #tpu.memory_space<semaphore_mem>>) src(%dma_wait3A_776 : memref<640x128xf32, #tpu.memory_space<vmem_shared>>) dst(%dma_wait3A_774 : memref<640x128xf32, #tpu.memory_space<hbm>>)
      tpu.yield
    }) : () -> ()
    return
  }
}

module attributes {stable_mosaic.version = 14 : i64} {
  func.func @_pre_body(%arg0: i32, %arg1: memref<2048x128xf32, #tpu.memory_space<vmem>>, %arg2: memref<128x128xf32, #tpu.memory_space<vmem>>, %arg3: memref<128x128xf32, #tpu.memory_space<vmem>>, %arg4: memref<2048x1xf32, #tpu.memory_space<vmem>>, %arg5: memref<2048x1xf32, #tpu.memory_space<vmem>>, %arg6: memref<2x2048x128xf32, #tpu.memory_space<vmem>>) attributes {dimension_semantics = [#tpu.dimension_semantics<arbitrary>], iteration_bounds = array<i64: 5>, scalar_prefetch = 0 : i64, scratch_operands = 0 : i64, tpu.core_type = #tpu.core_type<tc>, window_params = [{transform_indices = @transform_0, window_bounds = array<i64: 2048, 128>}, {pipeline_mode = #tpu.pipeline_mode<synchronous>, transform_indices = @transform_1, window_bounds = array<i64: 128, 128>}, {pipeline_mode = #tpu.pipeline_mode<synchronous>, transform_indices = @transform_2, window_bounds = array<i64: 128, 128>}, {transform_indices = @transform_3, window_bounds = array<i64: 2048, 1>}, {transform_indices = @transform_4, window_bounds = array<i64: 2048, 1>}, {transform_indices = @transform_5, window_bounds = array<i64: 2, 2048, 128>}]} {
    %get3A = arith.constant 0 : index
    %get3A_0 = arith.constant 0 : index
    %get3A_1 = vector.load %arg1[%get3A, %get3A_0] : memref<2048x128xf32, #tpu.memory_space<vmem>>, vector<2048x128xf32>
    %get3A_2 = arith.constant 0 : index
    %get3A_3 = arith.constant 0 : index
    %get3A_4 = vector.load %arg2[%get3A_2, %get3A_3] : memref<128x128xf32, #tpu.memory_space<vmem>>, vector<128x128xf32>
    %dot_general3A = arith.constant dense<0.000000e+00> : vector<2048x128xf32>
    %dot_general3A_5 = tpu.matmul %get3A_1, %get3A_4, %dot_general3A {dimension_numbers = #tpu.dot_dimension_numbers<[1], [0], [0], [1], [0, 0, 1, 1], [], []>, transpose_lhs_hint = false} : vector<2048x128xf32>, vector<128x128xf32>, vector<2048x128xf32> -> vector<2048x128xf32>
    %max3A = arith.constant 0.000000e+00 : f32
    %max3A_6 = vector.broadcast %max3A : f32 to vector<2048x128xf32>
    %max3A_7 = arith.maximumf %dot_general3A_5, %max3A_6 : vector<2048x128xf32>
    %get3A_8 = arith.constant 0 : index
    %get3A_9 = arith.constant 0 : index
    %get3A_10 = vector.load %arg3[%get3A_8, %get3A_9] : memref<128x128xf32, #tpu.memory_space<vmem>>, vector<128x128xf32>
    %dot_general3A_11 = arith.constant dense<0.000000e+00> : vector<2048x128xf32>
    %dot_general3A_12 = tpu.matmul %get3A_1, %get3A_10, %dot_general3A_11 {dimension_numbers = #tpu.dot_dimension_numbers<[1], [0], [0], [1], [0, 0, 1, 1], [], []>, transpose_lhs_hint = false} : vector<2048x128xf32>, vector<128x128xf32>, vector<2048x128xf32> -> vector<2048x128xf32>
    %max3A_13 = arith.constant 0.000000e+00 : f32
    %max3A_14 = vector.broadcast %max3A_13 : f32 to vector<2048x128xf32>
    %max3A_15 = arith.maximumf %dot_general3A_12, %max3A_14 : vector<2048x128xf32>
    %neg3A = arith.constant 0.000000e+00 : f32
    %neg3A_16 = vector.broadcast %neg3A : f32 to vector<2048x128xf32>
    %neg3A_17 = arith.subf %neg3A_16, %max3A_15 : vector<2048x128xf32>
    %exp3A = math.exp %neg3A_17 : vector<2048x128xf32>
    %get3A_18 = arith.constant 0 : index
    %get3A_19 = arith.constant 0 : index
    %get3A_20 = vector.load %arg4[%get3A_18, %get3A_19] : memref<2048x1xf32, #tpu.memory_space<vmem>>, vector<2048x1xf32>
    %get3A_21 = arith.constant 0 : index
    %get3A_22 = arith.constant 0 : index
    %get3A_23 = vector.load %arg5[%get3A_21, %get3A_22] : memref<2048x1xf32, #tpu.memory_space<vmem>>, vector<2048x1xf32>
    %add3A = arith.addf %get3A_20, %get3A_23 : vector<2048x1xf32>
    %jit3A = arith.constant 1.000000e+00 : f32
    %max3A_24 = vector.broadcast %jit3A : f32 to vector<2048x1xf32>
    %max3A_25 = arith.maximumf %max3A_24, %add3A : vector<2048x1xf32>
    %rsqrt3A = math.rsqrt %max3A_25 : vector<2048x1xf32>
    %div3A = arith.constant 1.000000e+00 : f32
    %div3A_26 = vector.broadcast %div3A : f32 to vector<2048x1xf32>
    %div3A_27 = arith.divf %div3A_26, %max3A_25 : vector<2048x1xf32>
    %mul3A = arith.mulf %max3A_7, %exp3A : vector<2048x128xf32>
    %mul3A_28 = vector.broadcast %rsqrt3A : vector<2048x1xf32> to vector<2048x128xf32>
    %mul3A_29 = arith.mulf %mul3A, %mul3A_28 : vector<2048x128xf32>
    %swap3A = arith.constant 0 : index
    %swap3A_30 = arith.constant 0 : index
    %swap3A_31 = arith.constant 0 : index
    %swap3A_32 = vector.load %arg6[%swap3A, %swap3A_30, %swap3A_31] : memref<2x2048x128xf32, #tpu.memory_space<vmem>>, vector<1x2048x128xf32>
    %swap3A_33 = vector.shape_cast %swap3A_32 : vector<1x2048x128xf32> to vector<2048x128xf32>
    %swap3A_34 = vector.shape_cast %mul3A_29 : vector<2048x128xf32> to vector<1x2048x128xf32>
    tpu.vector_store %arg6[%swap3A, %swap3A_30, %swap3A_31], %swap3A_34 {strides = array<i32>} : memref<2x2048x128xf32, #tpu.memory_space<vmem>>, vector<1x2048x128xf32>,
    %mul3A_35 = arith.mulf %max3A_15, %exp3A : vector<2048x128xf32>
    %mul3A_36 = arith.mulf %mul3A_35, %exp3A : vector<2048x128xf32>
    %mul3A_37 = vector.broadcast %div3A_27 : vector<2048x1xf32> to vector<2048x128xf32>
    %mul3A_38 = arith.mulf %mul3A_36, %mul3A_37 : vector<2048x128xf32>
    %swap3A_39 = arith.constant 1 : index
    %swap3A_40 = arith.constant 0 : index
    %swap3A_41 = arith.constant 0 : index
    %swap3A_42 = vector.load %arg6[%swap3A_39, %swap3A_40, %swap3A_41] : memref<2x2048x128xf32, #tpu.memory_space<vmem>>, vector<1x2048x128xf32>
    %swap3A_43 = vector.shape_cast %swap3A_42 : vector<1x2048x128xf32> to vector<2048x128xf32>
    %swap3A_44 = vector.shape_cast %mul3A_38 : vector<2048x128xf32> to vector<1x2048x128xf32>
    tpu.vector_store %arg6[%swap3A_39, %swap3A_40, %swap3A_41], %swap3A_44 {strides = array<i32>} : memref<2x2048x128xf32, #tpu.memory_space<vmem>>, vector<1x2048x128xf32>,
    return
  }
  func.func @transform_0(%arg0: i32) -> (i32, i32) {
    %c0_i32 = arith.constant 0 : i32
    %c0_i32_0 = arith.constant 0 : i32
    return %arg0, %c0_i32 : i32, i32
  }
  func.func @transform_1(%arg0: i32) -> (i32, i32) {
    %c0_i32 = arith.constant 0 : i32
    %c0_i32_0 = arith.constant 0 : i32
    %c0_i32_1 = arith.constant 0 : i32
    return %c0_i32, %c0_i32_0 : i32, i32
  }
  func.func @transform_2(%arg0: i32) -> (i32, i32) {
    %c0_i32 = arith.constant 0 : i32
    %c0_i32_0 = arith.constant 0 : i32
    %c0_i32_1 = arith.constant 0 : i32
    return %c0_i32, %c0_i32_0 : i32, i32
  }
  func.func @transform_3(%arg0: i32) -> (i32, i32) {
    %c0_i32 = arith.constant 0 : i32
    %c0_i32_0 = arith.constant 0 : i32
    return %arg0, %c0_i32 : i32, i32
  }
  func.func @transform_4(%arg0: i32) -> (i32, i32) {
    %c0_i32 = arith.constant 0 : i32
    %c0_i32_0 = arith.constant 0 : i32
    return %arg0, %c0_i32 : i32, i32
  }
  func.func @transform_5(%arg0: i32) -> (i32, i32, i32) {
    %c0_i32 = arith.constant 0 : i32
    %c0_i32_0 = arith.constant 0 : i32
    %c0_i32_1 = arith.constant 0 : i32
    return %c0_i32, %arg0, %c0_i32_0 : i32, i32, i32
  }
}

module attributes {stable_mosaic.version = 14 : i64} {
  func.func @_post_body(%arg0: i32, %arg1: memref<2x2048x128xf32, #tpu.memory_space<vmem>>, %arg2: memref<2048x1xf32, #tpu.memory_space<vmem>>, %arg3: memref<2048x1xf32, #tpu.memory_space<vmem>>, %arg4: memref<2048x128xf32, #tpu.memory_space<vmem>>, %arg5: memref<2048x128xf32, #tpu.memory_space<vmem>>) attributes {dimension_semantics = [#tpu.dimension_semantics<arbitrary>], iteration_bounds = array<i64: 5>, scalar_prefetch = 0 : i64, scratch_operands = 0 : i64, tpu.core_type = #tpu.core_type<tc>, window_params = [{transform_indices = @transform_0, window_bounds = array<i64: 2, 2048, 128>}, {transform_indices = @transform_1, window_bounds = array<i64: 2048, 1>}, {transform_indices = @transform_2, window_bounds = array<i64: 2048, 1>}, {transform_indices = @transform_3, window_bounds = array<i64: 2048, 128>}, {transform_indices = @transform_4, window_bounds = array<i64: 2048, 128>}]} {
    %get3A = arith.constant 0 : index
    %get3A_0 = arith.constant 0 : index
    %get3A_1 = vector.load %arg2[%get3A, %get3A_0] : memref<2048x1xf32, #tpu.memory_space<vmem>>, vector<2048x1xf32>
    %get3A_2 = arith.constant 0 : index
    %get3A_3 = arith.constant 0 : index
    %get3A_4 = vector.load %arg3[%get3A_2, %get3A_3] : memref<2048x1xf32, #tpu.memory_space<vmem>>, vector<2048x1xf32>
    %add3A = arith.addf %get3A_1, %get3A_4 : vector<2048x1xf32>
    %jit3A = arith.constant 1.000000e+00 : f32
    %max3A = vector.broadcast %jit3A : f32 to vector<2048x1xf32>
    %max3A_5 = arith.maximumf %max3A, %add3A : vector<2048x1xf32>
    %rsqrt3A = math.rsqrt %max3A_5 : vector<2048x1xf32>
    %div3A = arith.constant 1.000000e+00 : f32
    %div3A_6 = vector.broadcast %div3A : f32 to vector<2048x1xf32>
    %div3A_7 = arith.divf %div3A_6, %max3A_5 : vector<2048x1xf32>
    %get3A_8 = arith.constant 0 : index
    %get3A_9 = arith.constant 0 : index
    %get3A_10 = arith.constant 0 : index
    %get3A_11 = vector.load %arg1[%get3A_8, %get3A_9, %get3A_10] : memref<2x2048x128xf32, #tpu.memory_space<vmem>>, vector<1x2048x128xf32>
    %get3A_12 = vector.shape_cast %get3A_11 : vector<1x2048x128xf32> to vector<2048x128xf32>
    %mul3A = vector.broadcast %rsqrt3A : vector<2048x1xf32> to vector<2048x128xf32>
    %mul3A_13 = arith.mulf %get3A_12, %mul3A : vector<2048x128xf32>
    %swap3A = arith.constant 0 : index
    %swap3A_14 = arith.constant 0 : index
    %swap3A_15 = vector.load %arg4[%swap3A, %swap3A_14] : memref<2048x128xf32, #tpu.memory_space<vmem>>, vector<2048x128xf32>
    tpu.vector_store %arg4[%swap3A, %swap3A_14], %mul3A_13 {strides = array<i32>} : memref<2048x128xf32, #tpu.memory_space<vmem>>, vector<2048x128xf32>,
    %get3A_16 = arith.constant 1 : index
    %get3A_17 = arith.constant 0 : index
    %get3A_18 = arith.constant 0 : index
    %get3A_19 = vector.load %arg1[%get3A_16, %get3A_17, %get3A_18] : memref<2x2048x128xf32, #tpu.memory_space<vmem>>, vector<1x2048x128xf32>
    %get3A_20 = vector.shape_cast %get3A_19 : vector<1x2048x128xf32> to vector<2048x128xf32>
    %mul3A_21 = vector.broadcast %div3A_7 : vector<2048x1xf32> to vector<2048x128xf32>
    %mul3A_22 = arith.mulf %get3A_20, %mul3A_21 : vector<2048x128xf32>
    %swap3A_23 = arith.constant 0 : index
    %swap3A_24 = arith.constant 0 : index
    %swap3A_25 = vector.load %arg5[%swap3A_23, %swap3A_24] : memref<2048x128xf32, #tpu.memory_space<vmem>>, vector<2048x128xf32>
    tpu.vector_store %arg5[%swap3A_23, %swap3A_24], %mul3A_22 {strides = array<i32>} : memref<2048x128xf32, #tpu.memory_space<vmem>>, vector<2048x128xf32>,
    return
  }
  func.func @transform_0(%arg0: i32) -> (i32, i32, i32) {
    %c0_i32 = arith.constant 0 : i32
    %c0_i32_0 = arith.constant 0 : i32
    %c0_i32_1 = arith.constant 0 : i32
    return %c0_i32, %arg0, %c0_i32_0 : i32, i32, i32
  }
  func.func @transform_1(%arg0: i32) -> (i32, i32) {
    %c0_i32 = arith.constant 0 : i32
    %c0_i32_0 = arith.constant 0 : i32
    return %arg0, %c0_i32 : i32, i32
  }
  func.func @transform_2(%arg0: i32) -> (i32, i32) {
    %c0_i32 = arith.constant 0 : i32
    %c0_i32_0 = arith.constant 0 : i32
    return %arg0, %c0_i32 : i32, i32
  }
  func.func @transform_3(%arg0: i32) -> (i32, i32) {
    %c0_i32 = arith.constant 0 : i32
    %c0_i32_0 = arith.constant 0 : i32
    return %arg0, %c0_i32 : i32, i32
  }
  func.func @transform_4(%arg0: i32) -> (i32, i32) {
    %c0_i32 = arith.constant 0 : i32
    %c0_i32_0 = arith.constant 0 : i32
    return %arg0, %c0_i32 : i32, i32
  }
}

</mosaic_0001>

<sc_bundles>
// kernel: kernel.6.cloned.1.call-start
scs
__scs_entry_jumppad:
0x0: {  	(pc) =	sbr.rel $0x88, $3  }
0x1: {  	(tag) =	ssettag $0x0;
	lr =	simm.s32 $0x1  }
0x2: {  	[smem:$0x3F9D] =	sst lr;
	_ =	strace $0xD0000000  }
0x3: {  	_ = 	snop  }
0x4: {  	_ = 	snop  }
0x5: {  	_ = 	snop  }
0x6: {  	_ = 	snop  }
0x7: {  	_ = 	snop  }
__scs_overlays_trampoline_lowered:
0x8: {  	[smem:$0x3FAC] =	sst s0  }
0x9: {  	[smem:$0x3FAD] =	sst s1  }
0xa: {  	[smem:$0x3FAE] =	sst s2  }
0xb: {  	[smem:$0x3FAF] =	sst s3  }
0xc: {  	[smem:$0x3FB0] =	sst s4  }
0xd: {  	[smem:$0x3FB1] =	sst s5  }
0xe: {  	[smem:$0x3FB2] =	sst s6  }
0xf: {  	[smem:$0x3FB3] =	sst s7  }
0x10: {  	[smem:$0x3FB4] =	sst s8  }
0x11: {  	[smem:$0x3FB5] =	sst s9;
	s0 =	simm.s32 @!p0 $0x0  }
0x12: {  	s1 =	sld [smem:$0x3F9B];
	s0 =	simm.s32 @p0 $0x1  }
0x13: {  	[smem:$0x3FB6] =	sst s0;
	s0 =	simm.s32 @!p1 $0x0  }
0x14: {  	s2 =	sld [smem:$0x3F9A];
	s0 =	simm.s32 @p1 $0x1  }
0x15: {  	[smem:$0x3FB7] =	sst s0;
	s0 =	simm.s32 @!p2 $0x0  }
0x16: {  	s3 =	sld [smem:$0x3FDB];
	s0 =	simm.s32 @p2 $0x1  }
0x17: {  	s4 =	simm.s32 $0x1BF5;
	[smem:$0x3FB9] =	sst s0  }
0x18: {  	s0 =	sld [smem:$0x3F9C];
	_ =	swait.ge [sflag:s4], $0x0  }
0x19: {  	s7 =	sld [smem:$0x3F9D]  }
0x1a: {  	s8 =	sadd.s32 $0xFFFFE003, lr  }
0x1b: {  	s9 =	sadd.s32 $0xFFFFFEF7, lr;
	s5 =	simm.s32 $0xFFFFFFFF;
	p2 =	slt.u32 s8, $0xFFFFF086  }
0x1c: {  	p1 =	slt.u32 s9, $0xF7A;
	s5 =	simm.s32 @!p2 $0x0  }
0x1d: {  	s5 =	simm.s32 @p1 $0x1;
	p0 =	seq.s32 s7, s2  }
0x1e: {  	s7 =	smul.u32 @!p0 $0xF7A, s2;
	p2 =	seq.s32 @!p0 s5, $0x0  }
0x1f: {  	s9 =	smul.u32 $0xF7A, s1;
	s8 =	simm.s32 @!p0 $0x1BF5;
	p2 =	por !p2, p0  }
0x20: {  	[sflag:s8] =	ssyncset.s32 @!p0 $0xFFFFF086;
	s6 =	sadd.s32 @!p0 s3, s7;
	s7 =	simm.s32 @!p0 $0x108  }
0x21: {  	s3 =	sadd.s32 s3, s9;
	s6 =	sadd.s32 @!p0 $0x88, s6;
	s7 =	simm.s32 @p2 $0x1082  }
0x22: {  	[simem:s7], [sflag:s8] =	dma.local @!p0 [hbm:s6], $0xF7A  }
0x23: {  	s9 =	sor.u32 $0xD0000000, s2;
	s6 =	simm.s32 $0x108;
	_ =	swait.ge @!p0 [sflag:s8], $0x0  }
0x24: {  	s3 =	sadd.s32 $0x88, s3;
	s6 =	simm.s32 @!p1 $0x1082;
	[sflag:s4] =	ssyncset.s32 $0xFFFFF086  }
0x25: {  	[simem:s6], [sflag:s4] =	dma.local [hbm:s3], $0xF7A  }
0x26: {  	[smem:$0x3F9D] =	sst s1;
	(tag) =	ssettag s2;
	_ =	strace s9  }
0x27: {  	s1 =	sld [smem:$0x3FAD]  }
0x28: {  	s2 =	sld [smem:$0x3FAE]  }
0x29: {  	s4 =	sld [smem:$0x3FB0]  }
0x2a: {  	p0 =	seq.s32 s5, $0x0;
	s5 =	sld [smem:$0x3FB1]  }
0x2b: {  	s6 =	sld [smem:$0x3FB2]  }
0x2c: {  	s7 =	sld [smem:$0x3FB3]  }
0x2d: {  	s3 =	simm.s32 $0x108;
	s8 =	sld [smem:$0x3FB4]  }
0x2e: {  	s3 =	simm.s32 @!p0 $0x1082;
	s9 =	sld [smem:$0x3FB5]  }
0x2f: {  	lr =	sadd.s32 s0, s3;
	s0 =	sld [smem:$0x3FAC]  }
0x30: {  	s3 =	sld [smem:$0x3FAF]  }
0x31: {  	[smem:$0x3FB8] =	sst s10  }
0x32: {  	s10 =	sld [smem:$0x3FB6];
	_ =	sdelay $0x3  }
0x33: {  	p0 =	seq.s32 s10, $0x1;
	s10 =	sld [smem:$0x3FB8];
	_ =	sdelay $0x3  }
0x34: {  	[smem:$0x3FB8] =	sst s10  }
0x35: {  	s10 =	sld [smem:$0x3FB7];
	_ =	sdelay $0x3  }
0x36: {  	p1 =	seq.s32 s10, $0x1;
	s10 =	sld [smem:$0x3FB8];
	_ =	sdelay $0x3  }
0x37: {  	[smem:$0x3FB8] =	sst s10  }
0x38: {  	s10 =	sld [smem:$0x3FB9]  }
0x39: {  	_ = 	snop;
	(pc) =	sbr.ind lr, $3  }
0x3a: {  	_ = 	snop  }
0x3b: {  	_ = 	snop  }
0x3c: {  	p2 =	seq.s32 s10, $0x1;
	s10 =	sld [smem:$0x3FB8]  }
0x3d: {  	_ =	shalt  }
0x3e: {  	_ =	shalt  }
0x3f: {  	_ =	shalt  }
0x40: {  	_ =	shalt  }
0x41: {  	_ =	shalt  }
0x42: {  	_ =	shalt  }
0x43: {  	_ =	shalt  }
0x44: {  	_ =	shalt  }
0x45: {  	_ =	shalt  }
0x46: {  	_ =	shalt  }
0x47: {  	_ =	shalt  }
0x48: {  	_ =	shalt  }
0x49: {  	_ =	shalt  }
0x4a: {  	_ =	shalt  }
0x4b: {  	_ =	shalt  }
0x4c: {  	_ =	shalt  }
0x4d: {  	_ =	shalt  }
0x4e: {  	_ =	shalt  }
0x4f: {  	_ =	shalt  }
0x50: {  	_ =	shalt  }
0x51: {  	_ =	shalt  }
0x52: {  	_ =	shalt  }
0x53: {  	_ =	shalt  }
0x54: {  	_ =	shalt  }
0x55: {  	_ =	shalt  }
0x56: {  	_ =	shalt  }
0x57: {  	_ =	shalt  }
0x58: {  	_ =	shalt  }
0x59: {  	_ =	shalt  }
0x5a: {  	_ =	shalt  }
0x5b: {  	_ =	shalt  }
0x5c: {  	_ =	shalt  }
0x5d: {  	_ =	shalt  }
0x5e: {  	_ =	shalt  }
0x5f: {  	_ =	shalt  }
0x60: {  	_ =	shalt  }
0x61: {  	_ =	shalt  }
0x62: {  	_ =	shalt  }
0x63: {  	_ =	shalt  }
0x64: {  	_ =	shalt  }
0x65: {  	_ =	shalt  }
0x66: {  	_ =	shalt  }
0x67: {  	_ =	shalt  }
0x68: {  	_ =	shalt  }
0x69: {  	_ =	shalt  }
0x6a: {  	_ =	shalt  }
0x6b: {  	_ =	shalt  }
0x6c: {  	_ =	shalt  }
0x6d: {  	_ =	shalt  }
0x6e: {  	_ =	shalt  }
0x6f: {  	_ =	shalt  }
0x70: {  	_ =	shalt  }
0x71: {  	_ =	shalt  }
0x72: {  	_ =	shalt  }
0x73: {  	_ =	shalt  }
0x74: {  	_ =	shalt  }
0x75: {  	_ =	shalt  }
0x76: {  	_ =	shalt  }
0x77: {  	_ =	shalt  }
0x78: {  	_ =	shalt  }
0x79: {  	_ =	shalt  }
0x7a: {  	_ =	shalt  }
0x7b: {  	_ =	shalt  }
0x7c: {  	_ =	shalt  }
0x7d: {  	_ =	shalt  }
0x7e: {  	_ =	shalt  }
0x7f: {  	_ =	shalt  }
0x80: {  	_ =	shalt  }
0x81: {  	_ =	shalt  }
0x82: {  	_ =	shalt  }
0x83: {  	_ =	shalt  }
0x84: {  	_ =	shalt  }
0x85: {  	_ =	shalt  }
0x86: {  	_ =	shalt  }
0x87: {  	_ =	shalt  }
.Lfunc_end0:
.L_simem_size_0:
called_computation_lowered:
.L_overlay_start_0:
0x88: {  	s2 =	sld [smem:$0x3FD9]  }
0x89: {  	s3 =	sld [smem:$0x3FFE];
	_ =	sdelay $0x1  }
0x8a: {  	s1 =	srdreg.scid  }
0x8b: {  	s0 =	sand.u32 $0x1, s1  }
0x8c: {  	s14 =	sshll.u32 s0, $0xA;
	s2 =	sadd.s32 s3, s2  }
0x8d: {  	s2 =	sadd.s32 s2, s14  }
0x8e: {  	[smem:$0x3FC4] =	sst s2  }
0x8f: {  	_ = 	snop  }
0x90: {  	s2 =	sld [smem:$0x3FD0];
	_ =	sdelay $0x2  }
0x91: {  	s15 =	simm.s32 $0xA;
	s4 =	simm.s32 $0x10  }
0x92: {  	[smem:s4], [sflag:s15] =	dma.local [hbm:s2], $0x1  }
0x93: {  	_ =	swait.eq [sflag:s15], $0x1  }
0x94: {  	[sflag:s15] =	ssyncset.done $0x0  }
0x95: {  	[sflag:s15] =	ssyncadd.s32 $0xFFFFFFFF  }
0x96: {  	s16 =	sld [smem:$0x10];
	(tm) =	ssettm $0x1  }
0x97: {  	s17 =	sld [smem:$0x3FFB];
	_ =	sdelay $0x3  }
0x98: {  	_ =	strace s17  }
0x99: {  	s3 =	sld [smem:$0x3FFC];
	_ =	sdelay $0x3  }
0x9a: {  	_ =	strace s3  }
0x9b: {  	s3 =	sld [smem:$0x3FFD];
	_ =	sdelay $0x3  }
0x9c: {  	_ =	strace s3  }
0x9d: {  	_ =	strace $0x8FFFFFFF  }
0x9e: {  	s18 =	sld [smem:$0x3FDB];
	_ =	sdelay $0x1  }
0x9f: {  	s19 =	simm.s32 $_scs_section_size  }
0xa0: {  	s5 =	simm.s32 $_size__tile_overlayer_lowered;
	s6 =	simm.s32 $_tile_overlayer_lowered  }
0xa1: {  	s22 =	simm.s32 $0x1BFF;
	s21 =	sshll.u32 s6, $0x1;
	s3 =	sadd.s32 s19, s18  }
0xa2: {  	s7 =	simm.s32 $0x0;
	s20 =	sshll.u32 s5, $0x1;
	s5 =	sadd.s32 s21, s3  }
0xa3: {  	[timem:s7], [sflag:s22] =	dma.local [hbm:s5], s20  }
0xa4: {  	_ =	swait.ge [sflag:s22], s20  }
0xa5: {  	s4 =	ssub.s32 $0x0, s20;
	[sflag:s22] =	ssyncset.done $0x0  }
0xa6: {  	[sflag:s22] =	ssyncadd.s32 s4;
	_ =	sdelay $0x1  }
0xa7: {  	s23 =	simm.s32 $0x1B8B  }
0xa8: {  	_ =	swait.ge [sflag:s23], $0x1  }
0xa9: {  	[sflag:s23] =	ssyncset.done $0x0  }
0xaa: {  	s25 =	simm.s32 $0x1B8E;
	s24 =	sld [smem:$0x3FFE];
	[sflag:s23] =	ssyncadd.s32 $0xFFFFFFFF  }
0xab: {  	s26 =	simm.s32 $execute0_lowered;
	[smem:$0x3FD2] =	sst s25  }
0xac: {  	s5 =	sshll.u32 s26, $0x1;
	_ =	strace $0x80000046;
	[dreg:$0x1] =	wrdreg $0xFFFFFFFF  }
0xad: {  	s28 =	simm.s32 $_size_execute0_lowered;
	s3 =	sadd.s32 s3, s5;
	[dreg:$0x0] =	wrdreg $0x0  }
0xae: {  	s5 =	sshll.u32 s28, $0x1;
	[dreg:$0x2] =	wrdreg s3  }
0xaf: {  	[dreg:$0x3] =	wrdreg s5  }
0xb0: {  	[dreg:$0x4] =	wrdreg $0xC0  }
0xb1: {  	_ =	task [dreg:s7], $0x5FFFF  }
0xb2: {  	[dreg:$0x1] =	wrdreg $0xFFFFFFFF  }
0xb3: {  	[dreg:$0x0] =	wrdreg $0x60  }
0xb4: {  	[dreg:$0x2] =	wrdreg s16  }
0xb5: {  	[dreg:$0x3] =	wrdreg s24  }
0xb6: {  	[dreg:$0x4] =	wrdreg $0x7A000  }
0xb7: {  	[dreg:$0x5] =	wrdreg $0x9  }
0xb8: {  	_ =	task.clear_ibuf [dreg:s7], $0x6FFFF;
	_ =	strace $0x90000046  }
0xb9: {  	s29 =	simm.s32 $0x9;
	_ =	strace $0x80000048  }
0xba: {  	_ =	swait.ge [sflag:s29], $0x1  }
0xbb: {  	[sflag:s29] =	ssyncadd.s32 $0xFFFFFFFF  }
0xbc: {  	_ =	strace $0x90000048  }
0xbd: {  	_ =	sfence  }
0xbe: {  	s30 =	sld [smem:$0x0];
	_ =	sdelay $0x2  }
0xbf: {  	s31 =	sshll.u32 s1, $0xD;
	s1 =	sshrl.u32 s1, $0x2  }
0xc0: {  	s3 =	sand.u32 $0x4000, s31;
	s1 =	sadd.s32 s1, s30  }
0xc1: {  	s0 =	sor.u32 s3, s0;
	s1 =	sshll.u32 s1, $0x11  }
0xc2: {  	s0 =	sor.u32 s1, s0  }
0xc3: {  	s0 =	sadd.s32 $0x8F2B, s0  }
0xc4: {  	[sflag:s0] =	ssyncadd.remote.s32 $0x1  }
0xc5: {  	_ =	sfence.sel $0xFFFF  }
0xc6: {  	[dreg:$0x0] =	wrdreg $0xFFFFFFFF;
	(pc) =	sbr.abs _section_cstart, $3  }
0xc7: {  	[dreg:$0x1] =	wrdreg $0xFFFFFFFF  }
0xc8: {  	_ =	task.clear_ibuf [dreg:s7], $0x2FFFF;
	_ =	strace $0x9FFFFFFF  }
0xc9: {  	(tm) =	ssettm $0x7FFFFFFF  }
tec
execute0_lowered:
.L_overlay_start_1:
0x0: {  	(tag) =	ssettag $0x1  }
0x1: {  	s3 =	rddreg [dreg:$0x0]  }
0x2: {  	s4 =	rddreg [dreg:$0x1];
	s1 =	srdreg.scid  }
0x3: {  	s0 =	stileid.u32;
	s5 =	rddreg [dreg:$0x2]  }
0x4: {  	s2 =	simm.s32 $0x0;
	s11 =	simm.s32 $0x400;
	s12 =	simm.s32 $0x1400  }
0x5: {  	s13 =	simm.s32 $0x14000;
	s14 =	simm.s32 $0x4F80;
	s15 =	simm.s32 $0x100  }
0x6: {  	s16 =	simm.s32 $0x7780;
	s6 =	sand.u32 $0x1, s1;
	s1 =	rddreg [dreg:$0x3]  }
0x7: {  	s17 =	simm.s32 $0x0;
	s7 =	smul.u32 $0x500, s0;
	[smem:$0x7FF] =	sst s2  }
0x8: {  	s29 =	sshrl.u32 s0, $0x3;
	s31 =	smul.u32 $0x5000, s0;
	s10 =	sshll.u32 s0, $0x7  }
0x9: {  	s8 =	sshll.u32 s6, $0x7;
	_ =	strace $0x80000047;
	s28 =	ssub.s32 $0x2, s6  }
0xa: {  	s6 =	sshll.u32 s6, $0x4;
	s10 =	sand.u32 $0x380, s10;
	s7 =	sor.u32 s8, s7  }
0xb: {  	s9 =	sshrl.u32 s28, $0x1;
	s8 =	smul.u32 $0x50000, s29;
	s30 =	sor.u32 s0, s6  }
0xc: {  	s6 =	sshrl.u32 s31, $0x2;
	s7 =	sshrl.u32 s7, $0x3;
	s9 =	ssub.s32 s28, s9  }
0xd: {  	s7 =	sadd.s32 s7, s4;
	s4 =	smul.u32 $0x4E2, s30;
	s8 =	sshrl.u32 s8, $0x2  }
0xe: {  	s8 =	sadd.s32 s8, s5;
	s5 =	sadd.s32 s6, s5;
	s6 =	sadd.s32 $0x1200, s7  }
0xf: {  	s7 =	smax.u32 s9, $0x1;
	s9 =	simm.s32 $0x1;
	s3 =	sadd.s32 s3, s4  }
0x10: {  	v0 =	vimm.f32 $0.0e+00;
	v1 =	vimm.f32 $1.000000000e+00;
	s4 =	sadd.s32 s10, s8;
	s8 =	simm.s32 $0x2800;
	s10 =	simm.s32 $0x80  }
.LBB2_1:
0x11: {  	s18 =	simm.s32 $0x40;
	s19 =	simm.s32 $0x0  }
.LBB2_2:
0x12: {  	p0 =	sne.s32 s18, $0x9FC0;
	[tilespmem:s19+$0x0] =	vst v0;
	s19 =	smov.u32 s18;
	s18 =	sadd.s32 $0x40, s18  }
.Ltmp0:
0x13: {  	(pc) =	sbr.rel @p0 .LBB2_2-.Ltmp0, $2  }
0x14: {  	_ =	sdelay $0x2  }
0x15: {  	s19 =	sshra.s32 s19, $0x2  }
0x16: {  	[tilespmem:s19+$0x0] =	vst v0;
	s18 =	simm.s32 $0x0  }
0x17: {  	[tilespmem:s8], [sflag:$0x1] =	stream.linear.gather [hbm4b:s3+s18], $0x2710, $0x38;
	[tilespmem:$0xA200] =	vst v63  }
0x18: {  	_ =	swait.ge [sflag:s9], $0x2710  }
0x19: {  	[sflag:s9] =	ssyncset.done $0x0  }
0x1a: {  	s19 =	simm.s32 $0x0;
	s18 =	simm.s32 $0x40;
	[sflag:s9] =	ssyncadd.s32 $0xFFFFD8F0  }
.LBB2_4:
0x1b: {  	p0 =	sne.s32 s18, $0x9C00;
	v2 =	vld [tilespmem:s19+$0x2800];
	_ =	sdelay $0x3  }
.Ltmp1:
0x1c: {  	(pc) =	sbr.rel @p0 .LBB2_4-.Ltmp1, $2  }
0x1d: {  	_ =	sdelay $0x2  }
0x1e: {  	s19 =	sshra.s32 s18, $0x2;
	s18 =	sadd.s32 $0x40, s18;
	[tilespmem:v2+s2+$0x0] =	vst.idx.add.f32.msk $0xffff, v1  }
0x1f: {  	v2 =	vld [tilespmem:s19+$0x2800];
	_ =	sdelay $0x7  }
0x20: {  	s18 =	simm.s32 $0x0;
	[tilespmem:v2+s2+$0x0] =	vst.idx.add.f32.msk $0xffff, v1  }
0x21: {  	[spmem:s4] =	stream.strided.scatter [tilespmem:s18], [sflag:$0x1], $0x2800, s11, s10, $0x38;
	[tilespmem:$0xA200] =	vst v63  }
0x22: {  	_ =	swait.ge [sflag:s9], $0x2800  }
0x23: {  	[sflag:s9] =	ssyncset.done $0x0  }
0x24: {  	[sflag:s9] =	ssyncadd.s32 $0xFFFFD800  }
0x25: {  	[bflag:$0x0] =	sbarrier.arrive $0xFFFF  }
0x26: {  	[tilespmem:s14], [sflag:$0x1] =	stream.strided.gather [spmem:s5], $0x2800, s13, s12, $0x38;
	[tilespmem:$0xA200] =	vst v63  }
0x27: {  	_ =	swait.ge [sflag:s9], $0x2800  }
0x28: {  	s31 =	sand.u32 $0x70, s18;
	s18 =	sand.u32 $0x1C00, s18;
	[sflag:s9] =	ssyncset.done $0x0  }
0x29: {  	s18 =	sor.u32 s31, s18;
	[sflag:s9] =	ssyncadd.s32 $0xFFFFD800  }
0x2a: {  	v2 =	vld [tilespmem:s18+$0x4F80];
	_ =	sdelay $0x1  }
0x2b: {  	v3 =	vld [tilespmem:s18+$0x5000];
	_ =	sdelay $0x1  }
0x2c: {  	v4 =	vld [tilespmem:s18+$0x5080]  }
0x2d: {  	v2 =	vadd.f32 $0.0e+00, v2  }
0x2e: {  	v5 =	vld [tilespmem:s18+$0x5100]  }
0x2f: {  	v2 =	vadd.f32 v3, v2  }
0x30: {  	v3 =	vld [tilespmem:s18+$0x5180]  }
0x31: {  	v2 =	vadd.f32 v4, v2  }
0x32: {  	v56 =	vld [tilespmem:s18+$0x5200]  }
0x33: {  	v2 =	vadd.f32 v5, v2  }
0x34: {  	v57 =	vld [tilespmem:s18+$0x5280]  }
0x35: {  	v2 =	vadd.f32 v3, v2  }
0x36: {  	v3 =	vld [tilespmem:s18+$0x5300]  }
0x37: {  	v2 =	vadd.f32 v56, v2  }
0x38: {  	v58 =	vld [tilespmem:s18+$0x6380]  }
0x39: {  	v2 =	vadd.f32 v57, v2  }
0x3a: {  	v59 =	vld [tilespmem:s18+$0x6400]  }
0x3b: {  	v2 =	vadd.f32 v3, v2  }
0x3c: {  	v3 =	vld [tilespmem:s18+$0x6480]  }
0x3d: {  	v2 =	vadd.f32 v58, v2  }
0x3e: {  	v60 =	vld [tilespmem:s18+$0x6500]  }
0x3f: {  	v2 =	vadd.f32 v59, v2  }
0x40: {  	v61 =	vld [tilespmem:s18+$0x6580]  }
0x41: {  	v2 =	vadd.f32 v3, v2  }
0x42: {  	v3 =	vld [tilespmem:s18+$0x6600]  }
0x43: {  	v2 =	vadd.f32 v60, v2  }
0x44: {  	v62 =	vld [tilespmem:s18+$0x6680]  }
0x45: {  	v2 =	vadd.f32 v61, v2  }
0x46: {  	v63 =	vld [tilespmem:s18+$0x6700]  }
0x47: {  	v2 =	vadd.f32 v3, v2;
	_ =	sdelay $0x1  }
0x48: {  	v2 =	vadd.f32 v62, v2  }
0x49: {  	s20 =	simm.s32 $0x10  }
0x4a: {  	s19 =	simm.s32 $0x80;
	s21 =	sand.u32 $0x70, s20;
	v2 =	vadd.f32 v63, v2  }
0x4b: {  	s22 =	sand.u32 $0x1C00, s19;
	s20 =	simm.s32 $0x20;
	s18 =	simm.s32 $0x7780  }
.LBB2_6:
0x4c: {  	p0 =	sne.s32 s20, $0x270;
	s21 =	sor.u32 s21, s22;
	[tilespmem:s18+$0x0] =	vst v2  }
0x4d: {  	v2 =	vld [tilespmem:s21+$0x4F80];
	_ =	sdelay $0x1  }
0x4e: {  	v3 =	vld [tilespmem:s21+$0x5000];
	_ =	sdelay $0x1  }
0x4f: {  	v4 =	vld [tilespmem:s21+$0x5080]  }
0x50: {  	v2 =	vadd.f32 $0.0e+00, v2  }
0x51: {  	v5 =	vld [tilespmem:s21+$0x5100]  }
0x52: {  	v2 =	vadd.f32 v3, v2  }
0x53: {  	v3 =	vld [tilespmem:s21+$0x5180]  }
0x54: {  	v2 =	vadd.f32 v4, v2  }
0x55: {  	v4 =	vld [tilespmem:s21+$0x5200]  }
0x56: {  	v2 =	vadd.f32 v5, v2  }
0x57: {  	v5 =	vld [tilespmem:s21+$0x5280]  }
0x58: {  	v2 =	vadd.f32 v3, v2  }
0x59: {  	v3 =	vld [tilespmem:s21+$0x5300]  }
0x5a: {  	v2 =	vadd.f32 v4, v2  }
0x5b: {  	v4 =	vld [tilespmem:s21+$0x6380]  }
0x5c: {  	v2 =	vadd.f32 v5, v2  }
0x5d: {  	v5 =	vld [tilespmem:s21+$0x6400]  }
0x5e: {  	v2 =	vadd.f32 v3, v2  }
0x5f: {  	v3 =	vld [tilespmem:s21+$0x6480]  }
0x60: {  	v2 =	vadd.f32 v4, v2  }
0x61: {  	v4 =	vld [tilespmem:s21+$0x6500]  }
0x62: {  	v2 =	vadd.f32 v5, v2  }
0x63: {  	v5 =	vld [tilespmem:s21+$0x6580]  }
0x64: {  	v2 =	vadd.f32 v3, v2  }
0x65: {  	v3 =	vld [tilespmem:s21+$0x6600]  }
0x66: {  	v2 =	vadd.f32 v4, v2  }
0x67: {  	v4 =	vld [tilespmem:s21+$0x6680]  }
0x68: {  	v2 =	vadd.f32 v5, v2  }
0x69: {  	v5 =	vld [tilespmem:s21+$0x6700]  }
0x6a: {  	v2 =	vadd.f32 v3, v2  }
.Ltmp2:
0x6b: {  	(pc) =	sbr.rel @p0 .LBB2_6-.Ltmp2, $3  }
0x6c: {  	v2 =	vadd.f32 v4, v2;
	_ =	sdelay $0x1  }
0x6d: {  	s19 =	sadd.s32 $0x80, s19;
	s18 =	sadd.s32 $0x10, s18;
	v2 =	vadd.f32 v5, v2  }
0x6e: {  	s22 =	sand.u32 $0x1C00, s19;
	s21 =	sand.u32 $0x70, s20;
	s20 =	sadd.s32 $0x10, s20  }
0x6f: {  	s19 =	sor.u32 s21, s22;
	[tilespmem:s18+$0x0] =	vst v2  }
0x70: {  	v2 =	vld [tilespmem:s19+$0x4F80];
	_ =	sdelay $0x1  }
0x71: {  	v3 =	vld [tilespmem:s19+$0x5000];
	_ =	sdelay $0x1  }
0x72: {  	v4 =	vld [tilespmem:s19+$0x5080]  }
0x73: {  	v2 =	vadd.f32 $0.0e+00, v2  }
0x74: {  	v5 =	vld [tilespmem:s19+$0x5100]  }
0x75: {  	v2 =	vadd.f32 v3, v2  }
0x76: {  	v3 =	vld [tilespmem:s19+$0x5180]  }
0x77: {  	v2 =	vadd.f32 v4, v2  }
0x78: {  	v56 =	vld [tilespmem:s19+$0x5200]  }
0x79: {  	v2 =	vadd.f32 v5, v2  }
0x7a: {  	v57 =	vld [tilespmem:s19+$0x5280]  }
0x7b: {  	v2 =	vadd.f32 v3, v2  }
0x7c: {  	v3 =	vld [tilespmem:s19+$0x5300]  }
0x7d: {  	v2 =	vadd.f32 v56, v2  }
0x7e: {  	v58 =	vld [tilespmem:s19+$0x6380]  }
0x7f: {  	v2 =	vadd.f32 v57, v2  }
0x80: {  	v59 =	vld [tilespmem:s19+$0x6400]  }
0x81: {  	v2 =	vadd.f32 v3, v2  }
0x82: {  	v3 =	vld [tilespmem:s19+$0x6480]  }
0x83: {  	v2 =	vadd.f32 v58, v2  }
0x84: {  	v60 =	vld [tilespmem:s19+$0x6500]  }
0x85: {  	v2 =	vadd.f32 v59, v2  }
0x86: {  	v61 =	vld [tilespmem:s19+$0x6580]  }
0x87: {  	v2 =	vadd.f32 v3, v2  }
0x88: {  	v3 =	vld [tilespmem:s19+$0x6600]  }
0x89: {  	v2 =	vadd.f32 v60, v2  }
0x8a: {  	v62 =	vld [tilespmem:s19+$0x6680]  }
0x8b: {  	v2 =	vadd.f32 v61, v2  }
0x8c: {  	v63 =	vld [tilespmem:s19+$0x6700]  }
0x8d: {  	v2 =	vadd.f32 v3, v2;
	_ =	sdelay $0x1  }
0x8e: {  	v2 =	vadd.f32 v62, v2;
	_ =	sdelay $0x1  }
0x8f: {  	s17 =	sadd.s32 $0x1, s17;
	v2 =	vadd.f32 v63, v2  }
0x90: {  	s31 =	sadd.s32 $0x10, s18;
	p0 =	sne.s32 s17, s7  }
.Ltmp3:
0x91: {  	[tilespmem:s31+$0x0] =	vst v2;
	(pc) =	sbr.rel @p0 .LBB2_1-.Ltmp3, $4  }
0x92: {  	[hbm4b:s6+s10] =	stream.strided.scatter [tilespmem:s16], [sflag:$0x1], $0x280, s15, s10, $0x38;
	[tilespmem:$0xA200] =	vst v63  }
0x93: {  	_ =	swait.ge [sflag:s9], $0x280  }
0x94: {  	[sflag:s9] =	ssyncset.done $0x0  }
0x95: {  	[sflag:s9] =	ssyncadd.s32 $0xFFFFFD80  }
0x96: {  	_ =	sfence.sel $0x180000  }
0x97: {  	[bflag:$0x0] =	sbarrier.arrive $0xFFFF  }
0x98: {  	p0 =	sne.s32 s0, $0x0;
	_ =	strace $0x90000047  }
0x99: {  	s0 =	sadd.s32 @!p0 $0x100000, s1;
	[bflag:$0x2] =	sbarrier.arrive $0xFFFF  }
0x9a: {  	[sflag:s0] =	ssyncadd.tile.s32 @!p0 $0x1;
	_ =	shalt  }
.Lfunc_end2:
_tile_overlayer_lowered:
.L_overlay_start_2:
0x9b: {  	(tag) =	ssettag $0x2  }
0x9c: {  	s0 =	rddreg [dreg:$0x0];
	s2 =	stileid.u32  }
0x9d: {  	s1 =	rddreg [dreg:$0x1];
	p0 =	sne.s32 s2, $0x0  }
0x9e: {  	s3 =	rddreg [dreg:$0x2];
	[bflag:$0x3] =	sbarrier.arrive $0xFFFF;
	s2 =	simm.s32 @!p0 $0x1C01  }
0x9f: {  	[timem:s3], [sflag:s2] =	dma.local @!p0 [hbm:s0], s1  }
0xa0: {  	s0 =	simm.s32 @!p0 $0x1  }
0xa1: {  	_ =	swait.ge @!p0 [sflag:s0], s1  }
0xa2: {  	s1 =	ssub.s32 @!p0 $0x0, s1;
	[sflag:s0] =	ssyncset.done @!p0 $0x0  }
0xa3: {  	[sflag:s0] =	ssyncadd.s32 @!p0 s1  }
0xa4: {  	[bflag:$0x3] =	sbarrier.arrive $0xFFFF  }
0xa5: {  	_ =	shalt  }

// kernel: kernel.9.cloned.1.call-start
scs
__scs_entry_jumppad:
0x0: {  	(pc) =	sbr.rel $0x88, $3  }
0x1: {  	(tag) =	ssettag $0x0;
	lr =	simm.s32 $0x1  }
0x2: {  	[smem:$0x3F9D] =	sst lr;
	_ =	strace $0xD0000000  }
0x3: {  	_ = 	snop  }
0x4: {  	_ = 	snop  }
0x5: {  	_ = 	snop  }
0x6: {  	_ = 	snop  }
0x7: {  	_ = 	snop  }
__scs_overlays_trampoline_lowered:
0x8: {  	[smem:$0x3FAC] =	sst s0  }
0x9: {  	[smem:$0x3FAD] =	sst s1  }
0xa: {  	[smem:$0x3FAE] =	sst s2  }
0xb: {  	[smem:$0x3FAF] =	sst s3  }
0xc: {  	[smem:$0x3FB0] =	sst s4  }
0xd: {  	[smem:$0x3FB1] =	sst s5  }
0xe: {  	[smem:$0x3FB2] =	sst s6  }
0xf: {  	[smem:$0x3FB3] =	sst s7  }
0x10: {  	[smem:$0x3FB4] =	sst s8  }
0x11: {  	[smem:$0x3FB5] =	sst s9;
	s0 =	simm.s32 @!p0 $0x0  }
0x12: {  	s1 =	sld [smem:$0x3F9B];
	s0 =	simm.s32 @p0 $0x1  }
0x13: {  	[smem:$0x3FB6] =	sst s0;
	s0 =	simm.s32 @!p1 $0x0  }
0x14: {  	s2 =	sld [smem:$0x3F9A];
	s0 =	simm.s32 @p1 $0x1  }
0x15: {  	[smem:$0x3FB7] =	sst s0;
	s0 =	simm.s32 @!p2 $0x0  }
0x16: {  	s3 =	sld [smem:$0x3FDB];
	s0 =	simm.s32 @p2 $0x1  }
0x17: {  	s4 =	simm.s32 $0x1BF5;
	[smem:$0x3FB9] =	sst s0  }
0x18: {  	s0 =	sld [smem:$0x3F9C];
	_ =	swait.ge [sflag:s4], $0x0  }
0x19: {  	s7 =	sld [smem:$0x3F9D]  }
0x1a: {  	s8 =	sadd.s32 $0xFFFFE003, lr  }
0x1b: {  	s9 =	sadd.s32 $0xFFFFFEF7, lr;
	s5 =	simm.s32 $0xFFFFFFFF;
	p2 =	slt.u32 s8, $0xFFFFF086  }
0x1c: {  	p1 =	slt.u32 s9, $0xF7A;
	s5 =	simm.s32 @!p2 $0x0  }
0x1d: {  	s5 =	simm.s32 @p1 $0x1;
	p0 =	seq.s32 s7, s2  }
0x1e: {  	s7 =	smul.u32 @!p0 $0xF7A, s2;
	p2 =	seq.s32 @!p0 s5, $0x0  }
0x1f: {  	s9 =	smul.u32 $0xF7A, s1;
	s8 =	simm.s32 @!p0 $0x1BF5;
	p2 =	por !p2, p0  }
0x20: {  	[sflag:s8] =	ssyncset.s32 @!p0 $0xFFFFF086;
	s6 =	sadd.s32 @!p0 s3, s7;
	s7 =	simm.s32 @!p0 $0x108  }
0x21: {  	s3 =	sadd.s32 s3, s9;
	s6 =	sadd.s32 @!p0 $0x88, s6;
	s7 =	simm.s32 @p2 $0x1082  }
0x22: {  	[simem:s7], [sflag:s8] =	dma.local @!p0 [hbm:s6], $0xF7A  }
0x23: {  	s9 =	sor.u32 $0xD0000000, s2;
	s6 =	simm.s32 $0x108;
	_ =	swait.ge @!p0 [sflag:s8], $0x0  }
0x24: {  	s3 =	sadd.s32 $0x88, s3;
	s6 =	simm.s32 @!p1 $0x1082;
	[sflag:s4] =	ssyncset.s32 $0xFFFFF086  }
0x25: {  	[simem:s6], [sflag:s4] =	dma.local [hbm:s3], $0xF7A  }
0x26: {  	[smem:$0x3F9D] =	sst s1;
	(tag) =	ssettag s2;
	_ =	strace s9  }
0x27: {  	s1 =	sld [smem:$0x3FAD]  }
0x28: {  	s2 =	sld [smem:$0x3FAE]  }
0x29: {  	s4 =	sld [smem:$0x3FB0]  }
0x2a: {  	p0 =	seq.s32 s5, $0x0;
	s5 =	sld [smem:$0x3FB1]  }
0x2b: {  	s6 =	sld [smem:$0x3FB2]  }
0x2c: {  	s7 =	sld [smem:$0x3FB3]  }
0x2d: {  	s3 =	simm.s32 $0x108;
	s8 =	sld [smem:$0x3FB4]  }
0x2e: {  	s3 =	simm.s32 @!p0 $0x1082;
	s9 =	sld [smem:$0x3FB5]  }
0x2f: {  	lr =	sadd.s32 s0, s3;
	s0 =	sld [smem:$0x3FAC]  }
0x30: {  	s3 =	sld [smem:$0x3FAF]  }
0x31: {  	[smem:$0x3FB8] =	sst s10  }
0x32: {  	s10 =	sld [smem:$0x3FB6];
	_ =	sdelay $0x3  }
0x33: {  	p0 =	seq.s32 s10, $0x1;
	s10 =	sld [smem:$0x3FB8];
	_ =	sdelay $0x3  }
0x34: {  	[smem:$0x3FB8] =	sst s10  }
0x35: {  	s10 =	sld [smem:$0x3FB7];
	_ =	sdelay $0x3  }
0x36: {  	p1 =	seq.s32 s10, $0x1;
	s10 =	sld [smem:$0x3FB8];
	_ =	sdelay $0x3  }
0x37: {  	[smem:$0x3FB8] =	sst s10  }
0x38: {  	s10 =	sld [smem:$0x3FB9]  }
0x39: {  	_ = 	snop;
	(pc) =	sbr.ind lr, $3  }
0x3a: {  	_ = 	snop  }
0x3b: {  	_ = 	snop  }
0x3c: {  	p2 =	seq.s32 s10, $0x1;
	s10 =	sld [smem:$0x3FB8]  }
0x3d: {  	_ =	shalt  }
0x3e: {  	_ =	shalt  }
0x3f: {  	_ =	shalt  }
0x40: {  	_ =	shalt  }
0x41: {  	_ =	shalt  }
0x42: {  	_ =	shalt  }
0x43: {  	_ =	shalt  }
0x44: {  	_ =	shalt  }
0x45: {  	_ =	shalt  }
0x46: {  	_ =	shalt  }
0x47: {  	_ =	shalt  }
0x48: {  	_ =	shalt  }
0x49: {  	_ =	shalt  }
0x4a: {  	_ =	shalt  }
0x4b: {  	_ =	shalt  }
0x4c: {  	_ =	shalt  }
0x4d: {  	_ =	shalt  }
0x4e: {  	_ =	shalt  }
0x4f: {  	_ =	shalt  }
0x50: {  	_ =	shalt  }
0x51: {  	_ =	shalt  }
0x52: {  	_ =	shalt  }
0x53: {  	_ =	shalt  }
0x54: {  	_ =	shalt  }
0x55: {  	_ =	shalt  }
0x56: {  	_ =	shalt  }
0x57: {  	_ =	shalt  }
0x58: {  	_ =	shalt  }
0x59: {  	_ =	shalt  }
0x5a: {  	_ =	shalt  }
0x5b: {  	_ =	shalt  }
0x5c: {  	_ =	shalt  }
0x5d: {  	_ =	shalt  }
0x5e: {  	_ =	shalt  }
0x5f: {  	_ =	shalt  }
0x60: {  	_ =	shalt  }
0x61: {  	_ =	shalt  }
0x62: {  	_ =	shalt  }
0x63: {  	_ =	shalt  }
0x64: {  	_ =	shalt  }
0x65: {  	_ =	shalt  }
0x66: {  	_ =	shalt  }
0x67: {  	_ =	shalt  }
0x68: {  	_ =	shalt  }
0x69: {  	_ =	shalt  }
0x6a: {  	_ =	shalt  }
0x6b: {  	_ =	shalt  }
0x6c: {  	_ =	shalt  }
0x6d: {  	_ =	shalt  }
0x6e: {  	_ =	shalt  }
0x6f: {  	_ =	shalt  }
0x70: {  	_ =	shalt  }
0x71: {  	_ =	shalt  }
0x72: {  	_ =	shalt  }
0x73: {  	_ =	shalt  }
0x74: {  	_ =	shalt  }
0x75: {  	_ =	shalt  }
0x76: {  	_ =	shalt  }
0x77: {  	_ =	shalt  }
0x78: {  	_ =	shalt  }
0x79: {  	_ =	shalt  }
0x7a: {  	_ =	shalt  }
0x7b: {  	_ =	shalt  }
0x7c: {  	_ =	shalt  }
0x7d: {  	_ =	shalt  }
0x7e: {  	_ =	shalt  }
0x7f: {  	_ =	shalt  }
0x80: {  	_ =	shalt  }
0x81: {  	_ =	shalt  }
0x82: {  	_ =	shalt  }
0x83: {  	_ =	shalt  }
0x84: {  	_ =	shalt  }
0x85: {  	_ =	shalt  }
0x86: {  	_ =	shalt  }
0x87: {  	_ =	shalt  }
.Lfunc_end0:
.L_simem_size_0:
called_computation.1_lowered:
.L_overlay_start_0:
0x88: {  	s2 =	sld [smem:$0x3FD9]  }
0x89: {  	s3 =	sld [smem:$0x3FFE];
	_ =	sdelay $0x1  }
0x8a: {  	s1 =	srdreg.scid  }
0x8b: {  	s0 =	sand.u32 $0x1, s1  }
0x8c: {  	s14 =	sshll.u32 s0, $0xA;
	s2 =	sadd.s32 s3, s2  }
0x8d: {  	s2 =	sadd.s32 s2, s14  }
0x8e: {  	[smem:$0x3FC4] =	sst s2  }
0x8f: {  	_ = 	snop  }
0x90: {  	s2 =	sld [smem:$0x3FD0];
	_ =	sdelay $0x2  }
0x91: {  	s15 =	simm.s32 $0xA;
	s4 =	simm.s32 $0x10  }
0x92: {  	[smem:s4], [sflag:s15] =	dma.local [hbm:s2], $0x1  }
0x93: {  	_ =	swait.eq [sflag:s15], $0x1  }
0x94: {  	[sflag:s15] =	ssyncset.done $0x0  }
0x95: {  	[sflag:s15] =	ssyncadd.s32 $0xFFFFFFFF  }
0x96: {  	s16 =	sld [smem:$0x11];
	(tm) =	ssettm $0x1  }
0x97: {  	s17 =	sld [smem:$0x3FFB];
	_ =	sdelay $0x3  }
0x98: {  	_ =	strace s17  }
0x99: {  	s3 =	sld [smem:$0x3FFC];
	_ =	sdelay $0x3  }
0x9a: {  	_ =	strace s3  }
0x9b: {  	s3 =	sld [smem:$0x3FFD];
	_ =	sdelay $0x3  }
0x9c: {  	_ =	strace s3  }
0x9d: {  	_ =	strace $0x8FFFFFFF  }
0x9e: {  	s18 =	sld [smem:$0x3FDB];
	_ =	sdelay $0x1  }
0x9f: {  	s19 =	simm.s32 $_scs_section_size  }
0xa0: {  	s5 =	simm.s32 $_size__tile_overlayer_lowered;
	s6 =	simm.s32 $_tile_overlayer_lowered  }
0xa1: {  	s22 =	simm.s32 $0x1BFF;
	s21 =	sshll.u32 s6, $0x1;
	s3 =	sadd.s32 s19, s18  }
0xa2: {  	s7 =	simm.s32 $0x0;
	s20 =	sshll.u32 s5, $0x1;
	s5 =	sadd.s32 s21, s3  }
0xa3: {  	[timem:s7], [sflag:s22] =	dma.local [hbm:s5], s20  }
0xa4: {  	_ =	swait.ge [sflag:s22], s20  }
0xa5: {  	s4 =	ssub.s32 $0x0, s20;
	[sflag:s22] =	ssyncset.done $0x0  }
0xa6: {  	[sflag:s22] =	ssyncadd.s32 s4;
	_ =	sdelay $0x1  }
0xa7: {  	s23 =	simm.s32 $0x1B8B  }
0xa8: {  	_ =	swait.ge [sflag:s23], $0x1  }
0xa9: {  	[sflag:s23] =	ssyncset.done $0x0  }
0xaa: {  	s25 =	simm.s32 $0x1B8E;
	s24 =	sld [smem:$0x3FFE];
	[sflag:s23] =	ssyncadd.s32 $0xFFFFFFFF  }
0xab: {  	s26 =	simm.s32 $execute0_lowered;
	[smem:$0x3FD2] =	sst s25  }
0xac: {  	s5 =	sshll.u32 s26, $0x1;
	_ =	strace $0x80000049;
	[dreg:$0x1] =	wrdreg $0xFFFFFFFF  }
0xad: {  	s28 =	simm.s32 $_size_execute0_lowered;
	s3 =	sadd.s32 s3, s5;
	[dreg:$0x0] =	wrdreg $0x0  }
0xae: {  	s5 =	sshll.u32 s28, $0x1;
	[dreg:$0x2] =	wrdreg s3  }
0xaf: {  	[dreg:$0x3] =	wrdreg s5  }
0xb0: {  	[dreg:$0x4] =	wrdreg $0xC0  }
0xb1: {  	_ =	task [dreg:s7], $0x5FFFF  }
0xb2: {  	[dreg:$0x1] =	wrdreg $0xFFFFFFFF  }
0xb3: {  	[dreg:$0x0] =	wrdreg $0x60  }
0xb4: {  	[dreg:$0x2] =	wrdreg s24  }
0xb5: {  	[dreg:$0x3] =	wrdreg s16  }
0xb6: {  	[dreg:$0x4] =	wrdreg $0xB0000  }
0xb7: {  	[dreg:$0x5] =	wrdreg $0x9  }
0xb8: {  	_ =	task.clear_ibuf [dreg:s7], $0x6FFFF;
	_ =	strace $0x90000049  }
0xb9: {  	s29 =	simm.s32 $0x9;
	_ =	strace $0x8000004B  }
0xba: {  	_ =	swait.ge [sflag:s29], $0x1  }
0xbb: {  	[sflag:s29] =	ssyncadd.s32 $0xFFFFFFFF  }
0xbc: {  	_ =	strace $0x9000004B  }
0xbd: {  	_ =	sfence  }
0xbe: {  	s30 =	sld [smem:$0x0];
	_ =	sdelay $0x2  }
0xbf: {  	s31 =	sshll.u32 s1, $0xD;
	s1 =	sshrl.u32 s1, $0x2  }
0xc0: {  	s3 =	sand.u32 $0x4000, s31;
	s1 =	sadd.s32 s1, s30  }
0xc1: {  	s0 =	sor.u32 s3, s0;
	s1 =	sshll.u32 s1, $0x11  }
0xc2: {  	s0 =	sor.u32 s1, s0  }
0xc3: {  	s0 =	sadd.s32 $0x8F2B, s0  }
0xc4: {  	[sflag:s0] =	ssyncadd.remote.s32 $0x1  }
0xc5: {  	_ =	sfence.sel $0xFFFF  }
0xc6: {  	[dreg:$0x0] =	wrdreg $0xFFFFFFFF;
	(pc) =	sbr.abs _section_cstart, $3  }
0xc7: {  	[dreg:$0x1] =	wrdreg $0xFFFFFFFF  }
0xc8: {  	_ =	task.clear_ibuf [dreg:s7], $0x2FFFF;
	_ =	strace $0x9FFFFFFF  }
0xc9: {  	(tm) =	ssettm $0x7FFFFFFF  }
tec
execute0_lowered:
.L_overlay_start_1:
0x0: {  	(tag) =	ssettag $0x1  }
0x1: {  	s0 =	rddreg [dreg:$0x0];
	s10 =	stileid.u32  }
0x2: {  	s3 =	srdreg.scid;
	s8 =	smul.u32 $0x50000, s10  }
0x3: {  	s1 =	rddreg [dreg:$0x1];
	s3 =	sand.u32 $0x1, s3;
	s12 =	smul.u32 $0xFC00, s10  }
0x4: {  	s2 =	rddreg [dreg:$0x2];
	s5 =	simm.s32 $0x0;
	s4 =	smul.u32 $0x140000, s3  }
0x5: {  	[smem:$0x7FF] =	sst s5;
	s16 =	ssub.s32 $0x2, s3;
	s3 =	smul.u32 $0xFC000, s3  }
0x6: {  	s7 =	smul.u32 $0x14000, s10;
	_ =	strace $0x8000004A;
	s13 =	sshrl.u32 s12, $0x3  }
0x7: {  	s8 =	sshrl.u32 s8, $0x2;
	s18 =	sadd.s32 s12, s3;
	s3 =	sadd.s32 s1, s13  }
0x8: {  	s4 =	sadd.s32 s7, s4;
	s7 =	sadd.s32 s8, s2;
	[dreg:$0x12] =	wrdreg s3  }
0x9: {  	s8 =	sadd.s32 $0x1400, s7;
	[dreg:$0x4] =	wrdreg s7  }
0xa: {  	s19 =	sadd.s32 $0x2800, s7;
	[dreg:$0x5] =	wrdreg s8  }
0xb: {  	s20 =	sadd.s32 $0x3C00, s7;
	[dreg:$0x6] =	wrdreg s19  }
0xc: {  	s21 =	sadd.s32 $0x5000, s7;
	[dreg:$0x7] =	wrdreg s20  }
0xd: {  	s22 =	sadd.s32 $0x6400, s7;
	[dreg:$0x8] =	wrdreg s21  }
0xe: {  	s23 =	sadd.s32 $0x7800, s7;
	[dreg:$0x9] =	wrdreg s22  }
0xf: {  	s24 =	sadd.s32 $0x8C00, s7;
	[dreg:$0xa] =	wrdreg s23  }
0x10: {  	s25 =	sadd.s32 $0xA000, s7;
	[dreg:$0xb] =	wrdreg s24  }
0x11: {  	s26 =	sadd.s32 $0xB400, s7;
	[dreg:$0xc] =	wrdreg s25  }
0x12: {  	s9 =	sshrl.u32 s16, $0x1;
	s31 =	sadd.s32 $0xC800, s7;
	[dreg:$0xd] =	wrdreg s26  }
0x13: {  	s17 =	ssub.s32 s16, s9;
	s11 =	sadd.s32 $0xF000, s7;
	[dreg:$0xe] =	wrdreg s31  }
0x14: {  	s14 =	smax.u32 s17, $0x1;
	[dreg:$0x10] =	wrdreg s11  }
0x15: {  	s15 =	sadd.s32 $0x10400, s7;
	[dreg:$0x14] =	wrdreg s14  }
0x16: {  	s16 =	sadd.s32 $0x11800, s7;
	[dreg:$0x15] =	wrdreg s15  }
0x17: {  	s17 =	sadd.s32 $0x12C00, s7;
	[dreg:$0x16] =	wrdreg s16  }
0x18: {  	s8 =	sadd.s32 $0xDC00, s7;
	[dreg:$0x17] =	wrdreg s17  }
0x19: {  	s19 =	sadd.s32 $0x140000, s2;
	[dreg:$0xf] =	wrdreg s8  }
0x1a: {  	s21 =	sadd.s32 $0x10, s3;
	[dreg:$0x18] =	wrdreg s19  }
0x1b: {  	s23 =	sadd.s32 $0x20, s3;
	[dreg:$0x1a] =	wrdreg s21  }
0x1c: {  	s25 =	sadd.s32 $0x30, s3;
	[dreg:$0x1c] =	wrdreg s23  }
0x1d: {  	s5 =	sadd.s32 $0x40C00, s0;
	s31 =	sadd.s32 $0x40, s3;
	[dreg:$0x1e] =	wrdreg s25  }
0x1e: {  	s6 =	sadd.s32 $0x1C00, s0;
	s11 =	sadd.s32 $0x60, s3;
	[smem:$0x7EB] =	sst s31  }
0x1f: {  	s4 =	sshrl.u32 s4, $0x3;
	s14 =	sadd.s32 $0x70, s3;
	[smem:$0x7EF] =	sst s11  }
0x20: {  	s0 =	sadd.s32 s4, s0;
	s16 =	sadd.s32 $0x80, s3;
	[smem:$0x7F1] =	sst s14  }
0x21: {  	s9 =	sshrl.u32 s18, $0x3;
	s0 =	sadd.s32 $0x90C00, s0;
	[smem:$0x7F3] =	sst s16  }
0x22: {  	s8 =	sadd.s32 s6, s9;
	s9 =	sadd.s32 $0x50, s3;
	[dreg:$0x13] =	wrdreg s0  }
0x23: {  	s19 =	sadd.s32 $0x90, s3;
	[smem:$0x7ED] =	sst s9  }
0x24: {  	s21 =	sadd.s32 $0xA0, s3;
	[smem:$0x7F5] =	sst s19  }
0x25: {  	s23 =	sadd.s32 $0xB0, s3;
	[smem:$0x7F7] =	sst s21  }
0x26: {  	s25 =	sadd.s32 $0xC0, s3;
	[smem:$0x7F9] =	sst s23  }
0x27: {  	[smem:$0x7FB] =	sst s25  }
0x28: {  	s31 =	sadd.s32 $0xD0, s3;
	[dreg:$0x11] =	wrdreg s8  }
0x29: {  	s20 =	sadd.s32 $0x10, s8;
	[smem:$0x7FD] =	sst s31  }
0x2a: {  	s22 =	sadd.s32 $0x20, s8;
	[dreg:$0x19] =	wrdreg s20  }
0x2b: {  	s24 =	sadd.s32 $0x30, s8;
	[dreg:$0x1b] =	wrdreg s22  }
0x2c: {  	s26 =	sadd.s32 $0x40, s8;
	[dreg:$0x1d] =	wrdreg s24  }
0x2d: {  	s4 =	sadd.s32 $0x50, s8;
	[dreg:$0x1f] =	wrdreg s26  }
0x2e: {  	p0 =	sne.s32 s10, $0x0;
	s10 =	sadd.s32 $0x60, s8;
	[smem:$0x7EC] =	sst s4  }
0x2f: {  	s13 =	sadd.s32 $0x70, s8;
	[smem:$0x7EE] =	sst s10  }
0x30: {  	s28 =	simm.s32 $0x1A80;
	s15 =	sadd.s32 $0x80, s8;
	[smem:$0x7F0] =	sst s13  }
0x31: {  	s29 =	simm.s32 $0x4C00;
	s17 =	sadd.s32 $0x90, s8;
	[smem:$0x7F2] =	sst s15  }
0x32: {  	s30 =	simm.s32 $0x5;
	[smem:$0x7F4] =	sst s17;
	s20 =	sadd.s32 $0xA0, s8  }
.Ltmp0:
0x33: {  	s22 =	sadd.s32 $0xB0, s8;
	[smem:$0x7F6] =	sst s20;
	(pc) =	sbr.rel .LBB2_1-.Ltmp0, $4  }
0x34: {  	s21 =	simm.s32 $0x2400;
	s24 =	sadd.s32 $0xC0, s8;
	[smem:$0x7F8] =	sst s22  }
0x35: {  	s9 =	simm.s32 $0x7400;
	s26 =	sadd.s32 $0xD0, s8;
	[smem:$0x7FA] =	sst s24  }
0x36: {  	s0 =	simm.s32 $0x0;
	s10 =	simm.s32 $0x16;
	[smem:$0x7FC] =	sst s26  }
0x37: {  	v0 =	vimm.f32 $0.0e+00;
	s20 =	simm.s32 $0x2280;
	s22 =	simm.s32 $0x28;
	s26 =	simm.s32 $0x9C00  }
.LBB2_6:
0x38: {  	s3 =	stileid.u32;
	[bflag:$0x0] =	sbarrier.arrive $0xFFFF  }
0x39: {  	s3 =	sshll.u32 s3, $0x6;
	s7 =	rddreg [dreg:$0x4]  }
0x3a: {  	s11 =	rddreg [dreg:$0x13];
	s3 =	sor.u32 $0x1C16, s3;
	s4 =	sshrl.u32 s7, $0x3  }
0x3b: {  	[hbm:s11], [sflag:s3] =	dma.local [spmem:s4], $0x2800  }
0x3c: {  	_ =	swait.ge [sflag:s10], $0x2800  }
0x3d: {  	s0 =	sld [smem:$0x7EA];
	_ =	sdelay $0x2  }
0x3e: {  	s31 =	rddreg [dreg:$0x14];
	s0 =	sadd.s32 $0x1, s0  }
0x3f: {  	p1 =	sne.s32 s0, s31  }
.Ltmp1:
0x40: {  	_ = 	snop;
	(pc) =	sbr.rel @!p1 .LBB2_7-.Ltmp1, $3  }
0x41: {  	_ =	sdelay $0x1  }
0x42: {  	[sflag:s10] =	ssyncset.done $0x0  }
0x43: {  	s28 =	simm.s32 $0x1A80;
	[sflag:s10] =	ssyncadd.s32 $0xFFFFD800  }
.LBB2_1:
0x44: {  	[smem:$0x7EA] =	sst s0;
	s3 =	simm.s32 $0x0;
	s4 =	simm.s32 $0x200  }
.LBB2_2:
0x45: {  	p1 =	sne.s32 s4, $0x4E00;
	[tilespmem:s3+$0x70] =	vst v0  }
0x46: {  	[tilespmem:s3+$0x0] =	vst v0  }
0x47: {  	[tilespmem:s3+$0x10] =	vst v0  }
.Ltmp2:
0x48: {  	[tilespmem:s3+$0x20] =	vst v0;
	(pc) =	sbr.rel @p1 .LBB2_2-.Ltmp2, $4  }
0x49: {  	[tilespmem:s3+$0x30] =	vst v0  }
0x4a: {  	[tilespmem:s3+$0x40] =	vst v0  }
0x4b: {  	[tilespmem:s3+$0x50] =	vst v0  }
0x4c: {  	[tilespmem:s3+$0x60] =	vst v0;
	s3 =	sshra.s32 s4, $0x2;
	s4 =	sadd.s32 $0x200, s4  }
0x4d: {  	[tilespmem:s3+$0x70] =	vst v0  }
0x4e: {  	[tilespmem:s3+$0x0] =	vst v0  }
0x4f: {  	[tilespmem:s3+$0x10] =	vst v0  }
0x50: {  	[tilespmem:s3+$0x20] =	vst v0  }
0x51: {  	[tilespmem:s3+$0x30] =	vst v0  }
0x52: {  	[tilespmem:s3+$0x40] =	vst v0  }
0x53: {  	[tilespmem:s3+$0x50] =	vst v0  }
0x54: {  	[tilespmem:s3+$0x60] =	vst v0;
	s3 =	simm.s32 $0x0  }
0x55: {  	[spmem:s7] =	stream.linear.scatter [tilespmem:s3], [sflag:$0x16], $0x1400, $0x38;
	[tilespmem:$0x1F040] =	vst v63  }
0x56: {  	_ =	swait.ge [sflag:s10], $0x1400  }
0x57: {  	[sflag:s10] =	ssyncset.done $0x0  }
0x58: {  	s4 =	rddreg [dreg:$0x5];
	[sflag:s10] =	ssyncadd.s32 $0xFFFFEC00  }
0x59: {  	[spmem:s4] =	stream.linear.scatter [tilespmem:s3], [sflag:$0x16], $0x1400, $0x38;
	[tilespmem:$0x1F040] =	vst v63  }
0x5a: {  	_ =	swait.ge [sflag:s10], $0x1400  }
0x5b: {  	[sflag:s10] =	ssyncset.done $0x0  }
0x5c: {  	s14 =	rddreg [dreg:$0x6];
	[sflag:s10] =	ssyncadd.s32 $0xFFFFEC00  }
0x5d: {  	[spmem:s14] =	stream.linear.scatter [tilespmem:s3], [sflag:$0x16], $0x1400, $0x38;
	[tilespmem:$0x1F040] =	vst v63  }
0x5e: {  	_ =	swait.ge [sflag:s10], $0x1400  }
0x5f: {  	[sflag:s10] =	ssyncset.done $0x0  }
0x60: {  	s15 =	rddreg [dreg:$0x7];
	[sflag:s10] =	ssyncadd.s32 $0xFFFFEC00  }
0x61: {  	[spmem:s15] =	stream.linear.scatter [tilespmem:s3], [sflag:$0x16], $0x1400, $0x38;
	[tilespmem:$0x1F040] =	vst v63  }
0x62: {  	_ =	swait.ge [sflag:s10], $0x1400  }
0x63: {  	[sflag:s10] =	ssyncset.done $0x0  }
0x64: {  	s16 =	rddreg [dreg:$0x8];
	[sflag:s10] =	ssyncadd.s32 $0xFFFFEC00  }
0x65: {  	[spmem:s16] =	stream.linear.scatter [tilespmem:s3], [sflag:$0x16], $0x1400, $0x38;
	[tilespmem:$0x1F040] =	vst v63  }
0x66: {  	_ =	swait.ge [sflag:s10], $0x1400  }
0x67: {  	[sflag:s10] =	ssyncset.done $0x0  }
0x68: {  	s17 =	rddreg [dreg:$0x9];
	[sflag:s10] =	ssyncadd.s32 $0xFFFFEC00  }
0x69: {  	[spmem:s17] =	stream.linear.scatter [tilespmem:s3], [sflag:$0x16], $0x1400, $0x38;
	[tilespmem:$0x1F040] =	vst v63  }
0x6a: {  	_ =	swait.ge [sflag:s10], $0x1400  }
0x6b: {  	[sflag:s10] =	ssyncset.done $0x0  }
0x6c: {  	s19 =	rddreg [dreg:$0xa];
	[sflag:s10] =	ssyncadd.s32 $0xFFFFEC00  }
0x6d: {  	[spmem:s19] =	stream.linear.scatter [tilespmem:s3], [sflag:$0x16], $0x1400, $0x38;
	[tilespmem:$0x1F040] =	vst v63  }
0x6e: {  	_ =	swait.ge [sflag:s10], $0x1400  }
0x6f: {  	[sflag:s10] =	ssyncset.done $0x0  }
0x70: {  	s23 =	rddreg [dreg:$0xb];
	[sflag:s10] =	ssyncadd.s32 $0xFFFFEC00  }
0x71: {  	[spmem:s23] =	stream.linear.scatter [tilespmem:s3], [sflag:$0x16], $0x1400, $0x38;
	[tilespmem:$0x1F040] =	vst v63  }
0x72: {  	_ =	swait.ge [sflag:s10], $0x1400  }
0x73: {  	[sflag:s10] =	ssyncset.done $0x0  }
0x74: {  	s24 =	rddreg [dreg:$0xc];
	[sflag:s10] =	ssyncadd.s32 $0xFFFFEC00  }
0x75: {  	[spmem:s24] =	stream.linear.scatter [tilespmem:s3], [sflag:$0x16], $0x1400, $0x38;
	[tilespmem:$0x1F040] =	vst v63  }
0x76: {  	_ =	swait.ge [sflag:s10], $0x1400  }
0x77: {  	[sflag:s10] =	ssyncset.done $0x0  }
0x78: {  	s25 =	rddreg [dreg:$0xd];
	[sflag:s10] =	ssyncadd.s32 $0xFFFFEC00  }
0x79: {  	[spmem:s25] =	stream.linear.scatter [tilespmem:s3], [sflag:$0x16], $0x1400, $0x38;
	[tilespmem:$0x1F040] =	vst v63  }
0x7a: {  	_ =	swait.ge [sflag:s10], $0x1400  }
0x7b: {  	[sflag:s10] =	ssyncset.done $0x0  }
0x7c: {  	s31 =	rddreg [dreg:$0xe];
	[sflag:s10] =	ssyncadd.s32 $0xFFFFEC00  }
0x7d: {  	[spmem:s31] =	stream.linear.scatter [tilespmem:s3], [sflag:$0x16], $0x1400, $0x38;
	[tilespmem:$0x1F040] =	vst v63  }
0x7e: {  	_ =	swait.ge [sflag:s10], $0x1400  }
0x7f: {  	[sflag:s10] =	ssyncset.done $0x0  }
0x80: {  	s0 =	rddreg [dreg:$0xf];
	[sflag:s10] =	ssyncadd.s32 $0xFFFFEC00  }
0x81: {  	[spmem:s0] =	stream.linear.scatter [tilespmem:s3], [sflag:$0x16], $0x1400, $0x38;
	[tilespmem:$0x1F040] =	vst v63  }
0x82: {  	_ =	swait.ge [sflag:s10], $0x1400  }
0x83: {  	[sflag:s10] =	ssyncset.done $0x0  }
0x84: {  	s7 =	rddreg [dreg:$0x10];
	[sflag:s10] =	ssyncadd.s32 $0xFFFFEC00  }
0x85: {  	[spmem:s7] =	stream.linear.scatter [tilespmem:s3], [sflag:$0x16], $0x1400, $0x38;
	[tilespmem:$0x1F040] =	vst v63  }
0x86: {  	_ =	swait.ge [sflag:s10], $0x1400  }
0x87: {  	[sflag:s10] =	ssyncset.done $0x0  }
0x88: {  	s8 =	rddreg [dreg:$0x15];
	[sflag:s10] =	ssyncadd.s32 $0xFFFFEC00  }
0x89: {  	[spmem:s8] =	stream.linear.scatter [tilespmem:s3], [sflag:$0x16], $0x1400, $0x38;
	[tilespmem:$0x1F040] =	vst v63  }
0x8a: {  	_ =	swait.ge [sflag:s10], $0x1400  }
0x8b: {  	[sflag:s10] =	ssyncset.done $0x0  }
0x8c: {  	s11 =	rddreg [dreg:$0x16];
	[sflag:s10] =	ssyncadd.s32 $0xFFFFEC00  }
0x8d: {  	[spmem:s11] =	stream.linear.scatter [tilespmem:s3], [sflag:$0x16], $0x1400, $0x38;
	[tilespmem:$0x1F040] =	vst v63  }
0x8e: {  	_ =	swait.ge [sflag:s10], $0x1400  }
0x8f: {  	[sflag:s10] =	ssyncset.done $0x0  }
0x90: {  	s13 =	rddreg [dreg:$0x17];
	[sflag:s10] =	ssyncadd.s32 $0xFFFFEC00  }
0x91: {  	[spmem:s13] =	stream.linear.scatter [tilespmem:s3], [sflag:$0x16], $0x1400, $0x38;
	[tilespmem:$0x1F040] =	vst v63  }
0x92: {  	_ =	swait.ge [sflag:s10], $0x1400  }
0x93: {  	[sflag:s10] =	ssyncset.done $0x0  }
0x94: {  	s3 =	simm.s32 @!p0 $0x0;
	s4 =	rddreg [dreg:$0x18];
	[sflag:s10] =	ssyncadd.s32 $0xFFFFEC00  }
0x95: {  	[spmem:s4] =	stream.linear.scatter @!p0 [tilespmem:s3], [sflag:$0x16], $0x400, $0x38;
	[tilespmem:$0x1F040] =	vst v63  }
0x96: {  	s3 =	simm.s32 @!p0 $0x16  }
0x97: {  	_ =	swait.ge @!p0 [sflag:s3], $0x400  }
0x98: {  	[sflag:s3] =	ssyncset.done @!p0 $0x0  }
0x99: {  	[sflag:s3] =	ssyncadd.s32 @!p0 $0xFFFFFC00  }
0x9a: {  	[bflag:$0x0] =	sbarrier.arrive $0xFFFF  }
0x9b: {  	s14 =	rddreg [dreg:$0x11]  }
0x9c: {  	s23 =	simm.s32 $0x0;
	s4 =	simm.s32 $0x1400;
	s15 =	rddreg [dreg:$0x12]  }
0x9d: {  	[tilespmem:s4], [sflag:$0x8] =	stream.linear.gather [hbm4b:s14+s23], $0x80, $0x38;
	[tilespmem:$0x1F040] =	vst v63  }
0x9e: {  	s16 =	simm.s32 $0x1C00;
	s17 =	rddreg [dreg:$0x19]  }
0x9f: {  	[tilespmem:s16], [sflag:$0x8] =	stream.linear.gather [hbm4b:s15+s23], $0x80, $0x38;
	[tilespmem:$0x1F040] =	vst v63  }
0xa0: {  	s7 =	simm.s32 $0x1480;
	s19 =	rddreg [dreg:$0x1a]  }
0xa1: {  	[tilespmem:s7], [sflag:$0x9] =	stream.linear.gather [hbm4b:s17+s23], $0x80, $0x38;
	[tilespmem:$0x1F040] =	vst v63  }
0xa2: {  	s13 =	simm.s32 $0x1C80;
	s24 =	rddreg [dreg:$0x1b]  }
0xa3: {  	[tilespmem:s13], [sflag:$0x9] =	stream.linear.gather [hbm4b:s19+s23], $0x80, $0x38;
	[tilespmem:$0x1F040] =	vst v63  }
0xa4: {  	s25 =	rddreg [dreg:$0x1c];
	s13 =	simm.s32 $0x1500  }
0xa5: {  	[tilespmem:s13], [sflag:$0xA] =	stream.linear.gather [hbm4b:s24+s23], $0x80, $0x38;
	[tilespmem:$0x1F040] =	vst v63  }
0xa6: {  	s31 =	rddreg [dreg:$0x1d];
	s14 =	simm.s32 $0x1D00  }
0xa7: {  	[tilespmem:s14], [sflag:$0xA] =	stream.linear.gather [hbm4b:s25+s23], $0x80, $0x38;
	[tilespmem:$0x1F040] =	vst v63  }
0xa8: {  	s0 =	rddreg [dreg:$0x1e];
	s14 =	simm.s32 $0x1580  }
0xa9: {  	[tilespmem:s14], [sflag:$0xB] =	stream.linear.gather [hbm4b:s31+s23], $0x80, $0x38;
	[tilespmem:$0x1F040] =	vst v63  }
0xaa: {  	s8 =	rddreg [dreg:$0x1f];
	s15 =	simm.s32 $0x1D80  }
0xab: {  	[tilespmem:s15], [sflag:$0xB] =	stream.linear.gather [hbm4b:s0+s23], $0x80, $0x38;
	[tilespmem:$0x1F040] =	vst v63  }
0xac: {  	s11 =	sld [smem:$0x7EB];
	s15 =	simm.s32 $0x1600  }
0xad: {  	[tilespmem:s15], [sflag:$0xC] =	stream.linear.gather [hbm4b:s8+s23], $0x80, $0x38;
	[tilespmem:$0x1F040] =	vst v63  }
0xae: {  	s16 =	simm.s32 $0x1E00;
	s17 =	sld [smem:$0x7EC]  }
0xaf: {  	[tilespmem:s16], [sflag:$0xC] =	stream.linear.gather [hbm4b:s11+s23], $0x80, $0x38;
	[tilespmem:$0x1F040] =	vst v63  }
0xb0: {  	s19 =	sld [smem:$0x7ED];
	s16 =	simm.s32 $0x1680  }
0xb1: {  	[tilespmem:s16], [sflag:$0xD] =	stream.linear.gather [hbm4b:s17+s23], $0x80, $0x38;
	[tilespmem:$0x1F040] =	vst v63  }
0xb2: {  	s24 =	sld [smem:$0x7EE];
	s17 =	simm.s32 $0x1E80  }
0xb3: {  	[tilespmem:s17], [sflag:$0xD] =	stream.linear.gather [hbm4b:s19+s23], $0x80, $0x38;
	[tilespmem:$0x1F040] =	vst v63  }
0xb4: {  	s25 =	sld [smem:$0x7EF];
	s17 =	simm.s32 $0x1700  }
0xb5: {  	[tilespmem:s17], [sflag:$0xE] =	stream.linear.gather [hbm4b:s24+s23], $0x80, $0x38;
	[tilespmem:$0x1F040] =	vst v63  }
0xb6: {  	s31 =	sld [smem:$0x7F0];
	s19 =	simm.s32 $0x1F00  }
0xb7: {  	[tilespmem:s19], [sflag:$0xE] =	stream.linear.gather [hbm4b:s25+s23], $0x80, $0x38;
	[tilespmem:$0x1F040] =	vst v63  }
0xb8: {  	s0 =	simm.s32 $0x1780;
	s8 =	sld [smem:$0x7F1]  }
0xb9: {  	[tilespmem:s0], [sflag:$0xF] =	stream.linear.gather [hbm4b:s31+s23], $0x80, $0x38;
	[tilespmem:$0x1F040] =	vst v63  }
0xba: {  	s11 =	simm.s32 $0x1F80;
	s24 =	sld [smem:$0x7F2]  }
0xbb: {  	[tilespmem:s11], [sflag:$0xF] =	stream.linear.gather [hbm4b:s8+s23], $0x80, $0x38;
	[tilespmem:$0x1F040] =	vst v63  }
0xbc: {  	s25 =	simm.s32 $0x1800;
	s31 =	sld [smem:$0x7F3]  }
0xbd: {  	[tilespmem:s25], [sflag:$0x10] =	stream.linear.gather [hbm4b:s24+s23], $0x80, $0x38;
	[tilespmem:$0x1F040] =	vst v63  }
0xbe: {  	s0 =	simm.s32 $0x2000;
	s8 =	sld [smem:$0x7F4]  }
0xbf: {  	[tilespmem:s0], [sflag:$0x10] =	stream.linear.gather [hbm4b:s31+s23], $0x80, $0x38;
	[tilespmem:$0x1F040] =	vst v63  }
0xc0: {  	s11 =	simm.s32 $0x1880;
	s24 =	sld [smem:$0x7F5]  }
0xc1: {  	[tilespmem:s11], [sflag:$0x11] =	stream.linear.gather [hbm4b:s8+s23], $0x80, $0x38;
	[tilespmem:$0x1F040] =	vst v63  }
0xc2: {  	s25 =	simm.s32 $0x2080;
	s31 =	sld [smem:$0x7F6]  }
0xc3: {  	[tilespmem:s25], [sflag:$0x11] =	stream.linear.gather [hbm4b:s24+s23], $0x80, $0x38;
	[tilespmem:$0x1F040] =	vst v63  }
0xc4: {  	s0 =	simm.s32 $0x1900;
	s8 =	sld [smem:$0x7F7]  }
0xc5: {  	[tilespmem:s0], [sflag:$0x12] =	stream.linear.gather [hbm4b:s31+s23], $0x80, $0x38;
	[tilespmem:$0x1F040] =	vst v63  }
0xc6: {  	s11 =	simm.s32 $0x2100;
	s24 =	sld [smem:$0x7F8]  }
0xc7: {  	[tilespmem:s11], [sflag:$0x12] =	stream.linear.gather [hbm4b:s8+s23], $0x80, $0x38;
	[tilespmem:$0x1F040] =	vst v63  }
0xc8: {  	s25 =	simm.s32 $0x1980;
	s31 =	sld [smem:$0x7F9]  }
0xc9: {  	[tilespmem:s25], [sflag:$0x13] =	stream.linear.gather [hbm4b:s24+s23], $0x80, $0x38;
	[tilespmem:$0x1F040] =	vst v63  }
0xca: {  	s0 =	simm.s32 $0x2180;
	s8 =	sld [smem:$0x7FA]  }
0xcb: {  	[tilespmem:s0], [sflag:$0x13] =	stream.linear.gather [hbm4b:s31+s23], $0x80, $0x38;
	[tilespmem:$0x1F040] =	vst v63  }
0xcc: {  	s11 =	simm.s32 $0x1A00;
	s24 =	sld [smem:$0x7FB]  }
0xcd: {  	[tilespmem:s11], [sflag:$0x14] =	stream.linear.gather [hbm4b:s8+s23], $0x80, $0x38;
	[tilespmem:$0x1F040] =	vst v63  }
0xce: {  	s25 =	simm.s32 $0x2200;
	s31 =	sld [smem:$0x7FC]  }
0xcf: {  	[tilespmem:s25], [sflag:$0x14] =	stream.linear.gather [hbm4b:s24+s23], $0x80, $0x38;
	[tilespmem:$0x1F040] =	vst v63  }
0xd0: {  	s0 =	sld [smem:$0x7FD]  }
0xd1: {  	[tilespmem:s28], [sflag:$0x15] =	stream.linear.gather [hbm4b:s31+s23], $0x80, $0x38;
	[tilespmem:$0x1F040] =	vst v63  }
0xd2: {  	_ = 	snop  }
0xd3: {  	[tilespmem:s20], [sflag:$0x15] =	stream.linear.gather [hbm4b:s0+s23], $0x80, $0x38;
	[tilespmem:$0x1F040] =	vst v63  }
0xd4: {  	s0 =	simm.s32 $0x8  }
0xd5: {  	_ =	swait.ge [sflag:s0], $0x80  }
0xd6: {  	[sflag:s0] =	ssyncset.done $0x0  }
0xd7: {  	[sflag:s0] =	ssyncadd.s32 $0xFFFFFF80  }
0xd8: {  	_ =	swait.ge [sflag:s0], $0x80  }
0xd9: {  	[sflag:s0] =	ssyncset.done $0x0  }
0xda: {  	s8 =	simm.s32 $0x9;
	[sflag:s0] =	ssyncadd.s32 $0xFFFFFF80  }
0xdb: {  	[tilespmem:s21], [sflag:$0x1] =	stream.indirect.gather [hbm4b:s5+s22], $0x80, s4, s22, $0xb8;
	[tilespmem:$0x1F040] =	vst v63  }
0xdc: {  	_ =	swait.ge [sflag:s8], $0x80  }
0xdd: {  	[sflag:s8] =	ssyncset.done $0x0  }
0xde: {  	[sflag:s8] =	ssyncadd.s32 $0xFFFFFF80  }
0xdf: {  	_ =	swait.ge [sflag:s8], $0x80  }
0xe0: {  	[sflag:s8] =	ssyncset.done $0x0  }
0xe1: {  	s19 =	simm.s32 $0xA;
	s11 =	simm.s32 $0x3800;
	[sflag:s8] =	ssyncadd.s32 $0xFFFFFF80  }
0xe2: {  	[tilespmem:s11], [sflag:$0x2] =	stream.indirect.gather [hbm4b:s5+s22], $0x80, s7, s22, $0xb8;
	[tilespmem:$0x1F040] =	vst v63  }
0xe3: {  	_ =	swait.ge [sflag:s19], $0x80  }
0xe4: {  	[sflag:s19] =	ssyncset.done $0x0  }
0xe5: {  	[sflag:s19] =	ssyncadd.s32 $0xFFFFFF80  }
0xe6: {  	_ =	swait.ge [sflag:s19], $0x80  }
0xe7: {  	[sflag:s19] =	ssyncset.done $0x0  }
0xe8: {  	s20 =	simm.s32 $0xB;
	[sflag:s19] =	ssyncadd.s32 $0xFFFFFF80  }
0xe9: {  	[tilespmem:s29], [sflag:$0x3] =	stream.indirect.gather [hbm4b:s5+s22], $0x80, s13, s22, $0xb8;
	[tilespmem:$0x1F040] =	vst v63  }
0xea: {  	_ =	swait.ge [sflag:s20], $0x80  }
0xeb: {  	[sflag:s20] =	ssyncset.done $0x0  }
0xec: {  	[sflag:s20] =	ssyncadd.s32 $0xFFFFFF80  }
0xed: {  	_ =	swait.ge [sflag:s20], $0x80  }
0xee: {  	[sflag:s20] =	ssyncset.done $0x0  }
0xef: {  	s24 =	simm.s32 $0xC;
	s21 =	simm.s32 $0x6000;
	[sflag:s20] =	ssyncadd.s32 $0xFFFFFF80  }
0xf0: {  	[tilespmem:s21], [sflag:$0x4] =	stream.indirect.gather [hbm4b:s5+s22], $0x80, s14, s22, $0xb8;
	[tilespmem:$0x1F040] =	vst v63  }
0xf1: {  	_ =	swait.ge [sflag:s24], $0x80  }
0xf2: {  	[sflag:s24] =	ssyncset.done $0x0  }
0xf3: {  	[sflag:s24] =	ssyncadd.s32 $0xFFFFFF80  }
0xf4: {  	_ =	swait.ge [sflag:s24], $0x80  }
0xf5: {  	[sflag:s24] =	ssyncset.done $0x0  }
0xf6: {  	s25 =	simm.s32 $0xD;
	[sflag:s24] =	ssyncadd.s32 $0xFFFFFF80  }
0xf7: {  	[tilespmem:s9], [sflag:$0x5] =	stream.indirect.gather [hbm4b:s5+s22], $0x80, s15, s22, $0xb8;
	[tilespmem:$0x1F040] =	vst v63  }
0xf8: {  	_ =	swait.ge [sflag:s25], $0x80  }
0xf9: {  	[sflag:s25] =	ssyncset.done $0x0  }
0xfa: {  	[sflag:s25] =	ssyncadd.s32 $0xFFFFFF80  }
0xfb: {  	_ =	swait.ge [sflag:s25], $0x80  }
0xfc: {  	[sflag:s25] =	ssyncset.done $0x0  }
0xfd: {  	s31 =	simm.s32 $0xE;
	s29 =	simm.s32 $0x8800;
	[sflag:s25] =	ssyncadd.s32 $0xFFFFFF80  }
0xfe: {  	[tilespmem:s29], [sflag:$0x6] =	stream.indirect.gather [hbm4b:s5+s22], $0x80, s16, s22, $0xb8;
	[tilespmem:$0x1F040] =	vst v63  }
0xff: {  	_ =	swait.ge [sflag:s31], $0x80  }
0x100: {  	[sflag:s31] =	ssyncset.done $0x0  }
0x101: {  	[sflag:s31] =	ssyncadd.s32 $0xFFFFFF80  }
0x102: {  	_ =	swait.ge [sflag:s31], $0x80  }
0x103: {  	[sflag:s31] =	ssyncset.done $0x0  }
0x104: {  	s13 =	simm.s32 $0xD80;
	[sflag:s31] =	ssyncadd.s32 $0xFFFFFF80  }
0x105: {  	[tilespmem:s26], [sflag:$0x7] =	stream.indirect.gather [hbm4b:s5+s22], $0x80, s17, s22, $0xb8;
	[tilespmem:$0x1F040] =	vst v63  }
.LBB2_4:
0x106: {  	s21 =	simm.s32 $0x1  }
0x107: {  	_ =	swait.ge [sflag:s21], $0x1400  }
0x108: {  	s3 =	simm.s32 $0x1C00;
	[sflag:s21] =	ssyncset.done $0x0  }
0x109: {  	s0 =	simm.s32 $0x2400;
	p1 =	seq.s32 s13, $0x10280;
	[sflag:s21] =	ssyncadd.s32 $0xFFFFEC00  }
0x10a: {  	[spmem:s2] =	stream.indirect.scatter.add.f32 [tilespmem:s0], [sflag:$0x16], $0x80, s3, s22, $0xb8;
	[tilespmem:$0x1F040] =	vst v63  }
0x10b: {  	s3 =	sadd.s32 @!p1 $0xFFFFF980, s13  }
0x10c: {  	s17 =	simm.s32 @!p1 $0x0;
	s7 =	sand.u32 @!p1 $0x3FC00, s3  }
0x10d: {  	_ =	swait.ge [sflag:s10], $0x1400;
	s3 =	sand.u32 @!p1 $0x300, s3;
	s4 =	sadd.s32 @!p1 s18, s7  }
0x10e: {  	[sflag:s10] =	ssyncset.done $0x0;
	s7 =	sadd.s32 @!p1 s12, s7;
	s4 =	sor.u32 @!p1 s3, s4  }
0x10f: {  	[sflag:s10] =	ssyncadd.s32 $0xFFFFEC00;
	s3 =	sor.u32 @!p1 s3, s7;
	s4 =	sshrl.u32 @!p1 s4, $0x3  }
0x110: {  	s3 =	sshrl.u32 @!p1 s3, $0x3;
	s14 =	sadd.s32 @!p1 s6, s4;
	s4 =	simm.s32 @!p1 $0x1400  }
0x111: {  	[tilespmem:s4], [sflag:$0x8] =	stream.linear.gather @!p1 [hbm4b:s14+s17], $0x80, $0x38;
	[tilespmem:$0x1F040] =	vst v63  }
0x112: {  	s7 =	simm.s32 @!p1 $0x1C00;
	s3 =	sadd.s32 @!p1 s1, s3;
	s14 =	simm.s32 $0xF  }
0x113: {  	[tilespmem:s7], [sflag:$0x8] =	stream.linear.gather @!p1 [hbm4b:s3+s17], $0x80, $0x38;
	[tilespmem:$0x1F040] =	vst v63  }
0x114: {  	_ =	swait.ge [sflag:s14], $0x80  }
0x115: {  	[sflag:s14] =	ssyncset.done $0x0  }
0x116: {  	[sflag:s14] =	ssyncadd.s32 $0xFFFFFF80  }
0x117: {  	_ =	swait.ge [sflag:s14], $0x80  }
0x118: {  	s15 =	simm.s32 $0x1780;
	[sflag:s14] =	ssyncset.done $0x0  }
0x119: {  	s16 =	simm.s32 $0x2;
	s19 =	simm.s32 $0x1C80;
	[sflag:s14] =	ssyncadd.s32 $0xFFFFFF80  }
0x11a: {  	[tilespmem:s0], [sflag:$0x1] =	stream.indirect.gather [hbm4b:s5+s22], $0x80, s15, s22, $0xb8;
	[tilespmem:$0x1F040] =	vst v63  }
0x11b: {  	s8 =	simm.s32 @!p1 $0x1480;
	s3 =	sadd.s32 @!p1 $0xFFFFFA00, s13;
	_ =	swait.ge [sflag:s16], $0x1400  }
0x11c: {  	s7 =	sand.u32 @!p1 $0x3FC00, s3;
	s3 =	sand.u32 @!p1 $0x380, s3;
	[sflag:s16] =	ssyncset.done $0x0  }
0x11d: {  	s14 =	sadd.s32 @!p1 s18, s7;
	s15 =	simm.s32 $0x3800;
	[sflag:s16] =	ssyncadd.s32 $0xFFFFEC00  }
0x11e: {  	[spmem:s2] =	stream.indirect.scatter.add.f32 [tilespmem:s15], [sflag:$0x16], $0x80, s19, s22, $0xb8;
	[tilespmem:$0x1F040] =	vst v63  }
0x11f: {  	s7 =	sadd.s32 @!p1 s12, s7;
	s14 =	sor.u32 @!p1 s3, s14;
	_ =	swait.ge [sflag:s10], $0x1400  }
0x120: {  	s3 =	sor.u32 @!p1 s3, s7;
	s14 =	sshrl.u32 @!p1 s14, $0x3;
	[sflag:s10] =	ssyncset.done $0x0  }
0x121: {  	s3 =	sshrl.u32 @!p1 s3, $0x3;
	s14 =	sadd.s32 @!p1 s6, s14;
	[sflag:s10] =	ssyncadd.s32 $0xFFFFEC00  }
0x122: {  	[tilespmem:s8], [sflag:$0x9] =	stream.linear.gather @!p1 [hbm4b:s14+s17], $0x80, $0x38;
	[tilespmem:$0x1F040] =	vst v63  }
0x123: {  	s20 =	simm.s32 $0x10;
	s7 =	simm.s32 @!p1 $0x1C80;
	s3 =	sadd.s32 @!p1 s1, s3  }
0x124: {  	[tilespmem:s7], [sflag:$0x9] =	stream.linear.gather @!p1 [hbm4b:s3+s17], $0x80, $0x38;
	[tilespmem:$0x1F040] =	vst v63  }
0x125: {  	_ =	swait.ge [sflag:s20], $0x80  }
0x126: {  	[sflag:s20] =	ssyncset.done $0x0  }
0x127: {  	[sflag:s20] =	ssyncadd.s32 $0xFFFFFF80  }
0x128: {  	_ =	swait.ge [sflag:s20], $0x80  }
0x129: {  	s24 =	simm.s32 $0x1800;
	[sflag:s20] =	ssyncset.done $0x0  }
0x12a: {  	s11 =	simm.s32 $0x3;
	s25 =	simm.s32 $0x1D00;
	[sflag:s20] =	ssyncadd.s32 $0xFFFFFF80  }
0x12b: {  	[tilespmem:s15], [sflag:$0x2] =	stream.indirect.gather [hbm4b:s5+s22], $0x80, s24, s22, $0xb8;
	[tilespmem:$0x1F040] =	vst v63  }
0x12c: {  	s9 =	simm.s32 $0x4C00;
	s3 =	sadd.s32 @!p1 $0xFFFFFA80, s13;
	_ =	swait.ge [sflag:s11], $0x1400  }
0x12d: {  	s7 =	sand.u32 @!p1 $0x3FC00, s3;
	s3 =	sand.u32 @!p1 $0x300, s23;
	[sflag:s11] =	ssyncset.done $0x0  }
0x12e: {  	s14 =	sadd.s32 @!p1 s18, s7;
	s7 =	sadd.s32 @!p1 s12, s7;
	[sflag:s11] =	ssyncadd.s32 $0xFFFFEC00  }
0x12f: {  	[spmem:s2] =	stream.indirect.scatter.add.f32 [tilespmem:s9], [sflag:$0x16], $0x80, s25, s22, $0xb8;
	[tilespmem:$0x1F040] =	vst v63  }
0x130: {  	s14 =	sor.u32 @!p1 s3, s14;
	s7 =	sor.u32 @!p1 s3, s7;
	_ =	swait.ge [sflag:s10], $0x1400  }
0x131: {  	s14 =	sshrl.u32 @!p1 s14, $0x3;
	s7 =	sshrl.u32 @!p1 s7, $0x3;
	[sflag:s10] =	ssyncset.done $0x0  }
0x132: {  	s14 =	sadd.s32 @!p1 s6, s14;
	s15 =	simm.s32 @!p1 $0x1500;
	[sflag:s10] =	ssyncadd.s32 $0xFFFFEC00  }
0x133: {  	[tilespmem:s15], [sflag:$0xA] =	stream.linear.gather @!p1 [hbm4b:s14+s17], $0x80, $0x38;
	[tilespmem:$0x1F040] =	vst v63  }
0x134: {  	s31 =	simm.s32 $0x11;
	s7 =	sadd.s32 @!p1 s1, s7;
	s14 =	simm.s32 @!p1 $0x1D00  }
0x135: {  	[tilespmem:s14], [sflag:$0xA] =	stream.linear.gather @!p1 [hbm4b:s7+s17], $0x80, $0x38;
	[tilespmem:$0x1F040] =	vst v63  }
0x136: {  	_ =	swait.ge [sflag:s31], $0x80  }
0x137: {  	[sflag:s31] =	ssyncset.done $0x0  }
0x138: {  	[sflag:s31] =	ssyncadd.s32 $0xFFFFFF80  }
0x139: {  	_ =	swait.ge [sflag:s31], $0x80  }
0x13a: {  	s16 =	simm.s32 $0x4;
	s19 =	simm.s32 $0x1D80;
	[sflag:s31] =	ssyncset.done $0x0  }
0x13b: {  	s14 =	simm.s32 $0x1880;
	s7 =	sadd.s32 @!p1 $0xFFFFFB00, s13;
	[sflag:s31] =	ssyncadd.s32 $0xFFFFFF80  }
0x13c: {  	[tilespmem:s9], [sflag:$0x3] =	stream.indirect.gather [hbm4b:s5+s22], $0x80, s14, s22, $0xb8;
	[tilespmem:$0x1F040] =	vst v63  }
0x13d: {  	s8 =	smov.u32 s23;
	s20 =	sand.u32 @!p1 $0x3FC00, s7;
	_ =	swait.ge [sflag:s16], $0x1400  }
0x13e: {  	s7 =	sand.u32 @!p1 $0x380, s7;
	s14 =	sadd.s32 @!p1 s18, s20;
	[sflag:s16] =	ssyncset.done $0x0  }
0x13f: {  	s20 =	sadd.s32 @!p1 s12, s20;
	[sflag:s16] =	ssyncadd.s32 $0xFFFFEC00;
	s16 =	simm.s32 $0x6000  }
0x140: {  	[spmem:s2] =	stream.indirect.scatter.add.f32 [tilespmem:s16], [sflag:$0x16], $0x80, s19, s22, $0xb8;
	[tilespmem:$0x1F040] =	vst v63  }
0x141: {  	s14 =	sor.u32 @!p1 s7, s14;
	s7 =	sor.u32 @!p1 s7, s20;
	_ =	swait.ge [sflag:s10], $0x1400  }
0x142: {  	s14 =	sshrl.u32 @!p1 s14, $0x3;
	s7 =	sshrl.u32 @!p1 s7, $0x3;
	[sflag:s10] =	ssyncset.done $0x0  }
0x143: {  	s23 =	sadd.s32 @!p1 s6, s14;
	s14 =	simm.s32 @!p1 $0x1580;
	[sflag:s10] =	ssyncadd.s32 $0xFFFFEC00  }
0x144: {  	[tilespmem:s14], [sflag:$0xB] =	stream.linear.gather @!p1 [hbm4b:s23+s17], $0x80, $0x38;
	[tilespmem:$0x1F040] =	vst v63  }
0x145: {  	s20 =	simm.s32 @!p1 $0x1D80;
	s7 =	sadd.s32 @!p1 s1, s7  }
0x146: {  	[tilespmem:s20], [sflag:$0xB] =	stream.linear.gather @!p1 [hbm4b:s7+s17], $0x80, $0x38;
	[tilespmem:$0x1F040] =	vst v63  }
0x147: {  	s20 =	simm.s32 $0x12  }
0x148: {  	_ =	swait.ge [sflag:s20], $0x80  }
0x149: {  	[sflag:s20] =	ssyncset.done $0x0  }
0x14a: {  	[sflag:s20] =	ssyncadd.s32 $0xFFFFFF80  }
0x14b: {  	_ =	swait.ge [sflag:s20], $0x80  }
0x14c: {  	[sflag:s20] =	ssyncset.done $0x0  }
0x14d: {  	s23 =	simm.s32 $0x1900;
	[sflag:s20] =	ssyncadd.s32 $0xFFFFFF80  }
0x14e: {  	[tilespmem:s16], [sflag:$0x4] =	stream.indirect.gather [hbm4b:s5+s22], $0x80, s23, s22, $0xb8;
	[tilespmem:$0x1F040] =	vst v63  }
0x14f: {  	_ =	swait.ge [sflag:s30], $0x1400  }
0x150: {  	s24 =	simm.s32 $0x1E00;
	s7 =	sadd.s32 @!p1 $0xFFFFFB80, s13;
	[sflag:s30] =	ssyncset.done $0x0  }
0x151: {  	s14 =	simm.s32 $0x7400;
	s20 =	sand.u32 @!p1 $0x3FC00, s7;
	[sflag:s30] =	ssyncadd.s32 $0xFFFFEC00  }
0x152: {  	[spmem:s2] =	stream.indirect.scatter.add.f32 [tilespmem:s14], [sflag:$0x16], $0x80, s24, s22, $0xb8;
	[tilespmem:$0x1F040] =	vst v63  }
0x153: {  	s23 =	sadd.s32 @!p1 s18, s20;
	s20 =	sadd.s32 @!p1 s12, s20;
	s24 =	sand.u32 @!p1 $0x300, s7  }
0x154: {  	_ =	swait.ge [sflag:s10], $0x1400;
	s7 =	sor.u32 @!p1 s24, s23;
	s20 =	sor.u32 @!p1 s24, s20  }
0x155: {  	[sflag:s10] =	ssyncset.done $0x0;
	s7 =	sshrl.u32 @!p1 s7, $0x3;
	s20 =	sshrl.u32 @!p1 s20, $0x3  }
0x156: {  	[sflag:s10] =	ssyncadd.s32 $0xFFFFEC00;
	s23 =	sadd.s32 @!p1 s6, s7;
	s7 =	simm.s32 @!p1 $0x1600  }
0x157: {  	[tilespmem:s7], [sflag:$0xC] =	stream.linear.gather @!p1 [hbm4b:s23+s17], $0x80, $0x38;
	[tilespmem:$0x1F040] =	vst v63  }
0x158: {  	s25 =	simm.s32 $0x13;
	s20 =	sadd.s32 @!p1 s1, s20;
	s23 =	simm.s32 @!p1 $0x1E00  }
0x159: {  	[tilespmem:s23], [sflag:$0xC] =	stream.linear.gather @!p1 [hbm4b:s20+s17], $0x80, $0x38;
	[tilespmem:$0x1F040] =	vst v63  }
0x15a: {  	_ =	swait.ge [sflag:s25], $0x80  }
0x15b: {  	[sflag:s25] =	ssyncset.done $0x0  }
0x15c: {  	[sflag:s25] =	ssyncadd.s32 $0xFFFFFF80  }
0x15d: {  	_ =	swait.ge [sflag:s25], $0x80  }
0x15e: {  	[sflag:s25] =	ssyncset.done $0x0  }
0x15f: {  	s31 =	simm.s32 $0x1980;
	s19 =	simm.s32 $0x6;
	[sflag:s25] =	ssyncadd.s32 $0xFFFFFF80  }
0x160: {  	[tilespmem:s14], [sflag:$0x5] =	stream.indirect.gather [hbm4b:s5+s22], $0x80, s31, s22, $0xb8;
	[tilespmem:$0x1F040] =	vst v63  }
0x161: {  	_ =	swait.ge [sflag:s19], $0x1400  }
0x162: {  	[sflag:s19] =	ssyncset.done $0x0  }
0x163: {  	s20 =	simm.s32 $0x1E80;
	[sflag:s19] =	ssyncadd.s32 $0xFFFFEC00;
	s19 =	simm.s32 $0x8800  }
0x164: {  	[spmem:s2] =	stream.indirect.scatter.add.f32 [tilespmem:s19], [sflag:$0x16], $0x80, s20, s22, $0xb8;
	[tilespmem:$0x1F040] =	vst v63  }
0x165: {  	s20 =	sadd.s32 @!p1 $0xFFFFFC00, s13  }
0x166: {  	s24 =	sand.u32 @!p1 $0x3FC00, s20  }
0x167: {  	s16 =	simm.s32 @!p1 $0x1680;
	s20 =	sand.u32 @!p1 $0x380, s20;
	s23 =	sadd.s32 @!p1 s18, s24  }
0x168: {  	_ =	swait.ge [sflag:s10], $0x1400;
	s24 =	sadd.s32 @!p1 s12, s24;
	s23 =	sor.u32 @!p1 s20, s23  }
0x169: {  	[sflag:s10] =	ssyncset.done $0x0;
	s20 =	sor.u32 @!p1 s20, s24;
	s23 =	sshrl.u32 @!p1 s23, $0x3  }
0x16a: {  	[sflag:s10] =	ssyncadd.s32 $0xFFFFEC00;
	s20 =	sshrl.u32 @!p1 s20, $0x3;
	s25 =	sadd.s32 @!p1 s6, s23  }
0x16b: {  	[tilespmem:s16], [sflag:$0xD] =	stream.linear.gather @!p1 [hbm4b:s25+s17], $0x80, $0x38;
	[tilespmem:$0x1F040] =	vst v63  }
0x16c: {  	s24 =	simm.s32 @!p1 $0x1E80;
	s20 =	sadd.s32 @!p1 s1, s20;
	s23 =	simm.s32 $0x14  }
0x16d: {  	[tilespmem:s24], [sflag:$0xD] =	stream.linear.gather @!p1 [hbm4b:s20+s17], $0x80, $0x38;
	[tilespmem:$0x1F040] =	vst v63  }
0x16e: {  	_ =	swait.ge [sflag:s23], $0x80  }
0x16f: {  	[sflag:s23] =	ssyncset.done $0x0  }
0x170: {  	[sflag:s23] =	ssyncadd.s32 $0xFFFFFF80  }
0x171: {  	_ =	swait.ge [sflag:s23], $0x80  }
0x172: {  	[sflag:s23] =	ssyncset.done $0x0  }
0x173: {  	s24 =	simm.s32 $0x1A00;
	[sflag:s23] =	ssyncadd.s32 $0xFFFFFF80;
	s23 =	simm.s32 $0x7  }
0x174: {  	[tilespmem:s19], [sflag:$0x6] =	stream.indirect.gather [hbm4b:s5+s22], $0x80, s24, s22, $0xb8;
	[tilespmem:$0x1F040] =	vst v63  }
0x175: {  	_ =	swait.ge [sflag:s23], $0x1400  }
0x176: {  	s20 =	sadd.s32 @!p1 $0xFFFFFC80, s13;
	[sflag:s23] =	ssyncset.done $0x0  }
0x177: {  	s25 =	simm.s32 $0x1F00;
	s24 =	sand.u32 @!p1 $0x3FC00, s20;
	[sflag:s23] =	ssyncadd.s32 $0xFFFFEC00  }
0x178: {  	[spmem:s2] =	stream.indirect.scatter.add.f32 [tilespmem:s26], [sflag:$0x16], $0x80, s25, s22, $0xb8;
	[tilespmem:$0x1F040] =	vst v63  }
0x179: {  	s20 =	sand.u32 @!p1 $0x300, s20;
	s25 =	sadd.s32 @!p1 s18, s24;
	s26 =	simm.s32 @!p1 $0x1700  }
0x17a: {  	s24 =	sadd.s32 @!p1 s12, s24;
	_ =	swait.ge [sflag:s10], $0x1400;
	s25 =	sor.u32 @!p1 s20, s25  }
0x17b: {  	s20 =	sor.u32 @!p1 s20, s24;
	[sflag:s10] =	ssyncset.done $0x0;
	s25 =	sshrl.u32 @!p1 s25, $0x3  }
0x17c: {  	s20 =	sshrl.u32 @!p1 s20, $0x3;
	[sflag:s10] =	ssyncadd.s32 $0xFFFFEC00;
	s25 =	sadd.s32 @!p1 s6, s25  }
0x17d: {  	[tilespmem:s26], [sflag:$0xE] =	stream.linear.gather @!p1 [hbm4b:s25+s17], $0x80, $0x38;
	[tilespmem:$0x1F040] =	vst v63  }
0x17e: {  	s24 =	simm.s32 @!p1 $0x1F00;
	s20 =	sadd.s32 @!p1 s1, s20  }
0x17f: {  	[tilespmem:s24], [sflag:$0xE] =	stream.linear.gather @!p1 [hbm4b:s20+s17], $0x80, $0x38;
	[tilespmem:$0x1F040] =	vst v63  }
0x180: {  	s24 =	simm.s32 $0x15  }
0x181: {  	_ =	swait.ge [sflag:s24], $0x80  }
0x182: {  	[sflag:s24] =	ssyncset.done $0x0  }
0x183: {  	[sflag:s24] =	ssyncadd.s32 $0xFFFFFF80  }
0x184: {  	_ =	swait.ge [sflag:s24], $0x80  }
0x185: {  	[sflag:s24] =	ssyncset.done $0x0  }
0x186: {  	s31 =	simm.s32 $0x9C00;
	[sflag:s24] =	ssyncadd.s32 $0xFFFFFF80  }
0x187: {  	[tilespmem:s31], [sflag:$0x7] =	stream.indirect.gather [hbm4b:s5+s22], $0x80, s28, s22, $0xb8;
	[tilespmem:$0x1F040] =	vst v63  }
0x188: {  	_ =	swait.ge [sflag:s21], $0x1400  }
0x189: {  	[sflag:s21] =	ssyncset.done $0x0  }
0x18a: {  	s25 =	simm.s32 $0x1F80;
	[sflag:s21] =	ssyncadd.s32 $0xFFFFEC00  }
0x18b: {  	[spmem:s2] =	stream.indirect.scatter.add.f32 [tilespmem:s0], [sflag:$0x16], $0x80, s25, s22, $0xb8;
	[tilespmem:$0x1F040] =	vst v63  }
0x18c: {  	_ =	swait.ge [sflag:s10], $0x1400  }
0x18d: {  	[sflag:s10] =	ssyncset.done $0x0  }
0x18e: {  	s20 =	simm.s32 @p1 $0x2;
	[sflag:s10] =	ssyncadd.s32 $0xFFFFEC00  }
0x18f: {  	_ =	swait.ge @p1 [sflag:s20], $0x1400  }
0x190: {  	s24 =	simm.s32 @p1 $0x3800;
	[sflag:s20] =	ssyncset.done @p1 $0x0  }
0x191: {  	s25 =	simm.s32 @p1 $0x28;
	[sflag:s20] =	ssyncadd.s32 @p1 $0xFFFFEC00;
	s20 =	simm.s32 @p1 $0x2000  }
0x192: {  	[spmem:s2] =	stream.indirect.scatter.add.f32 @p1 [tilespmem:s24], [sflag:$0x16], $0x80, s20, s25, $0xb8;
	[tilespmem:$0x1F040] =	vst v63  }
0x193: {  	s24 =	sadd.s32 @!p1 $0xFFFFFD00, s13  }
0x194: {  	s29 =	simm.s32 @!p1 $0x1780;
	s26 =	sand.u32 @!p1 $0x3FC00, s24  }
0x195: {  	s20 =	simm.s32 @p1 $0x16;
	s24 =	sand.u32 @!p1 $0x380, s24;
	s28 =	sadd.s32 @!p1 s18, s26  }
0x196: {  	_ =	swait.ge @p1 [sflag:s20], $0x1400;
	s26 =	sadd.s32 @!p1 s12, s26;
	s28 =	sor.u32 @!p1 s24, s28  }
0x197: {  	[sflag:s20] =	ssyncset.done @p1 $0x0;
	s24 =	sor.u32 @!p1 s24, s26;
	s28 =	sshrl.u32 @!p1 s28, $0x3  }
0x198: {  	[sflag:s20] =	ssyncadd.s32 @p1 $0xFFFFEC00;
	s24 =	sshrl.u32 @!p1 s24, $0x3;
	s28 =	sadd.s32 @!p1 s6, s28  }
0x199: {  	[tilespmem:s29], [sflag:$0xF] =	stream.linear.gather @!p1 [hbm4b:s28+s17], $0x80, $0x38;
	[tilespmem:$0x1F040] =	vst v63  }
0x19a: {  	s26 =	simm.s32 @!p1 $0x1F80;
	s24 =	sadd.s32 @!p1 s1, s24  }
0x19b: {  	[tilespmem:s26], [sflag:$0xF] =	stream.linear.gather @!p1 [hbm4b:s24+s17], $0x80, $0x38;
	[tilespmem:$0x1F040] =	vst v63  }
0x19c: {  	s24 =	simm.s32 @!p1 $0x8  }
0x19d: {  	_ =	swait.ge @!p1 [sflag:s24], $0x80  }
0x19e: {  	[sflag:s24] =	ssyncset.done @!p1 $0x0  }
0x19f: {  	[sflag:s24] =	ssyncadd.s32 @!p1 $0xFFFFFF80  }
0x1a0: {  	_ =	swait.ge @!p1 [sflag:s24], $0x80  }
0x1a1: {  	[sflag:s24] =	ssyncset.done @!p1 $0x0  }
0x1a2: {  	s26 =	simm.s32 @!p1 $0x2400;
	[sflag:s24] =	ssyncadd.s32 @!p1 $0xFFFFFF80;
	s24 =	simm.s32 @!p1 $0x28  }
0x1a3: {  	[tilespmem:s26], [sflag:$0x1] =	stream.indirect.gather @!p1 [hbm4b:s5+s24], $0x80, s4, s24, $0xb8;
	[tilespmem:$0x1F040] =	vst v63  }
0x1a4: {  	s19 =	simm.s32 @!p1 $0x1800;
	s29 =	sadd.s32 @!p1 $0xFFFFFD80, s13;
	s4 =	simm.s32 @!p1 $0x2  }
0x1a5: {  	s28 =	simm.s32 @!p1 $0x3800;
	s16 =	sand.u32 @!p1 $0x3FC00, s29;
	_ =	swait.ge @!p1 [sflag:s4], $0x1400  }
0x1a6: {  	s29 =	sand.u32 @!p1 $0x300, s29;
	s31 =	sadd.s32 @!p1 s18, s16;
	[sflag:s4] =	ssyncset.done @!p1 $0x0  }
0x1a7: {  	s26 =	simm.s32 @!p1 $0x2000;
	[sflag:s4] =	ssyncadd.s32 @!p1 $0xFFFFEC00;
	s4 =	simm.s32 @!p1 $0x16  }
0x1a8: {  	[spmem:s2] =	stream.indirect.scatter.add.f32 @!p1 [tilespmem:s28], [sflag:$0x16], $0x80, s26, s24, $0xb8;
	[tilespmem:$0x1F040] =	vst v63  }
0x1a9: {  	s16 =	sadd.s32 @!p1 s12, s16;
	s31 =	sor.u32 @!p1 s29, s31;
	_ =	swait.ge @!p1 [sflag:s4], $0x1400  }
0x1aa: {  	s16 =	sor.u32 @!p1 s29, s16;
	s31 =	sshrl.u32 @!p1 s31, $0x3;
	[sflag:s4] =	ssyncset.done @!p1 $0x0  }
0x1ab: {  	s16 =	sshrl.u32 @!p1 s16, $0x3;
	s31 =	sadd.s32 @!p1 s6, s31;
	[sflag:s4] =	ssyncadd.s32 @!p1 $0xFFFFEC00  }
0x1ac: {  	[tilespmem:s19], [sflag:$0x10] =	stream.linear.gather @!p1 [hbm4b:s31+s17], $0x80, $0x38;
	[tilespmem:$0x1F040] =	vst v63  }
0x1ad: {  	s16 =	sadd.s32 @!p1 s1, s16  }
0x1ae: {  	[tilespmem:s26], [sflag:$0x10] =	stream.linear.gather @!p1 [hbm4b:s16+s17], $0x80, $0x38;
	[tilespmem:$0x1F040] =	vst v63  }
0x1af: {  	s16 =	simm.s32 @!p1 $0x9  }
0x1b0: {  	_ =	swait.ge @!p1 [sflag:s16], $0x80  }
0x1b1: {  	[sflag:s16] =	ssyncset.done @!p1 $0x0  }
0x1b2: {  	[sflag:s16] =	ssyncadd.s32 @!p1 $0xFFFFFF80  }
0x1b3: {  	_ =	swait.ge @!p1 [sflag:s16], $0x80  }
0x1b4: {  	[sflag:s16] =	ssyncset.done @!p1 $0x0  }
0x1b5: {  	[sflag:s16] =	ssyncadd.s32 @!p1 $0xFFFFFF80;
	s16 =	simm.s32 @!p1 $0x1480  }
0x1b6: {  	[tilespmem:s28], [sflag:$0x2] =	stream.indirect.gather @!p1 [hbm4b:s5+s24], $0x80, s16, s24, $0xb8;
	[tilespmem:$0x1F040] =	vst v63  }
0x1b7: {  	_ =	swait.ge [sflag:s11], $0x1400  }
0x1b8: {  	[sflag:s11] =	ssyncset.done $0x0  }
0x1b9: {  	s26 =	simm.s32 $0x2080;
	[sflag:s11] =	ssyncadd.s32 $0xFFFFEC00  }
0x1ba: {  	[spmem:s2] =	stream.indirect.scatter.add.f32 [tilespmem:s9], [sflag:$0x16], $0x80, s26, s22, $0xb8;
	[tilespmem:$0x1F040] =	vst v63  }
0x1bb: {  	_ =	swait.ge [sflag:s10], $0x1400  }
0x1bc: {  	[sflag:s10] =	ssyncset.done $0x0  }
0x1bd: {  	s16 =	simm.s32 @p1 $0x4;
	[sflag:s10] =	ssyncadd.s32 $0xFFFFEC00  }
0x1be: {  	_ =	swait.ge @p1 [sflag:s16], $0x1400  }
0x1bf: {  	[sflag:s16] =	ssyncset.done @p1 $0x0  }
0x1c0: {  	s19 =	simm.s32 @p1 $0x6000;
	[sflag:s16] =	ssyncadd.s32 @p1 $0xFFFFEC00;
	s16 =	simm.s32 @p1 $0x2100  }
0x1c1: {  	[spmem:s2] =	stream.indirect.scatter.add.f32 @p1 [tilespmem:s19], [sflag:$0x16], $0x80, s16, s25, $0xb8;
	[tilespmem:$0x1F040] =	vst v63  }
0x1c2: {  	s16 =	sadd.s32 @!p1 $0xFFFFFE00, s13  }
0x1c3: {  	s19 =	sand.u32 @!p1 $0x3FC00, s16  }
0x1c4: {  	s28 =	simm.s32 @!p1 $0x1880;
	s16 =	sand.u32 @!p1 $0x380, s16;
	s26 =	sadd.s32 @!p1 s18, s19  }
0x1c5: {  	_ =	swait.ge @p1 [sflag:s20], $0x1400;
	s19 =	sadd.s32 @!p1 s12, s19;
	s26 =	sor.u32 @!p1 s16, s26  }
0x1c6: {  	[sflag:s20] =	ssyncset.done @p1 $0x0;
	s16 =	sor.u32 @!p1 s16, s19;
	s26 =	sshrl.u32 @!p1 s26, $0x3  }
0x1c7: {  	[sflag:s20] =	ssyncadd.s32 @p1 $0xFFFFEC00;
	s16 =	sshrl.u32 @!p1 s16, $0x3;
	s26 =	sadd.s32 @!p1 s6, s26  }
0x1c8: {  	[tilespmem:s28], [sflag:$0x11] =	stream.linear.gather @!p1 [hbm4b:s26+s17], $0x80, $0x38;
	[tilespmem:$0x1F040] =	vst v63  }
0x1c9: {  	s19 =	simm.s32 @!p1 $0x2080;
	s16 =	sadd.s32 @!p1 s1, s16  }
0x1ca: {  	[tilespmem:s19], [sflag:$0x11] =	stream.linear.gather @!p1 [hbm4b:s16+s17], $0x80, $0x38;
	[tilespmem:$0x1F040] =	vst v63  }
0x1cb: {  	s16 =	simm.s32 @!p1 $0xA  }
0x1cc: {  	_ =	swait.ge @!p1 [sflag:s16], $0x80  }
0x1cd: {  	[sflag:s16] =	ssyncset.done @!p1 $0x0  }
0x1ce: {  	[sflag:s16] =	ssyncadd.s32 @!p1 $0xFFFFFF80  }
0x1cf: {  	_ =	swait.ge @!p1 [sflag:s16], $0x80  }
0x1d0: {  	[sflag:s16] =	ssyncset.done @!p1 $0x0  }
0x1d1: {  	[sflag:s16] =	ssyncadd.s32 @!p1 $0xFFFFFF80;
	s16 =	simm.s32 @!p1 $0x4C00  }
0x1d2: {  	[tilespmem:s16], [sflag:$0x3] =	stream.indirect.gather @!p1 [hbm4b:s5+s24], $0x80, s15, s24, $0xb8;
	[tilespmem:$0x1F040] =	vst v63  }
0x1d3: {  	s19 =	sadd.s32 @!p1 $0xFFFFFE80, s13;
	s15 =	simm.s32 @!p1 $0x4  }
0x1d4: {  	s19 =	sand.u32 @!p1 $0x3FC00, s19;
	_ =	swait.ge @!p1 [sflag:s15], $0x1400  }
0x1d5: {  	s28 =	simm.s32 @!p1 $0x1900;
	s26 =	sadd.s32 @!p1 s18, s19;
	[sflag:s15] =	ssyncset.done @!p1 $0x0  }
0x1d6: {  	s16 =	simm.s32 @!p1 $0x6000;
	[sflag:s15] =	ssyncadd.s32 @!p1 $0xFFFFEC00;
	s15 =	simm.s32 @!p1 $0x2100  }
0x1d7: {  	[spmem:s2] =	stream.indirect.scatter.add.f32 @!p1 [tilespmem:s16], [sflag:$0x16], $0x80, s15, s24, $0xb8;
	[tilespmem:$0x1F040] =	vst v63  }
0x1d8: {  	s19 =	sadd.s32 @!p1 s12, s19;
	s26 =	sor.u32 @!p1 s3, s26;
	_ =	swait.ge @!p1 [sflag:s4], $0x1400  }
0x1d9: {  	s3 =	sor.u32 @!p1 s3, s19;
	s26 =	sshrl.u32 @!p1 s26, $0x3;
	[sflag:s4] =	ssyncset.done @!p1 $0x0  }
0x1da: {  	s3 =	sshrl.u32 @!p1 s3, $0x3;
	s26 =	sadd.s32 @!p1 s6, s26;
	[sflag:s4] =	ssyncadd.s32 @!p1 $0xFFFFEC00  }
0x1db: {  	[tilespmem:s28], [sflag:$0x12] =	stream.linear.gather @!p1 [hbm4b:s26+s17], $0x80, $0x38;
	[tilespmem:$0x1F040] =	vst v63  }
0x1dc: {  	s3 =	sadd.s32 @!p1 s1, s3  }
0x1dd: {  	[tilespmem:s15], [sflag:$0x12] =	stream.linear.gather @!p1 [hbm4b:s3+s17], $0x80, $0x38;
	[tilespmem:$0x1F040] =	vst v63  }
0x1de: {  	s3 =	simm.s32 @!p1 $0xB  }
0x1df: {  	_ =	swait.ge @!p1 [sflag:s3], $0x80  }
0x1e0: {  	[sflag:s3] =	ssyncset.done @!p1 $0x0  }
0x1e1: {  	[sflag:s3] =	ssyncadd.s32 @!p1 $0xFFFFFF80  }
0x1e2: {  	_ =	swait.ge @!p1 [sflag:s3], $0x80  }
0x1e3: {  	[sflag:s3] =	ssyncset.done @!p1 $0x0  }
0x1e4: {  	[sflag:s3] =	ssyncadd.s32 @!p1 $0xFFFFFF80;
	s3 =	simm.s32 @!p1 $0x1580  }
0x1e5: {  	[tilespmem:s16], [sflag:$0x4] =	stream.indirect.gather @!p1 [hbm4b:s5+s24], $0x80, s3, s24, $0xb8;
	[tilespmem:$0x1F040] =	vst v63  }
0x1e6: {  	_ =	swait.ge [sflag:s30], $0x1400  }
0x1e7: {  	[sflag:s30] =	ssyncset.done $0x0  }
0x1e8: {  	s28 =	simm.s32 $0x2180;
	[sflag:s30] =	ssyncadd.s32 $0xFFFFEC00  }
0x1e9: {  	[spmem:s2] =	stream.indirect.scatter.add.f32 [tilespmem:s14], [sflag:$0x16], $0x80, s28, s22, $0xb8;
	[tilespmem:$0x1F040] =	vst v63  }
0x1ea: {  	_ =	swait.ge [sflag:s10], $0x1400  }
0x1eb: {  	[sflag:s10] =	ssyncset.done $0x0  }
0x1ec: {  	s3 =	simm.s32 @p1 $0x6;
	[sflag:s10] =	ssyncadd.s32 $0xFFFFEC00  }
0x1ed: {  	_ =	swait.ge @p1 [sflag:s3], $0x1400  }
0x1ee: {  	[sflag:s3] =	ssyncset.done @p1 $0x0  }
0x1ef: {  	s14 =	simm.s32 @p1 $0x8800;
	[sflag:s3] =	ssyncadd.s32 @p1 $0xFFFFEC00;
	s3 =	simm.s32 @p1 $0x2200  }
0x1f0: {  	[spmem:s2] =	stream.indirect.scatter.add.f32 @p1 [tilespmem:s14], [sflag:$0x16], $0x80, s3, s25, $0xb8;
	[tilespmem:$0x1F040] =	vst v63  }
0x1f1: {  	s3 =	sadd.s32 @!p1 $0xFFFFFF00, s13  }
0x1f2: {  	s14 =	sand.u32 @!p1 $0x3FC00, s3  }
0x1f3: {  	s16 =	simm.s32 @!p1 $0x1980;
	s3 =	sand.u32 @!p1 $0x380, s3;
	s15 =	sadd.s32 @!p1 s18, s14  }
0x1f4: {  	_ =	swait.ge @p1 [sflag:s20], $0x1400;
	s14 =	sadd.s32 @!p1 s12, s14;
	s15 =	sor.u32 @!p1 s3, s15  }
0x1f5: {  	[sflag:s20] =	ssyncset.done @p1 $0x0;
	s3 =	sor.u32 @!p1 s3, s14;
	s15 =	sshrl.u32 @!p1 s15, $0x3  }
0x1f6: {  	[sflag:s20] =	ssyncadd.s32 @p1 $0xFFFFEC00;
	s3 =	sshrl.u32 @!p1 s3, $0x3;
	s15 =	sadd.s32 @!p1 s6, s15  }
0x1f7: {  	[tilespmem:s16], [sflag:$0x13] =	stream.linear.gather @!p1 [hbm4b:s15+s17], $0x80, $0x38;
	[tilespmem:$0x1F040] =	vst v63  }
0x1f8: {  	s14 =	simm.s32 @!p1 $0x2180;
	s3 =	sadd.s32 @!p1 s1, s3  }
0x1f9: {  	[tilespmem:s14], [sflag:$0x13] =	stream.linear.gather @!p1 [hbm4b:s3+s17], $0x80, $0x38;
	[tilespmem:$0x1F040] =	vst v63  }
0x1fa: {  	s3 =	simm.s32 @!p1 $0xC  }
0x1fb: {  	_ =	swait.ge @!p1 [sflag:s3], $0x80  }
0x1fc: {  	[sflag:s3] =	ssyncset.done @!p1 $0x0  }
0x1fd: {  	[sflag:s3] =	ssyncadd.s32 @!p1 $0xFFFFFF80  }
0x1fe: {  	_ =	swait.ge @!p1 [sflag:s3], $0x80  }
0x1ff: {  	[sflag:s3] =	ssyncset.done @!p1 $0x0  }
0x200: {  	[sflag:s3] =	ssyncadd.s32 @!p1 $0xFFFFFF80;
	s3 =	simm.s32 @!p1 $0x7400  }
0x201: {  	[tilespmem:s3], [sflag:$0x5] =	stream.indirect.gather @!p1 [hbm4b:s5+s24], $0x80, s7, s24, $0xb8;
	[tilespmem:$0x1F040] =	vst v63  }
0x202: {  	s14 =	sadd.s32 @!p1 $0xFFFFFF80, s13;
	s3 =	simm.s32 @!p1 $0x6  }
0x203: {  	s15 =	sand.u32 @!p1 $0x3FC00, s14;
	_ =	swait.ge @!p1 [sflag:s3], $0x1400  }
0x204: {  	s14 =	sand.u32 @!p1 $0x300, s14;
	s16 =	sadd.s32 @!p1 s18, s15;
	[sflag:s3] =	ssyncset.done @!p1 $0x0  }
0x205: {  	s7 =	simm.s32 @!p1 $0x8800;
	[sflag:s3] =	ssyncadd.s32 @!p1 $0xFFFFEC00;
	s3 =	simm.s32 @!p1 $0x2200  }
0x206: {  	[spmem:s2] =	stream.indirect.scatter.add.f32 @!p1 [tilespmem:s7], [sflag:$0x16], $0x80, s3, s24, $0xb8;
	[tilespmem:$0x1F040] =	vst v63  }
0x207: {  	s16 =	sor.u32 @!p1 s14, s16;
	_ =	swait.ge @!p1 [sflag:s4], $0x1400  }
0x208: {  	s16 =	sshrl.u32 @!p1 s16, $0x3;
	[sflag:s4] =	ssyncset.done @!p1 $0x0  }
0x209: {  	[sflag:s4] =	ssyncadd.s32 @!p1 $0xFFFFEC00;
	s4 =	sadd.s32 @!p1 s6, s16;
	s16 =	simm.s32 @!p1 $0x1A00  }
0x20a: {  	[tilespmem:s16], [sflag:$0x14] =	stream.linear.gather @!p1 [hbm4b:s4+s17], $0x80, $0x38;
	[tilespmem:$0x1F040] =	vst v63  }
0x20b: {  	s4 =	sadd.s32 @!p1 s12, s15  }
0x20c: {  	s4 =	sor.u32 @!p1 s14, s4  }
0x20d: {  	s4 =	sshrl.u32 @!p1 s4, $0x3  }
0x20e: {  	s4 =	sadd.s32 @!p1 s1, s4  }
0x20f: {  	[tilespmem:s3], [sflag:$0x14] =	stream.linear.gather @!p1 [hbm4b:s4+s17], $0x80, $0x38;
	[tilespmem:$0x1F040] =	vst v63  }
0x210: {  	s3 =	simm.s32 @!p1 $0xD  }
0x211: {  	_ =	swait.ge @!p1 [sflag:s3], $0x80  }
0x212: {  	[sflag:s3] =	ssyncset.done @!p1 $0x0  }
0x213: {  	[sflag:s3] =	ssyncadd.s32 @!p1 $0xFFFFFF80  }
0x214: {  	_ =	swait.ge @!p1 [sflag:s3], $0x80  }
0x215: {  	[sflag:s3] =	ssyncset.done @!p1 $0x0  }
0x216: {  	[sflag:s3] =	ssyncadd.s32 @!p1 $0xFFFFFF80;
	s3 =	simm.s32 @!p1 $0x1680  }
0x217: {  	[tilespmem:s7], [sflag:$0x6] =	stream.indirect.gather @!p1 [hbm4b:s5+s24], $0x80, s3, s24, $0xb8;
	[tilespmem:$0x1F040] =	vst v63  }
0x218: {  	_ =	swait.ge [sflag:s23], $0x1400  }
0x219: {  	s31 =	simm.s32 $0x2280;
	[sflag:s23] =	ssyncset.done $0x0  }
.Ltmp3:
0x21a: {  	s26 =	simm.s32 $0x9C00;
	[sflag:s23] =	ssyncadd.s32 $0xFFFFEC00;
	(pc) =	sbr.rel @p1 .LBB2_6-.Ltmp3, $4  }
0x21b: {  	[spmem:s2] =	stream.indirect.scatter.add.f32 [tilespmem:s26], [sflag:$0x16], $0x80, s31, s22, $0xb8;
	[tilespmem:$0x1F040] =	vst v63  }
0x21c: {  	s21 =	simm.s32 $0x2400;
	_ =	swait.ge [sflag:s10], $0x1400  }
0x21d: {  	s0 =	simm.s32 $0x1A80;
	s29 =	simm.s32 $0x4C00;
	[sflag:s10] =	ssyncset.done $0x0  }
0x21e: {  	s9 =	simm.s32 $0x7400;
	s20 =	simm.s32 $0x2280;
	[sflag:s10] =	ssyncadd.s32 $0xFFFFEC00  }
0x21f: {  	s3 =	sand.u32 $0x3FC00, s13  }
0x220: {  	s7 =	sand.u32 $0x380, s13;
	s4 =	sadd.s32 s18, s3  }
0x221: {  	s3 =	sadd.s32 s12, s3;
	s4 =	sor.u32 s7, s4  }
0x222: {  	s3 =	sor.u32 s7, s3;
	s4 =	sshrl.u32 s4, $0x3  }
0x223: {  	s14 =	simm.s32 $0x0;
	s3 =	sshrl.u32 s3, $0x3;
	s4 =	sadd.s32 s6, s4  }
0x224: {  	[tilespmem:s0], [sflag:$0x15] =	stream.linear.gather [hbm4b:s4+s14], $0x80, $0x38;
	[tilespmem:$0x1F040] =	vst v63  }
0x225: {  	s29 =	simm.s32 $0xE;
	s3 =	sadd.s32 s1, s3  }
0x226: {  	[tilespmem:s20], [sflag:$0x15] =	stream.linear.gather [hbm4b:s3+s14], $0x80, $0x38;
	[tilespmem:$0x1F040] =	vst v63  }
0x227: {  	_ =	swait.ge [sflag:s29], $0x80  }
0x228: {  	[sflag:s29] =	ssyncset.done $0x0  }
.Ltmp4:
0x229: {  	[sflag:s29] =	ssyncadd.s32 $0xFFFFFF80;
	(pc) =	sbr.rel .LBB2_4-.Ltmp4, $4  }
0x22a: {  	_ =	swait.ge [sflag:s29], $0x80  }
0x22b: {  	s31 =	simm.s32 $0x1700;
	s13 =	sadd.s32 $0x700, s13;
	[sflag:s29] =	ssyncset.done $0x0  }
0x22c: {  	s23 =	sadd.s32 $0x300, s8;
	s28 =	simm.s32 $0x1A80;
	[sflag:s29] =	ssyncadd.s32 $0xFFFFFF80  }
0x22d: {  	[tilespmem:s26], [sflag:$0x7] =	stream.indirect.gather [hbm4b:s5+s22], $0x80, s31, s22, $0xb8;
	[tilespmem:$0x1F040] =	vst v63  }
.LBB2_7:
0x22e: {  	_ =	sfence.sel $0x180000  }
0x22f: {  	[bflag:$0x0] =	sbarrier.arrive $0xFFFF  }
0x230: {  	_ =	strace $0x9000004A  }
0x231: {  	[bflag:$0x2] =	sbarrier.arrive $0xFFFF  }
0x232: {  	s0 =	rddreg [dreg:$0x3]  }
0x233: {  	s0 =	sadd.s32 @!p0 $0x100000, s0  }
0x234: {  	[sflag:s0] =	ssyncadd.tile.s32 @!p0 $0x1;
	_ =	shalt  }
.Lfunc_end2:
_tile_overlayer_lowered:
.L_overlay_start_2:
0x235: {  	(tag) =	ssettag $0x2  }
0x236: {  	s0 =	rddreg [dreg:$0x0];
	s2 =	stileid.u32  }
0x237: {  	s1 =	rddreg [dreg:$0x1];
	p0 =	sne.s32 s2, $0x0  }
0x238: {  	s3 =	rddreg [dreg:$0x2];
	[bflag:$0x3] =	sbarrier.arrive $0xFFFF;
	s2 =	simm.s32 @!p0 $0x1C16  }
0x239: {  	[timem:s3], [sflag:s2] =	dma.local @!p0 [hbm:s0], s1  }
0x23a: {  	s0 =	simm.s32 @!p0 $0x16  }
0x23b: {  	_ =	swait.ge @!p0 [sflag:s0], s1  }
0x23c: {  	s1 =	ssub.s32 @!p0 $0x0, s1;
	[sflag:s0] =	ssyncset.done @!p0 $0x0  }
0x23d: {  	[sflag:s0] =	ssyncadd.s32 @!p0 s1  }
0x23e: {  	[bflag:$0x3] =	sbarrier.arrive $0xFFFF  }
0x23f: {  	_ =	shalt  }

</sc_bundles>
